<compile_context>
chip_gen: v7x
topology: tpu7x:2x2x1
jax: 0.10.2.dev20260603
libtpu: 0.0.44.dev20260713+nightly
codegen_flags: <defaults>
</compile_context>

<pallas_src>
import functools

import jax
import jax.numpy as jnp
from jax import lax
from jax.experimental import pallas as pl
from jax.experimental.pallas import tpu as pltpu
from jax.experimental.pallas import tpu_sc as plsc

TIME = 16
MAXLAT = 15
LANES = 16
HB = 8


def _spike_sc(B, C, H, W):
    info = plsc.get_sparse_core_info()
    NC, NS = info.num_cores, info.num_subcores
    NW = NC * NS
    hblocks = H // HB
    blocks_c = hblocks * C
    n_blocks = B * blocks_c
    per_w = n_blocks // NW
    assert n_blocks % NW == 0 and per_w % 2 == 0 and W % LANES == 0
    wgroups = W // LANES

    mesh = plsc.VectorSubcoreMesh(core_axis_name="c", subcore_axis_name="s")

    @functools.partial(
        pl.kernel,
        mesh=mesh,
        out_type=jax.ShapeDtypeStruct((B, TIME, C, H, W), jnp.float32),
        compiler_params=pltpu.CompilerParams(needs_layout_passes=False),
        scratch_types=[
            pltpu.VMEM((HB, W), jnp.float32),
            pltpu.VMEM((HB, W), jnp.float32),
            pltpu.VMEM((TIME, HB, W), jnp.float32),
            pltpu.VMEM((TIME, HB, W), jnp.float32),
            pltpu.SemaphoreType.DMA,
            pltpu.SemaphoreType.DMA,
            pltpu.SemaphoreType.DMA,
            pltpu.SemaphoreType.DMA,
        ],
    )
    def body(x_hbm, out_hbm, x0, x1, o0, o1, sin0, sin1, sout0, sout1):
        wid = lax.axis_index("s") * NC + lax.axis_index("c")
        k0 = wid * per_w

        def decode(k):
            b = k // blocks_c
            r = k - b * blocks_c
            c = r // hblocks
            h0 = (r - c * hblocks) * HB
            return b, c, h0

        def issue_in(k, x_s, sem):
            b, c, h0 = decode(k)
            return pltpu.async_copy(
                x_hbm.at[b, c, pl.ds(h0, HB)], x_s, sem
            )

        def wait_in(x_s, sem):
            pltpu.make_async_copy(x_hbm.at[0, 0, pl.ds(0, HB)], x_s, sem).wait()

        def wait_out(o_s, sem):
            pltpu.make_async_copy(
                o_s, out_hbm.at[0, :, 0, pl.ds(0, HB)], sem
            ).wait()

        def compute(x_s, o_s):
            def wg_body(g, carry):
                w0 = g * LANES
                for r in range(HB):
                    xv = x_s[r, pl.ds(w0, LANES)]
                    xn = jnp.minimum(jnp.maximum(xv, 0.0), 1.0)
                    lat = ((1.0 - xn) * float(MAXLAT)).astype(jnp.int32)
                    lat = jnp.minimum(lat, TIME - 1)
                    latx = jnp.where(xn > 0.0, lat, TIME)
                    for t in range(TIME):
                        o_s[t, r, pl.ds(w0, LANES)] = jnp.where(
                            latx == t, 1.0, 0.0
                        )
                return carry

            lax.fori_loop(0, wgroups, wg_body, 0)

        def issue_out(k, o_s, sem):
            b, c, h0 = decode(k)
            return pltpu.async_copy(
                o_s, out_hbm.at[b, :, c, pl.ds(h0, HB)], sem
            )

        issue_in(k0, x0, sin0)
        issue_in(k0 + 1, x1, sin1)

        def pair(j, carry):
            ka = k0 + 2 * j
            wait_in(x0, sin0)

            @pl.when(j > 0)
            def _():
                wait_out(o0, sout0)

            compute(x0, o0)
            issue_out(ka, o0, sout0)

            @pl.when(2 * j + 2 < per_w)
            def _():
                issue_in(ka + 2, x0, sin0)

            wait_in(x1, sin1)

            @pl.when(j > 0)
            def _():
                wait_out(o1, sout1)

            compute(x1, o1)
            issue_out(ka + 1, o1, sout1)

            @pl.when(2 * j + 3 < per_w)
            def _():
                issue_in(ka + 3, x1, sin1)

            return carry

        lax.fori_loop(0, per_w // 2, pair, 0)
        wait_out(o0, sout0)
        wait_out(o1, sout1)

    return body


def kernel(x):
    B, C, H, W = x.shape
    return _spike_sc(B, C, H, W)(x)

# --- scband reference (transcript-rebuilt; emitter-appended) ---
"""Pipeline reference for scband-latency-coding-1297080123579 (READ-ONLY COPY).

The authoritative reference and input builder live on the scoring server;
editing this copy changes nothing except your own understanding.
"""

import jax, jax.numpy as jnp
import numpy as np

TIMESTEPS = 16
MAX_LATENCY = 15


def setup_inputs(seed: int = 0) -> dict:
    key = jax.random.key(seed)
    x = jax.random.uniform(key, (16, 3, 224, 224), dtype=jnp.float32)
    return {"x": x}


def reference(x):
    T = TIMESTEPS
    xn = jnp.clip(x, 0.0, 1.0)
    B = x.shape[0]
    feat_shape = x.shape[1:]
    xf = xn.reshape(B, -1)
    N = xf.shape[1]
    # latencies = ((1 - x_norm) * max_latency).long(), clamped to [0, T-1]
    lat = jnp.clip(((1.0 - xf) * MAX_LATENCY).astype(jnp.int32), 0, T - 1)
    # spike value is 1.0 only where x_norm > 0 (matches the `if x_norm > 0` guard)
    vals = (xf > 0).astype(jnp.float32)
    spikes = jnp.zeros((B, T, N), dtype=jnp.float32)
    b_idx = jnp.arange(B)[:, None]
    n_idx = jnp.arange(N)[None, :]
    # scatter-overwrite: spikes[b, t, idx] = 1.0 at the latency time step
    spikes = spikes.at[b_idx, lat, n_idx].set(vals)
    return spikes.reshape((B, T) + feat_shape)

if __name__ == "__main__":
    import jax
    _d = setup_inputs()
    print(jax.jit(kernel)(*tuple(_d.values())))

</pallas_src>

<mosaic_0001>
#map = affine_map<(d0, d1) -> (0, 0, 0, 0)>
#map1 = affine_map<(d0, d1) -> (0, 0, 0, 0, 0)>
module attributes {stable_mosaic.version = 14 : i64} {
  func.func @body(%arg0: i32, %arg1: i32, %arg2: memref<16x3x224x224xf32, #tpu.memory_space<hbm>>, %arg3: memref<16x16x3x224x224xf32, #tpu.memory_space<hbm>>, %arg4: memref<8x224xf32, #tpu.memory_space<vmem>>, %arg5: memref<8x224xf32, #tpu.memory_space<vmem>>, %arg6: memref<16x8x224xf32, #tpu.memory_space<vmem>>, %arg7: memref<16x8x224xf32, #tpu.memory_space<vmem>>, %arg8: memref<!tpu.dma_semaphore, #tpu.memory_space<semaphore_mem>>, %arg9: memref<!tpu.dma_semaphore, #tpu.memory_space<semaphore_mem>>, %arg10: memref<!tpu.dma_semaphore, #tpu.memory_space<semaphore_mem>>, %arg11: memref<!tpu.dma_semaphore, #tpu.memory_space<semaphore_mem>>) attributes {dimension_semantics = [#tpu.dimension_semantics<core_parallel>, #tpu.dimension_semantics<subcore_parallel>], iteration_bounds = array<i64: 2, 16>, scalar_prefetch = 0 : i64, scratch_operands = 8 : i64, tpu.core_type = #tpu.core_type<sc_vector_subcore>, window_params = [{transform_indices = #map}, {transform_indices = #map1}]} {
    %mul3A = arith.constant 2 : i32
    %mul3A_0 = arith.muli %arg1, %mul3A : i32
    %add3A = arith.addi %mul3A_0, %arg0 : i32
    %mul3A_1 = arith.constant 42 : i32
    %mul3A_2 = arith.muli %add3A, %mul3A_1 : i32
    %jit3A = arith.constant 84 : i32
    %div3A = arith.divsi %mul3A_2, %jit3A : i32
    %sign3A = arith.constant 0 : i32
    %sign3A_3 = arith.cmpi sgt, %mul3A_2, %sign3A : i32
    %sign3A_4 = arith.extui %sign3A_3 : i1 to i32
    %sign3A_5 = arith.constant 0 : i32
    %sign3A_6 = arith.cmpi slt, %mul3A_2, %sign3A_5 : i32
    %sign3A_7 = arith.extui %sign3A_6 : i1 to i32
    %sign3A_8 = arith.subi %sign3A_4, %sign3A_7 : i32
    %sign3A_9 = arith.constant 0 : i32
    %sign3A_10 = arith.cmpi sgt, %jit3A, %sign3A_9 : i32
    %sign3A_11 = arith.extui %sign3A_10 : i1 to i32
    %sign3A_12 = arith.constant 0 : i32
    %sign3A_13 = arith.cmpi slt, %jit3A, %sign3A_12 : i32
    %sign3A_14 = arith.extui %sign3A_13 : i1 to i32
    %sign3A_15 = arith.subi %sign3A_11, %sign3A_14 : i32
    %ne3A = arith.cmpi ne, %sign3A_8, %sign3A_15 : i32
    %rem3A = arith.remsi %mul3A_2, %jit3A : i32
    %ne3A_16 = arith.constant 0 : i32
    %ne3A_17 = arith.cmpi ne, %rem3A, %ne3A_16 : i32
    %and3A = arith.andi %ne3A, %ne3A_17 : i1
    %sub3A = arith.constant 1 : i32
    %sub3A_18 = arith.subi %div3A, %sub3A : i32
    %select_n3A = arith.select %and3A, %sub3A_18, %div3A : i32
    %mul3A_19 = arith.constant 84 : i32
    %mul3A_20 = arith.muli %select_n3A, %mul3A_19 : i32
    %sub3A_21 = arith.subi %mul3A_2, %mul3A_20 : i32
    %jit3A_22 = arith.constant 28 : i32
    %div3A_23 = arith.divsi %sub3A_21, %jit3A_22 : i32
    %sign3A_24 = arith.constant 0 : i32
    %sign3A_25 = arith.cmpi sgt, %sub3A_21, %sign3A_24 : i32
    %sign3A_26 = arith.extui %sign3A_25 : i1 to i32
    %sign3A_27 = arith.constant 0 : i32
    %sign3A_28 = arith.cmpi slt, %sub3A_21, %sign3A_27 : i32
    %sign3A_29 = arith.extui %sign3A_28 : i1 to i32
    %sign3A_30 = arith.subi %sign3A_26, %sign3A_29 : i32
    %sign3A_31 = arith.constant 0 : i32
    %sign3A_32 = arith.cmpi sgt, %jit3A_22, %sign3A_31 : i32
    %sign3A_33 = arith.extui %sign3A_32 : i1 to i32
    %sign3A_34 = arith.constant 0 : i32
    %sign3A_35 = arith.cmpi slt, %jit3A_22, %sign3A_34 : i32
    %sign3A_36 = arith.extui %sign3A_35 : i1 to i32
    %sign3A_37 = arith.subi %sign3A_33, %sign3A_36 : i32
    %ne3A_38 = arith.cmpi ne, %sign3A_30, %sign3A_37 : i32
    %rem3A_39 = arith.remsi %sub3A_21, %jit3A_22 : i32
    %ne3A_40 = arith.constant 0 : i32
    %ne3A_41 = arith.cmpi ne, %rem3A_39, %ne3A_40 : i32
    %and3A_42 = arith.andi %ne3A_38, %ne3A_41 : i1
    %sub3A_43 = arith.constant 1 : i32
    %sub3A_44 = arith.subi %div3A_23, %sub3A_43 : i32
    %select_n3A_45 = arith.select %and3A_42, %sub3A_44, %div3A_23 : i32
    %mul3A_46 = arith.constant 28 : i32
    %mul3A_47 = arith.muli %select_n3A_45, %mul3A_46 : i32
    %sub3A_48 = arith.subi %sub3A_21, %mul3A_47 : i32
    %mul3A_49 = arith.constant 8 : i32
    %mul3A_50 = arith.muli %sub3A_48, %mul3A_49 : i32
    %dma_start3A = arith.constant 0 : i32
    %dma_start3A_51 = tpu.memref_slice %arg2[%select_n3A, %select_n3A_45, %mul3A_50, %dma_start3A] : memref<16x3x224x224xf32, #tpu.memory_space<hbm>> -> memref<1x1x8x224xf32, #tpu.memory_space<hbm>>
    %dma_start3A_52 = tpu.memref_squeeze %dma_start3A_51 : memref<1x1x8x224xf32, #tpu.memory_space<hbm>> -> memref<8x224xf32, #tpu.memory_space<hbm>>
    %dma_start3A_53 = arith.constant 0 : i32
    %dma_start3A_54 = tpu.memref_slice %arg2[%select_n3A, %select_n3A_45, %mul3A_50, %dma_start3A_53] : memref<16x3x224x224xf32, #tpu.memory_space<hbm>> -> memref<1x1x8x224xf32, #tpu.memory_space<hbm>>
    %dma_start3A_55 = tpu.memref_squeeze %dma_start3A_54 : memref<1x1x8x224xf32, #tpu.memory_space<hbm>> -> memref<8x224xf32, #tpu.memory_space<hbm>>
    tpu.enqueue_dma source(%dma_start3A_55 : memref<8x224xf32, #tpu.memory_space<hbm>>) target(%arg4 : memref<8x224xf32, #tpu.memory_space<vmem>>) target_semaphore(%arg8 : memref<!tpu.dma_semaphore, #tpu.memory_space<semaphore_mem>>)
    %add3A_56 = arith.constant 1 : i32
    %add3A_57 = arith.addi %mul3A_2, %add3A_56 : i32
    %jit3A_58 = arith.constant 84 : i32
    %div3A_59 = arith.divsi %add3A_57, %jit3A_58 : i32
    %sign3A_60 = arith.constant 0 : i32
    %sign3A_61 = arith.cmpi sgt, %add3A_57, %sign3A_60 : i32
    %sign3A_62 = arith.extui %sign3A_61 : i1 to i32
    %sign3A_63 = arith.constant 0 : i32
    %sign3A_64 = arith.cmpi slt, %add3A_57, %sign3A_63 : i32
    %sign3A_65 = arith.extui %sign3A_64 : i1 to i32
    %sign3A_66 = arith.subi %sign3A_62, %sign3A_65 : i32
    %sign3A_67 = arith.constant 0 : i32
    %sign3A_68 = arith.cmpi sgt, %jit3A_58, %sign3A_67 : i32
    %sign3A_69 = arith.extui %sign3A_68 : i1 to i32
    %sign3A_70 = arith.constant 0 : i32
    %sign3A_71 = arith.cmpi slt, %jit3A_58, %sign3A_70 : i32
    %sign3A_72 = arith.extui %sign3A_71 : i1 to i32
    %sign3A_73 = arith.subi %sign3A_69, %sign3A_72 : i32
    %ne3A_74 = arith.cmpi ne, %sign3A_66, %sign3A_73 : i32
    %rem3A_75 = arith.remsi %add3A_57, %jit3A_58 : i32
    %ne3A_76 = arith.constant 0 : i32
    %ne3A_77 = arith.cmpi ne, %rem3A_75, %ne3A_76 : i32
    %and3A_78 = arith.andi %ne3A_74, %ne3A_77 : i1
    %sub3A_79 = arith.constant 1 : i32
    %sub3A_80 = arith.subi %div3A_59, %sub3A_79 : i32
    %select_n3A_81 = arith.select %and3A_78, %sub3A_80, %div3A_59 : i32
    %mul3A_82 = arith.constant 84 : i32
    %mul3A_83 = arith.muli %select_n3A_81, %mul3A_82 : i32
    %sub3A_84 = arith.subi %add3A_57, %mul3A_83 : i32
    %jit3A_85 = arith.constant 28 : i32
    %div3A_86 = arith.divsi %sub3A_84, %jit3A_85 : i32
    %sign3A_87 = arith.constant 0 : i32
    %sign3A_88 = arith.cmpi sgt, %sub3A_84, %sign3A_87 : i32
    %sign3A_89 = arith.extui %sign3A_88 : i1 to i32
    %sign3A_90 = arith.constant 0 : i32
    %sign3A_91 = arith.cmpi slt, %sub3A_84, %sign3A_90 : i32
    %sign3A_92 = arith.extui %sign3A_91 : i1 to i32
    %sign3A_93 = arith.subi %sign3A_89, %sign3A_92 : i32
    %sign3A_94 = arith.constant 0 : i32
    %sign3A_95 = arith.cmpi sgt, %jit3A_85, %sign3A_94 : i32
    %sign3A_96 = arith.extui %sign3A_95 : i1 to i32
    %sign3A_97 = arith.constant 0 : i32
    %sign3A_98 = arith.cmpi slt, %jit3A_85, %sign3A_97 : i32
    %sign3A_99 = arith.extui %sign3A_98 : i1 to i32
    %sign3A_100 = arith.subi %sign3A_96, %sign3A_99 : i32
    %ne3A_101 = arith.cmpi ne, %sign3A_93, %sign3A_100 : i32
    %rem3A_102 = arith.remsi %sub3A_84, %jit3A_85 : i32
    %ne3A_103 = arith.constant 0 : i32
    %ne3A_104 = arith.cmpi ne, %rem3A_102, %ne3A_103 : i32
    %and3A_105 = arith.andi %ne3A_101, %ne3A_104 : i1
    %sub3A_106 = arith.constant 1 : i32
    %sub3A_107 = arith.subi %div3A_86, %sub3A_106 : i32
    %select_n3A_108 = arith.select %and3A_105, %sub3A_107, %div3A_86 : i32
    %mul3A_109 = arith.constant 28 : i32
    %mul3A_110 = arith.muli %select_n3A_108, %mul3A_109 : i32
    %sub3A_111 = arith.subi %sub3A_84, %mul3A_110 : i32
    %mul3A_112 = arith.constant 8 : i32
    %mul3A_113 = arith.muli %sub3A_111, %mul3A_112 : i32
    %dma_start3A_114 = arith.constant 0 : i32
    %dma_start3A_115 = tpu.memref_slice %arg2[%select_n3A_81, %select_n3A_108, %mul3A_113, %dma_start3A_114] : memref<16x3x224x224xf32, #tpu.memory_space<hbm>> -> memref<1x1x8x224xf32, #tpu.memory_space<hbm>>
    %dma_start3A_116 = tpu.memref_squeeze %dma_start3A_115 : memref<1x1x8x224xf32, #tpu.memory_space<hbm>> -> memref<8x224xf32, #tpu.memory_space<hbm>>
    %dma_start3A_117 = arith.constant 0 : i32
    %dma_start3A_118 = tpu.memref_slice %arg2[%select_n3A_81, %select_n3A_108, %mul3A_113, %dma_start3A_117] : memref<16x3x224x224xf32, #tpu.memory_space<hbm>> -> memref<1x1x8x224xf32, #tpu.memory_space<hbm>>
    %dma_start3A_119 = tpu.memref_squeeze %dma_start3A_118 : memref<1x1x8x224xf32, #tpu.memory_space<hbm>> -> memref<8x224xf32, #tpu.memory_space<hbm>>
    tpu.enqueue_dma source(%dma_start3A_119 : memref<8x224xf32, #tpu.memory_space<hbm>>) target(%arg5 : memref<8x224xf32, #tpu.memory_space<vmem>>) target_semaphore(%arg9 : memref<!tpu.dma_semaphore, #tpu.memory_space<semaphore_mem>>)
    %scan3A = arith.constant 0 : i32
    %scan3A_120 = arith.constant 0 : i32
    %scan3A_121 = arith.constant 21 : i32
    %scan3A_122 = arith.addi %scan3A_120, %scan3A_121 : i32
    %scan3A_123 = arith.constant 1 : i32
    scf.for %scan3A_148 = %scan3A_120 to %scan3A_122 step %scan3A_123  : i32 {
      %mul3A_149 = arith.constant 2 : i32
      %mul3A_150 = arith.muli %mul3A_149, %scan3A_148 : i32
      %add3A_151 = arith.addi %mul3A_2, %mul3A_150 : i32
      %dma_wait3A_152 = arith.constant 0 : i32
      %dma_wait3A_153 = arith.constant 0 : i32
      %dma_wait3A_154 = arith.constant 0 : i32
      %dma_wait3A_155 = arith.constant 0 : i32
      %dma_wait3A_156 = tpu.memref_slice %arg2[%dma_wait3A_152, %dma_wait3A_153, %dma_wait3A_154, %dma_wait3A_155] : memref<16x3x224x224xf32, #tpu.memory_space<hbm>> -> memref<1x1x8x224xf32, #tpu.memory_space<hbm>>
      %dma_wait3A_157 = tpu.memref_squeeze %dma_wait3A_156 : memref<1x1x8x224xf32, #tpu.memory_space<hbm>> -> memref<8x224xf32, #tpu.memory_space<hbm>>
      %dma_wait3A_158 = arith.constant 0 : i32
      %dma_wait3A_159 = arith.constant 0 : i32
      %dma_wait3A_160 = tpu.memref_slice %arg2[%dma_wait3A_152, %dma_wait3A_153, %dma_wait3A_158, %dma_wait3A_159] : memref<16x3x224x224xf32, #tpu.memory_space<hbm>> -> memref<1x1x8x224xf32, #tpu.memory_space<hbm>>
      %dma_wait3A_161 = tpu.memref_squeeze %dma_wait3A_160 : memref<1x1x8x224xf32, #tpu.memory_space<hbm>> -> memref<8x224xf32, #tpu.memory_space<hbm>>
      tpu.wait_dma2 semaphore(%arg8 : memref<!tpu.dma_semaphore, #tpu.memory_space<semaphore_mem>>) src(%dma_wait3A_161 : memref<8x224xf32, #tpu.memory_space<hbm>>) dst(%arg4 : memref<8x224xf32, #tpu.memory_space<vmem>>)
      %gt3A = arith.constant 0 : i32
      %gt3A_162 = arith.cmpi sgt, %scan3A_148, %gt3A : i32
      %convert_element_type3A = arith.extui %gt3A_162 : i1 to i32
      %cond3A = arith.constant 0 : i32
      %cond3A_163 = arith.cmpi ne, %convert_element_type3A, %cond3A : i32
      scf.if %cond3A_163 {
        %dma_wait3A_338 = arith.constant 0 : i32
        %dma_wait3A_339 = arith.constant 0 : i32
        %dma_wait3A_340 = arith.constant 0 : i32
        %dma_wait3A_341 = arith.constant 0 : i32
        %dma_wait3A_342 = arith.constant 0 : i32
        %dma_wait3A_343 = tpu.memref_slice %arg3[%dma_wait3A_338, %dma_wait3A_340, %dma_wait3A_339, %dma_wait3A_341, %dma_wait3A_342] : memref<16x16x3x224x224xf32, #tpu.memory_space<hbm>> -> memref<1x16x1x8x224xf32, #tpu.memory_space<hbm>>
        %dma_wait3A_344 = tpu.memref_squeeze %dma_wait3A_343 : memref<1x16x1x8x224xf32, #tpu.memory_space<hbm>> -> memref<16x8x224xf32, #tpu.memory_space<hbm>>
        %dma_wait3A_345 = arith.constant 0 : i32
        %dma_wait3A_346 = arith.constant 0 : i32
        %dma_wait3A_347 = arith.constant 0 : i32
        %dma_wait3A_348 = tpu.memref_slice %arg3[%dma_wait3A_338, %dma_wait3A_345, %dma_wait3A_339, %dma_wait3A_346, %dma_wait3A_347] : memref<16x16x3x224x224xf32, #tpu.memory_space<hbm>> -> memref<1x16x1x8x224xf32, #tpu.memory_space<hbm>>
        %dma_wait3A_349 = tpu.memref_squeeze %dma_wait3A_348 : memref<1x16x1x8x224xf32, #tpu.memory_space<hbm>> -> memref<16x8x224xf32, #tpu.memory_space<hbm>>
        tpu.wait_dma2 semaphore(%arg10 : memref<!tpu.dma_semaphore, #tpu.memory_space<semaphore_mem>>) src(%arg6 : memref<16x8x224xf32, #tpu.memory_space<vmem>>) dst(%dma_wait3A_349 : memref<16x8x224xf32, #tpu.memory_space<hbm>>)
      } else {
      }
      %scan3A_164 = arith.constant 0 : i32
      %scan3A_165 = arith.constant 0 : i32
      %scan3A_166 = arith.constant 14 : i32
      %scan3A_167 = arith.addi %scan3A_165, %scan3A_166 : i32
      %scan3A_168 = arith.constant 1 : i32
      scf.for %scan3A_338 = %scan3A_165 to %scan3A_167 step %scan3A_168  : i32 {
        %mul3A_339 = arith.constant 16 : i32
        %mul3A_340 = arith.muli %scan3A_338, %mul3A_339 : i32
        %get3A = arith.constant 0 : i32
        %get3A_341 = arith.index_cast %get3A : i32 to index
        %get3A_342 = arith.index_cast %mul3A_340 : i32 to index
        %get3A_343 = tpu.vector_load %arg4[%get3A_341, %get3A_342] {strides = array<i32>} : memref<8x224xf32, #tpu.memory_space<vmem>>, vector<16xf32>,
        %max3A = arith.constant 0.000000e+00 : f32
        %max3A_344 = vector.broadcast %max3A : f32 to vector<16xf32>
        %max3A_345 = arith.maximumf %get3A_343, %max3A_344 : vector<16xf32>
        %min3A = arith.constant 1.000000e+00 : f32
        %min3A_346 = vector.broadcast %min3A : f32 to vector<16xf32>
        %min3A_347 = arith.minimumf %max3A_345, %min3A_346 : vector<16xf32>
        %sub3A_348 = arith.constant 1.000000e+00 : f32
        %sub3A_349 = vector.broadcast %sub3A_348 : f32 to vector<16xf32>
        %sub3A_350 = arith.subf %sub3A_349, %min3A_347 : vector<16xf32>
        %mul3A_351 = arith.constant 1.500000e+01 : f32
        %mul3A_352 = vector.broadcast %mul3A_351 : f32 to vector<16xf32>
        %mul3A_353 = arith.mulf %sub3A_350, %mul3A_352 : vector<16xf32>
        %convert_element_type3A_354 = arith.fptosi %mul3A_353 : vector<16xf32> to vector<16xi32>
        %min3A_355 = arith.constant 15 : i32
        %min3A_356 = vector.broadcast %min3A_355 : i32 to vector<16xi32>
        %min3A_357 = arith.minsi %convert_element_type3A_354, %min3A_356 : vector<16xi32>
        %gt3A_358 = arith.constant 0.000000e+00 : f32
        %gt3A_359 = vector.broadcast %gt3A_358 : f32 to vector<16xf32>
        %gt3A_360 = arith.cmpf ogt, %min3A_347, %gt3A_359 : vector<16xf32>
        %jit3A_361 = arith.constant 16 : i32
        %broadcast_in_dim3A = vector.broadcast %jit3A_361 : i32 to vector<16xi32>
        %select_n3A_362 = arith.select %gt3A_360, %min3A_357, %broadcast_in_dim3A : vector<16xi1>, vector<16xi32>
        %eq3A = arith.constant 0 : i32
        %eq3A_363 = vector.broadcast %eq3A : i32 to vector<16xi32>
        %eq3A_364 = arith.cmpi eq, %select_n3A_362, %eq3A_363 : vector<16xi32>
        %jit3A_365 = arith.constant 1.000000e+00 : f32
        %jit3A_366 = arith.constant 0.000000e+00 : f32
        %broadcast_in_dim3A_367 = vector.broadcast %jit3A_365 : f32 to vector<16xf32>
        %broadcast_in_dim3A_368 = vector.broadcast %jit3A_366 : f32 to vector<16xf32>
        %select_n3A_369 = arith.select %eq3A_364, %broadcast_in_dim3A_367, %broadcast_in_dim3A_368 : vector<16xi1>, vector<16xf32>
        %swap3A = arith.constant 0 : i32
        %swap3A_370 = arith.constant 0 : i32
        %swap3A_371 = arith.index_cast %swap3A : i32 to index
        %swap3A_372 = arith.index_cast %swap3A_370 : i32 to index
        %swap3A_373 = arith.index_cast %mul3A_340 : i32 to index
        %swap3A_374 = tpu.vector_load %arg6[%swap3A_371, %swap3A_372, %swap3A_373] {strides = array<i32>} : memref<16x8x224xf32, #tpu.memory_space<vmem>>, vector<16xf32>,
        tpu.vector_store %arg6[%swap3A_371, %swap3A_372, %swap3A_373], %select_n3A_369 {strides = array<i32>} : memref<16x8x224xf32, #tpu.memory_space<vmem>>, vector<16xf32>,
        %eq3A_375 = arith.constant 1 : i32
        %eq3A_376 = vector.broadcast %eq3A_375 : i32 to vector<16xi32>
        %eq3A_377 = arith.cmpi eq, %select_n3A_362, %eq3A_376 : vector<16xi32>
        %jit3A_378 = arith.constant 1.000000e+00 : f32
        %jit3A_379 = arith.constant 0.000000e+00 : f32
        %broadcast_in_dim3A_380 = vector.broadcast %jit3A_378 : f32 to vector<16xf32>
        %broadcast_in_dim3A_381 = vector.broadcast %jit3A_379 : f32 to vector<16xf32>
        %select_n3A_382 = arith.select %eq3A_377, %broadcast_in_dim3A_380, %broadcast_in_dim3A_381 : vector<16xi1>, vector<16xf32>
        %swap3A_383 = arith.constant 1 : i32
        %swap3A_384 = arith.constant 0 : i32
        %swap3A_385 = arith.index_cast %swap3A_383 : i32 to index
        %swap3A_386 = arith.index_cast %swap3A_384 : i32 to index
        %swap3A_387 = arith.index_cast %mul3A_340 : i32 to index
        %swap3A_388 = tpu.vector_load %arg6[%swap3A_385, %swap3A_386, %swap3A_387] {strides = array<i32>} : memref<16x8x224xf32, #tpu.memory_space<vmem>>, vector<16xf32>,
        tpu.vector_store %arg6[%swap3A_385, %swap3A_386, %swap3A_387], %select_n3A_382 {strides = array<i32>} : memref<16x8x224xf32, #tpu.memory_space<vmem>>, vector<16xf32>,
        %eq3A_389 = arith.constant 2 : i32
        %eq3A_390 = vector.broadcast %eq3A_389 : i32 to vector<16xi32>
        %eq3A_391 = arith.cmpi eq, %select_n3A_362, %eq3A_390 : vector<16xi32>
        %jit3A_392 = arith.constant 1.000000e+00 : f32
        %jit3A_393 = arith.constant 0.000000e+00 : f32
        %broadcast_in_dim3A_394 = vector.broadcast %jit3A_392 : f32 to vector<16xf32>
        %broadcast_in_dim3A_395 = vector.broadcast %jit3A_393 : f32 to vector<16xf32>
        %select_n3A_396 = arith.select %eq3A_391, %broadcast_in_dim3A_394, %broadcast_in_dim3A_395 : vector<16xi1>, vector<16xf32>
        %swap3A_397 = arith.constant 2 : i32
        %swap3A_398 = arith.constant 0 : i32
        %swap3A_399 = arith.index_cast %swap3A_397 : i32 to index
        %swap3A_400 = arith.index_cast %swap3A_398 : i32 to index
        %swap3A_401 = arith.index_cast %mul3A_340 : i32 to index
        %swap3A_402 = tpu.vector_load %arg6[%swap3A_399, %swap3A_400, %swap3A_401] {strides = array<i32>} : memref<16x8x224xf32, #tpu.memory_space<vmem>>, vector<16xf32>,
        tpu.vector_store %arg6[%swap3A_399, %swap3A_400, %swap3A_401], %select_n3A_396 {strides = array<i32>} : memref<16x8x224xf32, #tpu.memory_space<vmem>>, vector<16xf32>,
        %eq3A_403 = arith.constant 3 : i32
        %eq3A_404 = vector.broadcast %eq3A_403 : i32 to vector<16xi32>
        %eq3A_405 = arith.cmpi eq, %select_n3A_362, %eq3A_404 : vector<16xi32>
        %jit3A_406 = arith.constant 1.000000e+00 : f32
        %jit3A_407 = arith.constant 0.000000e+00 : f32
        %broadcast_in_dim3A_408 = vector.broadcast %jit3A_406 : f32 to vector<16xf32>
        %broadcast_in_dim3A_409 = vector.broadcast %jit3A_407 : f32 to vector<16xf32>
        %select_n3A_410 = arith.select %eq3A_405, %broadcast_in_dim3A_408, %broadcast_in_dim3A_409 : vector<16xi1>, vector<16xf32>
        %swap3A_411 = arith.constant 3 : i32
        %swap3A_412 = arith.constant 0 : i32
        %swap3A_413 = arith.index_cast %swap3A_411 : i32 to index
        %swap3A_414 = arith.index_cast %swap3A_412 : i32 to index
        %swap3A_415 = arith.index_cast %mul3A_340 : i32 to index
        %swap3A_416 = tpu.vector_load %arg6[%swap3A_413, %swap3A_414, %swap3A_415] {strides = array<i32>} : memref<16x8x224xf32, #tpu.memory_space<vmem>>, vector<16xf32>,
        tpu.vector_store %arg6[%swap3A_413, %swap3A_414, %swap3A_415], %select_n3A_410 {strides = array<i32>} : memref<16x8x224xf32, #tpu.memory_space<vmem>>, vector<16xf32>,
        %eq3A_417 = arith.constant 4 : i32
        %eq3A_418 = vector.broadcast %eq3A_417 : i32 to vector<16xi32>
        %eq3A_419 = arith.cmpi eq, %select_n3A_362, %eq3A_418 : vector<16xi32>
        %jit3A_420 = arith.constant 1.000000e+00 : f32
        %jit3A_421 = arith.constant 0.000000e+00 : f32
        %broadcast_in_dim3A_422 = vector.broadcast %jit3A_420 : f32 to vector<16xf32>
        %broadcast_in_dim3A_423 = vector.broadcast %jit3A_421 : f32 to vector<16xf32>
        %select_n3A_424 = arith.select %eq3A_419, %broadcast_in_dim3A_422, %broadcast_in_dim3A_423 : vector<16xi1>, vector<16xf32>
        %swap3A_425 = arith.constant 4 : i32
        %swap3A_426 = arith.constant 0 : i32
        %swap3A_427 = arith.index_cast %swap3A_425 : i32 to index
        %swap3A_428 = arith.index_cast %swap3A_426 : i32 to index
        %swap3A_429 = arith.index_cast %mul3A_340 : i32 to index
        %swap3A_430 = tpu.vector_load %arg6[%swap3A_427, %swap3A_428, %swap3A_429] {strides = array<i32>} : memref<16x8x224xf32, #tpu.memory_space<vmem>>, vector<16xf32>,
        tpu.vector_store %arg6[%swap3A_427, %swap3A_428, %swap3A_429], %select_n3A_424 {strides = array<i32>} : memref<16x8x224xf32, #tpu.memory_space<vmem>>, vector<16xf32>,
        %eq3A_431 = arith.constant 5 : i32
        %eq3A_432 = vector.broadcast %eq3A_431 : i32 to vector<16xi32>
        %eq3A_433 = arith.cmpi eq, %select_n3A_362, %eq3A_432 : vector<16xi32>
        %jit3A_434 = arith.constant 1.000000e+00 : f32
        %jit3A_435 = arith.constant 0.000000e+00 : f32
        %broadcast_in_dim3A_436 = vector.broadcast %jit3A_434 : f32 to vector<16xf32>
        %broadcast_in_dim3A_437 = vector.broadcast %jit3A_435 : f32 to vector<16xf32>
        %select_n3A_438 = arith.select %eq3A_433, %broadcast_in_dim3A_436, %broadcast_in_dim3A_437 : vector<16xi1>, vector<16xf32>
        %swap3A_439 = arith.constant 5 : i32
        %swap3A_440 = arith.constant 0 : i32
        %swap3A_441 = arith.index_cast %swap3A_439 : i32 to index
        %swap3A_442 = arith.index_cast %swap3A_440 : i32 to index
        %swap3A_443 = arith.index_cast %mul3A_340 : i32 to index
        %swap3A_444 = tpu.vector_load %arg6[%swap3A_441, %swap3A_442, %swap3A_443] {strides = array<i32>} : memref<16x8x224xf32, #tpu.memory_space<vmem>>, vector<16xf32>,
        tpu.vector_store %arg6[%swap3A_441, %swap3A_442, %swap3A_443], %select_n3A_438 {strides = array<i32>} : memref<16x8x224xf32, #tpu.memory_space<vmem>>, vector<16xf32>,
        %eq3A_445 = arith.constant 6 : i32
        %eq3A_446 = vector.broadcast %eq3A_445 : i32 to vector<16xi32>
        %eq3A_447 = arith.cmpi eq, %select_n3A_362, %eq3A_446 : vector<16xi32>
        %jit3A_448 = arith.constant 1.000000e+00 : f32
        %jit3A_449 = arith.constant 0.000000e+00 : f32
        %broadcast_in_dim3A_450 = vector.broadcast %jit3A_448 : f32 to vector<16xf32>
        %broadcast_in_dim3A_451 = vector.broadcast %jit3A_449 : f32 to vector<16xf32>
        %select_n3A_452 = arith.select %eq3A_447, %broadcast_in_dim3A_450, %broadcast_in_dim3A_451 : vector<16xi1>, vector<16xf32>
        %swap3A_453 = arith.constant 6 : i32
        %swap3A_454 = arith.constant 0 : i32
        %swap3A_455 = arith.index_cast %swap3A_453 : i32 to index
        %swap3A_456 = arith.index_cast %swap3A_454 : i32 to index
        %swap3A_457 = arith.index_cast %mul3A_340 : i32 to index
        %swap3A_458 = tpu.vector_load %arg6[%swap3A_455, %swap3A_456, %swap3A_457] {strides = array<i32>} : memref<16x8x224xf32, #tpu.memory_space<vmem>>, vector<16xf32>,
        tpu.vector_store %arg6[%swap3A_455, %swap3A_456, %swap3A_457], %select_n3A_452 {strides = array<i32>} : memref<16x8x224xf32, #tpu.memory_space<vmem>>, vector<16xf32>,
        %eq3A_459 = arith.constant 7 : i32
        %eq3A_460 = vector.broadcast %eq3A_459 : i32 to vector<16xi32>
        %eq3A_461 = arith.cmpi eq, %select_n3A_362, %eq3A_460 : vector<16xi32>
        %jit3A_462 = arith.constant 1.000000e+00 : f32
        %jit3A_463 = arith.constant 0.000000e+00 : f32
        %broadcast_in_dim3A_464 = vector.broadcast %jit3A_462 : f32 to vector<16xf32>
        %broadcast_in_dim3A_465 = vector.broadcast %jit3A_463 : f32 to vector<16xf32>
        %select_n3A_466 = arith.select %eq3A_461, %broadcast_in_dim3A_464, %broadcast_in_dim3A_465 : vector<16xi1>, vector<16xf32>
        %swap3A_467 = arith.constant 7 : i32
        %swap3A_468 = arith.constant 0 : i32
        %swap3A_469 = arith.index_cast %swap3A_467 : i32 to index
        %swap3A_470 = arith.index_cast %swap3A_468 : i32 to index
        %swap3A_471 = arith.index_cast %mul3A_340 : i32 to index
        %swap3A_472 = tpu.vector_load %arg6[%swap3A_469, %swap3A_470, %swap3A_471] {strides = array<i32>} : memref<16x8x224xf32, #tpu.memory_space<vmem>>, vector<16xf32>,
        tpu.vector_store %arg6[%swap3A_469, %swap3A_470, %swap3A_471], %select_n3A_466 {strides = array<i32>} : memref<16x8x224xf32, #tpu.memory_space<vmem>>, vector<16xf32>,
        %eq3A_473 = arith.constant 8 : i32
        %eq3A_474 = vector.broadcast %eq3A_473 : i32 to vector<16xi32>
        %eq3A_475 = arith.cmpi eq, %select_n3A_362, %eq3A_474 : vector<16xi32>
        %jit3A_476 = arith.constant 1.000000e+00 : f32
        %jit3A_477 = arith.constant 0.000000e+00 : f32
        %broadcast_in_dim3A_478 = vector.broadcast %jit3A_476 : f32 to vector<16xf32>
        %broadcast_in_dim3A_479 = vector.broadcast %jit3A_477 : f32 to vector<16xf32>
        %select_n3A_480 = arith.select %eq3A_475, %broadcast_in_dim3A_478, %broadcast_in_dim3A_479 : vector<16xi1>, vector<16xf32>
        %swap3A_481 = arith.constant 8 : i32
        %swap3A_482 = arith.constant 0 : i32
        %swap3A_483 = arith.index_cast %swap3A_481 : i32 to index
        %swap3A_484 = arith.index_cast %swap3A_482 : i32 to index
        %swap3A_485 = arith.index_cast %mul3A_340 : i32 to index
        %swap3A_486 = tpu.vector_load %arg6[%swap3A_483, %swap3A_484, %swap3A_485] {strides = array<i32>} : memref<16x8x224xf32, #tpu.memory_space<vmem>>, vector<16xf32>,
        tpu.vector_store %arg6[%swap3A_483, %swap3A_484, %swap3A_485], %select_n3A_480 {strides = array<i32>} : memref<16x8x224xf32, #tpu.memory_space<vmem>>, vector<16xf32>,
        %eq3A_487 = arith.constant 9 : i32
        %eq3A_488 = vector.broadcast %eq3A_487 : i32 to vector<16xi32>
        %eq3A_489 = arith.cmpi eq, %select_n3A_362, %eq3A_488 : vector<16xi32>
        %jit3A_490 = arith.constant 1.000000e+00 : f32
        %jit3A_491 = arith.constant 0.000000e+00 : f32
        %broadcast_in_dim3A_492 = vector.broadcast %jit3A_490 : f32 to vector<16xf32>
        %broadcast_in_dim3A_493 = vector.broadcast %jit3A_491 : f32 to vector<16xf32>
        %select_n3A_494 = arith.select %eq3A_489, %broadcast_in_dim3A_492, %broadcast_in_dim3A_493 : vector<16xi1>, vector<16xf32>
        %swap3A_495 = arith.constant 9 : i32
        %swap3A_496 = arith.constant 0 : i32
        %swap3A_497 = arith.index_cast %swap3A_495 : i32 to index
        %swap3A_498 = arith.index_cast %swap3A_496 : i32 to index
        %swap3A_499 = arith.index_cast %mul3A_340 : i32 to index
        %swap3A_500 = tpu.vector_load %arg6[%swap3A_497, %swap3A_498, %swap3A_499] {strides = array<i32>} : memref<16x8x224xf32, #tpu.memory_space<vmem>>, vector<16xf32>,
        tpu.vector_store %arg6[%swap3A_497, %swap3A_498, %swap3A_499], %select_n3A_494 {strides = array<i32>} : memref<16x8x224xf32, #tpu.memory_space<vmem>>, vector<16xf32>,
        %eq3A_501 = arith.constant 10 : i32
        %eq3A_502 = vector.broadcast %eq3A_501 : i32 to vector<16xi32>
        %eq3A_503 = arith.cmpi eq, %select_n3A_362, %eq3A_502 : vector<16xi32>
        %jit3A_504 = arith.constant 1.000000e+00 : f32
        %jit3A_505 = arith.constant 0.000000e+00 : f32
        %broadcast_in_dim3A_506 = vector.broadcast %jit3A_504 : f32 to vector<16xf32>
        %broadcast_in_dim3A_507 = vector.broadcast %jit3A_505 : f32 to vector<16xf32>
        %select_n3A_508 = arith.select %eq3A_503, %broadcast_in_dim3A_506, %broadcast_in_dim3A_507 : vector<16xi1>, vector<16xf32>
        %swap3A_509 = arith.constant 10 : i32
        %swap3A_510 = arith.constant 0 : i32
        %swap3A_511 = arith.index_cast %swap3A_509 : i32 to index
        %swap3A_512 = arith.index_cast %swap3A_510 : i32 to index
        %swap3A_513 = arith.index_cast %mul3A_340 : i32 to index
        %swap3A_514 = tpu.vector_load %arg6[%swap3A_511, %swap3A_512, %swap3A_513] {strides = array<i32>} : memref<16x8x224xf32, #tpu.memory_space<vmem>>, vector<16xf32>,
        tpu.vector_store %arg6[%swap3A_511, %swap3A_512, %swap3A_513], %select_n3A_508 {strides = array<i32>} : memref<16x8x224xf32, #tpu.memory_space<vmem>>, vector<16xf32>,
        %eq3A_515 = arith.constant 11 : i32
        %eq3A_516 = vector.broadcast %eq3A_515 : i32 to vector<16xi32>
        %eq3A_517 = arith.cmpi eq, %select_n3A_362, %eq3A_516 : vector<16xi32>
        %jit3A_518 = arith.constant 1.000000e+00 : f32
        %jit3A_519 = arith.constant 0.000000e+00 : f32
        %broadcast_in_dim3A_520 = vector.broadcast %jit3A_518 : f32 to vector<16xf32>
        %broadcast_in_dim3A_521 = vector.broadcast %jit3A_519 : f32 to vector<16xf32>
        %select_n3A_522 = arith.select %eq3A_517, %broadcast_in_dim3A_520, %broadcast_in_dim3A_521 : vector<16xi1>, vector<16xf32>
        %swap3A_523 = arith.constant 11 : i32
        %swap3A_524 = arith.constant 0 : i32
        %swap3A_525 = arith.index_cast %swap3A_523 : i32 to index
        %swap3A_526 = arith.index_cast %swap3A_524 : i32 to index
        %swap3A_527 = arith.index_cast %mul3A_340 : i32 to index
        %swap3A_528 = tpu.vector_load %arg6[%swap3A_525, %swap3A_526, %swap3A_527] {strides = array<i32>} : memref<16x8x224xf32, #tpu.memory_space<vmem>>, vector<16xf32>,
        tpu.vector_store %arg6[%swap3A_525, %swap3A_526, %swap3A_527], %select_n3A_522 {strides = array<i32>} : memref<16x8x224xf32, #tpu.memory_space<vmem>>, vector<16xf32>,
        %eq3A_529 = arith.constant 12 : i32
        %eq3A_530 = vector.broadcast %eq3A_529 : i32 to vector<16xi32>
        %eq3A_531 = arith.cmpi eq, %select_n3A_362, %eq3A_530 : vector<16xi32>
        %jit3A_532 = arith.constant 1.000000e+00 : f32
        %jit3A_533 = arith.constant 0.000000e+00 : f32
        %broadcast_in_dim3A_534 = vector.broadcast %jit3A_532 : f32 to vector<16xf32>
        %broadcast_in_dim3A_535 = vector.broadcast %jit3A_533 : f32 to vector<16xf32>
        %select_n3A_536 = arith.select %eq3A_531, %broadcast_in_dim3A_534, %broadcast_in_dim3A_535 : vector<16xi1>, vector<16xf32>
        %swap3A_537 = arith.constant 12 : i32
        %swap3A_538 = arith.constant 0 : i32
        %swap3A_539 = arith.index_cast %swap3A_537 : i32 to index
        %swap3A_540 = arith.index_cast %swap3A_538 : i32 to index
        %swap3A_541 = arith.index_cast %mul3A_340 : i32 to index
        %swap3A_542 = tpu.vector_load %arg6[%swap3A_539, %swap3A_540, %swap3A_541] {strides = array<i32>} : memref<16x8x224xf32, #tpu.memory_space<vmem>>, vector<16xf32>,
        tpu.vector_store %arg6[%swap3A_539, %swap3A_540, %swap3A_541], %select_n3A_536 {strides = array<i32>} : memref<16x8x224xf32, #tpu.memory_space<vmem>>, vector<16xf32>,
        %eq3A_543 = arith.constant 13 : i32
        %eq3A_544 = vector.broadcast %eq3A_543 : i32 to vector<16xi32>
        %eq3A_545 = arith.cmpi eq, %select_n3A_362, %eq3A_544 : vector<16xi32>
        %jit3A_546 = arith.constant 1.000000e+00 : f32
        %jit3A_547 = arith.constant 0.000000e+00 : f32
        %broadcast_in_dim3A_548 = vector.broadcast %jit3A_546 : f32 to vector<16xf32>
        %broadcast_in_dim3A_549 = vector.broadcast %jit3A_547 : f32 to vector<16xf32>
        %select_n3A_550 = arith.select %eq3A_545, %broadcast_in_dim3A_548, %broadcast_in_dim3A_549 : vector<16xi1>, vector<16xf32>
        %swap3A_551 = arith.constant 13 : i32
        %swap3A_552 = arith.constant 0 : i32
        %swap3A_553 = arith.index_cast %swap3A_551 : i32 to index
        %swap3A_554 = arith.index_cast %swap3A_552 : i32 to index
        %swap3A_555 = arith.index_cast %mul3A_340 : i32 to index
        %swap3A_556 = tpu.vector_load %arg6[%swap3A_553, %swap3A_554, %swap3A_555] {strides = array<i32>} : memref<16x8x224xf32, #tpu.memory_space<vmem>>, vector<16xf32>,
        tpu.vector_store %arg6[%swap3A_553, %swap3A_554, %swap3A_555], %select_n3A_550 {strides = array<i32>} : memref<16x8x224xf32, #tpu.memory_space<vmem>>, vector<16xf32>,
        %eq3A_557 = arith.constant 14 : i32
        %eq3A_558 = vector.broadcast %eq3A_557 : i32 to vector<16xi32>
        %eq3A_559 = arith.cmpi eq, %select_n3A_362, %eq3A_558 : vector<16xi32>
        %jit3A_560 = arith.constant 1.000000e+00 : f32
        %jit3A_561 = arith.constant 0.000000e+00 : f32
        %broadcast_in_dim3A_562 = vector.broadcast %jit3A_560 : f32 to vector<16xf32>
        %broadcast_in_dim3A_563 = vector.broadcast %jit3A_561 : f32 to vector<16xf32>
        %select_n3A_564 = arith.select %eq3A_559, %broadcast_in_dim3A_562, %broadcast_in_dim3A_563 : vector<16xi1>, vector<16xf32>
        %swap3A_565 = arith.constant 14 : i32
        %swap3A_566 = arith.constant 0 : i32
        %swap3A_567 = arith.index_cast %swap3A_565 : i32 to index
        %swap3A_568 = arith.index_cast %swap3A_566 : i32 to index
        %swap3A_569 = arith.index_cast %mul3A_340 : i32 to index
        %swap3A_570 = tpu.vector_load %arg6[%swap3A_567, %swap3A_568, %swap3A_569] {strides = array<i32>} : memref<16x8x224xf32, #tpu.memory_space<vmem>>, vector<16xf32>,
        tpu.vector_store %arg6[%swap3A_567, %swap3A_568, %swap3A_569], %select_n3A_564 {strides = array<i32>} : memref<16x8x224xf32, #tpu.memory_space<vmem>>, vector<16xf32>,
        %eq3A_571 = arith.constant 15 : i32
        %eq3A_572 = vector.broadcast %eq3A_571 : i32 to vector<16xi32>
        %eq3A_573 = arith.cmpi eq, %select_n3A_362, %eq3A_572 : vector<16xi32>
        %jit3A_574 = arith.constant 1.000000e+00 : f32
        %jit3A_575 = arith.constant 0.000000e+00 : f32
        %broadcast_in_dim3A_576 = vector.broadcast %jit3A_574 : f32 to vector<16xf32>
        %broadcast_in_dim3A_577 = vector.broadcast %jit3A_575 : f32 to vector<16xf32>
        %select_n3A_578 = arith.select %eq3A_573, %broadcast_in_dim3A_576, %broadcast_in_dim3A_577 : vector<16xi1>, vector<16xf32>
        %swap3A_579 = arith.constant 15 : i32
        %swap3A_580 = arith.constant 0 : i32
        %swap3A_581 = arith.index_cast %swap3A_579 : i32 to index
        %swap3A_582 = arith.index_cast %swap3A_580 : i32 to index
        %swap3A_583 = arith.index_cast %mul3A_340 : i32 to index
        %swap3A_584 = tpu.vector_load %arg6[%swap3A_581, %swap3A_582, %swap3A_583] {strides = array<i32>} : memref<16x8x224xf32, #tpu.memory_space<vmem>>, vector<16xf32>,
        tpu.vector_store %arg6[%swap3A_581, %swap3A_582, %swap3A_583], %select_n3A_578 {strides = array<i32>} : memref<16x8x224xf32, #tpu.memory_space<vmem>>, vector<16xf32>,
        %get3A_585 = arith.constant 1 : i32
        %get3A_586 = arith.index_cast %get3A_585 : i32 to index
        %get3A_587 = arith.index_cast %mul3A_340 : i32 to index
        %get3A_588 = tpu.vector_load %arg4[%get3A_586, %get3A_587] {strides = array<i32>} : memref<8x224xf32, #tpu.memory_space<vmem>>, vector<16xf32>,
        %max3A_589 = arith.constant 0.000000e+00 : f32
        %max3A_590 = vector.broadcast %max3A_589 : f32 to vector<16xf32>
        %max3A_591 = arith.maximumf %get3A_588, %max3A_590 : vector<16xf32>
        %min3A_592 = arith.constant 1.000000e+00 : f32
        %min3A_593 = vector.broadcast %min3A_592 : f32 to vector<16xf32>
        %min3A_594 = arith.minimumf %max3A_591, %min3A_593 : vector<16xf32>
        %sub3A_595 = arith.constant 1.000000e+00 : f32
        %sub3A_596 = vector.broadcast %sub3A_595 : f32 to vector<16xf32>
        %sub3A_597 = arith.subf %sub3A_596, %min3A_594 : vector<16xf32>
        %mul3A_598 = arith.constant 1.500000e+01 : f32
        %mul3A_599 = vector.broadcast %mul3A_598 : f32 to vector<16xf32>
        %mul3A_600 = arith.mulf %sub3A_597, %mul3A_599 : vector<16xf32>
        %convert_element_type3A_601 = arith.fptosi %mul3A_600 : vector<16xf32> to vector<16xi32>
        %min3A_602 = arith.constant 15 : i32
        %min3A_603 = vector.broadcast %min3A_602 : i32 to vector<16xi32>
        %min3A_604 = arith.minsi %convert_element_type3A_601, %min3A_603 : vector<16xi32>
        %gt3A_605 = arith.constant 0.000000e+00 : f32
        %gt3A_606 = vector.broadcast %gt3A_605 : f32 to vector<16xf32>
        %gt3A_607 = arith.cmpf ogt, %min3A_594, %gt3A_606 : vector<16xf32>
        %jit3A_608 = arith.constant 16 : i32
        %broadcast_in_dim3A_609 = vector.broadcast %jit3A_608 : i32 to vector<16xi32>
        %select_n3A_610 = arith.select %gt3A_607, %min3A_604, %broadcast_in_dim3A_609 : vector<16xi1>, vector<16xi32>
        %eq3A_611 = arith.constant 0 : i32
        %eq3A_612 = vector.broadcast %eq3A_611 : i32 to vector<16xi32>
        %eq3A_613 = arith.cmpi eq, %select_n3A_610, %eq3A_612 : vector<16xi32>
        %jit3A_614 = arith.constant 1.000000e+00 : f32
        %jit3A_615 = arith.constant 0.000000e+00 : f32
        %broadcast_in_dim3A_616 = vector.broadcast %jit3A_614 : f32 to vector<16xf32>
        %broadcast_in_dim3A_617 = vector.broadcast %jit3A_615 : f32 to vector<16xf32>
        %select_n3A_618 = arith.select %eq3A_613, %broadcast_in_dim3A_616, %broadcast_in_dim3A_617 : vector<16xi1>, vector<16xf32>
        %swap3A_619 = arith.constant 0 : i32
        %swap3A_620 = arith.constant 1 : i32
        %swap3A_621 = arith.index_cast %swap3A_619 : i32 to index
        %swap3A_622 = arith.index_cast %swap3A_620 : i32 to index
        %swap3A_623 = arith.index_cast %mul3A_340 : i32 to index
        %swap3A_624 = tpu.vector_load %arg6[%swap3A_621, %swap3A_622, %swap3A_623] {strides = array<i32>} : memref<16x8x224xf32, #tpu.memory_space<vmem>>, vector<16xf32>,
        tpu.vector_store %arg6[%swap3A_621, %swap3A_622, %swap3A_623], %select_n3A_618 {strides = array<i32>} : memref<16x8x224xf32, #tpu.memory_space<vmem>>, vector<16xf32>,
        %eq3A_625 = arith.constant 1 : i32
        %eq3A_626 = vector.broadcast %eq3A_625 : i32 to vector<16xi32>
        %eq3A_627 = arith.cmpi eq, %select_n3A_610, %eq3A_626 : vector<16xi32>
        %jit3A_628 = arith.constant 1.000000e+00 : f32
        %jit3A_629 = arith.constant 0.000000e+00 : f32
        %broadcast_in_dim3A_630 = vector.broadcast %jit3A_628 : f32 to vector<16xf32>
        %broadcast_in_dim3A_631 = vector.broadcast %jit3A_629 : f32 to vector<16xf32>
        %select_n3A_632 = arith.select %eq3A_627, %broadcast_in_dim3A_630, %broadcast_in_dim3A_631 : vector<16xi1>, vector<16xf32>
        %swap3A_633 = arith.constant 1 : i32
        %swap3A_634 = arith.constant 1 : i32
        %swap3A_635 = arith.index_cast %swap3A_633 : i32 to index
        %swap3A_636 = arith.index_cast %swap3A_634 : i32 to index
        %swap3A_637 = arith.index_cast %mul3A_340 : i32 to index
        %swap3A_638 = tpu.vector_load %arg6[%swap3A_635, %swap3A_636, %swap3A_637] {strides = array<i32>} : memref<16x8x224xf32, #tpu.memory_space<vmem>>, vector<16xf32>,
        tpu.vector_store %arg6[%swap3A_635, %swap3A_636, %swap3A_637], %select_n3A_632 {strides = array<i32>} : memref<16x8x224xf32, #tpu.memory_space<vmem>>, vector<16xf32>,
        %eq3A_639 = arith.constant 2 : i32
        %eq3A_640 = vector.broadcast %eq3A_639 : i32 to vector<16xi32>
        %eq3A_641 = arith.cmpi eq, %select_n3A_610, %eq3A_640 : vector<16xi32>
        %jit3A_642 = arith.constant 1.000000e+00 : f32
        %jit3A_643 = arith.constant 0.000000e+00 : f32
        %broadcast_in_dim3A_644 = vector.broadcast %jit3A_642 : f32 to vector<16xf32>
        %broadcast_in_dim3A_645 = vector.broadcast %jit3A_643 : f32 to vector<16xf32>
        %select_n3A_646 = arith.select %eq3A_641, %broadcast_in_dim3A_644, %broadcast_in_dim3A_645 : vector<16xi1>, vector<16xf32>
        %swap3A_647 = arith.constant 2 : i32
        %swap3A_648 = arith.constant 1 : i32
        %swap3A_649 = arith.index_cast %swap3A_647 : i32 to index
        %swap3A_650 = arith.index_cast %swap3A_648 : i32 to index
        %swap3A_651 = arith.index_cast %mul3A_340 : i32 to index
        %swap3A_652 = tpu.vector_load %arg6[%swap3A_649, %swap3A_650, %swap3A_651] {strides = array<i32>} : memref<16x8x224xf32, #tpu.memory_space<vmem>>, vector<16xf32>,
        tpu.vector_store %arg6[%swap3A_649, %swap3A_650, %swap3A_651], %select_n3A_646 {strides = array<i32>} : memref<16x8x224xf32, #tpu.memory_space<vmem>>, vector<16xf32>,
        %eq3A_653 = arith.constant 3 : i32
        %eq3A_654 = vector.broadcast %eq3A_653 : i32 to vector<16xi32>
        %eq3A_655 = arith.cmpi eq, %select_n3A_610, %eq3A_654 : vector<16xi32>
        %jit3A_656 = arith.constant 1.000000e+00 : f32
        %jit3A_657 = arith.constant 0.000000e+00 : f32
        %broadcast_in_dim3A_658 = vector.broadcast %jit3A_656 : f32 to vector<16xf32>
        %broadcast_in_dim3A_659 = vector.broadcast %jit3A_657 : f32 to vector<16xf32>
        %select_n3A_660 = arith.select %eq3A_655, %broadcast_in_dim3A_658, %broadcast_in_dim3A_659 : vector<16xi1>, vector<16xf32>
        %swap3A_661 = arith.constant 3 : i32
        %swap3A_662 = arith.constant 1 : i32
        %swap3A_663 = arith.index_cast %swap3A_661 : i32 to index
        %swap3A_664 = arith.index_cast %swap3A_662 : i32 to index
        %swap3A_665 = arith.index_cast %mul3A_340 : i32 to index
        %swap3A_666 = tpu.vector_load %arg6[%swap3A_663, %swap3A_664, %swap3A_665] {strides = array<i32>} : memref<16x8x224xf32, #tpu.memory_space<vmem>>, vector<16xf32>,
        tpu.vector_store %arg6[%swap3A_663, %swap3A_664, %swap3A_665], %select_n3A_660 {strides = array<i32>} : memref<16x8x224xf32, #tpu.memory_space<vmem>>, vector<16xf32>,
        %eq3A_667 = arith.constant 4 : i32
        %eq3A_668 = vector.broadcast %eq3A_667 : i32 to vector<16xi32>
        %eq3A_669 = arith.cmpi eq, %select_n3A_610, %eq3A_668 : vector<16xi32>
        %jit3A_670 = arith.constant 1.000000e+00 : f32
        %jit3A_671 = arith.constant 0.000000e+00 : f32
        %broadcast_in_dim3A_672 = vector.broadcast %jit3A_670 : f32 to vector<16xf32>
        %broadcast_in_dim3A_673 = vector.broadcast %jit3A_671 : f32 to vector<16xf32>
        %select_n3A_674 = arith.select %eq3A_669, %broadcast_in_dim3A_672, %broadcast_in_dim3A_673 : vector<16xi1>, vector<16xf32>
        %swap3A_675 = arith.constant 4 : i32
        %swap3A_676 = arith.constant 1 : i32
        %swap3A_677 = arith.index_cast %swap3A_675 : i32 to index
        %swap3A_678 = arith.index_cast %swap3A_676 : i32 to index
        %swap3A_679 = arith.index_cast %mul3A_340 : i32 to index
        %swap3A_680 = tpu.vector_load %arg6[%swap3A_677, %swap3A_678, %swap3A_679] {strides = array<i32>} : memref<16x8x224xf32, #tpu.memory_space<vmem>>, vector<16xf32>,
        tpu.vector_store %arg6[%swap3A_677, %swap3A_678, %swap3A_679], %select_n3A_674 {strides = array<i32>} : memref<16x8x224xf32, #tpu.memory_space<vmem>>, vector<16xf32>,
        %eq3A_681 = arith.constant 5 : i32
        %eq3A_682 = vector.broadcast %eq3A_681 : i32 to vector<16xi32>
        %eq3A_683 = arith.cmpi eq, %select_n3A_610, %eq3A_682 : vector<16xi32>
        %jit3A_684 = arith.constant 1.000000e+00 : f32
        %jit3A_685 = arith.constant 0.000000e+00 : f32
        %broadcast_in_dim3A_686 = vector.broadcast %jit3A_684 : f32 to vector<16xf32>
        %broadcast_in_dim3A_687 = vector.broadcast %jit3A_685 : f32 to vector<16xf32>
        %select_n3A_688 = arith.select %eq3A_683, %broadcast_in_dim3A_686, %broadcast_in_dim3A_687 : vector<16xi1>, vector<16xf32>
        %swap3A_689 = arith.constant 5 : i32
        %swap3A_690 = arith.constant 1 : i32
        %swap3A_691 = arith.index_cast %swap3A_689 : i32 to index
        %swap3A_692 = arith.index_cast %swap3A_690 : i32 to index
        %swap3A_693 = arith.index_cast %mul3A_340 : i32 to index
        %swap3A_694 = tpu.vector_load %arg6[%swap3A_691, %swap3A_692, %swap3A_693] {strides = array<i32>} : memref<16x8x224xf32, #tpu.memory_space<vmem>>, vector<16xf32>,
        tpu.vector_store %arg6[%swap3A_691, %swap3A_692, %swap3A_693], %select_n3A_688 {strides = array<i32>} : memref<16x8x224xf32, #tpu.memory_space<vmem>>, vector<16xf32>,
        %eq3A_695 = arith.constant 6 : i32
        %eq3A_696 = vector.broadcast %eq3A_695 : i32 to vector<16xi32>
        %eq3A_697 = arith.cmpi eq, %select_n3A_610, %eq3A_696 : vector<16xi32>
        %jit3A_698 = arith.constant 1.000000e+00 : f32
        %jit3A_699 = arith.constant 0.000000e+00 : f32
        %broadcast_in_dim3A_700 = vector.broadcast %jit3A_698 : f32 to vector<16xf32>
        %broadcast_in_dim3A_701 = vector.broadcast %jit3A_699 : f32 to vector<16xf32>
        %select_n3A_702 = arith.select %eq3A_697, %broadcast_in_dim3A_700, %broadcast_in_dim3A_701 : vector<16xi1>, vector<16xf32>
        %swap3A_703 = arith.constant 6 : i32
        %swap3A_704 = arith.constant 1 : i32
        %swap3A_705 = arith.index_cast %swap3A_703 : i32 to index
        %swap3A_706 = arith.index_cast %swap3A_704 : i32 to index
        %swap3A_707 = arith.index_cast %mul3A_340 : i32 to index
        %swap3A_708 = tpu.vector_load %arg6[%swap3A_705, %swap3A_706, %swap3A_707] {strides = array<i32>} : memref<16x8x224xf32, #tpu.memory_space<vmem>>, vector<16xf32>,
        tpu.vector_store %arg6[%swap3A_705, %swap3A_706, %swap3A_707], %select_n3A_702 {strides = array<i32>} : memref<16x8x224xf32, #tpu.memory_space<vmem>>, vector<16xf32>,
        %eq3A_709 = arith.constant 7 : i32
        %eq3A_710 = vector.broadcast %eq3A_709 : i32 to vector<16xi32>
        %eq3A_711 = arith.cmpi eq, %select_n3A_610, %eq3A_710 : vector<16xi32>
        %jit3A_712 = arith.constant 1.000000e+00 : f32
        %jit3A_713 = arith.constant 0.000000e+00 : f32
        %broadcast_in_dim3A_714 = vector.broadcast %jit3A_712 : f32 to vector<16xf32>
        %broadcast_in_dim3A_715 = vector.broadcast %jit3A_713 : f32 to vector<16xf32>
        %select_n3A_716 = arith.select %eq3A_711, %broadcast_in_dim3A_714, %broadcast_in_dim3A_715 : vector<16xi1>, vector<16xf32>
        %swap3A_717 = arith.constant 7 : i32
        %swap3A_718 = arith.constant 1 : i32
        %swap3A_719 = arith.index_cast %swap3A_717 : i32 to index
        %swap3A_720 = arith.index_cast %swap3A_718 : i32 to index
        %swap3A_721 = arith.index_cast %mul3A_340 : i32 to index
        %swap3A_722 = tpu.vector_load %arg6[%swap3A_719, %swap3A_720, %swap3A_721] {strides = array<i32>} : memref<16x8x224xf32, #tpu.memory_space<vmem>>, vector<16xf32>,
        tpu.vector_store %arg6[%swap3A_719, %swap3A_720, %swap3A_721], %select_n3A_716 {strides = array<i32>} : memref<16x8x224xf32, #tpu.memory_space<vmem>>, vector<16xf32>,
        %eq3A_723 = arith.constant 8 : i32
        %eq3A_724 = vector.broadcast %eq3A_723 : i32 to vector<16xi32>
        %eq3A_725 = arith.cmpi eq, %select_n3A_610, %eq3A_724 : vector<16xi32>
        %jit3A_726 = arith.constant 1.000000e+00 : f32
        %jit3A_727 = arith.constant 0.000000e+00 : f32
        %broadcast_in_dim3A_728 = vector.broadcast %jit3A_726 : f32 to vector<16xf32>
        %broadcast_in_dim3A_729 = vector.broadcast %jit3A_727 : f32 to vector<16xf32>
        %select_n3A_730 = arith.select %eq3A_725, %broadcast_in_dim3A_728, %broadcast_in_dim3A_729 : vector<16xi1>, vector<16xf32>
        %swap3A_731 = arith.constant 8 : i32
        %swap3A_732 = arith.constant 1 : i32
        %swap3A_733 = arith.index_cast %swap3A_731 : i32 to index
        %swap3A_734 = arith.index_cast %swap3A_732 : i32 to index
        %swap3A_735 = arith.index_cast %mul3A_340 : i32 to index
        %swap3A_736 = tpu.vector_load %arg6[%swap3A_733, %swap3A_734, %swap3A_735] {strides = array<i32>} : memref<16x8x224xf32, #tpu.memory_space<vmem>>, vector<16xf32>,
        tpu.vector_store %arg6[%swap3A_733, %swap3A_734, %swap3A_735], %select_n3A_730 {strides = array<i32>} : memref<16x8x224xf32, #tpu.memory_space<vmem>>, vector<16xf32>,
        %eq3A_737 = arith.constant 9 : i32
        %eq3A_738 = vector.broadcast %eq3A_737 : i32 to vector<16xi32>
        %eq3A_739 = arith.cmpi eq, %select_n3A_610, %eq3A_738 : vector<16xi32>
        %jit3A_740 = arith.constant 1.000000e+00 : f32
        %jit3A_741 = arith.constant 0.000000e+00 : f32
        %broadcast_in_dim3A_742 = vector.broadcast %jit3A_740 : f32 to vector<16xf32>
        %broadcast_in_dim3A_743 = vector.broadcast %jit3A_741 : f32 to vector<16xf32>
        %select_n3A_744 = arith.select %eq3A_739, %broadcast_in_dim3A_742, %broadcast_in_dim3A_743 : vector<16xi1>, vector<16xf32>
        %swap3A_745 = arith.constant 9 : i32
        %swap3A_746 = arith.constant 1 : i32
        %swap3A_747 = arith.index_cast %swap3A_745 : i32 to index
        %swap3A_748 = arith.index_cast %swap3A_746 : i32 to index
        %swap3A_749 = arith.index_cast %mul3A_340 : i32 to index
        %swap3A_750 = tpu.vector_load %arg6[%swap3A_747, %swap3A_748, %swap3A_749] {strides = array<i32>} : memref<16x8x224xf32, #tpu.memory_space<vmem>>, vector<16xf32>,
        tpu.vector_store %arg6[%swap3A_747, %swap3A_748, %swap3A_749], %select_n3A_744 {strides = array<i32>} : memref<16x8x224xf32, #tpu.memory_space<vmem>>, vector<16xf32>,
        %eq3A_751 = arith.constant 10 : i32
        %eq3A_752 = vector.broadcast %eq3A_751 : i32 to vector<16xi32>
        %eq3A_753 = arith.cmpi eq, %select_n3A_610, %eq3A_752 : vector<16xi32>
        %jit3A_754 = arith.constant 1.000000e+00 : f32
        %jit3A_755 = arith.constant 0.000000e+00 : f32
        %broadcast_in_dim3A_756 = vector.broadcast %jit3A_754 : f32 to vector<16xf32>
        %broadcast_in_dim3A_757 = vector.broadcast %jit3A_755 : f32 to vector<16xf32>
        %select_n3A_758 = arith.select %eq3A_753, %broadcast_in_dim3A_756, %broadcast_in_dim3A_757 : vector<16xi1>, vector<16xf32>
        %swap3A_759 = arith.constant 10 : i32
        %swap3A_760 = arith.constant 1 : i32
        %swap3A_761 = arith.index_cast %swap3A_759 : i32 to index
        %swap3A_762 = arith.index_cast %swap3A_760 : i32 to index
        %swap3A_763 = arith.index_cast %mul3A_340 : i32 to index
        %swap3A_764 = tpu.vector_load %arg6[%swap3A_761, %swap3A_762, %swap3A_763] {strides = array<i32>} : memref<16x8x224xf32, #tpu.memory_space<vmem>>, vector<16xf32>,
        tpu.vector_store %arg6[%swap3A_761, %swap3A_762, %swap3A_763], %select_n3A_758 {strides = array<i32>} : memref<16x8x224xf32, #tpu.memory_space<vmem>>, vector<16xf32>,
        %eq3A_765 = arith.constant 11 : i32
        %eq3A_766 = vector.broadcast %eq3A_765 : i32 to vector<16xi32>
        %eq3A_767 = arith.cmpi eq, %select_n3A_610, %eq3A_766 : vector<16xi32>
        %jit3A_768 = arith.constant 1.000000e+00 : f32
        %jit3A_769 = arith.constant 0.000000e+00 : f32
        %broadcast_in_dim3A_770 = vector.broadcast %jit3A_768 : f32 to vector<16xf32>
        %broadcast_in_dim3A_771 = vector.broadcast %jit3A_769 : f32 to vector<16xf32>
        %select_n3A_772 = arith.select %eq3A_767, %broadcast_in_dim3A_770, %broadcast_in_dim3A_771 : vector<16xi1>, vector<16xf32>
        %swap3A_773 = arith.constant 11 : i32
        %swap3A_774 = arith.constant 1 : i32
        %swap3A_775 = arith.index_cast %swap3A_773 : i32 to index
        %swap3A_776 = arith.index_cast %swap3A_774 : i32 to index
        %swap3A_777 = arith.index_cast %mul3A_340 : i32 to index
        %swap3A_778 = tpu.vector_load %arg6[%swap3A_775, %swap3A_776, %swap3A_777] {strides = array<i32>} : memref<16x8x224xf32, #tpu.memory_space<vmem>>, vector<16xf32>,
        tpu.vector_store %arg6[%swap3A_775, %swap3A_776, %swap3A_777], %select_n3A_772 {strides = array<i32>} : memref<16x8x224xf32, #tpu.memory_space<vmem>>, vector<16xf32>,
        %eq3A_779 = arith.constant 12 : i32
        %eq3A_780 = vector.broadcast %eq3A_779 : i32 to vector<16xi32>
        %eq3A_781 = arith.cmpi eq, %select_n3A_610, %eq3A_780 : vector<16xi32>
        %jit3A_782 = arith.constant 1.000000e+00 : f32
        %jit3A_783 = arith.constant 0.000000e+00 : f32
        %broadcast_in_dim3A_784 = vector.broadcast %jit3A_782 : f32 to vector<16xf32>
        %broadcast_in_dim3A_785 = vector.broadcast %jit3A_783 : f32 to vector<16xf32>
        %select_n3A_786 = arith.select %eq3A_781, %broadcast_in_dim3A_784, %broadcast_in_dim3A_785 : vector<16xi1>, vector<16xf32>
        %swap3A_787 = arith.constant 12 : i32
        %swap3A_788 = arith.constant 1 : i32
        %swap3A_789 = arith.index_cast %swap3A_787 : i32 to index
        %swap3A_790 = arith.index_cast %swap3A_788 : i32 to index
        %swap3A_791 = arith.index_cast %mul3A_340 : i32 to index
        %swap3A_792 = tpu.vector_load %arg6[%swap3A_789, %swap3A_790, %swap3A_791] {strides = array<i32>} : memref<16x8x224xf32, #tpu.memory_space<vmem>>, vector<16xf32>,
        tpu.vector_store %arg6[%swap3A_789, %swap3A_790, %swap3A_791], %select_n3A_786 {strides = array<i32>} : memref<16x8x224xf32, #tpu.memory_space<vmem>>, vector<16xf32>,
        %eq3A_793 = arith.constant 13 : i32
        %eq3A_794 = vector.broadcast %eq3A_793 : i32 to vector<16xi32>
        %eq3A_795 = arith.cmpi eq, %select_n3A_610, %eq3A_794 : vector<16xi32>
        %jit3A_796 = arith.constant 1.000000e+00 : f32
        %jit3A_797 = arith.constant 0.000000e+00 : f32
        %broadcast_in_dim3A_798 = vector.broadcast %jit3A_796 : f32 to vector<16xf32>
        %broadcast_in_dim3A_799 = vector.broadcast %jit3A_797 : f32 to vector<16xf32>
        %select_n3A_800 = arith.select %eq3A_795, %broadcast_in_dim3A_798, %broadcast_in_dim3A_799 : vector<16xi1>, vector<16xf32>
        %swap3A_801 = arith.constant 13 : i32
        %swap3A_802 = arith.constant 1 : i32
        %swap3A_803 = arith.index_cast %swap3A_801 : i32 to index
        %swap3A_804 = arith.index_cast %swap3A_802 : i32 to index
        %swap3A_805 = arith.index_cast %mul3A_340 : i32 to index
        %swap3A_806 = tpu.vector_load %arg6[%swap3A_803, %swap3A_804, %swap3A_805] {strides = array<i32>} : memref<16x8x224xf32, #tpu.memory_space<vmem>>, vector<16xf32>,
        tpu.vector_store %arg6[%swap3A_803, %swap3A_804, %swap3A_805], %select_n3A_800 {strides = array<i32>} : memref<16x8x224xf32, #tpu.memory_space<vmem>>, vector<16xf32>,
        %eq3A_807 = arith.constant 14 : i32
        %eq3A_808 = vector.broadcast %eq3A_807 : i32 to vector<16xi32>
        %eq3A_809 = arith.cmpi eq, %select_n3A_610, %eq3A_808 : vector<16xi32>
        %jit3A_810 = arith.constant 1.000000e+00 : f32
        %jit3A_811 = arith.constant 0.000000e+00 : f32
        %broadcast_in_dim3A_812 = vector.broadcast %jit3A_810 : f32 to vector<16xf32>
        %broadcast_in_dim3A_813 = vector.broadcast %jit3A_811 : f32 to vector<16xf32>
        %select_n3A_814 = arith.select %eq3A_809, %broadcast_in_dim3A_812, %broadcast_in_dim3A_813 : vector<16xi1>, vector<16xf32>
        %swap3A_815 = arith.constant 14 : i32
        %swap3A_816 = arith.constant 1 : i32
        %swap3A_817 = arith.index_cast %swap3A_815 : i32 to index
        %swap3A_818 = arith.index_cast %swap3A_816 : i32 to index
        %swap3A_819 = arith.index_cast %mul3A_340 : i32 to index
        %swap3A_820 = tpu.vector_load %arg6[%swap3A_817, %swap3A_818, %swap3A_819] {strides = array<i32>} : memref<16x8x224xf32, #tpu.memory_space<vmem>>, vector<16xf32>,
        tpu.vector_store %arg6[%swap3A_817, %swap3A_818, %swap3A_819], %select_n3A_814 {strides = array<i32>} : memref<16x8x224xf32, #tpu.memory_space<vmem>>, vector<16xf32>,
        %eq3A_821 = arith.constant 15 : i32
        %eq3A_822 = vector.broadcast %eq3A_821 : i32 to vector<16xi32>
        %eq3A_823 = arith.cmpi eq, %select_n3A_610, %eq3A_822 : vector<16xi32>
        %jit3A_824 = arith.constant 1.000000e+00 : f32
        %jit3A_825 = arith.constant 0.000000e+00 : f32
        %broadcast_in_dim3A_826 = vector.broadcast %jit3A_824 : f32 to vector<16xf32>
        %broadcast_in_dim3A_827 = vector.broadcast %jit3A_825 : f32 to vector<16xf32>
        %select_n3A_828 = arith.select %eq3A_823, %broadcast_in_dim3A_826, %broadcast_in_dim3A_827 : vector<16xi1>, vector<16xf32>
        %swap3A_829 = arith.constant 15 : i32
        %swap3A_830 = arith.constant 1 : i32
        %swap3A_831 = arith.index_cast %swap3A_829 : i32 to index
        %swap3A_832 = arith.index_cast %swap3A_830 : i32 to index
        %swap3A_833 = arith.index_cast %mul3A_340 : i32 to index
        %swap3A_834 = tpu.vector_load %arg6[%swap3A_831, %swap3A_832, %swap3A_833] {strides = array<i32>} : memref<16x8x224xf32, #tpu.memory_space<vmem>>, vector<16xf32>,
        tpu.vector_store %arg6[%swap3A_831, %swap3A_832, %swap3A_833], %select_n3A_828 {strides = array<i32>} : memref<16x8x224xf32, #tpu.memory_space<vmem>>, vector<16xf32>,
        %get3A_835 = arith.constant 2 : i32
        %get3A_836 = arith.index_cast %get3A_835 : i32 to index
        %get3A_837 = arith.index_cast %mul3A_340 : i32 to index
        %get3A_838 = tpu.vector_load %arg4[%get3A_836, %get3A_837] {strides = array<i32>} : memref<8x224xf32, #tpu.memory_space<vmem>>, vector<16xf32>,
        %max3A_839 = arith.constant 0.000000e+00 : f32
        %max3A_840 = vector.broadcast %max3A_839 : f32 to vector<16xf32>
        %max3A_841 = arith.maximumf %get3A_838, %max3A_840 : vector<16xf32>
        %min3A_842 = arith.constant 1.000000e+00 : f32
        %min3A_843 = vector.broadcast %min3A_842 : f32 to vector<16xf32>
        %min3A_844 = arith.minimumf %max3A_841, %min3A_843 : vector<16xf32>
        %sub3A_845 = arith.constant 1.000000e+00 : f32
        %sub3A_846 = vector.broadcast %sub3A_845 : f32 to vector<16xf32>
        %sub3A_847 = arith.subf %sub3A_846, %min3A_844 : vector<16xf32>
        %mul3A_848 = arith.constant 1.500000e+01 : f32
        %mul3A_849 = vector.broadcast %mul3A_848 : f32 to vector<16xf32>
        %mul3A_850 = arith.mulf %sub3A_847, %mul3A_849 : vector<16xf32>
        %convert_element_type3A_851 = arith.fptosi %mul3A_850 : vector<16xf32> to vector<16xi32>
        %min3A_852 = arith.constant 15 : i32
        %min3A_853 = vector.broadcast %min3A_852 : i32 to vector<16xi32>
        %min3A_854 = arith.minsi %convert_element_type3A_851, %min3A_853 : vector<16xi32>
        %gt3A_855 = arith.constant 0.000000e+00 : f32
        %gt3A_856 = vector.broadcast %gt3A_855 : f32 to vector<16xf32>
        %gt3A_857 = arith.cmpf ogt, %min3A_844, %gt3A_856 : vector<16xf32>
        %jit3A_858 = arith.constant 16 : i32
        %broadcast_in_dim3A_859 = vector.broadcast %jit3A_858 : i32 to vector<16xi32>
        %select_n3A_860 = arith.select %gt3A_857, %min3A_854, %broadcast_in_dim3A_859 : vector<16xi1>, vector<16xi32>
        %eq3A_861 = arith.constant 0 : i32
        %eq3A_862 = vector.broadcast %eq3A_861 : i32 to vector<16xi32>
        %eq3A_863 = arith.cmpi eq, %select_n3A_860, %eq3A_862 : vector<16xi32>
        %jit3A_864 = arith.constant 1.000000e+00 : f32
        %jit3A_865 = arith.constant 0.000000e+00 : f32
        %broadcast_in_dim3A_866 = vector.broadcast %jit3A_864 : f32 to vector<16xf32>
        %broadcast_in_dim3A_867 = vector.broadcast %jit3A_865 : f32 to vector<16xf32>
        %select_n3A_868 = arith.select %eq3A_863, %broadcast_in_dim3A_866, %broadcast_in_dim3A_867 : vector<16xi1>, vector<16xf32>
        %swap3A_869 = arith.constant 0 : i32
        %swap3A_870 = arith.constant 2 : i32
        %swap3A_871 = arith.index_cast %swap3A_869 : i32 to index
        %swap3A_872 = arith.index_cast %swap3A_870 : i32 to index
        %swap3A_873 = arith.index_cast %mul3A_340 : i32 to index
        %swap3A_874 = tpu.vector_load %arg6[%swap3A_871, %swap3A_872, %swap3A_873] {strides = array<i32>} : memref<16x8x224xf32, #tpu.memory_space<vmem>>, vector<16xf32>,
        tpu.vector_store %arg6[%swap3A_871, %swap3A_872, %swap3A_873], %select_n3A_868 {strides = array<i32>} : memref<16x8x224xf32, #tpu.memory_space<vmem>>, vector<16xf32>,
        %eq3A_875 = arith.constant 1 : i32
        %eq3A_876 = vector.broadcast %eq3A_875 : i32 to vector<16xi32>
        %eq3A_877 = arith.cmpi eq, %select_n3A_860, %eq3A_876 : vector<16xi32>
        %jit3A_878 = arith.constant 1.000000e+00 : f32
        %jit3A_879 = arith.constant 0.000000e+00 : f32
        %broadcast_in_dim3A_880 = vector.broadcast %jit3A_878 : f32 to vector<16xf32>
        %broadcast_in_dim3A_881 = vector.broadcast %jit3A_879 : f32 to vector<16xf32>
        %select_n3A_882 = arith.select %eq3A_877, %broadcast_in_dim3A_880, %broadcast_in_dim3A_881 : vector<16xi1>, vector<16xf32>
        %swap3A_883 = arith.constant 1 : i32
        %swap3A_884 = arith.constant 2 : i32
        %swap3A_885 = arith.index_cast %swap3A_883 : i32 to index
        %swap3A_886 = arith.index_cast %swap3A_884 : i32 to index
        %swap3A_887 = arith.index_cast %mul3A_340 : i32 to index
        %swap3A_888 = tpu.vector_load %arg6[%swap3A_885, %swap3A_886, %swap3A_887] {strides = array<i32>} : memref<16x8x224xf32, #tpu.memory_space<vmem>>, vector<16xf32>,
        tpu.vector_store %arg6[%swap3A_885, %swap3A_886, %swap3A_887], %select_n3A_882 {strides = array<i32>} : memref<16x8x224xf32, #tpu.memory_space<vmem>>, vector<16xf32>,
        %eq3A_889 = arith.constant 2 : i32
        %eq3A_890 = vector.broadcast %eq3A_889 : i32 to vector<16xi32>
        %eq3A_891 = arith.cmpi eq, %select_n3A_860, %eq3A_890 : vector<16xi32>
        %jit3A_892 = arith.constant 1.000000e+00 : f32
        %jit3A_893 = arith.constant 0.000000e+00 : f32
        %broadcast_in_dim3A_894 = vector.broadcast %jit3A_892 : f32 to vector<16xf32>
        %broadcast_in_dim3A_895 = vector.broadcast %jit3A_893 : f32 to vector<16xf32>
        %select_n3A_896 = arith.select %eq3A_891, %broadcast_in_dim3A_894, %broadcast_in_dim3A_895 : vector<16xi1>, vector<16xf32>
        %swap3A_897 = arith.constant 2 : i32
        %swap3A_898 = arith.constant 2 : i32
        %swap3A_899 = arith.index_cast %swap3A_897 : i32 to index
        %swap3A_900 = arith.index_cast %swap3A_898 : i32 to index
        %swap3A_901 = arith.index_cast %mul3A_340 : i32 to index
        %swap3A_902 = tpu.vector_load %arg6[%swap3A_899, %swap3A_900, %swap3A_901] {strides = array<i32>} : memref<16x8x224xf32, #tpu.memory_space<vmem>>, vector<16xf32>,
        tpu.vector_store %arg6[%swap3A_899, %swap3A_900, %swap3A_901], %select_n3A_896 {strides = array<i32>} : memref<16x8x224xf32, #tpu.memory_space<vmem>>, vector<16xf32>,
        %eq3A_903 = arith.constant 3 : i32
        %eq3A_904 = vector.broadcast %eq3A_903 : i32 to vector<16xi32>
        %eq3A_905 = arith.cmpi eq, %select_n3A_860, %eq3A_904 : vector<16xi32>
        %jit3A_906 = arith.constant 1.000000e+00 : f32
        %jit3A_907 = arith.constant 0.000000e+00 : f32
        %broadcast_in_dim3A_908 = vector.broadcast %jit3A_906 : f32 to vector<16xf32>
        %broadcast_in_dim3A_909 = vector.broadcast %jit3A_907 : f32 to vector<16xf32>
        %select_n3A_910 = arith.select %eq3A_905, %broadcast_in_dim3A_908, %broadcast_in_dim3A_909 : vector<16xi1>, vector<16xf32>
        %swap3A_911 = arith.constant 3 : i32
        %swap3A_912 = arith.constant 2 : i32
        %swap3A_913 = arith.index_cast %swap3A_911 : i32 to index
        %swap3A_914 = arith.index_cast %swap3A_912 : i32 to index
        %swap3A_915 = arith.index_cast %mul3A_340 : i32 to index
        %swap3A_916 = tpu.vector_load %arg6[%swap3A_913, %swap3A_914, %swap3A_915] {strides = array<i32>} : memref<16x8x224xf32, #tpu.memory_space<vmem>>, vector<16xf32>,
        tpu.vector_store %arg6[%swap3A_913, %swap3A_914, %swap3A_915], %select_n3A_910 {strides = array<i32>} : memref<16x8x224xf32, #tpu.memory_space<vmem>>, vector<16xf32>,
        %eq3A_917 = arith.constant 4 : i32
        %eq3A_918 = vector.broadcast %eq3A_917 : i32 to vector<16xi32>
        %eq3A_919 = arith.cmpi eq, %select_n3A_860, %eq3A_918 : vector<16xi32>
        %jit3A_920 = arith.constant 1.000000e+00 : f32
        %jit3A_921 = arith.constant 0.000000e+00 : f32
        %broadcast_in_dim3A_922 = vector.broadcast %jit3A_920 : f32 to vector<16xf32>
        %broadcast_in_dim3A_923 = vector.broadcast %jit3A_921 : f32 to vector<16xf32>
        %select_n3A_924 = arith.select %eq3A_919, %broadcast_in_dim3A_922, %broadcast_in_dim3A_923 : vector<16xi1>, vector<16xf32>
        %swap3A_925 = arith.constant 4 : i32
        %swap3A_926 = arith.constant 2 : i32
        %swap3A_927 = arith.index_cast %swap3A_925 : i32 to index
        %swap3A_928 = arith.index_cast %swap3A_926 : i32 to index
        %swap3A_929 = arith.index_cast %mul3A_340 : i32 to index
        %swap3A_930 = tpu.vector_load %arg6[%swap3A_927, %swap3A_928, %swap3A_929] {strides = array<i32>} : memref<16x8x224xf32, #tpu.memory_space<vmem>>, vector<16xf32>,
        tpu.vector_store %arg6[%swap3A_927, %swap3A_928, %swap3A_929], %select_n3A_924 {strides = array<i32>} : memref<16x8x224xf32, #tpu.memory_space<vmem>>, vector<16xf32>,
        %eq3A_931 = arith.constant 5 : i32
        %eq3A_932 = vector.broadcast %eq3A_931 : i32 to vector<16xi32>
        %eq3A_933 = arith.cmpi eq, %select_n3A_860, %eq3A_932 : vector<16xi32>
        %jit3A_934 = arith.constant 1.000000e+00 : f32
        %jit3A_935 = arith.constant 0.000000e+00 : f32
        %broadcast_in_dim3A_936 = vector.broadcast %jit3A_934 : f32 to vector<16xf32>
        %broadcast_in_dim3A_937 = vector.broadcast %jit3A_935 : f32 to vector<16xf32>
        %select_n3A_938 = arith.select %eq3A_933, %broadcast_in_dim3A_936, %broadcast_in_dim3A_937 : vector<16xi1>, vector<16xf32>
        %swap3A_939 = arith.constant 5 : i32
        %swap3A_940 = arith.constant 2 : i32
        %swap3A_941 = arith.index_cast %swap3A_939 : i32 to index
        %swap3A_942 = arith.index_cast %swap3A_940 : i32 to index
        %swap3A_943 = arith.index_cast %mul3A_340 : i32 to index
        %swap3A_944 = tpu.vector_load %arg6[%swap3A_941, %swap3A_942, %swap3A_943] {strides = array<i32>} : memref<16x8x224xf32, #tpu.memory_space<vmem>>, vector<16xf32>,
        tpu.vector_store %arg6[%swap3A_941, %swap3A_942, %swap3A_943], %select_n3A_938 {strides = array<i32>} : memref<16x8x224xf32, #tpu.memory_space<vmem>>, vector<16xf32>,
        %eq3A_945 = arith.constant 6 : i32
        %eq3A_946 = vector.broadcast %eq3A_945 : i32 to vector<16xi32>
        %eq3A_947 = arith.cmpi eq, %select_n3A_860, %eq3A_946 : vector<16xi32>
        %jit3A_948 = arith.constant 1.000000e+00 : f32
        %jit3A_949 = arith.constant 0.000000e+00 : f32
        %broadcast_in_dim3A_950 = vector.broadcast %jit3A_948 : f32 to vector<16xf32>
        %broadcast_in_dim3A_951 = vector.broadcast %jit3A_949 : f32 to vector<16xf32>
        %select_n3A_952 = arith.select %eq3A_947, %broadcast_in_dim3A_950, %broadcast_in_dim3A_951 : vector<16xi1>, vector<16xf32>
        %swap3A_953 = arith.constant 6 : i32
        %swap3A_954 = arith.constant 2 : i32
        %swap3A_955 = arith.index_cast %swap3A_953 : i32 to index
        %swap3A_956 = arith.index_cast %swap3A_954 : i32 to index
        %swap3A_957 = arith.index_cast %mul3A_340 : i32 to index
        %swap3A_958 = tpu.vector_load %arg6[%swap3A_955, %swap3A_956, %swap3A_957] {strides = array<i32>} : memref<16x8x224xf32, #tpu.memory_space<vmem>>, vector<16xf32>,
        tpu.vector_store %arg6[%swap3A_955, %swap3A_956, %swap3A_957], %select_n3A_952 {strides = array<i32>} : memref<16x8x224xf32, #tpu.memory_space<vmem>>, vector<16xf32>,
        %eq3A_959 = arith.constant 7 : i32
        %eq3A_960 = vector.broadcast %eq3A_959 : i32 to vector<16xi32>
        %eq3A_961 = arith.cmpi eq, %select_n3A_860, %eq3A_960 : vector<16xi32>
        %jit3A_962 = arith.constant 1.000000e+00 : f32
        %jit3A_963 = arith.constant 0.000000e+00 : f32
        %broadcast_in_dim3A_964 = vector.broadcast %jit3A_962 : f32 to vector<16xf32>
        %broadcast_in_dim3A_965 = vector.broadcast %jit3A_963 : f32 to vector<16xf32>
        %select_n3A_966 = arith.select %eq3A_961, %broadcast_in_dim3A_964, %broadcast_in_dim3A_965 : vector<16xi1>, vector<16xf32>
        %swap3A_967 = arith.constant 7 : i32
        %swap3A_968 = arith.constant 2 : i32
        %swap3A_969 = arith.index_cast %swap3A_967 : i32 to index
        %swap3A_970 = arith.index_cast %swap3A_968 : i32 to index
        %swap3A_971 = arith.index_cast %mul3A_340 : i32 to index
        %swap3A_972 = tpu.vector_load %arg6[%swap3A_969, %swap3A_970, %swap3A_971] {strides = array<i32>} : memref<16x8x224xf32, #tpu.memory_space<vmem>>, vector<16xf32>,
        tpu.vector_store %arg6[%swap3A_969, %swap3A_970, %swap3A_971], %select_n3A_966 {strides = array<i32>} : memref<16x8x224xf32, #tpu.memory_space<vmem>>, vector<16xf32>,
        %eq3A_973 = arith.constant 8 : i32
        %eq3A_974 = vector.broadcast %eq3A_973 : i32 to vector<16xi32>
        %eq3A_975 = arith.cmpi eq, %select_n3A_860, %eq3A_974 : vector<16xi32>
        %jit3A_976 = arith.constant 1.000000e+00 : f32
        %jit3A_977 = arith.constant 0.000000e+00 : f32
        %broadcast_in_dim3A_978 = vector.broadcast %jit3A_976 : f32 to vector<16xf32>
        %broadcast_in_dim3A_979 = vector.broadcast %jit3A_977 : f32 to vector<16xf32>
        %select_n3A_980 = arith.select %eq3A_975, %broadcast_in_dim3A_978, %broadcast_in_dim3A_979 : vector<16xi1>, vector<16xf32>
        %swap3A_981 = arith.constant 8 : i32
        %swap3A_982 = arith.constant 2 : i32
        %swap3A_983 = arith.index_cast %swap3A_981 : i32 to index
        %swap3A_984 = arith.index_cast %swap3A_982 : i32 to index
        %swap3A_985 = arith.index_cast %mul3A_340 : i32 to index
        %swap3A_986 = tpu.vector_load %arg6[%swap3A_983, %swap3A_984, %swap3A_985] {strides = array<i32>} : memref<16x8x224xf32, #tpu.memory_space<vmem>>, vector<16xf32>,
        tpu.vector_store %arg6[%swap3A_983, %swap3A_984, %swap3A_985], %select_n3A_980 {strides = array<i32>} : memref<16x8x224xf32, #tpu.memory_space<vmem>>, vector<16xf32>,
        %eq3A_987 = arith.constant 9 : i32
        %eq3A_988 = vector.broadcast %eq3A_987 : i32 to vector<16xi32>
        %eq3A_989 = arith.cmpi eq, %select_n3A_860, %eq3A_988 : vector<16xi32>
        %jit3A_990 = arith.constant 1.000000e+00 : f32
        %jit3A_991 = arith.constant 0.000000e+00 : f32
        %broadcast_in_dim3A_992 = vector.broadcast %jit3A_990 : f32 to vector<16xf32>
        %broadcast_in_dim3A_993 = vector.broadcast %jit3A_991 : f32 to vector<16xf32>
        %select_n3A_994 = arith.select %eq3A_989, %broadcast_in_dim3A_992, %broadcast_in_dim3A_993 : vector<16xi1>, vector<16xf32>
        %swap3A_995 = arith.constant 9 : i32
        %swap3A_996 = arith.constant 2 : i32
        %swap3A_997 = arith.index_cast %swap3A_995 : i32 to index
        %swap3A_998 = arith.index_cast %swap3A_996 : i32 to index
        %swap3A_999 = arith.index_cast %mul3A_340 : i32 to index
        %swap3A_1000 = tpu.vector_load %arg6[%swap3A_997, %swap3A_998, %swap3A_999] {strides = array<i32>} : memref<16x8x224xf32, #tpu.memory_space<vmem>>, vector<16xf32>,
        tpu.vector_store %arg6[%swap3A_997, %swap3A_998, %swap3A_999], %select_n3A_994 {strides = array<i32>} : memref<16x8x224xf32, #tpu.memory_space<vmem>>, vector<16xf32>,
        %eq3A_1001 = arith.constant 10 : i32
        %eq3A_1002 = vector.broadcast %eq3A_1001 : i32 to vector<16xi32>
        %eq3A_1003 = arith.cmpi eq, %select_n3A_860, %eq3A_1002 : vector<16xi32>
        %jit3A_1004 = arith.constant 1.000000e+00 : f32
        %jit3A_1005 = arith.constant 0.000000e+00 : f32
        %broadcast_in_dim3A_1006 = vector.broadcast %jit3A_1004 : f32 to vector<16xf32>
        %broadcast_in_dim3A_1007 = vector.broadcast %jit3A_1005 : f32 to vector<16xf32>
        %select_n3A_1008 = arith.select %eq3A_1003, %broadcast_in_dim3A_1006, %broadcast_in_dim3A_1007 : vector<16xi1>, vector<16xf32>
        %swap3A_1009 = arith.constant 10 : i32
        %swap3A_1010 = arith.constant 2 : i32
        %swap3A_1011 = arith.index_cast %swap3A_1009 : i32 to index
        %swap3A_1012 = arith.index_cast %swap3A_1010 : i32 to index
        %swap3A_1013 = arith.index_cast %mul3A_340 : i32 to index
        %swap3A_1014 = tpu.vector_load %arg6[%swap3A_1011, %swap3A_1012, %swap3A_1013] {strides = array<i32>} : memref<16x8x224xf32, #tpu.memory_space<vmem>>, vector<16xf32>,
        tpu.vector_store %arg6[%swap3A_1011, %swap3A_1012, %swap3A_1013], %select_n3A_1008 {strides = array<i32>} : memref<16x8x224xf32, #tpu.memory_space<vmem>>, vector<16xf32>,
        %eq3A_1015 = arith.constant 11 : i32
        %eq3A_1016 = vector.broadcast %eq3A_1015 : i32 to vector<16xi32>
        %eq3A_1017 = arith.cmpi eq, %select_n3A_860, %eq3A_1016 : vector<16xi32>
        %jit3A_1018 = arith.constant 1.000000e+00 : f32
        %jit3A_1019 = arith.constant 0.000000e+00 : f32
        %broadcast_in_dim3A_1020 = vector.broadcast %jit3A_1018 : f32 to vector<16xf32>
        %broadcast_in_dim3A_1021 = vector.broadcast %jit3A_1019 : f32 to vector<16xf32>
        %select_n3A_1022 = arith.select %eq3A_1017, %broadcast_in_dim3A_1020, %broadcast_in_dim3A_1021 : vector<16xi1>, vector<16xf32>
        %swap3A_1023 = arith.constant 11 : i32
        %swap3A_1024 = arith.constant 2 : i32
        %swap3A_1025 = arith.index_cast %swap3A_1023 : i32 to index
        %swap3A_1026 = arith.index_cast %swap3A_1024 : i32 to index
        %swap3A_1027 = arith.index_cast %mul3A_340 : i32 to index
        %swap3A_1028 = tpu.vector_load %arg6[%swap3A_1025, %swap3A_1026, %swap3A_1027] {strides = array<i32>} : memref<16x8x224xf32, #tpu.memory_space<vmem>>, vector<16xf32>,
        tpu.vector_store %arg6[%swap3A_1025, %swap3A_1026, %swap3A_1027], %select_n3A_1022 {strides = array<i32>} : memref<16x8x224xf32, #tpu.memory_space<vmem>>, vector<16xf32>,
        %eq3A_1029 = arith.constant 12 : i32
        %eq3A_1030 = vector.broadcast %eq3A_1029 : i32 to vector<16xi32>
        %eq3A_1031 = arith.cmpi eq, %select_n3A_860, %eq3A_1030 : vector<16xi32>
        %jit3A_1032 = arith.constant 1.000000e+00 : f32
        %jit3A_1033 = arith.constant 0.000000e+00 : f32
        %broadcast_in_dim3A_1034 = vector.broadcast %jit3A_1032 : f32 to vector<16xf32>
        %broadcast_in_dim3A_1035 = vector.broadcast %jit3A_1033 : f32 to vector<16xf32>
        %select_n3A_1036 = arith.select %eq3A_1031, %broadcast_in_dim3A_1034, %broadcast_in_dim3A_1035 : vector<16xi1>, vector<16xf32>
        %swap3A_1037 = arith.constant 12 : i32
        %swap3A_1038 = arith.constant 2 : i32
        %swap3A_1039 = arith.index_cast %swap3A_1037 : i32 to index
        %swap3A_1040 = arith.index_cast %swap3A_1038 : i32 to index
        %swap3A_1041 = arith.index_cast %mul3A_340 : i32 to index
        %swap3A_1042 = tpu.vector_load %arg6[%swap3A_1039, %swap3A_1040, %swap3A_1041] {strides = array<i32>} : memref<16x8x224xf32, #tpu.memory_space<vmem>>, vector<16xf32>,
        tpu.vector_store %arg6[%swap3A_1039, %swap3A_1040, %swap3A_1041], %select_n3A_1036 {strides = array<i32>} : memref<16x8x224xf32, #tpu.memory_space<vmem>>, vector<16xf32>,
        %eq3A_1043 = arith.constant 13 : i32
        %eq3A_1044 = vector.broadcast %eq3A_1043 : i32 to vector<16xi32>
        %eq3A_1045 = arith.cmpi eq, %select_n3A_860, %eq3A_1044 : vector<16xi32>
        %jit3A_1046 = arith.constant 1.000000e+00 : f32
        %jit3A_1047 = arith.constant 0.000000e+00 : f32
        %broadcast_in_dim3A_1048 = vector.broadcast %jit3A_1046 : f32 to vector<16xf32>
        %broadcast_in_dim3A_1049 = vector.broadcast %jit3A_1047 : f32 to vector<16xf32>
        %select_n3A_1050 = arith.select %eq3A_1045, %broadcast_in_dim3A_1048, %broadcast_in_dim3A_1049 : vector<16xi1>, vector<16xf32>
        %swap3A_1051 = arith.constant 13 : i32
        %swap3A_1052 = arith.constant 2 : i32
        %swap3A_1053 = arith.index_cast %swap3A_1051 : i32 to index
        %swap3A_1054 = arith.index_cast %swap3A_1052 : i32 to index
        %swap3A_1055 = arith.index_cast %mul3A_340 : i32 to index
        %swap3A_1056 = tpu.vector_load %arg6[%swap3A_1053, %swap3A_1054, %swap3A_1055] {strides = array<i32>} : memref<16x8x224xf32, #tpu.memory_space<vmem>>, vector<16xf32>,
        tpu.vector_store %arg6[%swap3A_1053, %swap3A_1054, %swap3A_1055], %select_n3A_1050 {strides = array<i32>} : memref<16x8x224xf32, #tpu.memory_space<vmem>>, vector<16xf32>,
        %eq3A_1057 = arith.constant 14 : i32
        %eq3A_1058 = vector.broadcast %eq3A_1057 : i32 to vector<16xi32>
        %eq3A_1059 = arith.cmpi eq, %select_n3A_860, %eq3A_1058 : vector<16xi32>
        %jit3A_1060 = arith.constant 1.000000e+00 : f32
        %jit3A_1061 = arith.constant 0.000000e+00 : f32
        %broadcast_in_dim3A_1062 = vector.broadcast %jit3A_1060 : f32 to vector<16xf32>
        %broadcast_in_dim3A_1063 = vector.broadcast %jit3A_1061 : f32 to vector<16xf32>
        %select_n3A_1064 = arith.select %eq3A_1059, %broadcast_in_dim3A_1062, %broadcast_in_dim3A_1063 : vector<16xi1>, vector<16xf32>
        %swap3A_1065 = arith.constant 14 : i32
        %swap3A_1066 = arith.constant 2 : i32
        %swap3A_1067 = arith.index_cast %swap3A_1065 : i32 to index
        %swap3A_1068 = arith.index_cast %swap3A_1066 : i32 to index
        %swap3A_1069 = arith.index_cast %mul3A_340 : i32 to index
        %swap3A_1070 = tpu.vector_load %arg6[%swap3A_1067, %swap3A_1068, %swap3A_1069] {strides = array<i32>} : memref<16x8x224xf32, #tpu.memory_space<vmem>>, vector<16xf32>,
        tpu.vector_store %arg6[%swap3A_1067, %swap3A_1068, %swap3A_1069], %select_n3A_1064 {strides = array<i32>} : memref<16x8x224xf32, #tpu.memory_space<vmem>>, vector<16xf32>,
        %eq3A_1071 = arith.constant 15 : i32
        %eq3A_1072 = vector.broadcast %eq3A_1071 : i32 to vector<16xi32>
        %eq3A_1073 = arith.cmpi eq, %select_n3A_860, %eq3A_1072 : vector<16xi32>
        %jit3A_1074 = arith.constant 1.000000e+00 : f32
        %jit3A_1075 = arith.constant 0.000000e+00 : f32
        %broadcast_in_dim3A_1076 = vector.broadcast %jit3A_1074 : f32 to vector<16xf32>
        %broadcast_in_dim3A_1077 = vector.broadcast %jit3A_1075 : f32 to vector<16xf32>
        %select_n3A_1078 = arith.select %eq3A_1073, %broadcast_in_dim3A_1076, %broadcast_in_dim3A_1077 : vector<16xi1>, vector<16xf32>
        %swap3A_1079 = arith.constant 15 : i32
        %swap3A_1080 = arith.constant 2 : i32
        %swap3A_1081 = arith.index_cast %swap3A_1079 : i32 to index
        %swap3A_1082 = arith.index_cast %swap3A_1080 : i32 to index
        %swap3A_1083 = arith.index_cast %mul3A_340 : i32 to index
        %swap3A_1084 = tpu.vector_load %arg6[%swap3A_1081, %swap3A_1082, %swap3A_1083] {strides = array<i32>} : memref<16x8x224xf32, #tpu.memory_space<vmem>>, vector<16xf32>,
        tpu.vector_store %arg6[%swap3A_1081, %swap3A_1082, %swap3A_1083], %select_n3A_1078 {strides = array<i32>} : memref<16x8x224xf32, #tpu.memory_space<vmem>>, vector<16xf32>,
        %get3A_1085 = arith.constant 3 : i32
        %get3A_1086 = arith.index_cast %get3A_1085 : i32 to index
        %get3A_1087 = arith.index_cast %mul3A_340 : i32 to index
        %get3A_1088 = tpu.vector_load %arg4[%get3A_1086, %get3A_1087] {strides = array<i32>} : memref<8x224xf32, #tpu.memory_space<vmem>>, vector<16xf32>,
        %max3A_1089 = arith.constant 0.000000e+00 : f32
        %max3A_1090 = vector.broadcast %max3A_1089 : f32 to vector<16xf32>
        %max3A_1091 = arith.maximumf %get3A_1088, %max3A_1090 : vector<16xf32>
        %min3A_1092 = arith.constant 1.000000e+00 : f32
        %min3A_1093 = vector.broadcast %min3A_1092 : f32 to vector<16xf32>
        %min3A_1094 = arith.minimumf %max3A_1091, %min3A_1093 : vector<16xf32>
        %sub3A_1095 = arith.constant 1.000000e+00 : f32
        %sub3A_1096 = vector.broadcast %sub3A_1095 : f32 to vector<16xf32>
        %sub3A_1097 = arith.subf %sub3A_1096, %min3A_1094 : vector<16xf32>
        %mul3A_1098 = arith.constant 1.500000e+01 : f32
        %mul3A_1099 = vector.broadcast %mul3A_1098 : f32 to vector<16xf32>
        %mul3A_1100 = arith.mulf %sub3A_1097, %mul3A_1099 : vector<16xf32>
        %convert_element_type3A_1101 = arith.fptosi %mul3A_1100 : vector<16xf32> to vector<16xi32>
        %min3A_1102 = arith.constant 15 : i32
        %min3A_1103 = vector.broadcast %min3A_1102 : i32 to vector<16xi32>
        %min3A_1104 = arith.minsi %convert_element_type3A_1101, %min3A_1103 : vector<16xi32>
        %gt3A_1105 = arith.constant 0.000000e+00 : f32
        %gt3A_1106 = vector.broadcast %gt3A_1105 : f32 to vector<16xf32>
        %gt3A_1107 = arith.cmpf ogt, %min3A_1094, %gt3A_1106 : vector<16xf32>
        %jit3A_1108 = arith.constant 16 : i32
        %broadcast_in_dim3A_1109 = vector.broadcast %jit3A_1108 : i32 to vector<16xi32>
        %select_n3A_1110 = arith.select %gt3A_1107, %min3A_1104, %broadcast_in_dim3A_1109 : vector<16xi1>, vector<16xi32>
        %eq3A_1111 = arith.constant 0 : i32
        %eq3A_1112 = vector.broadcast %eq3A_1111 : i32 to vector<16xi32>
        %eq3A_1113 = arith.cmpi eq, %select_n3A_1110, %eq3A_1112 : vector<16xi32>
        %jit3A_1114 = arith.constant 1.000000e+00 : f32
        %jit3A_1115 = arith.constant 0.000000e+00 : f32
        %broadcast_in_dim3A_1116 = vector.broadcast %jit3A_1114 : f32 to vector<16xf32>
        %broadcast_in_dim3A_1117 = vector.broadcast %jit3A_1115 : f32 to vector<16xf32>
        %select_n3A_1118 = arith.select %eq3A_1113, %broadcast_in_dim3A_1116, %broadcast_in_dim3A_1117 : vector<16xi1>, vector<16xf32>
        %swap3A_1119 = arith.constant 0 : i32
        %swap3A_1120 = arith.constant 3 : i32
        %swap3A_1121 = arith.index_cast %swap3A_1119 : i32 to index
        %swap3A_1122 = arith.index_cast %swap3A_1120 : i32 to index
        %swap3A_1123 = arith.index_cast %mul3A_340 : i32 to index
        %swap3A_1124 = tpu.vector_load %arg6[%swap3A_1121, %swap3A_1122, %swap3A_1123] {strides = array<i32>} : memref<16x8x224xf32, #tpu.memory_space<vmem>>, vector<16xf32>,
        tpu.vector_store %arg6[%swap3A_1121, %swap3A_1122, %swap3A_1123], %select_n3A_1118 {strides = array<i32>} : memref<16x8x224xf32, #tpu.memory_space<vmem>>, vector<16xf32>,
        %eq3A_1125 = arith.constant 1 : i32
        %eq3A_1126 = vector.broadcast %eq3A_1125 : i32 to vector<16xi32>
        %eq3A_1127 = arith.cmpi eq, %select_n3A_1110, %eq3A_1126 : vector<16xi32>
        %jit3A_1128 = arith.constant 1.000000e+00 : f32
        %jit3A_1129 = arith.constant 0.000000e+00 : f32
        %broadcast_in_dim3A_1130 = vector.broadcast %jit3A_1128 : f32 to vector<16xf32>
        %broadcast_in_dim3A_1131 = vector.broadcast %jit3A_1129 : f32 to vector<16xf32>
        %select_n3A_1132 = arith.select %eq3A_1127, %broadcast_in_dim3A_1130, %broadcast_in_dim3A_1131 : vector<16xi1>, vector<16xf32>
        %swap3A_1133 = arith.constant 1 : i32
        %swap3A_1134 = arith.constant 3 : i32
        %swap3A_1135 = arith.index_cast %swap3A_1133 : i32 to index
        %swap3A_1136 = arith.index_cast %swap3A_1134 : i32 to index
        %swap3A_1137 = arith.index_cast %mul3A_340 : i32 to index
        %swap3A_1138 = tpu.vector_load %arg6[%swap3A_1135, %swap3A_1136, %swap3A_1137] {strides = array<i32>} : memref<16x8x224xf32, #tpu.memory_space<vmem>>, vector<16xf32>,
        tpu.vector_store %arg6[%swap3A_1135, %swap3A_1136, %swap3A_1137], %select_n3A_1132 {strides = array<i32>} : memref<16x8x224xf32, #tpu.memory_space<vmem>>, vector<16xf32>,
        %eq3A_1139 = arith.constant 2 : i32
        %eq3A_1140 = vector.broadcast %eq3A_1139 : i32 to vector<16xi32>
        %eq3A_1141 = arith.cmpi eq, %select_n3A_1110, %eq3A_1140 : vector<16xi32>
        %jit3A_1142 = arith.constant 1.000000e+00 : f32
        %jit3A_1143 = arith.constant 0.000000e+00 : f32
        %broadcast_in_dim3A_1144 = vector.broadcast %jit3A_1142 : f32 to vector<16xf32>
        %broadcast_in_dim3A_1145 = vector.broadcast %jit3A_1143 : f32 to vector<16xf32>
        %select_n3A_1146 = arith.select %eq3A_1141, %broadcast_in_dim3A_1144, %broadcast_in_dim3A_1145 : vector<16xi1>, vector<16xf32>
        %swap3A_1147 = arith.constant 2 : i32
        %swap3A_1148 = arith.constant 3 : i32
        %swap3A_1149 = arith.index_cast %swap3A_1147 : i32 to index
        %swap3A_1150 = arith.index_cast %swap3A_1148 : i32 to index
        %swap3A_1151 = arith.index_cast %mul3A_340 : i32 to index
        %swap3A_1152 = tpu.vector_load %arg6[%swap3A_1149, %swap3A_1150, %swap3A_1151] {strides = array<i32>} : memref<16x8x224xf32, #tpu.memory_space<vmem>>, vector<16xf32>,
        tpu.vector_store %arg6[%swap3A_1149, %swap3A_1150, %swap3A_1151], %select_n3A_1146 {strides = array<i32>} : memref<16x8x224xf32, #tpu.memory_space<vmem>>, vector<16xf32>,
        %eq3A_1153 = arith.constant 3 : i32
        %eq3A_1154 = vector.broadcast %eq3A_1153 : i32 to vector<16xi32>
        %eq3A_1155 = arith.cmpi eq, %select_n3A_1110, %eq3A_1154 : vector<16xi32>
        %jit3A_1156 = arith.constant 1.000000e+00 : f32
        %jit3A_1157 = arith.constant 0.000000e+00 : f32
        %broadcast_in_dim3A_1158 = vector.broadcast %jit3A_1156 : f32 to vector<16xf32>
        %broadcast_in_dim3A_1159 = vector.broadcast %jit3A_1157 : f32 to vector<16xf32>
        %select_n3A_1160 = arith.select %eq3A_1155, %broadcast_in_dim3A_1158, %broadcast_in_dim3A_1159 : vector<16xi1>, vector<16xf32>
        %swap3A_1161 = arith.constant 3 : i32
        %swap3A_1162 = arith.constant 3 : i32
        %swap3A_1163 = arith.index_cast %swap3A_1161 : i32 to index
        %swap3A_1164 = arith.index_cast %swap3A_1162 : i32 to index
        %swap3A_1165 = arith.index_cast %mul3A_340 : i32 to index
        %swap3A_1166 = tpu.vector_load %arg6[%swap3A_1163, %swap3A_1164, %swap3A_1165] {strides = array<i32>} : memref<16x8x224xf32, #tpu.memory_space<vmem>>, vector<16xf32>,
        tpu.vector_store %arg6[%swap3A_1163, %swap3A_1164, %swap3A_1165], %select_n3A_1160 {strides = array<i32>} : memref<16x8x224xf32, #tpu.memory_space<vmem>>, vector<16xf32>,
        %eq3A_1167 = arith.constant 4 : i32
        %eq3A_1168 = vector.broadcast %eq3A_1167 : i32 to vector<16xi32>
        %eq3A_1169 = arith.cmpi eq, %select_n3A_1110, %eq3A_1168 : vector<16xi32>
        %jit3A_1170 = arith.constant 1.000000e+00 : f32
        %jit3A_1171 = arith.constant 0.000000e+00 : f32
        %broadcast_in_dim3A_1172 = vector.broadcast %jit3A_1170 : f32 to vector<16xf32>
        %broadcast_in_dim3A_1173 = vector.broadcast %jit3A_1171 : f32 to vector<16xf32>
        %select_n3A_1174 = arith.select %eq3A_1169, %broadcast_in_dim3A_1172, %broadcast_in_dim3A_1173 : vector<16xi1>, vector<16xf32>
        %swap3A_1175 = arith.constant 4 : i32
        %swap3A_1176 = arith.constant 3 : i32
        %swap3A_1177 = arith.index_cast %swap3A_1175 : i32 to index
        %swap3A_1178 = arith.index_cast %swap3A_1176 : i32 to index
        %swap3A_1179 = arith.index_cast %mul3A_340 : i32 to index
        %swap3A_1180 = tpu.vector_load %arg6[%swap3A_1177, %swap3A_1178, %swap3A_1179] {strides = array<i32>} : memref<16x8x224xf32, #tpu.memory_space<vmem>>, vector<16xf32>,
        tpu.vector_store %arg6[%swap3A_1177, %swap3A_1178, %swap3A_1179], %select_n3A_1174 {strides = array<i32>} : memref<16x8x224xf32, #tpu.memory_space<vmem>>, vector<16xf32>,
        %eq3A_1181 = arith.constant 5 : i32
        %eq3A_1182 = vector.broadcast %eq3A_1181 : i32 to vector<16xi32>
        %eq3A_1183 = arith.cmpi eq, %select_n3A_1110, %eq3A_1182 : vector<16xi32>
        %jit3A_1184 = arith.constant 1.000000e+00 : f32
        %jit3A_1185 = arith.constant 0.000000e+00 : f32
        %broadcast_in_dim3A_1186 = vector.broadcast %jit3A_1184 : f32 to vector<16xf32>
        %broadcast_in_dim3A_1187 = vector.broadcast %jit3A_1185 : f32 to vector<16xf32>
        %select_n3A_1188 = arith.select %eq3A_1183, %broadcast_in_dim3A_1186, %broadcast_in_dim3A_1187 : vector<16xi1>, vector<16xf32>
        %swap3A_1189 = arith.constant 5 : i32
        %swap3A_1190 = arith.constant 3 : i32
        %swap3A_1191 = arith.index_cast %swap3A_1189 : i32 to index
        %swap3A_1192 = arith.index_cast %swap3A_1190 : i32 to index
        %swap3A_1193 = arith.index_cast %mul3A_340 : i32 to index
        %swap3A_1194 = tpu.vector_load %arg6[%swap3A_1191, %swap3A_1192, %swap3A_1193] {strides = array<i32>} : memref<16x8x224xf32, #tpu.memory_space<vmem>>, vector<16xf32>,
        tpu.vector_store %arg6[%swap3A_1191, %swap3A_1192, %swap3A_1193], %select_n3A_1188 {strides = array<i32>} : memref<16x8x224xf32, #tpu.memory_space<vmem>>, vector<16xf32>,
        %eq3A_1195 = arith.constant 6 : i32
        %eq3A_1196 = vector.broadcast %eq3A_1195 : i32 to vector<16xi32>
        %eq3A_1197 = arith.cmpi eq, %select_n3A_1110, %eq3A_1196 : vector<16xi32>
        %jit3A_1198 = arith.constant 1.000000e+00 : f32
        %jit3A_1199 = arith.constant 0.000000e+00 : f32
        %broadcast_in_dim3A_1200 = vector.broadcast %jit3A_1198 : f32 to vector<16xf32>
        %broadcast_in_dim3A_1201 = vector.broadcast %jit3A_1199 : f32 to vector<16xf32>
        %select_n3A_1202 = arith.select %eq3A_1197, %broadcast_in_dim3A_1200, %broadcast_in_dim3A_1201 : vector<16xi1>, vector<16xf32>
        %swap3A_1203 = arith.constant 6 : i32
        %swap3A_1204 = arith.constant 3 : i32
        %swap3A_1205 = arith.index_cast %swap3A_1203 : i32 to index
        %swap3A_1206 = arith.index_cast %swap3A_1204 : i32 to index
        %swap3A_1207 = arith.index_cast %mul3A_340 : i32 to index
        %swap3A_1208 = tpu.vector_load %arg6[%swap3A_1205, %swap3A_1206, %swap3A_1207] {strides = array<i32>} : memref<16x8x224xf32, #tpu.memory_space<vmem>>, vector<16xf32>,
        tpu.vector_store %arg6[%swap3A_1205, %swap3A_1206, %swap3A_1207], %select_n3A_1202 {strides = array<i32>} : memref<16x8x224xf32, #tpu.memory_space<vmem>>, vector<16xf32>,
        %eq3A_1209 = arith.constant 7 : i32
        %eq3A_1210 = vector.broadcast %eq3A_1209 : i32 to vector<16xi32>
        %eq3A_1211 = arith.cmpi eq, %select_n3A_1110, %eq3A_1210 : vector<16xi32>
        %jit3A_1212 = arith.constant 1.000000e+00 : f32
        %jit3A_1213 = arith.constant 0.000000e+00 : f32
        %broadcast_in_dim3A_1214 = vector.broadcast %jit3A_1212 : f32 to vector<16xf32>
        %broadcast_in_dim3A_1215 = vector.broadcast %jit3A_1213 : f32 to vector<16xf32>
        %select_n3A_1216 = arith.select %eq3A_1211, %broadcast_in_dim3A_1214, %broadcast_in_dim3A_1215 : vector<16xi1>, vector<16xf32>
        %swap3A_1217 = arith.constant 7 : i32
        %swap3A_1218 = arith.constant 3 : i32
        %swap3A_1219 = arith.index_cast %swap3A_1217 : i32 to index
        %swap3A_1220 = arith.index_cast %swap3A_1218 : i32 to index
        %swap3A_1221 = arith.index_cast %mul3A_340 : i32 to index
        %swap3A_1222 = tpu.vector_load %arg6[%swap3A_1219, %swap3A_1220, %swap3A_1221] {strides = array<i32>} : memref<16x8x224xf32, #tpu.memory_space<vmem>>, vector<16xf32>,
        tpu.vector_store %arg6[%swap3A_1219, %swap3A_1220, %swap3A_1221], %select_n3A_1216 {strides = array<i32>} : memref<16x8x224xf32, #tpu.memory_space<vmem>>, vector<16xf32>,
        %eq3A_1223 = arith.constant 8 : i32
        %eq3A_1224 = vector.broadcast %eq3A_1223 : i32 to vector<16xi32>
        %eq3A_1225 = arith.cmpi eq, %select_n3A_1110, %eq3A_1224 : vector<16xi32>
        %jit3A_1226 = arith.constant 1.000000e+00 : f32
        %jit3A_1227 = arith.constant 0.000000e+00 : f32
        %broadcast_in_dim3A_1228 = vector.broadcast %jit3A_1226 : f32 to vector<16xf32>
        %broadcast_in_dim3A_1229 = vector.broadcast %jit3A_1227 : f32 to vector<16xf32>
        %select_n3A_1230 = arith.select %eq3A_1225, %broadcast_in_dim3A_1228, %broadcast_in_dim3A_1229 : vector<16xi1>, vector<16xf32>
        %swap3A_1231 = arith.constant 8 : i32
        %swap3A_1232 = arith.constant 3 : i32
        %swap3A_1233 = arith.index_cast %swap3A_1231 : i32 to index
        %swap3A_1234 = arith.index_cast %swap3A_1232 : i32 to index
        %swap3A_1235 = arith.index_cast %mul3A_340 : i32 to index
        %swap3A_1236 = tpu.vector_load %arg6[%swap3A_1233, %swap3A_1234, %swap3A_1235] {strides = array<i32>} : memref<16x8x224xf32, #tpu.memory_space<vmem>>, vector<16xf32>,
        tpu.vector_store %arg6[%swap3A_1233, %swap3A_1234, %swap3A_1235], %select_n3A_1230 {strides = array<i32>} : memref<16x8x224xf32, #tpu.memory_space<vmem>>, vector<16xf32>,
        %eq3A_1237 = arith.constant 9 : i32
        %eq3A_1238 = vector.broadcast %eq3A_1237 : i32 to vector<16xi32>
        %eq3A_1239 = arith.cmpi eq, %select_n3A_1110, %eq3A_1238 : vector<16xi32>
        %jit3A_1240 = arith.constant 1.000000e+00 : f32
        %jit3A_1241 = arith.constant 0.000000e+00 : f32
        %broadcast_in_dim3A_1242 = vector.broadcast %jit3A_1240 : f32 to vector<16xf32>
        %broadcast_in_dim3A_1243 = vector.broadcast %jit3A_1241 : f32 to vector<16xf32>
        %select_n3A_1244 = arith.select %eq3A_1239, %broadcast_in_dim3A_1242, %broadcast_in_dim3A_1243 : vector<16xi1>, vector<16xf32>
        %swap3A_1245 = arith.constant 9 : i32
        %swap3A_1246 = arith.constant 3 : i32
        %swap3A_1247 = arith.index_cast %swap3A_1245 : i32 to index
        %swap3A_1248 = arith.index_cast %swap3A_1246 : i32 to index
        %swap3A_1249 = arith.index_cast %mul3A_340 : i32 to index
        %swap3A_1250 = tpu.vector_load %arg6[%swap3A_1247, %swap3A_1248, %swap3A_1249] {strides = array<i32>} : memref<16x8x224xf32, #tpu.memory_space<vmem>>, vector<16xf32>,
        tpu.vector_store %arg6[%swap3A_1247, %swap3A_1248, %swap3A_1249], %select_n3A_1244 {strides = array<i32>} : memref<16x8x224xf32, #tpu.memory_space<vmem>>, vector<16xf32>,
        %eq3A_1251 = arith.constant 10 : i32
        %eq3A_1252 = vector.broadcast %eq3A_1251 : i32 to vector<16xi32>
        %eq3A_1253 = arith.cmpi eq, %select_n3A_1110, %eq3A_1252 : vector<16xi32>
        %jit3A_1254 = arith.constant 1.000000e+00 : f32
        %jit3A_1255 = arith.constant 0.000000e+00 : f32
        %broadcast_in_dim3A_1256 = vector.broadcast %jit3A_1254 : f32 to vector<16xf32>
        %broadcast_in_dim3A_1257 = vector.broadcast %jit3A_1255 : f32 to vector<16xf32>
        %select_n3A_1258 = arith.select %eq3A_1253, %broadcast_in_dim3A_1256, %broadcast_in_dim3A_1257 : vector<16xi1>, vector<16xf32>
        %swap3A_1259 = arith.constant 10 : i32
        %swap3A_1260 = arith.constant 3 : i32
        %swap3A_1261 = arith.index_cast %swap3A_1259 : i32 to index
        %swap3A_1262 = arith.index_cast %swap3A_1260 : i32 to index
        %swap3A_1263 = arith.index_cast %mul3A_340 : i32 to index
        %swap3A_1264 = tpu.vector_load %arg6[%swap3A_1261, %swap3A_1262, %swap3A_1263] {strides = array<i32>} : memref<16x8x224xf32, #tpu.memory_space<vmem>>, vector<16xf32>,
        tpu.vector_store %arg6[%swap3A_1261, %swap3A_1262, %swap3A_1263], %select_n3A_1258 {strides = array<i32>} : memref<16x8x224xf32, #tpu.memory_space<vmem>>, vector<16xf32>,
        %eq3A_1265 = arith.constant 11 : i32
        %eq3A_1266 = vector.broadcast %eq3A_1265 : i32 to vector<16xi32>
        %eq3A_1267 = arith.cmpi eq, %select_n3A_1110, %eq3A_1266 : vector<16xi32>
        %jit3A_1268 = arith.constant 1.000000e+00 : f32
        %jit3A_1269 = arith.constant 0.000000e+00 : f32
        %broadcast_in_dim3A_1270 = vector.broadcast %jit3A_1268 : f32 to vector<16xf32>
        %broadcast_in_dim3A_1271 = vector.broadcast %jit3A_1269 : f32 to vector<16xf32>
        %select_n3A_1272 = arith.select %eq3A_1267, %broadcast_in_dim3A_1270, %broadcast_in_dim3A_1271 : vector<16xi1>, vector<16xf32>
        %swap3A_1273 = arith.constant 11 : i32
        %swap3A_1274 = arith.constant 3 : i32
        %swap3A_1275 = arith.index_cast %swap3A_1273 : i32 to index
        %swap3A_1276 = arith.index_cast %swap3A_1274 : i32 to index
        %swap3A_1277 = arith.index_cast %mul3A_340 : i32 to index
        %swap3A_1278 = tpu.vector_load %arg6[%swap3A_1275, %swap3A_1276, %swap3A_1277] {strides = array<i32>} : memref<16x8x224xf32, #tpu.memory_space<vmem>>, vector<16xf32>,
        tpu.vector_store %arg6[%swap3A_1275, %swap3A_1276, %swap3A_1277], %select_n3A_1272 {strides = array<i32>} : memref<16x8x224xf32, #tpu.memory_space<vmem>>, vector<16xf32>,
        %eq3A_1279 = arith.constant 12 : i32
        %eq3A_1280 = vector.broadcast %eq3A_1279 : i32 to vector<16xi32>
        %eq3A_1281 = arith.cmpi eq, %select_n3A_1110, %eq3A_1280 : vector<16xi32>
        %jit3A_1282 = arith.constant 1.000000e+00 : f32
        %jit3A_1283 = arith.constant 0.000000e+00 : f32
        %broadcast_in_dim3A_1284 = vector.broadcast %jit3A_1282 : f32 to vector<16xf32>
        %broadcast_in_dim3A_1285 = vector.broadcast %jit3A_1283 : f32 to vector<16xf32>
        %select_n3A_1286 = arith.select %eq3A_1281, %broadcast_in_dim3A_1284, %broadcast_in_dim3A_1285 : vector<16xi1>, vector<16xf32>
        %swap3A_1287 = arith.constant 12 : i32
        %swap3A_1288 = arith.constant 3 : i32
        %swap3A_1289 = arith.index_cast %swap3A_1287 : i32 to index
        %swap3A_1290 = arith.index_cast %swap3A_1288 : i32 to index
        %swap3A_1291 = arith.index_cast %mul3A_340 : i32 to index
        %swap3A_1292 = tpu.vector_load %arg6[%swap3A_1289, %swap3A_1290, %swap3A_1291] {strides = array<i32>} : memref<16x8x224xf32, #tpu.memory_space<vmem>>, vector<16xf32>,
        tpu.vector_store %arg6[%swap3A_1289, %swap3A_1290, %swap3A_1291], %select_n3A_1286 {strides = array<i32>} : memref<16x8x224xf32, #tpu.memory_space<vmem>>, vector<16xf32>,
        %eq3A_1293 = arith.constant 13 : i32
        %eq3A_1294 = vector.broadcast %eq3A_1293 : i32 to vector<16xi32>
        %eq3A_1295 = arith.cmpi eq, %select_n3A_1110, %eq3A_1294 : vector<16xi32>
        %jit3A_1296 = arith.constant 1.000000e+00 : f32
        %jit3A_1297 = arith.constant 0.000000e+00 : f32
        %broadcast_in_dim3A_1298 = vector.broadcast %jit3A_1296 : f32 to vector<16xf32>
        %broadcast_in_dim3A_1299 = vector.broadcast %jit3A_1297 : f32 to vector<16xf32>
        %select_n3A_1300 = arith.select %eq3A_1295, %broadcast_in_dim3A_1298, %broadcast_in_dim3A_1299 : vector<16xi1>, vector<16xf32>
        %swap3A_1301 = arith.constant 13 : i32
        %swap3A_1302 = arith.constant 3 : i32
        %swap3A_1303 = arith.index_cast %swap3A_1301 : i32 to index
        %swap3A_1304 = arith.index_cast %swap3A_1302 : i32 to index
        %swap3A_1305 = arith.index_cast %mul3A_340 : i32 to index
        %swap3A_1306 = tpu.vector_load %arg6[%swap3A_1303, %swap3A_1304, %swap3A_1305] {strides = array<i32>} : memref<16x8x224xf32, #tpu.memory_space<vmem>>, vector<16xf32>,
        tpu.vector_store %arg6[%swap3A_1303, %swap3A_1304, %swap3A_1305], %select_n3A_1300 {strides = array<i32>} : memref<16x8x224xf32, #tpu.memory_space<vmem>>, vector<16xf32>,
        %eq3A_1307 = arith.constant 14 : i32
        %eq3A_1308 = vector.broadcast %eq3A_1307 : i32 to vector<16xi32>
        %eq3A_1309 = arith.cmpi eq, %select_n3A_1110, %eq3A_1308 : vector<16xi32>
        %jit3A_1310 = arith.constant 1.000000e+00 : f32
        %jit3A_1311 = arith.constant 0.000000e+00 : f32
        %broadcast_in_dim3A_1312 = vector.broadcast %jit3A_1310 : f32 to vector<16xf32>
        %broadcast_in_dim3A_1313 = vector.broadcast %jit3A_1311 : f32 to vector<16xf32>
        %select_n3A_1314 = arith.select %eq3A_1309, %broadcast_in_dim3A_1312, %broadcast_in_dim3A_1313 : vector<16xi1>, vector<16xf32>
        %swap3A_1315 = arith.constant 14 : i32
        %swap3A_1316 = arith.constant 3 : i32
        %swap3A_1317 = arith.index_cast %swap3A_1315 : i32 to index
        %swap3A_1318 = arith.index_cast %swap3A_1316 : i32 to index
        %swap3A_1319 = arith.index_cast %mul3A_340 : i32 to index
        %swap3A_1320 = tpu.vector_load %arg6[%swap3A_1317, %swap3A_1318, %swap3A_1319] {strides = array<i32>} : memref<16x8x224xf32, #tpu.memory_space<vmem>>, vector<16xf32>,
        tpu.vector_store %arg6[%swap3A_1317, %swap3A_1318, %swap3A_1319], %select_n3A_1314 {strides = array<i32>} : memref<16x8x224xf32, #tpu.memory_space<vmem>>, vector<16xf32>,
        %eq3A_1321 = arith.constant 15 : i32
        %eq3A_1322 = vector.broadcast %eq3A_1321 : i32 to vector<16xi32>
        %eq3A_1323 = arith.cmpi eq, %select_n3A_1110, %eq3A_1322 : vector<16xi32>
        %jit3A_1324 = arith.constant 1.000000e+00 : f32
        %jit3A_1325 = arith.constant 0.000000e+00 : f32
        %broadcast_in_dim3A_1326 = vector.broadcast %jit3A_1324 : f32 to vector<16xf32>
        %broadcast_in_dim3A_1327 = vector.broadcast %jit3A_1325 : f32 to vector<16xf32>
        %select_n3A_1328 = arith.select %eq3A_1323, %broadcast_in_dim3A_1326, %broadcast_in_dim3A_1327 : vector<16xi1>, vector<16xf32>
        %swap3A_1329 = arith.constant 15 : i32
        %swap3A_1330 = arith.constant 3 : i32
        %swap3A_1331 = arith.index_cast %swap3A_1329 : i32 to index
        %swap3A_1332 = arith.index_cast %swap3A_1330 : i32 to index
        %swap3A_1333 = arith.index_cast %mul3A_340 : i32 to index
        %swap3A_1334 = tpu.vector_load %arg6[%swap3A_1331, %swap3A_1332, %swap3A_1333] {strides = array<i32>} : memref<16x8x224xf32, #tpu.memory_space<vmem>>, vector<16xf32>,
        tpu.vector_store %arg6[%swap3A_1331, %swap3A_1332, %swap3A_1333], %select_n3A_1328 {strides = array<i32>} : memref<16x8x224xf32, #tpu.memory_space<vmem>>, vector<16xf32>,
        %get3A_1335 = arith.constant 4 : i32
        %get3A_1336 = arith.index_cast %get3A_1335 : i32 to index
        %get3A_1337 = arith.index_cast %mul3A_340 : i32 to index
        %get3A_1338 = tpu.vector_load %arg4[%get3A_1336, %get3A_1337] {strides = array<i32>} : memref<8x224xf32, #tpu.memory_space<vmem>>, vector<16xf32>,
        %max3A_1339 = arith.constant 0.000000e+00 : f32
        %max3A_1340 = vector.broadcast %max3A_1339 : f32 to vector<16xf32>
        %max3A_1341 = arith.maximumf %get3A_1338, %max3A_1340 : vector<16xf32>
        %min3A_1342 = arith.constant 1.000000e+00 : f32
        %min3A_1343 = vector.broadcast %min3A_1342 : f32 to vector<16xf32>
        %min3A_1344 = arith.minimumf %max3A_1341, %min3A_1343 : vector<16xf32>
        %sub3A_1345 = arith.constant 1.000000e+00 : f32
        %sub3A_1346 = vector.broadcast %sub3A_1345 : f32 to vector<16xf32>
        %sub3A_1347 = arith.subf %sub3A_1346, %min3A_1344 : vector<16xf32>
        %mul3A_1348 = arith.constant 1.500000e+01 : f32
        %mul3A_1349 = vector.broadcast %mul3A_1348 : f32 to vector<16xf32>
        %mul3A_1350 = arith.mulf %sub3A_1347, %mul3A_1349 : vector<16xf32>
        %convert_element_type3A_1351 = arith.fptosi %mul3A_1350 : vector<16xf32> to vector<16xi32>
        %min3A_1352 = arith.constant 15 : i32
        %min3A_1353 = vector.broadcast %min3A_1352 : i32 to vector<16xi32>
        %min3A_1354 = arith.minsi %convert_element_type3A_1351, %min3A_1353 : vector<16xi32>
        %gt3A_1355 = arith.constant 0.000000e+00 : f32
        %gt3A_1356 = vector.broadcast %gt3A_1355 : f32 to vector<16xf32>
        %gt3A_1357 = arith.cmpf ogt, %min3A_1344, %gt3A_1356 : vector<16xf32>
        %jit3A_1358 = arith.constant 16 : i32
        %broadcast_in_dim3A_1359 = vector.broadcast %jit3A_1358 : i32 to vector<16xi32>
        %select_n3A_1360 = arith.select %gt3A_1357, %min3A_1354, %broadcast_in_dim3A_1359 : vector<16xi1>, vector<16xi32>
        %eq3A_1361 = arith.constant 0 : i32
        %eq3A_1362 = vector.broadcast %eq3A_1361 : i32 to vector<16xi32>
        %eq3A_1363 = arith.cmpi eq, %select_n3A_1360, %eq3A_1362 : vector<16xi32>
        %jit3A_1364 = arith.constant 1.000000e+00 : f32
        %jit3A_1365 = arith.constant 0.000000e+00 : f32
        %broadcast_in_dim3A_1366 = vector.broadcast %jit3A_1364 : f32 to vector<16xf32>
        %broadcast_in_dim3A_1367 = vector.broadcast %jit3A_1365 : f32 to vector<16xf32>
        %select_n3A_1368 = arith.select %eq3A_1363, %broadcast_in_dim3A_1366, %broadcast_in_dim3A_1367 : vector<16xi1>, vector<16xf32>
        %swap3A_1369 = arith.constant 0 : i32
        %swap3A_1370 = arith.constant 4 : i32
        %swap3A_1371 = arith.index_cast %swap3A_1369 : i32 to index
        %swap3A_1372 = arith.index_cast %swap3A_1370 : i32 to index
        %swap3A_1373 = arith.index_cast %mul3A_340 : i32 to index
        %swap3A_1374 = tpu.vector_load %arg6[%swap3A_1371, %swap3A_1372, %swap3A_1373] {strides = array<i32>} : memref<16x8x224xf32, #tpu.memory_space<vmem>>, vector<16xf32>,
        tpu.vector_store %arg6[%swap3A_1371, %swap3A_1372, %swap3A_1373], %select_n3A_1368 {strides = array<i32>} : memref<16x8x224xf32, #tpu.memory_space<vmem>>, vector<16xf32>,
        %eq3A_1375 = arith.constant 1 : i32
        %eq3A_1376 = vector.broadcast %eq3A_1375 : i32 to vector<16xi32>
        %eq3A_1377 = arith.cmpi eq, %select_n3A_1360, %eq3A_1376 : vector<16xi32>
        %jit3A_1378 = arith.constant 1.000000e+00 : f32
        %jit3A_1379 = arith.constant 0.000000e+00 : f32
        %broadcast_in_dim3A_1380 = vector.broadcast %jit3A_1378 : f32 to vector<16xf32>
        %broadcast_in_dim3A_1381 = vector.broadcast %jit3A_1379 : f32 to vector<16xf32>
        %select_n3A_1382 = arith.select %eq3A_1377, %broadcast_in_dim3A_1380, %broadcast_in_dim3A_1381 : vector<16xi1>, vector<16xf32>
        %swap3A_1383 = arith.constant 1 : i32
        %swap3A_1384 = arith.constant 4 : i32
        %swap3A_1385 = arith.index_cast %swap3A_1383 : i32 to index
        %swap3A_1386 = arith.index_cast %swap3A_1384 : i32 to index
        %swap3A_1387 = arith.index_cast %mul3A_340 : i32 to index
        %swap3A_1388 = tpu.vector_load %arg6[%swap3A_1385, %swap3A_1386, %swap3A_1387] {strides = array<i32>} : memref<16x8x224xf32, #tpu.memory_space<vmem>>, vector<16xf32>,
        tpu.vector_store %arg6[%swap3A_1385, %swap3A_1386, %swap3A_1387], %select_n3A_1382 {strides = array<i32>} : memref<16x8x224xf32, #tpu.memory_space<vmem>>, vector<16xf32>,
        %eq3A_1389 = arith.constant 2 : i32
        %eq3A_1390 = vector.broadcast %eq3A_1389 : i32 to vector<16xi32>
        %eq3A_1391 = arith.cmpi eq, %select_n3A_1360, %eq3A_1390 : vector<16xi32>
        %jit3A_1392 = arith.constant 1.000000e+00 : f32
        %jit3A_1393 = arith.constant 0.000000e+00 : f32
        %broadcast_in_dim3A_1394 = vector.broadcast %jit3A_1392 : f32 to vector<16xf32>
        %broadcast_in_dim3A_1395 = vector.broadcast %jit3A_1393 : f32 to vector<16xf32>
        %select_n3A_1396 = arith.select %eq3A_1391, %broadcast_in_dim3A_1394, %broadcast_in_dim3A_1395 : vector<16xi1>, vector<16xf32>
        %swap3A_1397 = arith.constant 2 : i32
        %swap3A_1398 = arith.constant 4 : i32
        %swap3A_1399 = arith.index_cast %swap3A_1397 : i32 to index
        %swap3A_1400 = arith.index_cast %swap3A_1398 : i32 to index
        %swap3A_1401 = arith.index_cast %mul3A_340 : i32 to index
        %swap3A_1402 = tpu.vector_load %arg6[%swap3A_1399, %swap3A_1400, %swap3A_1401] {strides = array<i32>} : memref<16x8x224xf32, #tpu.memory_space<vmem>>, vector<16xf32>,
        tpu.vector_store %arg6[%swap3A_1399, %swap3A_1400, %swap3A_1401], %select_n3A_1396 {strides = array<i32>} : memref<16x8x224xf32, #tpu.memory_space<vmem>>, vector<16xf32>,
        %eq3A_1403 = arith.constant 3 : i32
        %eq3A_1404 = vector.broadcast %eq3A_1403 : i32 to vector<16xi32>
        %eq3A_1405 = arith.cmpi eq, %select_n3A_1360, %eq3A_1404 : vector<16xi32>
        %jit3A_1406 = arith.constant 1.000000e+00 : f32
        %jit3A_1407 = arith.constant 0.000000e+00 : f32
        %broadcast_in_dim3A_1408 = vector.broadcast %jit3A_1406 : f32 to vector<16xf32>
        %broadcast_in_dim3A_1409 = vector.broadcast %jit3A_1407 : f32 to vector<16xf32>
        %select_n3A_1410 = arith.select %eq3A_1405, %broadcast_in_dim3A_1408, %broadcast_in_dim3A_1409 : vector<16xi1>, vector<16xf32>
        %swap3A_1411 = arith.constant 3 : i32
        %swap3A_1412 = arith.constant 4 : i32
        %swap3A_1413 = arith.index_cast %swap3A_1411 : i32 to index
        %swap3A_1414 = arith.index_cast %swap3A_1412 : i32 to index
        %swap3A_1415 = arith.index_cast %mul3A_340 : i32 to index
        %swap3A_1416 = tpu.vector_load %arg6[%swap3A_1413, %swap3A_1414, %swap3A_1415] {strides = array<i32>} : memref<16x8x224xf32, #tpu.memory_space<vmem>>, vector<16xf32>,
        tpu.vector_store %arg6[%swap3A_1413, %swap3A_1414, %swap3A_1415], %select_n3A_1410 {strides = array<i32>} : memref<16x8x224xf32, #tpu.memory_space<vmem>>, vector<16xf32>,
        %eq3A_1417 = arith.constant 4 : i32
        %eq3A_1418 = vector.broadcast %eq3A_1417 : i32 to vector<16xi32>
        %eq3A_1419 = arith.cmpi eq, %select_n3A_1360, %eq3A_1418 : vector<16xi32>
        %jit3A_1420 = arith.constant 1.000000e+00 : f32
        %jit3A_1421 = arith.constant 0.000000e+00 : f32
        %broadcast_in_dim3A_1422 = vector.broadcast %jit3A_1420 : f32 to vector<16xf32>
        %broadcast_in_dim3A_1423 = vector.broadcast %jit3A_1421 : f32 to vector<16xf32>
        %select_n3A_1424 = arith.select %eq3A_1419, %broadcast_in_dim3A_1422, %broadcast_in_dim3A_1423 : vector<16xi1>, vector<16xf32>
        %swap3A_1425 = arith.constant 4 : i32
        %swap3A_1426 = arith.constant 4 : i32
        %swap3A_1427 = arith.index_cast %swap3A_1425 : i32 to index
        %swap3A_1428 = arith.index_cast %swap3A_1426 : i32 to index
        %swap3A_1429 = arith.index_cast %mul3A_340 : i32 to index
        %swap3A_1430 = tpu.vector_load %arg6[%swap3A_1427, %swap3A_1428, %swap3A_1429] {strides = array<i32>} : memref<16x8x224xf32, #tpu.memory_space<vmem>>, vector<16xf32>,
        tpu.vector_store %arg6[%swap3A_1427, %swap3A_1428, %swap3A_1429], %select_n3A_1424 {strides = array<i32>} : memref<16x8x224xf32, #tpu.memory_space<vmem>>, vector<16xf32>,
        %eq3A_1431 = arith.constant 5 : i32
        %eq3A_1432 = vector.broadcast %eq3A_1431 : i32 to vector<16xi32>
        %eq3A_1433 = arith.cmpi eq, %select_n3A_1360, %eq3A_1432 : vector<16xi32>
        %jit3A_1434 = arith.constant 1.000000e+00 : f32
        %jit3A_1435 = arith.constant 0.000000e+00 : f32
        %broadcast_in_dim3A_1436 = vector.broadcast %jit3A_1434 : f32 to vector<16xf32>
        %broadcast_in_dim3A_1437 = vector.broadcast %jit3A_1435 : f32 to vector<16xf32>
        %select_n3A_1438 = arith.select %eq3A_1433, %broadcast_in_dim3A_1436, %broadcast_in_dim3A_1437 : vector<16xi1>, vector<16xf32>
        %swap3A_1439 = arith.constant 5 : i32
        %swap3A_1440 = arith.constant 4 : i32
        %swap3A_1441 = arith.index_cast %swap3A_1439 : i32 to index
        %swap3A_1442 = arith.index_cast %swap3A_1440 : i32 to index
        %swap3A_1443 = arith.index_cast %mul3A_340 : i32 to index
        %swap3A_1444 = tpu.vector_load %arg6[%swap3A_1441, %swap3A_1442, %swap3A_1443] {strides = array<i32>} : memref<16x8x224xf32, #tpu.memory_space<vmem>>, vector<16xf32>,
        tpu.vector_store %arg6[%swap3A_1441, %swap3A_1442, %swap3A_1443], %select_n3A_1438 {strides = array<i32>} : memref<16x8x224xf32, #tpu.memory_space<vmem>>, vector<16xf32>,
        %eq3A_1445 = arith.constant 6 : i32
        %eq3A_1446 = vector.broadcast %eq3A_1445 : i32 to vector<16xi32>
        %eq3A_1447 = arith.cmpi eq, %select_n3A_1360, %eq3A_1446 : vector<16xi32>
        %jit3A_1448 = arith.constant 1.000000e+00 : f32
        %jit3A_1449 = arith.constant 0.000000e+00 : f32
        %broadcast_in_dim3A_1450 = vector.broadcast %jit3A_1448 : f32 to vector<16xf32>
        %broadcast_in_dim3A_1451 = vector.broadcast %jit3A_1449 : f32 to vector<16xf32>
        %select_n3A_1452 = arith.select %eq3A_1447, %broadcast_in_dim3A_1450, %broadcast_in_dim3A_1451 : vector<16xi1>, vector<16xf32>
        %swap3A_1453 = arith.constant 6 : i32
        %swap3A_1454 = arith.constant 4 : i32
        %swap3A_1455 = arith.index_cast %swap3A_1453 : i32 to index
        %swap3A_1456 = arith.index_cast %swap3A_1454 : i32 to index
        %swap3A_1457 = arith.index_cast %mul3A_340 : i32 to index
        %swap3A_1458 = tpu.vector_load %arg6[%swap3A_1455, %swap3A_1456, %swap3A_1457] {strides = array<i32>} : memref<16x8x224xf32, #tpu.memory_space<vmem>>, vector<16xf32>,
        tpu.vector_store %arg6[%swap3A_1455, %swap3A_1456, %swap3A_1457], %select_n3A_1452 {strides = array<i32>} : memref<16x8x224xf32, #tpu.memory_space<vmem>>, vector<16xf32>,
        %eq3A_1459 = arith.constant 7 : i32
        %eq3A_1460 = vector.broadcast %eq3A_1459 : i32 to vector<16xi32>
        %eq3A_1461 = arith.cmpi eq, %select_n3A_1360, %eq3A_1460 : vector<16xi32>
        %jit3A_1462 = arith.constant 1.000000e+00 : f32
        %jit3A_1463 = arith.constant 0.000000e+00 : f32
        %broadcast_in_dim3A_1464 = vector.broadcast %jit3A_1462 : f32 to vector<16xf32>
        %broadcast_in_dim3A_1465 = vector.broadcast %jit3A_1463 : f32 to vector<16xf32>
        %select_n3A_1466 = arith.select %eq3A_1461, %broadcast_in_dim3A_1464, %broadcast_in_dim3A_1465 : vector<16xi1>, vector<16xf32>
        %swap3A_1467 = arith.constant 7 : i32
        %swap3A_1468 = arith.constant 4 : i32
        %swap3A_1469 = arith.index_cast %swap3A_1467 : i32 to index
        %swap3A_1470 = arith.index_cast %swap3A_1468 : i32 to index
        %swap3A_1471 = arith.index_cast %mul3A_340 : i32 to index
        %swap3A_1472 = tpu.vector_load %arg6[%swap3A_1469, %swap3A_1470, %swap3A_1471] {strides = array<i32>} : memref<16x8x224xf32, #tpu.memory_space<vmem>>, vector<16xf32>,
        tpu.vector_store %arg6[%swap3A_1469, %swap3A_1470, %swap3A_1471], %select_n3A_1466 {strides = array<i32>} : memref<16x8x224xf32, #tpu.memory_space<vmem>>, vector<16xf32>,
        %eq3A_1473 = arith.constant 8 : i32
        %eq3A_1474 = vector.broadcast %eq3A_1473 : i32 to vector<16xi32>
        %eq3A_1475 = arith.cmpi eq, %select_n3A_1360, %eq3A_1474 : vector<16xi32>
        %jit3A_1476 = arith.constant 1.000000e+00 : f32
        %jit3A_1477 = arith.constant 0.000000e+00 : f32
        %broadcast_in_dim3A_1478 = vector.broadcast %jit3A_1476 : f32 to vector<16xf32>
        %broadcast_in_dim3A_1479 = vector.broadcast %jit3A_1477 : f32 to vector<16xf32>
        %select_n3A_1480 = arith.select %eq3A_1475, %broadcast_in_dim3A_1478, %broadcast_in_dim3A_1479 : vector<16xi1>, vector<16xf32>
        %swap3A_1481 = arith.constant 8 : i32
        %swap3A_1482 = arith.constant 4 : i32
        %swap3A_1483 = arith.index_cast %swap3A_1481 : i32 to index
        %swap3A_1484 = arith.index_cast %swap3A_1482 : i32 to index
        %swap3A_1485 = arith.index_cast %mul3A_340 : i32 to index
        %swap3A_1486 = tpu.vector_load %arg6[%swap3A_1483, %swap3A_1484, %swap3A_1485] {strides = array<i32>} : memref<16x8x224xf32, #tpu.memory_space<vmem>>, vector<16xf32>,
        tpu.vector_store %arg6[%swap3A_1483, %swap3A_1484, %swap3A_1485], %select_n3A_1480 {strides = array<i32>} : memref<16x8x224xf32, #tpu.memory_space<vmem>>, vector<16xf32>,
        %eq3A_1487 = arith.constant 9 : i32
        %eq3A_1488 = vector.broadcast %eq3A_1487 : i32 to vector<16xi32>
        %eq3A_1489 = arith.cmpi eq, %select_n3A_1360, %eq3A_1488 : vector<16xi32>
        %jit3A_1490 = arith.constant 1.000000e+00 : f32
        %jit3A_1491 = arith.constant 0.000000e+00 : f32
        %broadcast_in_dim3A_1492 = vector.broadcast %jit3A_1490 : f32 to vector<16xf32>
        %broadcast_in_dim3A_1493 = vector.broadcast %jit3A_1491 : f32 to vector<16xf32>
        %select_n3A_1494 = arith.select %eq3A_1489, %broadcast_in_dim3A_1492, %broadcast_in_dim3A_1493 : vector<16xi1>, vector<16xf32>
        %swap3A_1495 = arith.constant 9 : i32
        %swap3A_1496 = arith.constant 4 : i32
        %swap3A_1497 = arith.index_cast %swap3A_1495 : i32 to index
        %swap3A_1498 = arith.index_cast %swap3A_1496 : i32 to index
        %swap3A_1499 = arith.index_cast %mul3A_340 : i32 to index
        %swap3A_1500 = tpu.vector_load %arg6[%swap3A_1497, %swap3A_1498, %swap3A_1499] {strides = array<i32>} : memref<16x8x224xf32, #tpu.memory_space<vmem>>, vector<16xf32>,
        tpu.vector_store %arg6[%swap3A_1497, %swap3A_1498, %swap3A_1499], %select_n3A_1494 {strides = array<i32>} : memref<16x8x224xf32, #tpu.memory_space<vmem>>, vector<16xf32>,
        %eq3A_1501 = arith.constant 10 : i32
        %eq3A_1502 = vector.broadcast %eq3A_1501 : i32 to vector<16xi32>
        %eq3A_1503 = arith.cmpi eq, %select_n3A_1360, %eq3A_1502 : vector<16xi32>
        %jit3A_1504 = arith.constant 1.000000e+00 : f32
        %jit3A_1505 = arith.constant 0.000000e+00 : f32
        %broadcast_in_dim3A_1506 = vector.broadcast %jit3A_1504 : f32 to vector<16xf32>
        %broadcast_in_dim3A_1507 = vector.broadcast %jit3A_1505 : f32 to vector<16xf32>
        %select_n3A_1508 = arith.select %eq3A_1503, %broadcast_in_dim3A_1506, %broadcast_in_dim3A_1507 : vector<16xi1>, vector<16xf32>
        %swap3A_1509 = arith.constant 10 : i32
        %swap3A_1510 = arith.constant 4 : i32
        %swap3A_1511 = arith.index_cast %swap3A_1509 : i32 to index
        %swap3A_1512 = arith.index_cast %swap3A_1510 : i32 to index
        %swap3A_1513 = arith.index_cast %mul3A_340 : i32 to index
        %swap3A_1514 = tpu.vector_load %arg6[%swap3A_1511, %swap3A_1512, %swap3A_1513] {strides = array<i32>} : memref<16x8x224xf32, #tpu.memory_space<vmem>>, vector<16xf32>,
        tpu.vector_store %arg6[%swap3A_1511, %swap3A_1512, %swap3A_1513], %select_n3A_1508 {strides = array<i32>} : memref<16x8x224xf32, #tpu.memory_space<vmem>>, vector<16xf32>,
        %eq3A_1515 = arith.constant 11 : i32
        %eq3A_1516 = vector.broadcast %eq3A_1515 : i32 to vector<16xi32>
        %eq3A_1517 = arith.cmpi eq, %select_n3A_1360, %eq3A_1516 : vector<16xi32>
        %jit3A_1518 = arith.constant 1.000000e+00 : f32
        %jit3A_1519 = arith.constant 0.000000e+00 : f32
        %broadcast_in_dim3A_1520 = vector.broadcast %jit3A_1518 : f32 to vector<16xf32>
        %broadcast_in_dim3A_1521 = vector.broadcast %jit3A_1519 : f32 to vector<16xf32>
        %select_n3A_1522 = arith.select %eq3A_1517, %broadcast_in_dim3A_1520, %broadcast_in_dim3A_1521 : vector<16xi1>, vector<16xf32>
        %swap3A_1523 = arith.constant 11 : i32
        %swap3A_1524 = arith.constant 4 : i32
        %swap3A_1525 = arith.index_cast %swap3A_1523 : i32 to index
        %swap3A_1526 = arith.index_cast %swap3A_1524 : i32 to index
        %swap3A_1527 = arith.index_cast %mul3A_340 : i32 to index
        %swap3A_1528 = tpu.vector_load %arg6[%swap3A_1525, %swap3A_1526, %swap3A_1527] {strides = array<i32>} : memref<16x8x224xf32, #tpu.memory_space<vmem>>, vector<16xf32>,
        tpu.vector_store %arg6[%swap3A_1525, %swap3A_1526, %swap3A_1527], %select_n3A_1522 {strides = array<i32>} : memref<16x8x224xf32, #tpu.memory_space<vmem>>, vector<16xf32>,
        %eq3A_1529 = arith.constant 12 : i32
        %eq3A_1530 = vector.broadcast %eq3A_1529 : i32 to vector<16xi32>
        %eq3A_1531 = arith.cmpi eq, %select_n3A_1360, %eq3A_1530 : vector<16xi32>
        %jit3A_1532 = arith.constant 1.000000e+00 : f32
        %jit3A_1533 = arith.constant 0.000000e+00 : f32
        %broadcast_in_dim3A_1534 = vector.broadcast %jit3A_1532 : f32 to vector<16xf32>
        %broadcast_in_dim3A_1535 = vector.broadcast %jit3A_1533 : f32 to vector<16xf32>
        %select_n3A_1536 = arith.select %eq3A_1531, %broadcast_in_dim3A_1534, %broadcast_in_dim3A_1535 : vector<16xi1>, vector<16xf32>
        %swap3A_1537 = arith.constant 12 : i32
        %swap3A_1538 = arith.constant 4 : i32
        %swap3A_1539 = arith.index_cast %swap3A_1537 : i32 to index
        %swap3A_1540 = arith.index_cast %swap3A_1538 : i32 to index
        %swap3A_1541 = arith.index_cast %mul3A_340 : i32 to index
        %swap3A_1542 = tpu.vector_load %arg6[%swap3A_1539, %swap3A_1540, %swap3A_1541] {strides = array<i32>} : memref<16x8x224xf32, #tpu.memory_space<vmem>>, vector<16xf32>,
        tpu.vector_store %arg6[%swap3A_1539, %swap3A_1540, %swap3A_1541], %select_n3A_1536 {strides = array<i32>} : memref<16x8x224xf32, #tpu.memory_space<vmem>>, vector<16xf32>,
        %eq3A_1543 = arith.constant 13 : i32
        %eq3A_1544 = vector.broadcast %eq3A_1543 : i32 to vector<16xi32>
        %eq3A_1545 = arith.cmpi eq, %select_n3A_1360, %eq3A_1544 : vector<16xi32>
        %jit3A_1546 = arith.constant 1.000000e+00 : f32
        %jit3A_1547 = arith.constant 0.000000e+00 : f32
        %broadcast_in_dim3A_1548 = vector.broadcast %jit3A_1546 : f32 to vector<16xf32>
        %broadcast_in_dim3A_1549 = vector.broadcast %jit3A_1547 : f32 to vector<16xf32>
        %select_n3A_1550 = arith.select %eq3A_1545, %broadcast_in_dim3A_1548, %broadcast_in_dim3A_1549 : vector<16xi1>, vector<16xf32>
        %swap3A_1551 = arith.constant 13 : i32
        %swap3A_1552 = arith.constant 4 : i32
        %swap3A_1553 = arith.index_cast %swap3A_1551 : i32 to index
        %swap3A_1554 = arith.index_cast %swap3A_1552 : i32 to index
        %swap3A_1555 = arith.index_cast %mul3A_340 : i32 to index
        %swap3A_1556 = tpu.vector_load %arg6[%swap3A_1553, %swap3A_1554, %swap3A_1555] {strides = array<i32>} : memref<16x8x224xf32, #tpu.memory_space<vmem>>, vector<16xf32>,
        tpu.vector_store %arg6[%swap3A_1553, %swap3A_1554, %swap3A_1555], %select_n3A_1550 {strides = array<i32>} : memref<16x8x224xf32, #tpu.memory_space<vmem>>, vector<16xf32>,
        %eq3A_1557 = arith.constant 14 : i32
        %eq3A_1558 = vector.broadcast %eq3A_1557 : i32 to vector<16xi32>
        %eq3A_1559 = arith.cmpi eq, %select_n3A_1360, %eq3A_1558 : vector<16xi32>
        %jit3A_1560 = arith.constant 1.000000e+00 : f32
        %jit3A_1561 = arith.constant 0.000000e+00 : f32
        %broadcast_in_dim3A_1562 = vector.broadcast %jit3A_1560 : f32 to vector<16xf32>
        %broadcast_in_dim3A_1563 = vector.broadcast %jit3A_1561 : f32 to vector<16xf32>
        %select_n3A_1564 = arith.select %eq3A_1559, %broadcast_in_dim3A_1562, %broadcast_in_dim3A_1563 : vector<16xi1>, vector<16xf32>
        %swap3A_1565 = arith.constant 14 : i32
        %swap3A_1566 = arith.constant 4 : i32
        %swap3A_1567 = arith.index_cast %swap3A_1565 : i32 to index
        %swap3A_1568 = arith.index_cast %swap3A_1566 : i32 to index
        %swap3A_1569 = arith.index_cast %mul3A_340 : i32 to index
        %swap3A_1570 = tpu.vector_load %arg6[%swap3A_1567, %swap3A_1568, %swap3A_1569] {strides = array<i32>} : memref<16x8x224xf32, #tpu.memory_space<vmem>>, vector<16xf32>,
        tpu.vector_store %arg6[%swap3A_1567, %swap3A_1568, %swap3A_1569], %select_n3A_1564 {strides = array<i32>} : memref<16x8x224xf32, #tpu.memory_space<vmem>>, vector<16xf32>,
        %eq3A_1571 = arith.constant 15 : i32
        %eq3A_1572 = vector.broadcast %eq3A_1571 : i32 to vector<16xi32>
        %eq3A_1573 = arith.cmpi eq, %select_n3A_1360, %eq3A_1572 : vector<16xi32>
        %jit3A_1574 = arith.constant 1.000000e+00 : f32
        %jit3A_1575 = arith.constant 0.000000e+00 : f32
        %broadcast_in_dim3A_1576 = vector.broadcast %jit3A_1574 : f32 to vector<16xf32>
        %broadcast_in_dim3A_1577 = vector.broadcast %jit3A_1575 : f32 to vector<16xf32>
        %select_n3A_1578 = arith.select %eq3A_1573, %broadcast_in_dim3A_1576, %broadcast_in_dim3A_1577 : vector<16xi1>, vector<16xf32>
        %swap3A_1579 = arith.constant 15 : i32
        %swap3A_1580 = arith.constant 4 : i32
        %swap3A_1581 = arith.index_cast %swap3A_1579 : i32 to index
        %swap3A_1582 = arith.index_cast %swap3A_1580 : i32 to index
        %swap3A_1583 = arith.index_cast %mul3A_340 : i32 to index
        %swap3A_1584 = tpu.vector_load %arg6[%swap3A_1581, %swap3A_1582, %swap3A_1583] {strides = array<i32>} : memref<16x8x224xf32, #tpu.memory_space<vmem>>, vector<16xf32>,
        tpu.vector_store %arg6[%swap3A_1581, %swap3A_1582, %swap3A_1583], %select_n3A_1578 {strides = array<i32>} : memref<16x8x224xf32, #tpu.memory_space<vmem>>, vector<16xf32>,
        %get3A_1585 = arith.constant 5 : i32
        %get3A_1586 = arith.index_cast %get3A_1585 : i32 to index
        %get3A_1587 = arith.index_cast %mul3A_340 : i32 to index
        %get3A_1588 = tpu.vector_load %arg4[%get3A_1586, %get3A_1587] {strides = array<i32>} : memref<8x224xf32, #tpu.memory_space<vmem>>, vector<16xf32>,
        %max3A_1589 = arith.constant 0.000000e+00 : f32
        %max3A_1590 = vector.broadcast %max3A_1589 : f32 to vector<16xf32>
        %max3A_1591 = arith.maximumf %get3A_1588, %max3A_1590 : vector<16xf32>
        %min3A_1592 = arith.constant 1.000000e+00 : f32
        %min3A_1593 = vector.broadcast %min3A_1592 : f32 to vector<16xf32>
        %min3A_1594 = arith.minimumf %max3A_1591, %min3A_1593 : vector<16xf32>
        %sub3A_1595 = arith.constant 1.000000e+00 : f32
        %sub3A_1596 = vector.broadcast %sub3A_1595 : f32 to vector<16xf32>
        %sub3A_1597 = arith.subf %sub3A_1596, %min3A_1594 : vector<16xf32>
        %mul3A_1598 = arith.constant 1.500000e+01 : f32
        %mul3A_1599 = vector.broadcast %mul3A_1598 : f32 to vector<16xf32>
        %mul3A_1600 = arith.mulf %sub3A_1597, %mul3A_1599 : vector<16xf32>
        %convert_element_type3A_1601 = arith.fptosi %mul3A_1600 : vector<16xf32> to vector<16xi32>
        %min3A_1602 = arith.constant 15 : i32
        %min3A_1603 = vector.broadcast %min3A_1602 : i32 to vector<16xi32>
        %min3A_1604 = arith.minsi %convert_element_type3A_1601, %min3A_1603 : vector<16xi32>
        %gt3A_1605 = arith.constant 0.000000e+00 : f32
        %gt3A_1606 = vector.broadcast %gt3A_1605 : f32 to vector<16xf32>
        %gt3A_1607 = arith.cmpf ogt, %min3A_1594, %gt3A_1606 : vector<16xf32>
        %jit3A_1608 = arith.constant 16 : i32
        %broadcast_in_dim3A_1609 = vector.broadcast %jit3A_1608 : i32 to vector<16xi32>
        %select_n3A_1610 = arith.select %gt3A_1607, %min3A_1604, %broadcast_in_dim3A_1609 : vector<16xi1>, vector<16xi32>
        %eq3A_1611 = arith.constant 0 : i32
        %eq3A_1612 = vector.broadcast %eq3A_1611 : i32 to vector<16xi32>
        %eq3A_1613 = arith.cmpi eq, %select_n3A_1610, %eq3A_1612 : vector<16xi32>
        %jit3A_1614 = arith.constant 1.000000e+00 : f32
        %jit3A_1615 = arith.constant 0.000000e+00 : f32
        %broadcast_in_dim3A_1616 = vector.broadcast %jit3A_1614 : f32 to vector<16xf32>
        %broadcast_in_dim3A_1617 = vector.broadcast %jit3A_1615 : f32 to vector<16xf32>
        %select_n3A_1618 = arith.select %eq3A_1613, %broadcast_in_dim3A_1616, %broadcast_in_dim3A_1617 : vector<16xi1>, vector<16xf32>
        %swap3A_1619 = arith.constant 0 : i32
        %swap3A_1620 = arith.constant 5 : i32
        %swap3A_1621 = arith.index_cast %swap3A_1619 : i32 to index
        %swap3A_1622 = arith.index_cast %swap3A_1620 : i32 to index
        %swap3A_1623 = arith.index_cast %mul3A_340 : i32 to index
        %swap3A_1624 = tpu.vector_load %arg6[%swap3A_1621, %swap3A_1622, %swap3A_1623] {strides = array<i32>} : memref<16x8x224xf32, #tpu.memory_space<vmem>>, vector<16xf32>,
        tpu.vector_store %arg6[%swap3A_1621, %swap3A_1622, %swap3A_1623], %select_n3A_1618 {strides = array<i32>} : memref<16x8x224xf32, #tpu.memory_space<vmem>>, vector<16xf32>,
        %eq3A_1625 = arith.constant 1 : i32
        %eq3A_1626 = vector.broadcast %eq3A_1625 : i32 to vector<16xi32>
        %eq3A_1627 = arith.cmpi eq, %select_n3A_1610, %eq3A_1626 : vector<16xi32>
        %jit3A_1628 = arith.constant 1.000000e+00 : f32
        %jit3A_1629 = arith.constant 0.000000e+00 : f32
        %broadcast_in_dim3A_1630 = vector.broadcast %jit3A_1628 : f32 to vector<16xf32>
        %broadcast_in_dim3A_1631 = vector.broadcast %jit3A_1629 : f32 to vector<16xf32>
        %select_n3A_1632 = arith.select %eq3A_1627, %broadcast_in_dim3A_1630, %broadcast_in_dim3A_1631 : vector<16xi1>, vector<16xf32>
        %swap3A_1633 = arith.constant 1 : i32
        %swap3A_1634 = arith.constant 5 : i32
        %swap3A_1635 = arith.index_cast %swap3A_1633 : i32 to index
        %swap3A_1636 = arith.index_cast %swap3A_1634 : i32 to index
        %swap3A_1637 = arith.index_cast %mul3A_340 : i32 to index
        %swap3A_1638 = tpu.vector_load %arg6[%swap3A_1635, %swap3A_1636, %swap3A_1637] {strides = array<i32>} : memref<16x8x224xf32, #tpu.memory_space<vmem>>, vector<16xf32>,
        tpu.vector_store %arg6[%swap3A_1635, %swap3A_1636, %swap3A_1637], %select_n3A_1632 {strides = array<i32>} : memref<16x8x224xf32, #tpu.memory_space<vmem>>, vector<16xf32>,
        %eq3A_1639 = arith.constant 2 : i32
        %eq3A_1640 = vector.broadcast %eq3A_1639 : i32 to vector<16xi32>
        %eq3A_1641 = arith.cmpi eq, %select_n3A_1610, %eq3A_1640 : vector<16xi32>
        %jit3A_1642 = arith.constant 1.000000e+00 : f32
        %jit3A_1643 = arith.constant 0.000000e+00 : f32
        %broadcast_in_dim3A_1644 = vector.broadcast %jit3A_1642 : f32 to vector<16xf32>
        %broadcast_in_dim3A_1645 = vector.broadcast %jit3A_1643 : f32 to vector<16xf32>
        %select_n3A_1646 = arith.select %eq3A_1641, %broadcast_in_dim3A_1644, %broadcast_in_dim3A_1645 : vector<16xi1>, vector<16xf32>
        %swap3A_1647 = arith.constant 2 : i32
        %swap3A_1648 = arith.constant 5 : i32
        %swap3A_1649 = arith.index_cast %swap3A_1647 : i32 to index
        %swap3A_1650 = arith.index_cast %swap3A_1648 : i32 to index
        %swap3A_1651 = arith.index_cast %mul3A_340 : i32 to index
        %swap3A_1652 = tpu.vector_load %arg6[%swap3A_1649, %swap3A_1650, %swap3A_1651] {strides = array<i32>} : memref<16x8x224xf32, #tpu.memory_space<vmem>>, vector<16xf32>,
        tpu.vector_store %arg6[%swap3A_1649, %swap3A_1650, %swap3A_1651], %select_n3A_1646 {strides = array<i32>} : memref<16x8x224xf32, #tpu.memory_space<vmem>>, vector<16xf32>,
        %eq3A_1653 = arith.constant 3 : i32
        %eq3A_1654 = vector.broadcast %eq3A_1653 : i32 to vector<16xi32>
        %eq3A_1655 = arith.cmpi eq, %select_n3A_1610, %eq3A_1654 : vector<16xi32>
        %jit3A_1656 = arith.constant 1.000000e+00 : f32
        %jit3A_1657 = arith.constant 0.000000e+00 : f32
        %broadcast_in_dim3A_1658 = vector.broadcast %jit3A_1656 : f32 to vector<16xf32>
        %broadcast_in_dim3A_1659 = vector.broadcast %jit3A_1657 : f32 to vector<16xf32>
        %select_n3A_1660 = arith.select %eq3A_1655, %broadcast_in_dim3A_1658, %broadcast_in_dim3A_1659 : vector<16xi1>, vector<16xf32>
        %swap3A_1661 = arith.constant 3 : i32
        %swap3A_1662 = arith.constant 5 : i32
        %swap3A_1663 = arith.index_cast %swap3A_1661 : i32 to index
        %swap3A_1664 = arith.index_cast %swap3A_1662 : i32 to index
        %swap3A_1665 = arith.index_cast %mul3A_340 : i32 to index
        %swap3A_1666 = tpu.vector_load %arg6[%swap3A_1663, %swap3A_1664, %swap3A_1665] {strides = array<i32>} : memref<16x8x224xf32, #tpu.memory_space<vmem>>, vector<16xf32>,
        tpu.vector_store %arg6[%swap3A_1663, %swap3A_1664, %swap3A_1665], %select_n3A_1660 {strides = array<i32>} : memref<16x8x224xf32, #tpu.memory_space<vmem>>, vector<16xf32>,
        %eq3A_1667 = arith.constant 4 : i32
        %eq3A_1668 = vector.broadcast %eq3A_1667 : i32 to vector<16xi32>
        %eq3A_1669 = arith.cmpi eq, %select_n3A_1610, %eq3A_1668 : vector<16xi32>
        %jit3A_1670 = arith.constant 1.000000e+00 : f32
        %jit3A_1671 = arith.constant 0.000000e+00 : f32
        %broadcast_in_dim3A_1672 = vector.broadcast %jit3A_1670 : f32 to vector<16xf32>
        %broadcast_in_dim3A_1673 = vector.broadcast %jit3A_1671 : f32 to vector<16xf32>
        %select_n3A_1674 = arith.select %eq3A_1669, %broadcast_in_dim3A_1672, %broadcast_in_dim3A_1673 : vector<16xi1>, vector<16xf32>
        %swap3A_1675 = arith.constant 4 : i32
        %swap3A_1676 = arith.constant 5 : i32
        %swap3A_1677 = arith.index_cast %swap3A_1675 : i32 to index
        %swap3A_1678 = arith.index_cast %swap3A_1676 : i32 to index
        %swap3A_1679 = arith.index_cast %mul3A_340 : i32 to index
        %swap3A_1680 = tpu.vector_load %arg6[%swap3A_1677, %swap3A_1678, %swap3A_1679] {strides = array<i32>} : memref<16x8x224xf32, #tpu.memory_space<vmem>>, vector<16xf32>,
        tpu.vector_store %arg6[%swap3A_1677, %swap3A_1678, %swap3A_1679], %select_n3A_1674 {strides = array<i32>} : memref<16x8x224xf32, #tpu.memory_space<vmem>>, vector<16xf32>,
        %eq3A_1681 = arith.constant 5 : i32
        %eq3A_1682 = vector.broadcast %eq3A_1681 : i32 to vector<16xi32>
        %eq3A_1683 = arith.cmpi eq, %select_n3A_1610, %eq3A_1682 : vector<16xi32>
        %jit3A_1684 = arith.constant 1.000000e+00 : f32
        %jit3A_1685 = arith.constant 0.000000e+00 : f32
        %broadcast_in_dim3A_1686 = vector.broadcast %jit3A_1684 : f32 to vector<16xf32>
        %broadcast_in_dim3A_1687 = vector.broadcast %jit3A_1685 : f32 to vector<16xf32>
        %select_n3A_1688 = arith.select %eq3A_1683, %broadcast_in_dim3A_1686, %broadcast_in_dim3A_1687 : vector<16xi1>, vector<16xf32>
        %swap3A_1689 = arith.constant 5 : i32
        %swap3A_1690 = arith.constant 5 : i32
        %swap3A_1691 = arith.index_cast %swap3A_1689 : i32 to index
        %swap3A_1692 = arith.index_cast %swap3A_1690 : i32 to index
        %swap3A_1693 = arith.index_cast %mul3A_340 : i32 to index
        %swap3A_1694 = tpu.vector_load %arg6[%swap3A_1691, %swap3A_1692, %swap3A_1693] {strides = array<i32>} : memref<16x8x224xf32, #tpu.memory_space<vmem>>, vector<16xf32>,
        tpu.vector_store %arg6[%swap3A_1691, %swap3A_1692, %swap3A_1693], %select_n3A_1688 {strides = array<i32>} : memref<16x8x224xf32, #tpu.memory_space<vmem>>, vector<16xf32>,
        %eq3A_1695 = arith.constant 6 : i32
        %eq3A_1696 = vector.broadcast %eq3A_1695 : i32 to vector<16xi32>
        %eq3A_1697 = arith.cmpi eq, %select_n3A_1610, %eq3A_1696 : vector<16xi32>
        %jit3A_1698 = arith.constant 1.000000e+00 : f32
        %jit3A_1699 = arith.constant 0.000000e+00 : f32
        %broadcast_in_dim3A_1700 = vector.broadcast %jit3A_1698 : f32 to vector<16xf32>
        %broadcast_in_dim3A_1701 = vector.broadcast %jit3A_1699 : f32 to vector<16xf32>
        %select_n3A_1702 = arith.select %eq3A_1697, %broadcast_in_dim3A_1700, %broadcast_in_dim3A_1701 : vector<16xi1>, vector<16xf32>
        %swap3A_1703 = arith.constant 6 : i32
        %swap3A_1704 = arith.constant 5 : i32
        %swap3A_1705 = arith.index_cast %swap3A_1703 : i32 to index
        %swap3A_1706 = arith.index_cast %swap3A_1704 : i32 to index
        %swap3A_1707 = arith.index_cast %mul3A_340 : i32 to index
        %swap3A_1708 = tpu.vector_load %arg6[%swap3A_1705, %swap3A_1706, %swap3A_1707] {strides = array<i32>} : memref<16x8x224xf32, #tpu.memory_space<vmem>>, vector<16xf32>,
        tpu.vector_store %arg6[%swap3A_1705, %swap3A_1706, %swap3A_1707], %select_n3A_1702 {strides = array<i32>} : memref<16x8x224xf32, #tpu.memory_space<vmem>>, vector<16xf32>,
        %eq3A_1709 = arith.constant 7 : i32
        %eq3A_1710 = vector.broadcast %eq3A_1709 : i32 to vector<16xi32>
        %eq3A_1711 = arith.cmpi eq, %select_n3A_1610, %eq3A_1710 : vector<16xi32>
        %jit3A_1712 = arith.constant 1.000000e+00 : f32
        %jit3A_1713 = arith.constant 0.000000e+00 : f32
        %broadcast_in_dim3A_1714 = vector.broadcast %jit3A_1712 : f32 to vector<16xf32>
        %broadcast_in_dim3A_1715 = vector.broadcast %jit3A_1713 : f32 to vector<16xf32>
        %select_n3A_1716 = arith.select %eq3A_1711, %broadcast_in_dim3A_1714, %broadcast_in_dim3A_1715 : vector<16xi1>, vector<16xf32>
        %swap3A_1717 = arith.constant 7 : i32
        %swap3A_1718 = arith.constant 5 : i32
        %swap3A_1719 = arith.index_cast %swap3A_1717 : i32 to index
        %swap3A_1720 = arith.index_cast %swap3A_1718 : i32 to index
        %swap3A_1721 = arith.index_cast %mul3A_340 : i32 to index
        %swap3A_1722 = tpu.vector_load %arg6[%swap3A_1719, %swap3A_1720, %swap3A_1721] {strides = array<i32>} : memref<16x8x224xf32, #tpu.memory_space<vmem>>, vector<16xf32>,
        tpu.vector_store %arg6[%swap3A_1719, %swap3A_1720, %swap3A_1721], %select_n3A_1716 {strides = array<i32>} : memref<16x8x224xf32, #tpu.memory_space<vmem>>, vector<16xf32>,
        %eq3A_1723 = arith.constant 8 : i32
        %eq3A_1724 = vector.broadcast %eq3A_1723 : i32 to vector<16xi32>
        %eq3A_1725 = arith.cmpi eq, %select_n3A_1610, %eq3A_1724 : vector<16xi32>
        %jit3A_1726 = arith.constant 1.000000e+00 : f32
        %jit3A_1727 = arith.constant 0.000000e+00 : f32
        %broadcast_in_dim3A_1728 = vector.broadcast %jit3A_1726 : f32 to vector<16xf32>
        %broadcast_in_dim3A_1729 = vector.broadcast %jit3A_1727 : f32 to vector<16xf32>
        %select_n3A_1730 = arith.select %eq3A_1725, %broadcast_in_dim3A_1728, %broadcast_in_dim3A_1729 : vector<16xi1>, vector<16xf32>
        %swap3A_1731 = arith.constant 8 : i32
        %swap3A_1732 = arith.constant 5 : i32
        %swap3A_1733 = arith.index_cast %swap3A_1731 : i32 to index
        %swap3A_1734 = arith.index_cast %swap3A_1732 : i32 to index
        %swap3A_1735 = arith.index_cast %mul3A_340 : i32 to index
        %swap3A_1736 = tpu.vector_load %arg6[%swap3A_1733, %swap3A_1734, %swap3A_1735] {strides = array<i32>} : memref<16x8x224xf32, #tpu.memory_space<vmem>>, vector<16xf32>,
        tpu.vector_store %arg6[%swap3A_1733, %swap3A_1734, %swap3A_1735], %select_n3A_1730 {strides = array<i32>} : memref<16x8x224xf32, #tpu.memory_space<vmem>>, vector<16xf32>,
        %eq3A_1737 = arith.constant 9 : i32
        %eq3A_1738 = vector.broadcast %eq3A_1737 : i32 to vector<16xi32>
        %eq3A_1739 = arith.cmpi eq, %select_n3A_1610, %eq3A_1738 : vector<16xi32>
        %jit3A_1740 = arith.constant 1.000000e+00 : f32
        %jit3A_1741 = arith.constant 0.000000e+00 : f32
        %broadcast_in_dim3A_1742 = vector.broadcast %jit3A_1740 : f32 to vector<16xf32>
        %broadcast_in_dim3A_1743 = vector.broadcast %jit3A_1741 : f32 to vector<16xf32>
        %select_n3A_1744 = arith.select %eq3A_1739, %broadcast_in_dim3A_1742, %broadcast_in_dim3A_1743 : vector<16xi1>, vector<16xf32>
        %swap3A_1745 = arith.constant 9 : i32
        %swap3A_1746 = arith.constant 5 : i32
        %swap3A_1747 = arith.index_cast %swap3A_1745 : i32 to index
        %swap3A_1748 = arith.index_cast %swap3A_1746 : i32 to index
        %swap3A_1749 = arith.index_cast %mul3A_340 : i32 to index
        %swap3A_1750 = tpu.vector_load %arg6[%swap3A_1747, %swap3A_1748, %swap3A_1749] {strides = array<i32>} : memref<16x8x224xf32, #tpu.memory_space<vmem>>, vector<16xf32>,
        tpu.vector_store %arg6[%swap3A_1747, %swap3A_1748, %swap3A_1749], %select_n3A_1744 {strides = array<i32>} : memref<16x8x224xf32, #tpu.memory_space<vmem>>, vector<16xf32>,
        %eq3A_1751 = arith.constant 10 : i32
        %eq3A_1752 = vector.broadcast %eq3A_1751 : i32 to vector<16xi32>
        %eq3A_1753 = arith.cmpi eq, %select_n3A_1610, %eq3A_1752 : vector<16xi32>
        %jit3A_1754 = arith.constant 1.000000e+00 : f32
        %jit3A_1755 = arith.constant 0.000000e+00 : f32
        %broadcast_in_dim3A_1756 = vector.broadcast %jit3A_1754 : f32 to vector<16xf32>
        %broadcast_in_dim3A_1757 = vector.broadcast %jit3A_1755 : f32 to vector<16xf32>
        %select_n3A_1758 = arith.select %eq3A_1753, %broadcast_in_dim3A_1756, %broadcast_in_dim3A_1757 : vector<16xi1>, vector<16xf32>
        %swap3A_1759 = arith.constant 10 : i32
        %swap3A_1760 = arith.constant 5 : i32
        %swap3A_1761 = arith.index_cast %swap3A_1759 : i32 to index
        %swap3A_1762 = arith.index_cast %swap3A_1760 : i32 to index
        %swap3A_1763 = arith.index_cast %mul3A_340 : i32 to index
        %swap3A_1764 = tpu.vector_load %arg6[%swap3A_1761, %swap3A_1762, %swap3A_1763] {strides = array<i32>} : memref<16x8x224xf32, #tpu.memory_space<vmem>>, vector<16xf32>,
        tpu.vector_store %arg6[%swap3A_1761, %swap3A_1762, %swap3A_1763], %select_n3A_1758 {strides = array<i32>} : memref<16x8x224xf32, #tpu.memory_space<vmem>>, vector<16xf32>,
        %eq3A_1765 = arith.constant 11 : i32
        %eq3A_1766 = vector.broadcast %eq3A_1765 : i32 to vector<16xi32>
        %eq3A_1767 = arith.cmpi eq, %select_n3A_1610, %eq3A_1766 : vector<16xi32>
        %jit3A_1768 = arith.constant 1.000000e+00 : f32
        %jit3A_1769 = arith.constant 0.000000e+00 : f32
        %broadcast_in_dim3A_1770 = vector.broadcast %jit3A_1768 : f32 to vector<16xf32>
        %broadcast_in_dim3A_1771 = vector.broadcast %jit3A_1769 : f32 to vector<16xf32>
        %select_n3A_1772 = arith.select %eq3A_1767, %broadcast_in_dim3A_1770, %broadcast_in_dim3A_1771 : vector<16xi1>, vector<16xf32>
        %swap3A_1773 = arith.constant 11 : i32
        %swap3A_1774 = arith.constant 5 : i32
        %swap3A_1775 = arith.index_cast %swap3A_1773 : i32 to index
        %swap3A_1776 = arith.index_cast %swap3A_1774 : i32 to index
        %swap3A_1777 = arith.index_cast %mul3A_340 : i32 to index
        %swap3A_1778 = tpu.vector_load %arg6[%swap3A_1775, %swap3A_1776, %swap3A_1777] {strides = array<i32>} : memref<16x8x224xf32, #tpu.memory_space<vmem>>, vector<16xf32>,
        tpu.vector_store %arg6[%swap3A_1775, %swap3A_1776, %swap3A_1777], %select_n3A_1772 {strides = array<i32>} : memref<16x8x224xf32, #tpu.memory_space<vmem>>, vector<16xf32>,
        %eq3A_1779 = arith.constant 12 : i32
        %eq3A_1780 = vector.broadcast %eq3A_1779 : i32 to vector<16xi32>
        %eq3A_1781 = arith.cmpi eq, %select_n3A_1610, %eq3A_1780 : vector<16xi32>
        %jit3A_1782 = arith.constant 1.000000e+00 : f32
        %jit3A_1783 = arith.constant 0.000000e+00 : f32
        %broadcast_in_dim3A_1784 = vector.broadcast %jit3A_1782 : f32 to vector<16xf32>
        %broadcast_in_dim3A_1785 = vector.broadcast %jit3A_1783 : f32 to vector<16xf32>
        %select_n3A_1786 = arith.select %eq3A_1781, %broadcast_in_dim3A_1784, %broadcast_in_dim3A_1785 : vector<16xi1>, vector<16xf32>
        %swap3A_1787 = arith.constant 12 : i32
        %swap3A_1788 = arith.constant 5 : i32
        %swap3A_1789 = arith.index_cast %swap3A_1787 : i32 to index
        %swap3A_1790 = arith.index_cast %swap3A_1788 : i32 to index
        %swap3A_1791 = arith.index_cast %mul3A_340 : i32 to index
        %swap3A_1792 = tpu.vector_load %arg6[%swap3A_1789, %swap3A_1790, %swap3A_1791] {strides = array<i32>} : memref<16x8x224xf32, #tpu.memory_space<vmem>>, vector<16xf32>,
        tpu.vector_store %arg6[%swap3A_1789, %swap3A_1790, %swap3A_1791], %select_n3A_1786 {strides = array<i32>} : memref<16x8x224xf32, #tpu.memory_space<vmem>>, vector<16xf32>,
        %eq3A_1793 = arith.constant 13 : i32
        %eq3A_1794 = vector.broadcast %eq3A_1793 : i32 to vector<16xi32>
        %eq3A_1795 = arith.cmpi eq, %select_n3A_1610, %eq3A_1794 : vector<16xi32>
        %jit3A_1796 = arith.constant 1.000000e+00 : f32
        %jit3A_1797 = arith.constant 0.000000e+00 : f32
        %broadcast_in_dim3A_1798 = vector.broadcast %jit3A_1796 : f32 to vector<16xf32>
        %broadcast_in_dim3A_1799 = vector.broadcast %jit3A_1797 : f32 to vector<16xf32>
        %select_n3A_1800 = arith.select %eq3A_1795, %broadcast_in_dim3A_1798, %broadcast_in_dim3A_1799 : vector<16xi1>, vector<16xf32>
        %swap3A_1801 = arith.constant 13 : i32
        %swap3A_1802 = arith.constant 5 : i32
        %swap3A_1803 = arith.index_cast %swap3A_1801 : i32 to index
        %swap3A_1804 = arith.index_cast %swap3A_1802 : i32 to index
        %swap3A_1805 = arith.index_cast %mul3A_340 : i32 to index
        %swap3A_1806 = tpu.vector_load %arg6[%swap3A_1803, %swap3A_1804, %swap3A_1805] {strides = array<i32>} : memref<16x8x224xf32, #tpu.memory_space<vmem>>, vector<16xf32>,
        tpu.vector_store %arg6[%swap3A_1803, %swap3A_1804, %swap3A_1805], %select_n3A_1800 {strides = array<i32>} : memref<16x8x224xf32, #tpu.memory_space<vmem>>, vector<16xf32>,
        %eq3A_1807 = arith.constant 14 : i32
        %eq3A_1808 = vector.broadcast %eq3A_1807 : i32 to vector<16xi32>
        %eq3A_1809 = arith.cmpi eq, %select_n3A_1610, %eq3A_1808 : vector<16xi32>
        %jit3A_1810 = arith.constant 1.000000e+00 : f32
        %jit3A_1811 = arith.constant 0.000000e+00 : f32
        %broadcast_in_dim3A_1812 = vector.broadcast %jit3A_1810 : f32 to vector<16xf32>
        %broadcast_in_dim3A_1813 = vector.broadcast %jit3A_1811 : f32 to vector<16xf32>
        %select_n3A_1814 = arith.select %eq3A_1809, %broadcast_in_dim3A_1812, %broadcast_in_dim3A_1813 : vector<16xi1>, vector<16xf32>
        %swap3A_1815 = arith.constant 14 : i32
        %swap3A_1816 = arith.constant 5 : i32
        %swap3A_1817 = arith.index_cast %swap3A_1815 : i32 to index
        %swap3A_1818 = arith.index_cast %swap3A_1816 : i32 to index
        %swap3A_1819 = arith.index_cast %mul3A_340 : i32 to index
        %swap3A_1820 = tpu.vector_load %arg6[%swap3A_1817, %swap3A_1818, %swap3A_1819] {strides = array<i32>} : memref<16x8x224xf32, #tpu.memory_space<vmem>>, vector<16xf32>,
        tpu.vector_store %arg6[%swap3A_1817, %swap3A_1818, %swap3A_1819], %select_n3A_1814 {strides = array<i32>} : memref<16x8x224xf32, #tpu.memory_space<vmem>>, vector<16xf32>,
        %eq3A_1821 = arith.constant 15 : i32
        %eq3A_1822 = vector.broadcast %eq3A_1821 : i32 to vector<16xi32>
        %eq3A_1823 = arith.cmpi eq, %select_n3A_1610, %eq3A_1822 : vector<16xi32>
        %jit3A_1824 = arith.constant 1.000000e+00 : f32
        %jit3A_1825 = arith.constant 0.000000e+00 : f32
        %broadcast_in_dim3A_1826 = vector.broadcast %jit3A_1824 : f32 to vector<16xf32>
        %broadcast_in_dim3A_1827 = vector.broadcast %jit3A_1825 : f32 to vector<16xf32>
        %select_n3A_1828 = arith.select %eq3A_1823, %broadcast_in_dim3A_1826, %broadcast_in_dim3A_1827 : vector<16xi1>, vector<16xf32>
        %swap3A_1829 = arith.constant 15 : i32
        %swap3A_1830 = arith.constant 5 : i32
        %swap3A_1831 = arith.index_cast %swap3A_1829 : i32 to index
        %swap3A_1832 = arith.index_cast %swap3A_1830 : i32 to index
        %swap3A_1833 = arith.index_cast %mul3A_340 : i32 to index
        %swap3A_1834 = tpu.vector_load %arg6[%swap3A_1831, %swap3A_1832, %swap3A_1833] {strides = array<i32>} : memref<16x8x224xf32, #tpu.memory_space<vmem>>, vector<16xf32>,
        tpu.vector_store %arg6[%swap3A_1831, %swap3A_1832, %swap3A_1833], %select_n3A_1828 {strides = array<i32>} : memref<16x8x224xf32, #tpu.memory_space<vmem>>, vector<16xf32>,
        %get3A_1835 = arith.constant 6 : i32
        %get3A_1836 = arith.index_cast %get3A_1835 : i32 to index
        %get3A_1837 = arith.index_cast %mul3A_340 : i32 to index
        %get3A_1838 = tpu.vector_load %arg4[%get3A_1836, %get3A_1837] {strides = array<i32>} : memref<8x224xf32, #tpu.memory_space<vmem>>, vector<16xf32>,
        %max3A_1839 = arith.constant 0.000000e+00 : f32
        %max3A_1840 = vector.broadcast %max3A_1839 : f32 to vector<16xf32>
        %max3A_1841 = arith.maximumf %get3A_1838, %max3A_1840 : vector<16xf32>
        %min3A_1842 = arith.constant 1.000000e+00 : f32
        %min3A_1843 = vector.broadcast %min3A_1842 : f32 to vector<16xf32>
        %min3A_1844 = arith.minimumf %max3A_1841, %min3A_1843 : vector<16xf32>
        %sub3A_1845 = arith.constant 1.000000e+00 : f32
        %sub3A_1846 = vector.broadcast %sub3A_1845 : f32 to vector<16xf32>
        %sub3A_1847 = arith.subf %sub3A_1846, %min3A_1844 : vector<16xf32>
        %mul3A_1848 = arith.constant 1.500000e+01 : f32
        %mul3A_1849 = vector.broadcast %mul3A_1848 : f32 to vector<16xf32>
        %mul3A_1850 = arith.mulf %sub3A_1847, %mul3A_1849 : vector<16xf32>
        %convert_element_type3A_1851 = arith.fptosi %mul3A_1850 : vector<16xf32> to vector<16xi32>
        %min3A_1852 = arith.constant 15 : i32
        %min3A_1853 = vector.broadcast %min3A_1852 : i32 to vector<16xi32>
        %min3A_1854 = arith.minsi %convert_element_type3A_1851, %min3A_1853 : vector<16xi32>
        %gt3A_1855 = arith.constant 0.000000e+00 : f32
        %gt3A_1856 = vector.broadcast %gt3A_1855 : f32 to vector<16xf32>
        %gt3A_1857 = arith.cmpf ogt, %min3A_1844, %gt3A_1856 : vector<16xf32>
        %jit3A_1858 = arith.constant 16 : i32
        %broadcast_in_dim3A_1859 = vector.broadcast %jit3A_1858 : i32 to vector<16xi32>
        %select_n3A_1860 = arith.select %gt3A_1857, %min3A_1854, %broadcast_in_dim3A_1859 : vector<16xi1>, vector<16xi32>
        %eq3A_1861 = arith.constant 0 : i32
        %eq3A_1862 = vector.broadcast %eq3A_1861 : i32 to vector<16xi32>
        %eq3A_1863 = arith.cmpi eq, %select_n3A_1860, %eq3A_1862 : vector<16xi32>
        %jit3A_1864 = arith.constant 1.000000e+00 : f32
        %jit3A_1865 = arith.constant 0.000000e+00 : f32
        %broadcast_in_dim3A_1866 = vector.broadcast %jit3A_1864 : f32 to vector<16xf32>
        %broadcast_in_dim3A_1867 = vector.broadcast %jit3A_1865 : f32 to vector<16xf32>
        %select_n3A_1868 = arith.select %eq3A_1863, %broadcast_in_dim3A_1866, %broadcast_in_dim3A_1867 : vector<16xi1>, vector<16xf32>
        %swap3A_1869 = arith.constant 0 : i32
        %swap3A_1870 = arith.constant 6 : i32
        %swap3A_1871 = arith.index_cast %swap3A_1869 : i32 to index
        %swap3A_1872 = arith.index_cast %swap3A_1870 : i32 to index
        %swap3A_1873 = arith.index_cast %mul3A_340 : i32 to index
        %swap3A_1874 = tpu.vector_load %arg6[%swap3A_1871, %swap3A_1872, %swap3A_1873] {strides = array<i32>} : memref<16x8x224xf32, #tpu.memory_space<vmem>>, vector<16xf32>,
        tpu.vector_store %arg6[%swap3A_1871, %swap3A_1872, %swap3A_1873], %select_n3A_1868 {strides = array<i32>} : memref<16x8x224xf32, #tpu.memory_space<vmem>>, vector<16xf32>,
        %eq3A_1875 = arith.constant 1 : i32
        %eq3A_1876 = vector.broadcast %eq3A_1875 : i32 to vector<16xi32>
        %eq3A_1877 = arith.cmpi eq, %select_n3A_1860, %eq3A_1876 : vector<16xi32>
        %jit3A_1878 = arith.constant 1.000000e+00 : f32
        %jit3A_1879 = arith.constant 0.000000e+00 : f32
        %broadcast_in_dim3A_1880 = vector.broadcast %jit3A_1878 : f32 to vector<16xf32>
        %broadcast_in_dim3A_1881 = vector.broadcast %jit3A_1879 : f32 to vector<16xf32>
        %select_n3A_1882 = arith.select %eq3A_1877, %broadcast_in_dim3A_1880, %broadcast_in_dim3A_1881 : vector<16xi1>, vector<16xf32>
        %swap3A_1883 = arith.constant 1 : i32
        %swap3A_1884 = arith.constant 6 : i32
        %swap3A_1885 = arith.index_cast %swap3A_1883 : i32 to index
        %swap3A_1886 = arith.index_cast %swap3A_1884 : i32 to index
        %swap3A_1887 = arith.index_cast %mul3A_340 : i32 to index
        %swap3A_1888 = tpu.vector_load %arg6[%swap3A_1885, %swap3A_1886, %swap3A_1887] {strides = array<i32>} : memref<16x8x224xf32, #tpu.memory_space<vmem>>, vector<16xf32>,
        tpu.vector_store %arg6[%swap3A_1885, %swap3A_1886, %swap3A_1887], %select_n3A_1882 {strides = array<i32>} : memref<16x8x224xf32, #tpu.memory_space<vmem>>, vector<16xf32>,
        %eq3A_1889 = arith.constant 2 : i32
        %eq3A_1890 = vector.broadcast %eq3A_1889 : i32 to vector<16xi32>
        %eq3A_1891 = arith.cmpi eq, %select_n3A_1860, %eq3A_1890 : vector<16xi32>
        %jit3A_1892 = arith.constant 1.000000e+00 : f32
        %jit3A_1893 = arith.constant 0.000000e+00 : f32
        %broadcast_in_dim3A_1894 = vector.broadcast %jit3A_1892 : f32 to vector<16xf32>
        %broadcast_in_dim3A_1895 = vector.broadcast %jit3A_1893 : f32 to vector<16xf32>
        %select_n3A_1896 = arith.select %eq3A_1891, %broadcast_in_dim3A_1894, %broadcast_in_dim3A_1895 : vector<16xi1>, vector<16xf32>
        %swap3A_1897 = arith.constant 2 : i32
        %swap3A_1898 = arith.constant 6 : i32
        %swap3A_1899 = arith.index_cast %swap3A_1897 : i32 to index
        %swap3A_1900 = arith.index_cast %swap3A_1898 : i32 to index
        %swap3A_1901 = arith.index_cast %mul3A_340 : i32 to index
        %swap3A_1902 = tpu.vector_load %arg6[%swap3A_1899, %swap3A_1900, %swap3A_1901] {strides = array<i32>} : memref<16x8x224xf32, #tpu.memory_space<vmem>>, vector<16xf32>,
        tpu.vector_store %arg6[%swap3A_1899, %swap3A_1900, %swap3A_1901], %select_n3A_1896 {strides = array<i32>} : memref<16x8x224xf32, #tpu.memory_space<vmem>>, vector<16xf32>,
        %eq3A_1903 = arith.constant 3 : i32
        %eq3A_1904 = vector.broadcast %eq3A_1903 : i32 to vector<16xi32>
        %eq3A_1905 = arith.cmpi eq, %select_n3A_1860, %eq3A_1904 : vector<16xi32>
        %jit3A_1906 = arith.constant 1.000000e+00 : f32
        %jit3A_1907 = arith.constant 0.000000e+00 : f32
        %broadcast_in_dim3A_1908 = vector.broadcast %jit3A_1906 : f32 to vector<16xf32>
        %broadcast_in_dim3A_1909 = vector.broadcast %jit3A_1907 : f32 to vector<16xf32>
        %select_n3A_1910 = arith.select %eq3A_1905, %broadcast_in_dim3A_1908, %broadcast_in_dim3A_1909 : vector<16xi1>, vector<16xf32>
        %swap3A_1911 = arith.constant 3 : i32
        %swap3A_1912 = arith.constant 6 : i32
        %swap3A_1913 = arith.index_cast %swap3A_1911 : i32 to index
        %swap3A_1914 = arith.index_cast %swap3A_1912 : i32 to index
        %swap3A_1915 = arith.index_cast %mul3A_340 : i32 to index
        %swap3A_1916 = tpu.vector_load %arg6[%swap3A_1913, %swap3A_1914, %swap3A_1915] {strides = array<i32>} : memref<16x8x224xf32, #tpu.memory_space<vmem>>, vector<16xf32>,
        tpu.vector_store %arg6[%swap3A_1913, %swap3A_1914, %swap3A_1915], %select_n3A_1910 {strides = array<i32>} : memref<16x8x224xf32, #tpu.memory_space<vmem>>, vector<16xf32>,
        %eq3A_1917 = arith.constant 4 : i32
        %eq3A_1918 = vector.broadcast %eq3A_1917 : i32 to vector<16xi32>
        %eq3A_1919 = arith.cmpi eq, %select_n3A_1860, %eq3A_1918 : vector<16xi32>
        %jit3A_1920 = arith.constant 1.000000e+00 : f32
        %jit3A_1921 = arith.constant 0.000000e+00 : f32
        %broadcast_in_dim3A_1922 = vector.broadcast %jit3A_1920 : f32 to vector<16xf32>
        %broadcast_in_dim3A_1923 = vector.broadcast %jit3A_1921 : f32 to vector<16xf32>
        %select_n3A_1924 = arith.select %eq3A_1919, %broadcast_in_dim3A_1922, %broadcast_in_dim3A_1923 : vector<16xi1>, vector<16xf32>
        %swap3A_1925 = arith.constant 4 : i32
        %swap3A_1926 = arith.constant 6 : i32
        %swap3A_1927 = arith.index_cast %swap3A_1925 : i32 to index
        %swap3A_1928 = arith.index_cast %swap3A_1926 : i32 to index
        %swap3A_1929 = arith.index_cast %mul3A_340 : i32 to index
        %swap3A_1930 = tpu.vector_load %arg6[%swap3A_1927, %swap3A_1928, %swap3A_1929] {strides = array<i32>} : memref<16x8x224xf32, #tpu.memory_space<vmem>>, vector<16xf32>,
        tpu.vector_store %arg6[%swap3A_1927, %swap3A_1928, %swap3A_1929], %select_n3A_1924 {strides = array<i32>} : memref<16x8x224xf32, #tpu.memory_space<vmem>>, vector<16xf32>,
        %eq3A_1931 = arith.constant 5 : i32
        %eq3A_1932 = vector.broadcast %eq3A_1931 : i32 to vector<16xi32>
        %eq3A_1933 = arith.cmpi eq, %select_n3A_1860, %eq3A_1932 : vector<16xi32>
        %jit3A_1934 = arith.constant 1.000000e+00 : f32
        %jit3A_1935 = arith.constant 0.000000e+00 : f32
        %broadcast_in_dim3A_1936 = vector.broadcast %jit3A_1934 : f32 to vector<16xf32>
        %broadcast_in_dim3A_1937 = vector.broadcast %jit3A_1935 : f32 to vector<16xf32>
        %select_n3A_1938 = arith.select %eq3A_1933, %broadcast_in_dim3A_1936, %broadcast_in_dim3A_1937 : vector<16xi1>, vector<16xf32>
        %swap3A_1939 = arith.constant 5 : i32
        %swap3A_1940 = arith.constant 6 : i32
        %swap3A_1941 = arith.index_cast %swap3A_1939 : i32 to index
        %swap3A_1942 = arith.index_cast %swap3A_1940 : i32 to index
        %swap3A_1943 = arith.index_cast %mul3A_340 : i32 to index
        %swap3A_1944 = tpu.vector_load %arg6[%swap3A_1941, %swap3A_1942, %swap3A_1943] {strides = array<i32>} : memref<16x8x224xf32, #tpu.memory_space<vmem>>, vector<16xf32>,
        tpu.vector_store %arg6[%swap3A_1941, %swap3A_1942, %swap3A_1943], %select_n3A_1938 {strides = array<i32>} : memref<16x8x224xf32, #tpu.memory_space<vmem>>, vector<16xf32>,
        %eq3A_1945 = arith.constant 6 : i32
        %eq3A_1946 = vector.broadcast %eq3A_1945 : i32 to vector<16xi32>
        %eq3A_1947 = arith.cmpi eq, %select_n3A_1860, %eq3A_1946 : vector<16xi32>
        %jit3A_1948 = arith.constant 1.000000e+00 : f32
        %jit3A_1949 = arith.constant 0.000000e+00 : f32
        %broadcast_in_dim3A_1950 = vector.broadcast %jit3A_1948 : f32 to vector<16xf32>
        %broadcast_in_dim3A_1951 = vector.broadcast %jit3A_1949 : f32 to vector<16xf32>
        %select_n3A_1952 = arith.select %eq3A_1947, %broadcast_in_dim3A_1950, %broadcast_in_dim3A_1951 : vector<16xi1>, vector<16xf32>
        %swap3A_1953 = arith.constant 6 : i32
        %swap3A_1954 = arith.constant 6 : i32
        %swap3A_1955 = arith.index_cast %swap3A_1953 : i32 to index
        %swap3A_1956 = arith.index_cast %swap3A_1954 : i32 to index
        %swap3A_1957 = arith.index_cast %mul3A_340 : i32 to index
        %swap3A_1958 = tpu.vector_load %arg6[%swap3A_1955, %swap3A_1956, %swap3A_1957] {strides = array<i32>} : memref<16x8x224xf32, #tpu.memory_space<vmem>>, vector<16xf32>,
        tpu.vector_store %arg6[%swap3A_1955, %swap3A_1956, %swap3A_1957], %select_n3A_1952 {strides = array<i32>} : memref<16x8x224xf32, #tpu.memory_space<vmem>>, vector<16xf32>,
        %eq3A_1959 = arith.constant 7 : i32
        %eq3A_1960 = vector.broadcast %eq3A_1959 : i32 to vector<16xi32>
        %eq3A_1961 = arith.cmpi eq, %select_n3A_1860, %eq3A_1960 : vector<16xi32>
        %jit3A_1962 = arith.constant 1.000000e+00 : f32
        %jit3A_1963 = arith.constant 0.000000e+00 : f32
        %broadcast_in_dim3A_1964 = vector.broadcast %jit3A_1962 : f32 to vector<16xf32>
        %broadcast_in_dim3A_1965 = vector.broadcast %jit3A_1963 : f32 to vector<16xf32>
        %select_n3A_1966 = arith.select %eq3A_1961, %broadcast_in_dim3A_1964, %broadcast_in_dim3A_1965 : vector<16xi1>, vector<16xf32>
        %swap3A_1967 = arith.constant 7 : i32
        %swap3A_1968 = arith.constant 6 : i32
        %swap3A_1969 = arith.index_cast %swap3A_1967 : i32 to index
        %swap3A_1970 = arith.index_cast %swap3A_1968 : i32 to index
        %swap3A_1971 = arith.index_cast %mul3A_340 : i32 to index
        %swap3A_1972 = tpu.vector_load %arg6[%swap3A_1969, %swap3A_1970, %swap3A_1971] {strides = array<i32>} : memref<16x8x224xf32, #tpu.memory_space<vmem>>, vector<16xf32>,
        tpu.vector_store %arg6[%swap3A_1969, %swap3A_1970, %swap3A_1971], %select_n3A_1966 {strides = array<i32>} : memref<16x8x224xf32, #tpu.memory_space<vmem>>, vector<16xf32>,
        %eq3A_1973 = arith.constant 8 : i32
        %eq3A_1974 = vector.broadcast %eq3A_1973 : i32 to vector<16xi32>
        %eq3A_1975 = arith.cmpi eq, %select_n3A_1860, %eq3A_1974 : vector<16xi32>
        %jit3A_1976 = arith.constant 1.000000e+00 : f32
        %jit3A_1977 = arith.constant 0.000000e+00 : f32
        %broadcast_in_dim3A_1978 = vector.broadcast %jit3A_1976 : f32 to vector<16xf32>
        %broadcast_in_dim3A_1979 = vector.broadcast %jit3A_1977 : f32 to vector<16xf32>
        %select_n3A_1980 = arith.select %eq3A_1975, %broadcast_in_dim3A_1978, %broadcast_in_dim3A_1979 : vector<16xi1>, vector<16xf32>
        %swap3A_1981 = arith.constant 8 : i32
        %swap3A_1982 = arith.constant 6 : i32
        %swap3A_1983 = arith.index_cast %swap3A_1981 : i32 to index
        %swap3A_1984 = arith.index_cast %swap3A_1982 : i32 to index
        %swap3A_1985 = arith.index_cast %mul3A_340 : i32 to index
        %swap3A_1986 = tpu.vector_load %arg6[%swap3A_1983, %swap3A_1984, %swap3A_1985] {strides = array<i32>} : memref<16x8x224xf32, #tpu.memory_space<vmem>>, vector<16xf32>,
        tpu.vector_store %arg6[%swap3A_1983, %swap3A_1984, %swap3A_1985], %select_n3A_1980 {strides = array<i32>} : memref<16x8x224xf32, #tpu.memory_space<vmem>>, vector<16xf32>,
        %eq3A_1987 = arith.constant 9 : i32
        %eq3A_1988 = vector.broadcast %eq3A_1987 : i32 to vector<16xi32>
        %eq3A_1989 = arith.cmpi eq, %select_n3A_1860, %eq3A_1988 : vector<16xi32>
        %jit3A_1990 = arith.constant 1.000000e+00 : f32
        %jit3A_1991 = arith.constant 0.000000e+00 : f32
        %broadcast_in_dim3A_1992 = vector.broadcast %jit3A_1990 : f32 to vector<16xf32>
        %broadcast_in_dim3A_1993 = vector.broadcast %jit3A_1991 : f32 to vector<16xf32>
        %select_n3A_1994 = arith.select %eq3A_1989, %broadcast_in_dim3A_1992, %broadcast_in_dim3A_1993 : vector<16xi1>, vector<16xf32>
        %swap3A_1995 = arith.constant 9 : i32
        %swap3A_1996 = arith.constant 6 : i32
        %swap3A_1997 = arith.index_cast %swap3A_1995 : i32 to index
        %swap3A_1998 = arith.index_cast %swap3A_1996 : i32 to index
        %swap3A_1999 = arith.index_cast %mul3A_340 : i32 to index
        %swap3A_2000 = tpu.vector_load %arg6[%swap3A_1997, %swap3A_1998, %swap3A_1999] {strides = array<i32>} : memref<16x8x224xf32, #tpu.memory_space<vmem>>, vector<16xf32>,
        tpu.vector_store %arg6[%swap3A_1997, %swap3A_1998, %swap3A_1999], %select_n3A_1994 {strides = array<i32>} : memref<16x8x224xf32, #tpu.memory_space<vmem>>, vector<16xf32>,
        %eq3A_2001 = arith.constant 10 : i32
        %eq3A_2002 = vector.broadcast %eq3A_2001 : i32 to vector<16xi32>
        %eq3A_2003 = arith.cmpi eq, %select_n3A_1860, %eq3A_2002 : vector<16xi32>
        %jit3A_2004 = arith.constant 1.000000e+00 : f32
        %jit3A_2005 = arith.constant 0.000000e+00 : f32
        %broadcast_in_dim3A_2006 = vector.broadcast %jit3A_2004 : f32 to vector<16xf32>
        %broadcast_in_dim3A_2007 = vector.broadcast %jit3A_2005 : f32 to vector<16xf32>
        %select_n3A_2008 = arith.select %eq3A_2003, %broadcast_in_dim3A_2006, %broadcast_in_dim3A_2007 : vector<16xi1>, vector<16xf32>
        %swap3A_2009 = arith.constant 10 : i32
        %swap3A_2010 = arith.constant 6 : i32
        %swap3A_2011 = arith.index_cast %swap3A_2009 : i32 to index
        %swap3A_2012 = arith.index_cast %swap3A_2010 : i32 to index
        %swap3A_2013 = arith.index_cast %mul3A_340 : i32 to index
        %swap3A_2014 = tpu.vector_load %arg6[%swap3A_2011, %swap3A_2012, %swap3A_2013] {strides = array<i32>} : memref<16x8x224xf32, #tpu.memory_space<vmem>>, vector<16xf32>,
        tpu.vector_store %arg6[%swap3A_2011, %swap3A_2012, %swap3A_2013], %select_n3A_2008 {strides = array<i32>} : memref<16x8x224xf32, #tpu.memory_space<vmem>>, vector<16xf32>,
        %eq3A_2015 = arith.constant 11 : i32
        %eq3A_2016 = vector.broadcast %eq3A_2015 : i32 to vector<16xi32>
        %eq3A_2017 = arith.cmpi eq, %select_n3A_1860, %eq3A_2016 : vector<16xi32>
        %jit3A_2018 = arith.constant 1.000000e+00 : f32
        %jit3A_2019 = arith.constant 0.000000e+00 : f32
        %broadcast_in_dim3A_2020 = vector.broadcast %jit3A_2018 : f32 to vector<16xf32>
        %broadcast_in_dim3A_2021 = vector.broadcast %jit3A_2019 : f32 to vector<16xf32>
        %select_n3A_2022 = arith.select %eq3A_2017, %broadcast_in_dim3A_2020, %broadcast_in_dim3A_2021 : vector<16xi1>, vector<16xf32>
        %swap3A_2023 = arith.constant 11 : i32
        %swap3A_2024 = arith.constant 6 : i32
        %swap3A_2025 = arith.index_cast %swap3A_2023 : i32 to index
        %swap3A_2026 = arith.index_cast %swap3A_2024 : i32 to index
        %swap3A_2027 = arith.index_cast %mul3A_340 : i32 to index
        %swap3A_2028 = tpu.vector_load %arg6[%swap3A_2025, %swap3A_2026, %swap3A_2027] {strides = array<i32>} : memref<16x8x224xf32, #tpu.memory_space<vmem>>, vector<16xf32>,
        tpu.vector_store %arg6[%swap3A_2025, %swap3A_2026, %swap3A_2027], %select_n3A_2022 {strides = array<i32>} : memref<16x8x224xf32, #tpu.memory_space<vmem>>, vector<16xf32>,
        %eq3A_2029 = arith.constant 12 : i32
        %eq3A_2030 = vector.broadcast %eq3A_2029 : i32 to vector<16xi32>
        %eq3A_2031 = arith.cmpi eq, %select_n3A_1860, %eq3A_2030 : vector<16xi32>
        %jit3A_2032 = arith.constant 1.000000e+00 : f32
        %jit3A_2033 = arith.constant 0.000000e+00 : f32
        %broadcast_in_dim3A_2034 = vector.broadcast %jit3A_2032 : f32 to vector<16xf32>
        %broadcast_in_dim3A_2035 = vector.broadcast %jit3A_2033 : f32 to vector<16xf32>
        %select_n3A_2036 = arith.select %eq3A_2031, %broadcast_in_dim3A_2034, %broadcast_in_dim3A_2035 : vector<16xi1>, vector<16xf32>
        %swap3A_2037 = arith.constant 12 : i32
        %swap3A_2038 = arith.constant 6 : i32
        %swap3A_2039 = arith.index_cast %swap3A_2037 : i32 to index
        %swap3A_2040 = arith.index_cast %swap3A_2038 : i32 to index
        %swap3A_2041 = arith.index_cast %mul3A_340 : i32 to index
        %swap3A_2042 = tpu.vector_load %arg6[%swap3A_2039, %swap3A_2040, %swap3A_2041] {strides = array<i32>} : memref<16x8x224xf32, #tpu.memory_space<vmem>>, vector<16xf32>,
        tpu.vector_store %arg6[%swap3A_2039, %swap3A_2040, %swap3A_2041], %select_n3A_2036 {strides = array<i32>} : memref<16x8x224xf32, #tpu.memory_space<vmem>>, vector<16xf32>,
        %eq3A_2043 = arith.constant 13 : i32
        %eq3A_2044 = vector.broadcast %eq3A_2043 : i32 to vector<16xi32>
        %eq3A_2045 = arith.cmpi eq, %select_n3A_1860, %eq3A_2044 : vector<16xi32>
        %jit3A_2046 = arith.constant 1.000000e+00 : f32
        %jit3A_2047 = arith.constant 0.000000e+00 : f32
        %broadcast_in_dim3A_2048 = vector.broadcast %jit3A_2046 : f32 to vector<16xf32>
        %broadcast_in_dim3A_2049 = vector.broadcast %jit3A_2047 : f32 to vector<16xf32>
        %select_n3A_2050 = arith.select %eq3A_2045, %broadcast_in_dim3A_2048, %broadcast_in_dim3A_2049 : vector<16xi1>, vector<16xf32>
        %swap3A_2051 = arith.constant 13 : i32
        %swap3A_2052 = arith.constant 6 : i32
        %swap3A_2053 = arith.index_cast %swap3A_2051 : i32 to index
        %swap3A_2054 = arith.index_cast %swap3A_2052 : i32 to index
        %swap3A_2055 = arith.index_cast %mul3A_340 : i32 to index
        %swap3A_2056 = tpu.vector_load %arg6[%swap3A_2053, %swap3A_2054, %swap3A_2055] {strides = array<i32>} : memref<16x8x224xf32, #tpu.memory_space<vmem>>, vector<16xf32>,
        tpu.vector_store %arg6[%swap3A_2053, %swap3A_2054, %swap3A_2055], %select_n3A_2050 {strides = array<i32>} : memref<16x8x224xf32, #tpu.memory_space<vmem>>, vector<16xf32>,
        %eq3A_2057 = arith.constant 14 : i32
        %eq3A_2058 = vector.broadcast %eq3A_2057 : i32 to vector<16xi32>
        %eq3A_2059 = arith.cmpi eq, %select_n3A_1860, %eq3A_2058 : vector<16xi32>
        %jit3A_2060 = arith.constant 1.000000e+00 : f32
        %jit3A_2061 = arith.constant 0.000000e+00 : f32
        %broadcast_in_dim3A_2062 = vector.broadcast %jit3A_2060 : f32 to vector<16xf32>
        %broadcast_in_dim3A_2063 = vector.broadcast %jit3A_2061 : f32 to vector<16xf32>
        %select_n3A_2064 = arith.select %eq3A_2059, %broadcast_in_dim3A_2062, %broadcast_in_dim3A_2063 : vector<16xi1>, vector<16xf32>
        %swap3A_2065 = arith.constant 14 : i32
        %swap3A_2066 = arith.constant 6 : i32
        %swap3A_2067 = arith.index_cast %swap3A_2065 : i32 to index
        %swap3A_2068 = arith.index_cast %swap3A_2066 : i32 to index
        %swap3A_2069 = arith.index_cast %mul3A_340 : i32 to index
        %swap3A_2070 = tpu.vector_load %arg6[%swap3A_2067, %swap3A_2068, %swap3A_2069] {strides = array<i32>} : memref<16x8x224xf32, #tpu.memory_space<vmem>>, vector<16xf32>,
        tpu.vector_store %arg6[%swap3A_2067, %swap3A_2068, %swap3A_2069], %select_n3A_2064 {strides = array<i32>} : memref<16x8x224xf32, #tpu.memory_space<vmem>>, vector<16xf32>,
        %eq3A_2071 = arith.constant 15 : i32
        %eq3A_2072 = vector.broadcast %eq3A_2071 : i32 to vector<16xi32>
        %eq3A_2073 = arith.cmpi eq, %select_n3A_1860, %eq3A_2072 : vector<16xi32>
        %jit3A_2074 = arith.constant 1.000000e+00 : f32
        %jit3A_2075 = arith.constant 0.000000e+00 : f32
        %broadcast_in_dim3A_2076 = vector.broadcast %jit3A_2074 : f32 to vector<16xf32>
        %broadcast_in_dim3A_2077 = vector.broadcast %jit3A_2075 : f32 to vector<16xf32>
        %select_n3A_2078 = arith.select %eq3A_2073, %broadcast_in_dim3A_2076, %broadcast_in_dim3A_2077 : vector<16xi1>, vector<16xf32>
        %swap3A_2079 = arith.constant 15 : i32
        %swap3A_2080 = arith.constant 6 : i32
        %swap3A_2081 = arith.index_cast %swap3A_2079 : i32 to index
        %swap3A_2082 = arith.index_cast %swap3A_2080 : i32 to index
        %swap3A_2083 = arith.index_cast %mul3A_340 : i32 to index
        %swap3A_2084 = tpu.vector_load %arg6[%swap3A_2081, %swap3A_2082, %swap3A_2083] {strides = array<i32>} : memref<16x8x224xf32, #tpu.memory_space<vmem>>, vector<16xf32>,
        tpu.vector_store %arg6[%swap3A_2081, %swap3A_2082, %swap3A_2083], %select_n3A_2078 {strides = array<i32>} : memref<16x8x224xf32, #tpu.memory_space<vmem>>, vector<16xf32>,
        %get3A_2085 = arith.constant 7 : i32
        %get3A_2086 = arith.index_cast %get3A_2085 : i32 to index
        %get3A_2087 = arith.index_cast %mul3A_340 : i32 to index
        %get3A_2088 = tpu.vector_load %arg4[%get3A_2086, %get3A_2087] {strides = array<i32>} : memref<8x224xf32, #tpu.memory_space<vmem>>, vector<16xf32>,
        %max3A_2089 = arith.constant 0.000000e+00 : f32
        %max3A_2090 = vector.broadcast %max3A_2089 : f32 to vector<16xf32>
        %max3A_2091 = arith.maximumf %get3A_2088, %max3A_2090 : vector<16xf32>
        %min3A_2092 = arith.constant 1.000000e+00 : f32
        %min3A_2093 = vector.broadcast %min3A_2092 : f32 to vector<16xf32>
        %min3A_2094 = arith.minimumf %max3A_2091, %min3A_2093 : vector<16xf32>
        %sub3A_2095 = arith.constant 1.000000e+00 : f32
        %sub3A_2096 = vector.broadcast %sub3A_2095 : f32 to vector<16xf32>
        %sub3A_2097 = arith.subf %sub3A_2096, %min3A_2094 : vector<16xf32>
        %mul3A_2098 = arith.constant 1.500000e+01 : f32
        %mul3A_2099 = vector.broadcast %mul3A_2098 : f32 to vector<16xf32>
        %mul3A_2100 = arith.mulf %sub3A_2097, %mul3A_2099 : vector<16xf32>
        %convert_element_type3A_2101 = arith.fptosi %mul3A_2100 : vector<16xf32> to vector<16xi32>
        %min3A_2102 = arith.constant 15 : i32
        %min3A_2103 = vector.broadcast %min3A_2102 : i32 to vector<16xi32>
        %min3A_2104 = arith.minsi %convert_element_type3A_2101, %min3A_2103 : vector<16xi32>
        %gt3A_2105 = arith.constant 0.000000e+00 : f32
        %gt3A_2106 = vector.broadcast %gt3A_2105 : f32 to vector<16xf32>
        %gt3A_2107 = arith.cmpf ogt, %min3A_2094, %gt3A_2106 : vector<16xf32>
        %jit3A_2108 = arith.constant 16 : i32
        %broadcast_in_dim3A_2109 = vector.broadcast %jit3A_2108 : i32 to vector<16xi32>
        %select_n3A_2110 = arith.select %gt3A_2107, %min3A_2104, %broadcast_in_dim3A_2109 : vector<16xi1>, vector<16xi32>
        %eq3A_2111 = arith.constant 0 : i32
        %eq3A_2112 = vector.broadcast %eq3A_2111 : i32 to vector<16xi32>
        %eq3A_2113 = arith.cmpi eq, %select_n3A_2110, %eq3A_2112 : vector<16xi32>
        %jit3A_2114 = arith.constant 1.000000e+00 : f32
        %jit3A_2115 = arith.constant 0.000000e+00 : f32
        %broadcast_in_dim3A_2116 = vector.broadcast %jit3A_2114 : f32 to vector<16xf32>
        %broadcast_in_dim3A_2117 = vector.broadcast %jit3A_2115 : f32 to vector<16xf32>
        %select_n3A_2118 = arith.select %eq3A_2113, %broadcast_in_dim3A_2116, %broadcast_in_dim3A_2117 : vector<16xi1>, vector<16xf32>
        %swap3A_2119 = arith.constant 0 : i32
        %swap3A_2120 = arith.constant 7 : i32
        %swap3A_2121 = arith.index_cast %swap3A_2119 : i32 to index
        %swap3A_2122 = arith.index_cast %swap3A_2120 : i32 to index
        %swap3A_2123 = arith.index_cast %mul3A_340 : i32 to index
        %swap3A_2124 = tpu.vector_load %arg6[%swap3A_2121, %swap3A_2122, %swap3A_2123] {strides = array<i32>} : memref<16x8x224xf32, #tpu.memory_space<vmem>>, vector<16xf32>,
        tpu.vector_store %arg6[%swap3A_2121, %swap3A_2122, %swap3A_2123], %select_n3A_2118 {strides = array<i32>} : memref<16x8x224xf32, #tpu.memory_space<vmem>>, vector<16xf32>,
        %eq3A_2125 = arith.constant 1 : i32
        %eq3A_2126 = vector.broadcast %eq3A_2125 : i32 to vector<16xi32>
        %eq3A_2127 = arith.cmpi eq, %select_n3A_2110, %eq3A_2126 : vector<16xi32>
        %jit3A_2128 = arith.constant 1.000000e+00 : f32
        %jit3A_2129 = arith.constant 0.000000e+00 : f32
        %broadcast_in_dim3A_2130 = vector.broadcast %jit3A_2128 : f32 to vector<16xf32>
        %broadcast_in_dim3A_2131 = vector.broadcast %jit3A_2129 : f32 to vector<16xf32>
        %select_n3A_2132 = arith.select %eq3A_2127, %broadcast_in_dim3A_2130, %broadcast_in_dim3A_2131 : vector<16xi1>, vector<16xf32>
        %swap3A_2133 = arith.constant 1 : i32
        %swap3A_2134 = arith.constant 7 : i32
        %swap3A_2135 = arith.index_cast %swap3A_2133 : i32 to index
        %swap3A_2136 = arith.index_cast %swap3A_2134 : i32 to index
        %swap3A_2137 = arith.index_cast %mul3A_340 : i32 to index
        %swap3A_2138 = tpu.vector_load %arg6[%swap3A_2135, %swap3A_2136, %swap3A_2137] {strides = array<i32>} : memref<16x8x224xf32, #tpu.memory_space<vmem>>, vector<16xf32>,
        tpu.vector_store %arg6[%swap3A_2135, %swap3A_2136, %swap3A_2137], %select_n3A_2132 {strides = array<i32>} : memref<16x8x224xf32, #tpu.memory_space<vmem>>, vector<16xf32>,
        %eq3A_2139 = arith.constant 2 : i32
        %eq3A_2140 = vector.broadcast %eq3A_2139 : i32 to vector<16xi32>
        %eq3A_2141 = arith.cmpi eq, %select_n3A_2110, %eq3A_2140 : vector<16xi32>
        %jit3A_2142 = arith.constant 1.000000e+00 : f32
        %jit3A_2143 = arith.constant 0.000000e+00 : f32
        %broadcast_in_dim3A_2144 = vector.broadcast %jit3A_2142 : f32 to vector<16xf32>
        %broadcast_in_dim3A_2145 = vector.broadcast %jit3A_2143 : f32 to vector<16xf32>
        %select_n3A_2146 = arith.select %eq3A_2141, %broadcast_in_dim3A_2144, %broadcast_in_dim3A_2145 : vector<16xi1>, vector<16xf32>
        %swap3A_2147 = arith.constant 2 : i32
        %swap3A_2148 = arith.constant 7 : i32
        %swap3A_2149 = arith.index_cast %swap3A_2147 : i32 to index
        %swap3A_2150 = arith.index_cast %swap3A_2148 : i32 to index
        %swap3A_2151 = arith.index_cast %mul3A_340 : i32 to index
        %swap3A_2152 = tpu.vector_load %arg6[%swap3A_2149, %swap3A_2150, %swap3A_2151] {strides = array<i32>} : memref<16x8x224xf32, #tpu.memory_space<vmem>>, vector<16xf32>,
        tpu.vector_store %arg6[%swap3A_2149, %swap3A_2150, %swap3A_2151], %select_n3A_2146 {strides = array<i32>} : memref<16x8x224xf32, #tpu.memory_space<vmem>>, vector<16xf32>,
        %eq3A_2153 = arith.constant 3 : i32
        %eq3A_2154 = vector.broadcast %eq3A_2153 : i32 to vector<16xi32>
        %eq3A_2155 = arith.cmpi eq, %select_n3A_2110, %eq3A_2154 : vector<16xi32>
        %jit3A_2156 = arith.constant 1.000000e+00 : f32
        %jit3A_2157 = arith.constant 0.000000e+00 : f32
        %broadcast_in_dim3A_2158 = vector.broadcast %jit3A_2156 : f32 to vector<16xf32>
        %broadcast_in_dim3A_2159 = vector.broadcast %jit3A_2157 : f32 to vector<16xf32>
        %select_n3A_2160 = arith.select %eq3A_2155, %broadcast_in_dim3A_2158, %broadcast_in_dim3A_2159 : vector<16xi1>, vector<16xf32>
        %swap3A_2161 = arith.constant 3 : i32
        %swap3A_2162 = arith.constant 7 : i32
        %swap3A_2163 = arith.index_cast %swap3A_2161 : i32 to index
        %swap3A_2164 = arith.index_cast %swap3A_2162 : i32 to index
        %swap3A_2165 = arith.index_cast %mul3A_340 : i32 to index
        %swap3A_2166 = tpu.vector_load %arg6[%swap3A_2163, %swap3A_2164, %swap3A_2165] {strides = array<i32>} : memref<16x8x224xf32, #tpu.memory_space<vmem>>, vector<16xf32>,
        tpu.vector_store %arg6[%swap3A_2163, %swap3A_2164, %swap3A_2165], %select_n3A_2160 {strides = array<i32>} : memref<16x8x224xf32, #tpu.memory_space<vmem>>, vector<16xf32>,
        %eq3A_2167 = arith.constant 4 : i32
        %eq3A_2168 = vector.broadcast %eq3A_2167 : i32 to vector<16xi32>
        %eq3A_2169 = arith.cmpi eq, %select_n3A_2110, %eq3A_2168 : vector<16xi32>
        %jit3A_2170 = arith.constant 1.000000e+00 : f32
        %jit3A_2171 = arith.constant 0.000000e+00 : f32
        %broadcast_in_dim3A_2172 = vector.broadcast %jit3A_2170 : f32 to vector<16xf32>
        %broadcast_in_dim3A_2173 = vector.broadcast %jit3A_2171 : f32 to vector<16xf32>
        %select_n3A_2174 = arith.select %eq3A_2169, %broadcast_in_dim3A_2172, %broadcast_in_dim3A_2173 : vector<16xi1>, vector<16xf32>
        %swap3A_2175 = arith.constant 4 : i32
        %swap3A_2176 = arith.constant 7 : i32
        %swap3A_2177 = arith.index_cast %swap3A_2175 : i32 to index
        %swap3A_2178 = arith.index_cast %swap3A_2176 : i32 to index
        %swap3A_2179 = arith.index_cast %mul3A_340 : i32 to index
        %swap3A_2180 = tpu.vector_load %arg6[%swap3A_2177, %swap3A_2178, %swap3A_2179] {strides = array<i32>} : memref<16x8x224xf32, #tpu.memory_space<vmem>>, vector<16xf32>,
        tpu.vector_store %arg6[%swap3A_2177, %swap3A_2178, %swap3A_2179], %select_n3A_2174 {strides = array<i32>} : memref<16x8x224xf32, #tpu.memory_space<vmem>>, vector<16xf32>,
        %eq3A_2181 = arith.constant 5 : i32
        %eq3A_2182 = vector.broadcast %eq3A_2181 : i32 to vector<16xi32>
        %eq3A_2183 = arith.cmpi eq, %select_n3A_2110, %eq3A_2182 : vector<16xi32>
        %jit3A_2184 = arith.constant 1.000000e+00 : f32
        %jit3A_2185 = arith.constant 0.000000e+00 : f32
        %broadcast_in_dim3A_2186 = vector.broadcast %jit3A_2184 : f32 to vector<16xf32>
        %broadcast_in_dim3A_2187 = vector.broadcast %jit3A_2185 : f32 to vector<16xf32>
        %select_n3A_2188 = arith.select %eq3A_2183, %broadcast_in_dim3A_2186, %broadcast_in_dim3A_2187 : vector<16xi1>, vector<16xf32>
        %swap3A_2189 = arith.constant 5 : i32
        %swap3A_2190 = arith.constant 7 : i32
        %swap3A_2191 = arith.index_cast %swap3A_2189 : i32 to index
        %swap3A_2192 = arith.index_cast %swap3A_2190 : i32 to index
        %swap3A_2193 = arith.index_cast %mul3A_340 : i32 to index
        %swap3A_2194 = tpu.vector_load %arg6[%swap3A_2191, %swap3A_2192, %swap3A_2193] {strides = array<i32>} : memref<16x8x224xf32, #tpu.memory_space<vmem>>, vector<16xf32>,
        tpu.vector_store %arg6[%swap3A_2191, %swap3A_2192, %swap3A_2193], %select_n3A_2188 {strides = array<i32>} : memref<16x8x224xf32, #tpu.memory_space<vmem>>, vector<16xf32>,
        %eq3A_2195 = arith.constant 6 : i32
        %eq3A_2196 = vector.broadcast %eq3A_2195 : i32 to vector<16xi32>
        %eq3A_2197 = arith.cmpi eq, %select_n3A_2110, %eq3A_2196 : vector<16xi32>
        %jit3A_2198 = arith.constant 1.000000e+00 : f32
        %jit3A_2199 = arith.constant 0.000000e+00 : f32
        %broadcast_in_dim3A_2200 = vector.broadcast %jit3A_2198 : f32 to vector<16xf32>
        %broadcast_in_dim3A_2201 = vector.broadcast %jit3A_2199 : f32 to vector<16xf32>
        %select_n3A_2202 = arith.select %eq3A_2197, %broadcast_in_dim3A_2200, %broadcast_in_dim3A_2201 : vector<16xi1>, vector<16xf32>
        %swap3A_2203 = arith.constant 6 : i32
        %swap3A_2204 = arith.constant 7 : i32
        %swap3A_2205 = arith.index_cast %swap3A_2203 : i32 to index
        %swap3A_2206 = arith.index_cast %swap3A_2204 : i32 to index
        %swap3A_2207 = arith.index_cast %mul3A_340 : i32 to index
        %swap3A_2208 = tpu.vector_load %arg6[%swap3A_2205, %swap3A_2206, %swap3A_2207] {strides = array<i32>} : memref<16x8x224xf32, #tpu.memory_space<vmem>>, vector<16xf32>,
        tpu.vector_store %arg6[%swap3A_2205, %swap3A_2206, %swap3A_2207], %select_n3A_2202 {strides = array<i32>} : memref<16x8x224xf32, #tpu.memory_space<vmem>>, vector<16xf32>,
        %eq3A_2209 = arith.constant 7 : i32
        %eq3A_2210 = vector.broadcast %eq3A_2209 : i32 to vector<16xi32>
        %eq3A_2211 = arith.cmpi eq, %select_n3A_2110, %eq3A_2210 : vector<16xi32>
        %jit3A_2212 = arith.constant 1.000000e+00 : f32
        %jit3A_2213 = arith.constant 0.000000e+00 : f32
        %broadcast_in_dim3A_2214 = vector.broadcast %jit3A_2212 : f32 to vector<16xf32>
        %broadcast_in_dim3A_2215 = vector.broadcast %jit3A_2213 : f32 to vector<16xf32>
        %select_n3A_2216 = arith.select %eq3A_2211, %broadcast_in_dim3A_2214, %broadcast_in_dim3A_2215 : vector<16xi1>, vector<16xf32>
        %swap3A_2217 = arith.constant 7 : i32
        %swap3A_2218 = arith.constant 7 : i32
        %swap3A_2219 = arith.index_cast %swap3A_2217 : i32 to index
        %swap3A_2220 = arith.index_cast %swap3A_2218 : i32 to index
        %swap3A_2221 = arith.index_cast %mul3A_340 : i32 to index
        %swap3A_2222 = tpu.vector_load %arg6[%swap3A_2219, %swap3A_2220, %swap3A_2221] {strides = array<i32>} : memref<16x8x224xf32, #tpu.memory_space<vmem>>, vector<16xf32>,
        tpu.vector_store %arg6[%swap3A_2219, %swap3A_2220, %swap3A_2221], %select_n3A_2216 {strides = array<i32>} : memref<16x8x224xf32, #tpu.memory_space<vmem>>, vector<16xf32>,
        %eq3A_2223 = arith.constant 8 : i32
        %eq3A_2224 = vector.broadcast %eq3A_2223 : i32 to vector<16xi32>
        %eq3A_2225 = arith.cmpi eq, %select_n3A_2110, %eq3A_2224 : vector<16xi32>
        %jit3A_2226 = arith.constant 1.000000e+00 : f32
        %jit3A_2227 = arith.constant 0.000000e+00 : f32
        %broadcast_in_dim3A_2228 = vector.broadcast %jit3A_2226 : f32 to vector<16xf32>
        %broadcast_in_dim3A_2229 = vector.broadcast %jit3A_2227 : f32 to vector<16xf32>
        %select_n3A_2230 = arith.select %eq3A_2225, %broadcast_in_dim3A_2228, %broadcast_in_dim3A_2229 : vector<16xi1>, vector<16xf32>
        %swap3A_2231 = arith.constant 8 : i32
        %swap3A_2232 = arith.constant 7 : i32
        %swap3A_2233 = arith.index_cast %swap3A_2231 : i32 to index
        %swap3A_2234 = arith.index_cast %swap3A_2232 : i32 to index
        %swap3A_2235 = arith.index_cast %mul3A_340 : i32 to index
        %swap3A_2236 = tpu.vector_load %arg6[%swap3A_2233, %swap3A_2234, %swap3A_2235] {strides = array<i32>} : memref<16x8x224xf32, #tpu.memory_space<vmem>>, vector<16xf32>,
        tpu.vector_store %arg6[%swap3A_2233, %swap3A_2234, %swap3A_2235], %select_n3A_2230 {strides = array<i32>} : memref<16x8x224xf32, #tpu.memory_space<vmem>>, vector<16xf32>,
        %eq3A_2237 = arith.constant 9 : i32
        %eq3A_2238 = vector.broadcast %eq3A_2237 : i32 to vector<16xi32>
        %eq3A_2239 = arith.cmpi eq, %select_n3A_2110, %eq3A_2238 : vector<16xi32>
        %jit3A_2240 = arith.constant 1.000000e+00 : f32
        %jit3A_2241 = arith.constant 0.000000e+00 : f32
        %broadcast_in_dim3A_2242 = vector.broadcast %jit3A_2240 : f32 to vector<16xf32>
        %broadcast_in_dim3A_2243 = vector.broadcast %jit3A_2241 : f32 to vector<16xf32>
        %select_n3A_2244 = arith.select %eq3A_2239, %broadcast_in_dim3A_2242, %broadcast_in_dim3A_2243 : vector<16xi1>, vector<16xf32>
        %swap3A_2245 = arith.constant 9 : i32
        %swap3A_2246 = arith.constant 7 : i32
        %swap3A_2247 = arith.index_cast %swap3A_2245 : i32 to index
        %swap3A_2248 = arith.index_cast %swap3A_2246 : i32 to index
        %swap3A_2249 = arith.index_cast %mul3A_340 : i32 to index
        %swap3A_2250 = tpu.vector_load %arg6[%swap3A_2247, %swap3A_2248, %swap3A_2249] {strides = array<i32>} : memref<16x8x224xf32, #tpu.memory_space<vmem>>, vector<16xf32>,
        tpu.vector_store %arg6[%swap3A_2247, %swap3A_2248, %swap3A_2249], %select_n3A_2244 {strides = array<i32>} : memref<16x8x224xf32, #tpu.memory_space<vmem>>, vector<16xf32>,
        %eq3A_2251 = arith.constant 10 : i32
        %eq3A_2252 = vector.broadcast %eq3A_2251 : i32 to vector<16xi32>
        %eq3A_2253 = arith.cmpi eq, %select_n3A_2110, %eq3A_2252 : vector<16xi32>
        %jit3A_2254 = arith.constant 1.000000e+00 : f32
        %jit3A_2255 = arith.constant 0.000000e+00 : f32
        %broadcast_in_dim3A_2256 = vector.broadcast %jit3A_2254 : f32 to vector<16xf32>
        %broadcast_in_dim3A_2257 = vector.broadcast %jit3A_2255 : f32 to vector<16xf32>
        %select_n3A_2258 = arith.select %eq3A_2253, %broadcast_in_dim3A_2256, %broadcast_in_dim3A_2257 : vector<16xi1>, vector<16xf32>
        %swap3A_2259 = arith.constant 10 : i32
        %swap3A_2260 = arith.constant 7 : i32
        %swap3A_2261 = arith.index_cast %swap3A_2259 : i32 to index
        %swap3A_2262 = arith.index_cast %swap3A_2260 : i32 to index
        %swap3A_2263 = arith.index_cast %mul3A_340 : i32 to index
        %swap3A_2264 = tpu.vector_load %arg6[%swap3A_2261, %swap3A_2262, %swap3A_2263] {strides = array<i32>} : memref<16x8x224xf32, #tpu.memory_space<vmem>>, vector<16xf32>,
        tpu.vector_store %arg6[%swap3A_2261, %swap3A_2262, %swap3A_2263], %select_n3A_2258 {strides = array<i32>} : memref<16x8x224xf32, #tpu.memory_space<vmem>>, vector<16xf32>,
        %eq3A_2265 = arith.constant 11 : i32
        %eq3A_2266 = vector.broadcast %eq3A_2265 : i32 to vector<16xi32>
        %eq3A_2267 = arith.cmpi eq, %select_n3A_2110, %eq3A_2266 : vector<16xi32>
        %jit3A_2268 = arith.constant 1.000000e+00 : f32
        %jit3A_2269 = arith.constant 0.000000e+00 : f32
        %broadcast_in_dim3A_2270 = vector.broadcast %jit3A_2268 : f32 to vector<16xf32>
        %broadcast_in_dim3A_2271 = vector.broadcast %jit3A_2269 : f32 to vector<16xf32>
        %select_n3A_2272 = arith.select %eq3A_2267, %broadcast_in_dim3A_2270, %broadcast_in_dim3A_2271 : vector<16xi1>, vector<16xf32>
        %swap3A_2273 = arith.constant 11 : i32
        %swap3A_2274 = arith.constant 7 : i32
        %swap3A_2275 = arith.index_cast %swap3A_2273 : i32 to index
        %swap3A_2276 = arith.index_cast %swap3A_2274 : i32 to index
        %swap3A_2277 = arith.index_cast %mul3A_340 : i32 to index
        %swap3A_2278 = tpu.vector_load %arg6[%swap3A_2275, %swap3A_2276, %swap3A_2277] {strides = array<i32>} : memref<16x8x224xf32, #tpu.memory_space<vmem>>, vector<16xf32>,
        tpu.vector_store %arg6[%swap3A_2275, %swap3A_2276, %swap3A_2277], %select_n3A_2272 {strides = array<i32>} : memref<16x8x224xf32, #tpu.memory_space<vmem>>, vector<16xf32>,
        %eq3A_2279 = arith.constant 12 : i32
        %eq3A_2280 = vector.broadcast %eq3A_2279 : i32 to vector<16xi32>
        %eq3A_2281 = arith.cmpi eq, %select_n3A_2110, %eq3A_2280 : vector<16xi32>
        %jit3A_2282 = arith.constant 1.000000e+00 : f32
        %jit3A_2283 = arith.constant 0.000000e+00 : f32
        %broadcast_in_dim3A_2284 = vector.broadcast %jit3A_2282 : f32 to vector<16xf32>
        %broadcast_in_dim3A_2285 = vector.broadcast %jit3A_2283 : f32 to vector<16xf32>
        %select_n3A_2286 = arith.select %eq3A_2281, %broadcast_in_dim3A_2284, %broadcast_in_dim3A_2285 : vector<16xi1>, vector<16xf32>
        %swap3A_2287 = arith.constant 12 : i32
        %swap3A_2288 = arith.constant 7 : i32
        %swap3A_2289 = arith.index_cast %swap3A_2287 : i32 to index
        %swap3A_2290 = arith.index_cast %swap3A_2288 : i32 to index
        %swap3A_2291 = arith.index_cast %mul3A_340 : i32 to index
        %swap3A_2292 = tpu.vector_load %arg6[%swap3A_2289, %swap3A_2290, %swap3A_2291] {strides = array<i32>} : memref<16x8x224xf32, #tpu.memory_space<vmem>>, vector<16xf32>,
        tpu.vector_store %arg6[%swap3A_2289, %swap3A_2290, %swap3A_2291], %select_n3A_2286 {strides = array<i32>} : memref<16x8x224xf32, #tpu.memory_space<vmem>>, vector<16xf32>,
        %eq3A_2293 = arith.constant 13 : i32
        %eq3A_2294 = vector.broadcast %eq3A_2293 : i32 to vector<16xi32>
        %eq3A_2295 = arith.cmpi eq, %select_n3A_2110, %eq3A_2294 : vector<16xi32>
        %jit3A_2296 = arith.constant 1.000000e+00 : f32
        %jit3A_2297 = arith.constant 0.000000e+00 : f32
        %broadcast_in_dim3A_2298 = vector.broadcast %jit3A_2296 : f32 to vector<16xf32>
        %broadcast_in_dim3A_2299 = vector.broadcast %jit3A_2297 : f32 to vector<16xf32>
        %select_n3A_2300 = arith.select %eq3A_2295, %broadcast_in_dim3A_2298, %broadcast_in_dim3A_2299 : vector<16xi1>, vector<16xf32>
        %swap3A_2301 = arith.constant 13 : i32
        %swap3A_2302 = arith.constant 7 : i32
        %swap3A_2303 = arith.index_cast %swap3A_2301 : i32 to index
        %swap3A_2304 = arith.index_cast %swap3A_2302 : i32 to index
        %swap3A_2305 = arith.index_cast %mul3A_340 : i32 to index
        %swap3A_2306 = tpu.vector_load %arg6[%swap3A_2303, %swap3A_2304, %swap3A_2305] {strides = array<i32>} : memref<16x8x224xf32, #tpu.memory_space<vmem>>, vector<16xf32>,
        tpu.vector_store %arg6[%swap3A_2303, %swap3A_2304, %swap3A_2305], %select_n3A_2300 {strides = array<i32>} : memref<16x8x224xf32, #tpu.memory_space<vmem>>, vector<16xf32>,
        %eq3A_2307 = arith.constant 14 : i32
        %eq3A_2308 = vector.broadcast %eq3A_2307 : i32 to vector<16xi32>
        %eq3A_2309 = arith.cmpi eq, %select_n3A_2110, %eq3A_2308 : vector<16xi32>
        %jit3A_2310 = arith.constant 1.000000e+00 : f32
        %jit3A_2311 = arith.constant 0.000000e+00 : f32
        %broadcast_in_dim3A_2312 = vector.broadcast %jit3A_2310 : f32 to vector<16xf32>
        %broadcast_in_dim3A_2313 = vector.broadcast %jit3A_2311 : f32 to vector<16xf32>
        %select_n3A_2314 = arith.select %eq3A_2309, %broadcast_in_dim3A_2312, %broadcast_in_dim3A_2313 : vector<16xi1>, vector<16xf32>
        %swap3A_2315 = arith.constant 14 : i32
        %swap3A_2316 = arith.constant 7 : i32
        %swap3A_2317 = arith.index_cast %swap3A_2315 : i32 to index
        %swap3A_2318 = arith.index_cast %swap3A_2316 : i32 to index
        %swap3A_2319 = arith.index_cast %mul3A_340 : i32 to index
        %swap3A_2320 = tpu.vector_load %arg6[%swap3A_2317, %swap3A_2318, %swap3A_2319] {strides = array<i32>} : memref<16x8x224xf32, #tpu.memory_space<vmem>>, vector<16xf32>,
        tpu.vector_store %arg6[%swap3A_2317, %swap3A_2318, %swap3A_2319], %select_n3A_2314 {strides = array<i32>} : memref<16x8x224xf32, #tpu.memory_space<vmem>>, vector<16xf32>,
        %eq3A_2321 = arith.constant 15 : i32
        %eq3A_2322 = vector.broadcast %eq3A_2321 : i32 to vector<16xi32>
        %eq3A_2323 = arith.cmpi eq, %select_n3A_2110, %eq3A_2322 : vector<16xi32>
        %jit3A_2324 = arith.constant 1.000000e+00 : f32
        %jit3A_2325 = arith.constant 0.000000e+00 : f32
        %broadcast_in_dim3A_2326 = vector.broadcast %jit3A_2324 : f32 to vector<16xf32>
        %broadcast_in_dim3A_2327 = vector.broadcast %jit3A_2325 : f32 to vector<16xf32>
        %select_n3A_2328 = arith.select %eq3A_2323, %broadcast_in_dim3A_2326, %broadcast_in_dim3A_2327 : vector<16xi1>, vector<16xf32>
        %swap3A_2329 = arith.constant 15 : i32
        %swap3A_2330 = arith.constant 7 : i32
        %swap3A_2331 = arith.index_cast %swap3A_2329 : i32 to index
        %swap3A_2332 = arith.index_cast %swap3A_2330 : i32 to index
        %swap3A_2333 = arith.index_cast %mul3A_340 : i32 to index
        %swap3A_2334 = tpu.vector_load %arg6[%swap3A_2331, %swap3A_2332, %swap3A_2333] {strides = array<i32>} : memref<16x8x224xf32, #tpu.memory_space<vmem>>, vector<16xf32>,
        tpu.vector_store %arg6[%swap3A_2331, %swap3A_2332, %swap3A_2333], %select_n3A_2328 {strides = array<i32>} : memref<16x8x224xf32, #tpu.memory_space<vmem>>, vector<16xf32>,
      }
      %scan3A_169 = arith.constant 14 : i32
      %jit3A_170 = arith.constant 84 : i32
      %div3A_171 = arith.divsi %add3A_151, %jit3A_170 : i32
      %sign3A_172 = arith.constant 0 : i32
      %sign3A_173 = arith.cmpi sgt, %add3A_151, %sign3A_172 : i32
      %sign3A_174 = arith.extui %sign3A_173 : i1 to i32
      %sign3A_175 = arith.constant 0 : i32
      %sign3A_176 = arith.cmpi slt, %add3A_151, %sign3A_175 : i32
      %sign3A_177 = arith.extui %sign3A_176 : i1 to i32
      %sign3A_178 = arith.subi %sign3A_174, %sign3A_177 : i32
      %sign3A_179 = arith.constant 0 : i32
      %sign3A_180 = arith.cmpi sgt, %jit3A_170, %sign3A_179 : i32
      %sign3A_181 = arith.extui %sign3A_180 : i1 to i32
      %sign3A_182 = arith.constant 0 : i32
      %sign3A_183 = arith.cmpi slt, %jit3A_170, %sign3A_182 : i32
      %sign3A_184 = arith.extui %sign3A_183 : i1 to i32
      %sign3A_185 = arith.subi %sign3A_181, %sign3A_184 : i32
      %ne3A_186 = arith.cmpi ne, %sign3A_178, %sign3A_185 : i32
      %rem3A_187 = arith.remsi %add3A_151, %jit3A_170 : i32
      %ne3A_188 = arith.constant 0 : i32
      %ne3A_189 = arith.cmpi ne, %rem3A_187, %ne3A_188 : i32
      %and3A_190 = arith.andi %ne3A_186, %ne3A_189 : i1
      %sub3A_191 = arith.constant 1 : i32
      %sub3A_192 = arith.subi %div3A_171, %sub3A_191 : i32
      %select_n3A_193 = arith.select %and3A_190, %sub3A_192, %div3A_171 : i32
      %mul3A_194 = arith.constant 84 : i32
      %mul3A_195 = arith.muli %select_n3A_193, %mul3A_194 : i32
      %sub3A_196 = arith.subi %add3A_151, %mul3A_195 : i32
      %jit3A_197 = arith.constant 28 : i32
      %div3A_198 = arith.divsi %sub3A_196, %jit3A_197 : i32
      %sign3A_199 = arith.constant 0 : i32
      %sign3A_200 = arith.cmpi sgt, %sub3A_196, %sign3A_199 : i32
      %sign3A_201 = arith.extui %sign3A_200 : i1 to i32
      %sign3A_202 = arith.constant 0 : i32
      %sign3A_203 = arith.cmpi slt, %sub3A_196, %sign3A_202 : i32
      %sign3A_204 = arith.extui %sign3A_203 : i1 to i32
      %sign3A_205 = arith.subi %sign3A_201, %sign3A_204 : i32
      %sign3A_206 = arith.constant 0 : i32
      %sign3A_207 = arith.cmpi sgt, %jit3A_197, %sign3A_206 : i32
      %sign3A_208 = arith.extui %sign3A_207 : i1 to i32
      %sign3A_209 = arith.constant 0 : i32
      %sign3A_210 = arith.cmpi slt, %jit3A_197, %sign3A_209 : i32
      %sign3A_211 = arith.extui %sign3A_210 : i1 to i32
      %sign3A_212 = arith.subi %sign3A_208, %sign3A_211 : i32
      %ne3A_213 = arith.cmpi ne, %sign3A_205, %sign3A_212 : i32
      %rem3A_214 = arith.remsi %sub3A_196, %jit3A_197 : i32
      %ne3A_215 = arith.constant 0 : i32
      %ne3A_216 = arith.cmpi ne, %rem3A_214, %ne3A_215 : i32
      %and3A_217 = arith.andi %ne3A_213, %ne3A_216 : i1
      %sub3A_218 = arith.constant 1 : i32
      %sub3A_219 = arith.subi %div3A_198, %sub3A_218 : i32
      %select_n3A_220 = arith.select %and3A_217, %sub3A_219, %div3A_198 : i32
      %mul3A_221 = arith.constant 28 : i32
      %mul3A_222 = arith.muli %select_n3A_220, %mul3A_221 : i32
      %sub3A_223 = arith.subi %sub3A_196, %mul3A_222 : i32
      %mul3A_224 = arith.constant 8 : i32
      %mul3A_225 = arith.muli %sub3A_223, %mul3A_224 : i32
      %dma_start3A_226 = arith.constant 0 : i32
      %dma_start3A_227 = arith.constant 0 : i32
      %dma_start3A_228 = tpu.memref_slice %arg3[%select_n3A_193, %dma_start3A_226, %select_n3A_220, %mul3A_225, %dma_start3A_227] : memref<16x16x3x224x224xf32, #tpu.memory_space<hbm>> -> memref<1x16x1x8x224xf32, #tpu.memory_space<hbm>>
      %dma_start3A_229 = tpu.memref_squeeze %dma_start3A_228 : memref<1x16x1x8x224xf32, #tpu.memory_space<hbm>> -> memref<16x8x224xf32, #tpu.memory_space<hbm>>
      %dma_start3A_230 = arith.constant 0 : i32
      %dma_start3A_231 = arith.constant 0 : i32
      %dma_start3A_232 = tpu.memref_slice %arg3[%select_n3A_193, %dma_start3A_230, %select_n3A_220, %mul3A_225, %dma_start3A_231] : memref<16x16x3x224x224xf32, #tpu.memory_space<hbm>> -> memref<1x16x1x8x224xf32, #tpu.memory_space<hbm>>
      %dma_start3A_233 = tpu.memref_squeeze %dma_start3A_232 : memref<1x16x1x8x224xf32, #tpu.memory_space<hbm>> -> memref<16x8x224xf32, #tpu.memory_space<hbm>>
      tpu.enqueue_dma source(%arg6 : memref<16x8x224xf32, #tpu.memory_space<vmem>>) target(%dma_start3A_233 : memref<16x8x224xf32, #tpu.memory_space<hbm>>) target_semaphore(%arg10 : memref<!tpu.dma_semaphore, #tpu.memory_space<semaphore_mem>>)
      %mul3A_234 = arith.constant 2 : i32
      %mul3A_235 = arith.muli %mul3A_234, %scan3A_148 : i32
      %add3A_236 = arith.constant 2 : i32
      %add3A_237 = arith.addi %mul3A_235, %add3A_236 : i32
      %lt3A = arith.constant 42 : i32
      %lt3A_238 = arith.cmpi slt, %add3A_237, %lt3A : i32
      %convert_element_type3A_239 = arith.extui %lt3A_238 : i1 to i32
      %cond3A_240 = arith.constant 0 : i32
      %cond3A_241 = arith.cmpi ne, %convert_element_type3A_239, %cond3A_240 : i32
      scf.if %cond3A_241 {
        %add3A_338 = arith.constant 2 : i32
        %add3A_339 = arith.addi %add3A_151, %add3A_338 : i32
        %jit3A_340 = arith.constant 84 : i32
        %div3A_341 = arith.divsi %add3A_339, %jit3A_340 : i32
        %sign3A_342 = arith.constant 0 : i32
        %sign3A_343 = arith.cmpi sgt, %add3A_339, %sign3A_342 : i32
        %sign3A_344 = arith.extui %sign3A_343 : i1 to i32
        %sign3A_345 = arith.constant 0 : i32
        %sign3A_346 = arith.cmpi slt, %add3A_339, %sign3A_345 : i32
        %sign3A_347 = arith.extui %sign3A_346 : i1 to i32
        %sign3A_348 = arith.subi %sign3A_344, %sign3A_347 : i32
        %sign3A_349 = arith.constant 0 : i32
        %sign3A_350 = arith.cmpi sgt, %jit3A_340, %sign3A_349 : i32
        %sign3A_351 = arith.extui %sign3A_350 : i1 to i32
        %sign3A_352 = arith.constant 0 : i32
        %sign3A_353 = arith.cmpi slt, %jit3A_340, %sign3A_352 : i32
        %sign3A_354 = arith.extui %sign3A_353 : i1 to i32
        %sign3A_355 = arith.subi %sign3A_351, %sign3A_354 : i32
        %ne3A_356 = arith.cmpi ne, %sign3A_348, %sign3A_355 : i32
        %rem3A_357 = arith.remsi %add3A_339, %jit3A_340 : i32
        %ne3A_358 = arith.constant 0 : i32
        %ne3A_359 = arith.cmpi ne, %rem3A_357, %ne3A_358 : i32
        %and3A_360 = arith.andi %ne3A_356, %ne3A_359 : i1
        %sub3A_361 = arith.constant 1 : i32
        %sub3A_362 = arith.subi %div3A_341, %sub3A_361 : i32
        %select_n3A_363 = arith.select %and3A_360, %sub3A_362, %div3A_341 : i32
        %mul3A_364 = arith.constant 84 : i32
        %mul3A_365 = arith.muli %select_n3A_363, %mul3A_364 : i32
        %sub3A_366 = arith.subi %add3A_339, %mul3A_365 : i32
        %jit3A_367 = arith.constant 28 : i32
        %div3A_368 = arith.divsi %sub3A_366, %jit3A_367 : i32
        %sign3A_369 = arith.constant 0 : i32
        %sign3A_370 = arith.cmpi sgt, %sub3A_366, %sign3A_369 : i32
        %sign3A_371 = arith.extui %sign3A_370 : i1 to i32
        %sign3A_372 = arith.constant 0 : i32
        %sign3A_373 = arith.cmpi slt, %sub3A_366, %sign3A_372 : i32
        %sign3A_374 = arith.extui %sign3A_373 : i1 to i32
        %sign3A_375 = arith.subi %sign3A_371, %sign3A_374 : i32
        %sign3A_376 = arith.constant 0 : i32
        %sign3A_377 = arith.cmpi sgt, %jit3A_367, %sign3A_376 : i32
        %sign3A_378 = arith.extui %sign3A_377 : i1 to i32
        %sign3A_379 = arith.constant 0 : i32
        %sign3A_380 = arith.cmpi slt, %jit3A_367, %sign3A_379 : i32
        %sign3A_381 = arith.extui %sign3A_380 : i1 to i32
        %sign3A_382 = arith.subi %sign3A_378, %sign3A_381 : i32
        %ne3A_383 = arith.cmpi ne, %sign3A_375, %sign3A_382 : i32
        %rem3A_384 = arith.remsi %sub3A_366, %jit3A_367 : i32
        %ne3A_385 = arith.constant 0 : i32
        %ne3A_386 = arith.cmpi ne, %rem3A_384, %ne3A_385 : i32
        %and3A_387 = arith.andi %ne3A_383, %ne3A_386 : i1
        %sub3A_388 = arith.constant 1 : i32
        %sub3A_389 = arith.subi %div3A_368, %sub3A_388 : i32
        %select_n3A_390 = arith.select %and3A_387, %sub3A_389, %div3A_368 : i32
        %mul3A_391 = arith.constant 28 : i32
        %mul3A_392 = arith.muli %select_n3A_390, %mul3A_391 : i32
        %sub3A_393 = arith.subi %sub3A_366, %mul3A_392 : i32
        %mul3A_394 = arith.constant 8 : i32
        %mul3A_395 = arith.muli %sub3A_393, %mul3A_394 : i32
        %dma_start3A_396 = arith.constant 0 : i32
        %dma_start3A_397 = tpu.memref_slice %arg2[%select_n3A_363, %select_n3A_390, %mul3A_395, %dma_start3A_396] : memref<16x3x224x224xf32, #tpu.memory_space<hbm>> -> memref<1x1x8x224xf32, #tpu.memory_space<hbm>>
        %dma_start3A_398 = tpu.memref_squeeze %dma_start3A_397 : memref<1x1x8x224xf32, #tpu.memory_space<hbm>> -> memref<8x224xf32, #tpu.memory_space<hbm>>
        %dma_start3A_399 = arith.constant 0 : i32
        %dma_start3A_400 = tpu.memref_slice %arg2[%select_n3A_363, %select_n3A_390, %mul3A_395, %dma_start3A_399] : memref<16x3x224x224xf32, #tpu.memory_space<hbm>> -> memref<1x1x8x224xf32, #tpu.memory_space<hbm>>
        %dma_start3A_401 = tpu.memref_squeeze %dma_start3A_400 : memref<1x1x8x224xf32, #tpu.memory_space<hbm>> -> memref<8x224xf32, #tpu.memory_space<hbm>>
        tpu.enqueue_dma source(%dma_start3A_401 : memref<8x224xf32, #tpu.memory_space<hbm>>) target(%arg4 : memref<8x224xf32, #tpu.memory_space<vmem>>) target_semaphore(%arg8 : memref<!tpu.dma_semaphore, #tpu.memory_space<semaphore_mem>>)
      } else {
      }
      %dma_wait3A_242 = arith.constant 0 : i32
      %dma_wait3A_243 = arith.constant 0 : i32
      %dma_wait3A_244 = arith.constant 0 : i32
      %dma_wait3A_245 = arith.constant 0 : i32
      %dma_wait3A_246 = tpu.memref_slice %arg2[%dma_wait3A_242, %dma_wait3A_243, %dma_wait3A_244, %dma_wait3A_245] : memref<16x3x224x224xf32, #tpu.memory_space<hbm>> -> memref<1x1x8x224xf32, #tpu.memory_space<hbm>>
      %dma_wait3A_247 = tpu.memref_squeeze %dma_wait3A_246 : memref<1x1x8x224xf32, #tpu.memory_space<hbm>> -> memref<8x224xf32, #tpu.memory_space<hbm>>
      %dma_wait3A_248 = arith.constant 0 : i32
      %dma_wait3A_249 = arith.constant 0 : i32
      %dma_wait3A_250 = tpu.memref_slice %arg2[%dma_wait3A_242, %dma_wait3A_243, %dma_wait3A_248, %dma_wait3A_249] : memref<16x3x224x224xf32, #tpu.memory_space<hbm>> -> memref<1x1x8x224xf32, #tpu.memory_space<hbm>>
      %dma_wait3A_251 = tpu.memref_squeeze %dma_wait3A_250 : memref<1x1x8x224xf32, #tpu.memory_space<hbm>> -> memref<8x224xf32, #tpu.memory_space<hbm>>
      tpu.wait_dma2 semaphore(%arg9 : memref<!tpu.dma_semaphore, #tpu.memory_space<semaphore_mem>>) src(%dma_wait3A_251 : memref<8x224xf32, #tpu.memory_space<hbm>>) dst(%arg5 : memref<8x224xf32, #tpu.memory_space<vmem>>)
      %gt3A_252 = arith.constant 0 : i32
      %gt3A_253 = arith.cmpi sgt, %scan3A_148, %gt3A_252 : i32
      %convert_element_type3A_254 = arith.extui %gt3A_253 : i1 to i32
      %cond3A_255 = arith.constant 0 : i32
      %cond3A_256 = arith.cmpi ne, %convert_element_type3A_254, %cond3A_255 : i32
      scf.if %cond3A_256 {
        %dma_wait3A_338 = arith.constant 0 : i32
        %dma_wait3A_339 = arith.constant 0 : i32
        %dma_wait3A_340 = arith.constant 0 : i32
        %dma_wait3A_341 = arith.constant 0 : i32
        %dma_wait3A_342 = arith.constant 0 : i32
        %dma_wait3A_343 = tpu.memref_slice %arg3[%dma_wait3A_338, %dma_wait3A_340, %dma_wait3A_339, %dma_wait3A_341, %dma_wait3A_342] : memref<16x16x3x224x224xf32, #tpu.memory_space<hbm>> -> memref<1x16x1x8x224xf32, #tpu.memory_space<hbm>>
        %dma_wait3A_344 = tpu.memref_squeeze %dma_wait3A_343 : memref<1x16x1x8x224xf32, #tpu.memory_space<hbm>> -> memref<16x8x224xf32, #tpu.memory_space<hbm>>
        %dma_wait3A_345 = arith.constant 0 : i32
        %dma_wait3A_346 = arith.constant 0 : i32
        %dma_wait3A_347 = arith.constant 0 : i32
        %dma_wait3A_348 = tpu.memref_slice %arg3[%dma_wait3A_338, %dma_wait3A_345, %dma_wait3A_339, %dma_wait3A_346, %dma_wait3A_347] : memref<16x16x3x224x224xf32, #tpu.memory_space<hbm>> -> memref<1x16x1x8x224xf32, #tpu.memory_space<hbm>>
        %dma_wait3A_349 = tpu.memref_squeeze %dma_wait3A_348 : memref<1x16x1x8x224xf32, #tpu.memory_space<hbm>> -> memref<16x8x224xf32, #tpu.memory_space<hbm>>
        tpu.wait_dma2 semaphore(%arg11 : memref<!tpu.dma_semaphore, #tpu.memory_space<semaphore_mem>>) src(%arg7 : memref<16x8x224xf32, #tpu.memory_space<vmem>>) dst(%dma_wait3A_349 : memref<16x8x224xf32, #tpu.memory_space<hbm>>)
      } else {
      }
      %scan3A_257 = arith.constant 0 : i32
      %scan3A_258 = arith.constant 0 : i32
      %scan3A_259 = arith.constant 14 : i32
      %scan3A_260 = arith.addi %scan3A_258, %scan3A_259 : i32
      %scan3A_261 = arith.constant 1 : i32
      scf.for %scan3A_338 = %scan3A_258 to %scan3A_260 step %scan3A_261  : i32 {
        %mul3A_339 = arith.constant 16 : i32
        %mul3A_340 = arith.muli %scan3A_338, %mul3A_339 : i32
        %get3A = arith.constant 0 : i32
        %get3A_341 = arith.index_cast %get3A : i32 to index
        %get3A_342 = arith.index_cast %mul3A_340 : i32 to index
        %get3A_343 = tpu.vector_load %arg5[%get3A_341, %get3A_342] {strides = array<i32>} : memref<8x224xf32, #tpu.memory_space<vmem>>, vector<16xf32>,
        %max3A = arith.constant 0.000000e+00 : f32
        %max3A_344 = vector.broadcast %max3A : f32 to vector<16xf32>
        %max3A_345 = arith.maximumf %get3A_343, %max3A_344 : vector<16xf32>
        %min3A = arith.constant 1.000000e+00 : f32
        %min3A_346 = vector.broadcast %min3A : f32 to vector<16xf32>
        %min3A_347 = arith.minimumf %max3A_345, %min3A_346 : vector<16xf32>
        %sub3A_348 = arith.constant 1.000000e+00 : f32
        %sub3A_349 = vector.broadcast %sub3A_348 : f32 to vector<16xf32>
        %sub3A_350 = arith.subf %sub3A_349, %min3A_347 : vector<16xf32>
        %mul3A_351 = arith.constant 1.500000e+01 : f32
        %mul3A_352 = vector.broadcast %mul3A_351 : f32 to vector<16xf32>
        %mul3A_353 = arith.mulf %sub3A_350, %mul3A_352 : vector<16xf32>
        %convert_element_type3A_354 = arith.fptosi %mul3A_353 : vector<16xf32> to vector<16xi32>
        %min3A_355 = arith.constant 15 : i32
        %min3A_356 = vector.broadcast %min3A_355 : i32 to vector<16xi32>
        %min3A_357 = arith.minsi %convert_element_type3A_354, %min3A_356 : vector<16xi32>
        %gt3A_358 = arith.constant 0.000000e+00 : f32
        %gt3A_359 = vector.broadcast %gt3A_358 : f32 to vector<16xf32>
        %gt3A_360 = arith.cmpf ogt, %min3A_347, %gt3A_359 : vector<16xf32>
        %jit3A_361 = arith.constant 16 : i32
        %broadcast_in_dim3A = vector.broadcast %jit3A_361 : i32 to vector<16xi32>
        %select_n3A_362 = arith.select %gt3A_360, %min3A_357, %broadcast_in_dim3A : vector<16xi1>, vector<16xi32>
        %eq3A = arith.constant 0 : i32
        %eq3A_363 = vector.broadcast %eq3A : i32 to vector<16xi32>
        %eq3A_364 = arith.cmpi eq, %select_n3A_362, %eq3A_363 : vector<16xi32>
        %jit3A_365 = arith.constant 1.000000e+00 : f32
        %jit3A_366 = arith.constant 0.000000e+00 : f32
        %broadcast_in_dim3A_367 = vector.broadcast %jit3A_365 : f32 to vector<16xf32>
        %broadcast_in_dim3A_368 = vector.broadcast %jit3A_366 : f32 to vector<16xf32>
        %select_n3A_369 = arith.select %eq3A_364, %broadcast_in_dim3A_367, %broadcast_in_dim3A_368 : vector<16xi1>, vector<16xf32>
        %swap3A = arith.constant 0 : i32
        %swap3A_370 = arith.constant 0 : i32
        %swap3A_371 = arith.index_cast %swap3A : i32 to index
        %swap3A_372 = arith.index_cast %swap3A_370 : i32 to index
        %swap3A_373 = arith.index_cast %mul3A_340 : i32 to index
        %swap3A_374 = tpu.vector_load %arg7[%swap3A_371, %swap3A_372, %swap3A_373] {strides = array<i32>} : memref<16x8x224xf32, #tpu.memory_space<vmem>>, vector<16xf32>,
        tpu.vector_store %arg7[%swap3A_371, %swap3A_372, %swap3A_373], %select_n3A_369 {strides = array<i32>} : memref<16x8x224xf32, #tpu.memory_space<vmem>>, vector<16xf32>,
        %eq3A_375 = arith.constant 1 : i32
        %eq3A_376 = vector.broadcast %eq3A_375 : i32 to vector<16xi32>
        %eq3A_377 = arith.cmpi eq, %select_n3A_362, %eq3A_376 : vector<16xi32>
        %jit3A_378 = arith.constant 1.000000e+00 : f32
        %jit3A_379 = arith.constant 0.000000e+00 : f32
        %broadcast_in_dim3A_380 = vector.broadcast %jit3A_378 : f32 to vector<16xf32>
        %broadcast_in_dim3A_381 = vector.broadcast %jit3A_379 : f32 to vector<16xf32>
        %select_n3A_382 = arith.select %eq3A_377, %broadcast_in_dim3A_380, %broadcast_in_dim3A_381 : vector<16xi1>, vector<16xf32>
        %swap3A_383 = arith.constant 1 : i32
        %swap3A_384 = arith.constant 0 : i32
        %swap3A_385 = arith.index_cast %swap3A_383 : i32 to index
        %swap3A_386 = arith.index_cast %swap3A_384 : i32 to index
        %swap3A_387 = arith.index_cast %mul3A_340 : i32 to index
        %swap3A_388 = tpu.vector_load %arg7[%swap3A_385, %swap3A_386, %swap3A_387] {strides = array<i32>} : memref<16x8x224xf32, #tpu.memory_space<vmem>>, vector<16xf32>,
        tpu.vector_store %arg7[%swap3A_385, %swap3A_386, %swap3A_387], %select_n3A_382 {strides = array<i32>} : memref<16x8x224xf32, #tpu.memory_space<vmem>>, vector<16xf32>,
        %eq3A_389 = arith.constant 2 : i32
        %eq3A_390 = vector.broadcast %eq3A_389 : i32 to vector<16xi32>
        %eq3A_391 = arith.cmpi eq, %select_n3A_362, %eq3A_390 : vector<16xi32>
        %jit3A_392 = arith.constant 1.000000e+00 : f32
        %jit3A_393 = arith.constant 0.000000e+00 : f32
        %broadcast_in_dim3A_394 = vector.broadcast %jit3A_392 : f32 to vector<16xf32>
        %broadcast_in_dim3A_395 = vector.broadcast %jit3A_393 : f32 to vector<16xf32>
        %select_n3A_396 = arith.select %eq3A_391, %broadcast_in_dim3A_394, %broadcast_in_dim3A_395 : vector<16xi1>, vector<16xf32>
        %swap3A_397 = arith.constant 2 : i32
        %swap3A_398 = arith.constant 0 : i32
        %swap3A_399 = arith.index_cast %swap3A_397 : i32 to index
        %swap3A_400 = arith.index_cast %swap3A_398 : i32 to index
        %swap3A_401 = arith.index_cast %mul3A_340 : i32 to index
        %swap3A_402 = tpu.vector_load %arg7[%swap3A_399, %swap3A_400, %swap3A_401] {strides = array<i32>} : memref<16x8x224xf32, #tpu.memory_space<vmem>>, vector<16xf32>,
        tpu.vector_store %arg7[%swap3A_399, %swap3A_400, %swap3A_401], %select_n3A_396 {strides = array<i32>} : memref<16x8x224xf32, #tpu.memory_space<vmem>>, vector<16xf32>,
        %eq3A_403 = arith.constant 3 : i32
        %eq3A_404 = vector.broadcast %eq3A_403 : i32 to vector<16xi32>
        %eq3A_405 = arith.cmpi eq, %select_n3A_362, %eq3A_404 : vector<16xi32>
        %jit3A_406 = arith.constant 1.000000e+00 : f32
        %jit3A_407 = arith.constant 0.000000e+00 : f32
        %broadcast_in_dim3A_408 = vector.broadcast %jit3A_406 : f32 to vector<16xf32>
        %broadcast_in_dim3A_409 = vector.broadcast %jit3A_407 : f32 to vector<16xf32>
        %select_n3A_410 = arith.select %eq3A_405, %broadcast_in_dim3A_408, %broadcast_in_dim3A_409 : vector<16xi1>, vector<16xf32>
        %swap3A_411 = arith.constant 3 : i32
        %swap3A_412 = arith.constant 0 : i32
        %swap3A_413 = arith.index_cast %swap3A_411 : i32 to index
        %swap3A_414 = arith.index_cast %swap3A_412 : i32 to index
        %swap3A_415 = arith.index_cast %mul3A_340 : i32 to index
        %swap3A_416 = tpu.vector_load %arg7[%swap3A_413, %swap3A_414, %swap3A_415] {strides = array<i32>} : memref<16x8x224xf32, #tpu.memory_space<vmem>>, vector<16xf32>,
        tpu.vector_store %arg7[%swap3A_413, %swap3A_414, %swap3A_415], %select_n3A_410 {strides = array<i32>} : memref<16x8x224xf32, #tpu.memory_space<vmem>>, vector<16xf32>,
        %eq3A_417 = arith.constant 4 : i32
        %eq3A_418 = vector.broadcast %eq3A_417 : i32 to vector<16xi32>
        %eq3A_419 = arith.cmpi eq, %select_n3A_362, %eq3A_418 : vector<16xi32>
        %jit3A_420 = arith.constant 1.000000e+00 : f32
        %jit3A_421 = arith.constant 0.000000e+00 : f32
        %broadcast_in_dim3A_422 = vector.broadcast %jit3A_420 : f32 to vector<16xf32>
        %broadcast_in_dim3A_423 = vector.broadcast %jit3A_421 : f32 to vector<16xf32>
        %select_n3A_424 = arith.select %eq3A_419, %broadcast_in_dim3A_422, %broadcast_in_dim3A_423 : vector<16xi1>, vector<16xf32>
        %swap3A_425 = arith.constant 4 : i32
        %swap3A_426 = arith.constant 0 : i32
        %swap3A_427 = arith.index_cast %swap3A_425 : i32 to index
        %swap3A_428 = arith.index_cast %swap3A_426 : i32 to index
        %swap3A_429 = arith.index_cast %mul3A_340 : i32 to index
        %swap3A_430 = tpu.vector_load %arg7[%swap3A_427, %swap3A_428, %swap3A_429] {strides = array<i32>} : memref<16x8x224xf32, #tpu.memory_space<vmem>>, vector<16xf32>,
        tpu.vector_store %arg7[%swap3A_427, %swap3A_428, %swap3A_429], %select_n3A_424 {strides = array<i32>} : memref<16x8x224xf32, #tpu.memory_space<vmem>>, vector<16xf32>,
        %eq3A_431 = arith.constant 5 : i32
        %eq3A_432 = vector.broadcast %eq3A_431 : i32 to vector<16xi32>
        %eq3A_433 = arith.cmpi eq, %select_n3A_362, %eq3A_432 : vector<16xi32>
        %jit3A_434 = arith.constant 1.000000e+00 : f32
        %jit3A_435 = arith.constant 0.000000e+00 : f32
        %broadcast_in_dim3A_436 = vector.broadcast %jit3A_434 : f32 to vector<16xf32>
        %broadcast_in_dim3A_437 = vector.broadcast %jit3A_435 : f32 to vector<16xf32>
        %select_n3A_438 = arith.select %eq3A_433, %broadcast_in_dim3A_436, %broadcast_in_dim3A_437 : vector<16xi1>, vector<16xf32>
        %swap3A_439 = arith.constant 5 : i32
        %swap3A_440 = arith.constant 0 : i32
        %swap3A_441 = arith.index_cast %swap3A_439 : i32 to index
        %swap3A_442 = arith.index_cast %swap3A_440 : i32 to index
        %swap3A_443 = arith.index_cast %mul3A_340 : i32 to index
        %swap3A_444 = tpu.vector_load %arg7[%swap3A_441, %swap3A_442, %swap3A_443] {strides = array<i32>} : memref<16x8x224xf32, #tpu.memory_space<vmem>>, vector<16xf32>,
        tpu.vector_store %arg7[%swap3A_441, %swap3A_442, %swap3A_443], %select_n3A_438 {strides = array<i32>} : memref<16x8x224xf32, #tpu.memory_space<vmem>>, vector<16xf32>,
        %eq3A_445 = arith.constant 6 : i32
        %eq3A_446 = vector.broadcast %eq3A_445 : i32 to vector<16xi32>
        %eq3A_447 = arith.cmpi eq, %select_n3A_362, %eq3A_446 : vector<16xi32>
        %jit3A_448 = arith.constant 1.000000e+00 : f32
        %jit3A_449 = arith.constant 0.000000e+00 : f32
        %broadcast_in_dim3A_450 = vector.broadcast %jit3A_448 : f32 to vector<16xf32>
        %broadcast_in_dim3A_451 = vector.broadcast %jit3A_449 : f32 to vector<16xf32>
        %select_n3A_452 = arith.select %eq3A_447, %broadcast_in_dim3A_450, %broadcast_in_dim3A_451 : vector<16xi1>, vector<16xf32>
        %swap3A_453 = arith.constant 6 : i32
        %swap3A_454 = arith.constant 0 : i32
        %swap3A_455 = arith.index_cast %swap3A_453 : i32 to index
        %swap3A_456 = arith.index_cast %swap3A_454 : i32 to index
        %swap3A_457 = arith.index_cast %mul3A_340 : i32 to index
        %swap3A_458 = tpu.vector_load %arg7[%swap3A_455, %swap3A_456, %swap3A_457] {strides = array<i32>} : memref<16x8x224xf32, #tpu.memory_space<vmem>>, vector<16xf32>,
        tpu.vector_store %arg7[%swap3A_455, %swap3A_456, %swap3A_457], %select_n3A_452 {strides = array<i32>} : memref<16x8x224xf32, #tpu.memory_space<vmem>>, vector<16xf32>,
        %eq3A_459 = arith.constant 7 : i32
        %eq3A_460 = vector.broadcast %eq3A_459 : i32 to vector<16xi32>
        %eq3A_461 = arith.cmpi eq, %select_n3A_362, %eq3A_460 : vector<16xi32>
        %jit3A_462 = arith.constant 1.000000e+00 : f32
        %jit3A_463 = arith.constant 0.000000e+00 : f32
        %broadcast_in_dim3A_464 = vector.broadcast %jit3A_462 : f32 to vector<16xf32>
        %broadcast_in_dim3A_465 = vector.broadcast %jit3A_463 : f32 to vector<16xf32>
        %select_n3A_466 = arith.select %eq3A_461, %broadcast_in_dim3A_464, %broadcast_in_dim3A_465 : vector<16xi1>, vector<16xf32>
        %swap3A_467 = arith.constant 7 : i32
        %swap3A_468 = arith.constant 0 : i32
        %swap3A_469 = arith.index_cast %swap3A_467 : i32 to index
        %swap3A_470 = arith.index_cast %swap3A_468 : i32 to index
        %swap3A_471 = arith.index_cast %mul3A_340 : i32 to index
        %swap3A_472 = tpu.vector_load %arg7[%swap3A_469, %swap3A_470, %swap3A_471] {strides = array<i32>} : memref<16x8x224xf32, #tpu.memory_space<vmem>>, vector<16xf32>,
        tpu.vector_store %arg7[%swap3A_469, %swap3A_470, %swap3A_471], %select_n3A_466 {strides = array<i32>} : memref<16x8x224xf32, #tpu.memory_space<vmem>>, vector<16xf32>,
        %eq3A_473 = arith.constant 8 : i32
        %eq3A_474 = vector.broadcast %eq3A_473 : i32 to vector<16xi32>
        %eq3A_475 = arith.cmpi eq, %select_n3A_362, %eq3A_474 : vector<16xi32>
        %jit3A_476 = arith.constant 1.000000e+00 : f32
        %jit3A_477 = arith.constant 0.000000e+00 : f32
        %broadcast_in_dim3A_478 = vector.broadcast %jit3A_476 : f32 to vector<16xf32>
        %broadcast_in_dim3A_479 = vector.broadcast %jit3A_477 : f32 to vector<16xf32>
        %select_n3A_480 = arith.select %eq3A_475, %broadcast_in_dim3A_478, %broadcast_in_dim3A_479 : vector<16xi1>, vector<16xf32>
        %swap3A_481 = arith.constant 8 : i32
        %swap3A_482 = arith.constant 0 : i32
        %swap3A_483 = arith.index_cast %swap3A_481 : i32 to index
        %swap3A_484 = arith.index_cast %swap3A_482 : i32 to index
        %swap3A_485 = arith.index_cast %mul3A_340 : i32 to index
        %swap3A_486 = tpu.vector_load %arg7[%swap3A_483, %swap3A_484, %swap3A_485] {strides = array<i32>} : memref<16x8x224xf32, #tpu.memory_space<vmem>>, vector<16xf32>,
        tpu.vector_store %arg7[%swap3A_483, %swap3A_484, %swap3A_485], %select_n3A_480 {strides = array<i32>} : memref<16x8x224xf32, #tpu.memory_space<vmem>>, vector<16xf32>,
        %eq3A_487 = arith.constant 9 : i32
        %eq3A_488 = vector.broadcast %eq3A_487 : i32 to vector<16xi32>
        %eq3A_489 = arith.cmpi eq, %select_n3A_362, %eq3A_488 : vector<16xi32>
        %jit3A_490 = arith.constant 1.000000e+00 : f32
        %jit3A_491 = arith.constant 0.000000e+00 : f32
        %broadcast_in_dim3A_492 = vector.broadcast %jit3A_490 : f32 to vector<16xf32>
        %broadcast_in_dim3A_493 = vector.broadcast %jit3A_491 : f32 to vector<16xf32>
        %select_n3A_494 = arith.select %eq3A_489, %broadcast_in_dim3A_492, %broadcast_in_dim3A_493 : vector<16xi1>, vector<16xf32>
        %swap3A_495 = arith.constant 9 : i32
        %swap3A_496 = arith.constant 0 : i32
        %swap3A_497 = arith.index_cast %swap3A_495 : i32 to index
        %swap3A_498 = arith.index_cast %swap3A_496 : i32 to index
        %swap3A_499 = arith.index_cast %mul3A_340 : i32 to index
        %swap3A_500 = tpu.vector_load %arg7[%swap3A_497, %swap3A_498, %swap3A_499] {strides = array<i32>} : memref<16x8x224xf32, #tpu.memory_space<vmem>>, vector<16xf32>,
        tpu.vector_store %arg7[%swap3A_497, %swap3A_498, %swap3A_499], %select_n3A_494 {strides = array<i32>} : memref<16x8x224xf32, #tpu.memory_space<vmem>>, vector<16xf32>,
        %eq3A_501 = arith.constant 10 : i32
        %eq3A_502 = vector.broadcast %eq3A_501 : i32 to vector<16xi32>
        %eq3A_503 = arith.cmpi eq, %select_n3A_362, %eq3A_502 : vector<16xi32>
        %jit3A_504 = arith.constant 1.000000e+00 : f32
        %jit3A_505 = arith.constant 0.000000e+00 : f32
        %broadcast_in_dim3A_506 = vector.broadcast %jit3A_504 : f32 to vector<16xf32>
        %broadcast_in_dim3A_507 = vector.broadcast %jit3A_505 : f32 to vector<16xf32>
        %select_n3A_508 = arith.select %eq3A_503, %broadcast_in_dim3A_506, %broadcast_in_dim3A_507 : vector<16xi1>, vector<16xf32>
        %swap3A_509 = arith.constant 10 : i32
        %swap3A_510 = arith.constant 0 : i32
        %swap3A_511 = arith.index_cast %swap3A_509 : i32 to index
        %swap3A_512 = arith.index_cast %swap3A_510 : i32 to index
        %swap3A_513 = arith.index_cast %mul3A_340 : i32 to index
        %swap3A_514 = tpu.vector_load %arg7[%swap3A_511, %swap3A_512, %swap3A_513] {strides = array<i32>} : memref<16x8x224xf32, #tpu.memory_space<vmem>>, vector<16xf32>,
        tpu.vector_store %arg7[%swap3A_511, %swap3A_512, %swap3A_513], %select_n3A_508 {strides = array<i32>} : memref<16x8x224xf32, #tpu.memory_space<vmem>>, vector<16xf32>,
        %eq3A_515 = arith.constant 11 : i32
        %eq3A_516 = vector.broadcast %eq3A_515 : i32 to vector<16xi32>
        %eq3A_517 = arith.cmpi eq, %select_n3A_362, %eq3A_516 : vector<16xi32>
        %jit3A_518 = arith.constant 1.000000e+00 : f32
        %jit3A_519 = arith.constant 0.000000e+00 : f32
        %broadcast_in_dim3A_520 = vector.broadcast %jit3A_518 : f32 to vector<16xf32>
        %broadcast_in_dim3A_521 = vector.broadcast %jit3A_519 : f32 to vector<16xf32>
        %select_n3A_522 = arith.select %eq3A_517, %broadcast_in_dim3A_520, %broadcast_in_dim3A_521 : vector<16xi1>, vector<16xf32>
        %swap3A_523 = arith.constant 11 : i32
        %swap3A_524 = arith.constant 0 : i32
        %swap3A_525 = arith.index_cast %swap3A_523 : i32 to index
        %swap3A_526 = arith.index_cast %swap3A_524 : i32 to index
        %swap3A_527 = arith.index_cast %mul3A_340 : i32 to index
        %swap3A_528 = tpu.vector_load %arg7[%swap3A_525, %swap3A_526, %swap3A_527] {strides = array<i32>} : memref<16x8x224xf32, #tpu.memory_space<vmem>>, vector<16xf32>,
        tpu.vector_store %arg7[%swap3A_525, %swap3A_526, %swap3A_527], %select_n3A_522 {strides = array<i32>} : memref<16x8x224xf32, #tpu.memory_space<vmem>>, vector<16xf32>,
        %eq3A_529 = arith.constant 12 : i32
        %eq3A_530 = vector.broadcast %eq3A_529 : i32 to vector<16xi32>
        %eq3A_531 = arith.cmpi eq, %select_n3A_362, %eq3A_530 : vector<16xi32>
        %jit3A_532 = arith.constant 1.000000e+00 : f32
        %jit3A_533 = arith.constant 0.000000e+00 : f32
        %broadcast_in_dim3A_534 = vector.broadcast %jit3A_532 : f32 to vector<16xf32>
        %broadcast_in_dim3A_535 = vector.broadcast %jit3A_533 : f32 to vector<16xf32>
        %select_n3A_536 = arith.select %eq3A_531, %broadcast_in_dim3A_534, %broadcast_in_dim3A_535 : vector<16xi1>, vector<16xf32>
        %swap3A_537 = arith.constant 12 : i32
        %swap3A_538 = arith.constant 0 : i32
        %swap3A_539 = arith.index_cast %swap3A_537 : i32 to index
        %swap3A_540 = arith.index_cast %swap3A_538 : i32 to index
        %swap3A_541 = arith.index_cast %mul3A_340 : i32 to index
        %swap3A_542 = tpu.vector_load %arg7[%swap3A_539, %swap3A_540, %swap3A_541] {strides = array<i32>} : memref<16x8x224xf32, #tpu.memory_space<vmem>>, vector<16xf32>,
        tpu.vector_store %arg7[%swap3A_539, %swap3A_540, %swap3A_541], %select_n3A_536 {strides = array<i32>} : memref<16x8x224xf32, #tpu.memory_space<vmem>>, vector<16xf32>,
        %eq3A_543 = arith.constant 13 : i32
        %eq3A_544 = vector.broadcast %eq3A_543 : i32 to vector<16xi32>
        %eq3A_545 = arith.cmpi eq, %select_n3A_362, %eq3A_544 : vector<16xi32>
        %jit3A_546 = arith.constant 1.000000e+00 : f32
        %jit3A_547 = arith.constant 0.000000e+00 : f32
        %broadcast_in_dim3A_548 = vector.broadcast %jit3A_546 : f32 to vector<16xf32>
        %broadcast_in_dim3A_549 = vector.broadcast %jit3A_547 : f32 to vector<16xf32>
        %select_n3A_550 = arith.select %eq3A_545, %broadcast_in_dim3A_548, %broadcast_in_dim3A_549 : vector<16xi1>, vector<16xf32>
        %swap3A_551 = arith.constant 13 : i32
        %swap3A_552 = arith.constant 0 : i32
        %swap3A_553 = arith.index_cast %swap3A_551 : i32 to index
        %swap3A_554 = arith.index_cast %swap3A_552 : i32 to index
        %swap3A_555 = arith.index_cast %mul3A_340 : i32 to index
        %swap3A_556 = tpu.vector_load %arg7[%swap3A_553, %swap3A_554, %swap3A_555] {strides = array<i32>} : memref<16x8x224xf32, #tpu.memory_space<vmem>>, vector<16xf32>,
        tpu.vector_store %arg7[%swap3A_553, %swap3A_554, %swap3A_555], %select_n3A_550 {strides = array<i32>} : memref<16x8x224xf32, #tpu.memory_space<vmem>>, vector<16xf32>,
        %eq3A_557 = arith.constant 14 : i32
        %eq3A_558 = vector.broadcast %eq3A_557 : i32 to vector<16xi32>
        %eq3A_559 = arith.cmpi eq, %select_n3A_362, %eq3A_558 : vector<16xi32>
        %jit3A_560 = arith.constant 1.000000e+00 : f32
        %jit3A_561 = arith.constant 0.000000e+00 : f32
        %broadcast_in_dim3A_562 = vector.broadcast %jit3A_560 : f32 to vector<16xf32>
        %broadcast_in_dim3A_563 = vector.broadcast %jit3A_561 : f32 to vector<16xf32>
        %select_n3A_564 = arith.select %eq3A_559, %broadcast_in_dim3A_562, %broadcast_in_dim3A_563 : vector<16xi1>, vector<16xf32>
        %swap3A_565 = arith.constant 14 : i32
        %swap3A_566 = arith.constant 0 : i32
        %swap3A_567 = arith.index_cast %swap3A_565 : i32 to index
        %swap3A_568 = arith.index_cast %swap3A_566 : i32 to index
        %swap3A_569 = arith.index_cast %mul3A_340 : i32 to index
        %swap3A_570 = tpu.vector_load %arg7[%swap3A_567, %swap3A_568, %swap3A_569] {strides = array<i32>} : memref<16x8x224xf32, #tpu.memory_space<vmem>>, vector<16xf32>,
        tpu.vector_store %arg7[%swap3A_567, %swap3A_568, %swap3A_569], %select_n3A_564 {strides = array<i32>} : memref<16x8x224xf32, #tpu.memory_space<vmem>>, vector<16xf32>,
        %eq3A_571 = arith.constant 15 : i32
        %eq3A_572 = vector.broadcast %eq3A_571 : i32 to vector<16xi32>
        %eq3A_573 = arith.cmpi eq, %select_n3A_362, %eq3A_572 : vector<16xi32>
        %jit3A_574 = arith.constant 1.000000e+00 : f32
        %jit3A_575 = arith.constant 0.000000e+00 : f32
        %broadcast_in_dim3A_576 = vector.broadcast %jit3A_574 : f32 to vector<16xf32>
        %broadcast_in_dim3A_577 = vector.broadcast %jit3A_575 : f32 to vector<16xf32>
        %select_n3A_578 = arith.select %eq3A_573, %broadcast_in_dim3A_576, %broadcast_in_dim3A_577 : vector<16xi1>, vector<16xf32>
        %swap3A_579 = arith.constant 15 : i32
        %swap3A_580 = arith.constant 0 : i32
        %swap3A_581 = arith.index_cast %swap3A_579 : i32 to index
        %swap3A_582 = arith.index_cast %swap3A_580 : i32 to index
        %swap3A_583 = arith.index_cast %mul3A_340 : i32 to index
        %swap3A_584 = tpu.vector_load %arg7[%swap3A_581, %swap3A_582, %swap3A_583] {strides = array<i32>} : memref<16x8x224xf32, #tpu.memory_space<vmem>>, vector<16xf32>,
        tpu.vector_store %arg7[%swap3A_581, %swap3A_582, %swap3A_583], %select_n3A_578 {strides = array<i32>} : memref<16x8x224xf32, #tpu.memory_space<vmem>>, vector<16xf32>,
        %get3A_585 = arith.constant 1 : i32
        %get3A_586 = arith.index_cast %get3A_585 : i32 to index
        %get3A_587 = arith.index_cast %mul3A_340 : i32 to index
        %get3A_588 = tpu.vector_load %arg5[%get3A_586, %get3A_587] {strides = array<i32>} : memref<8x224xf32, #tpu.memory_space<vmem>>, vector<16xf32>,
        %max3A_589 = arith.constant 0.000000e+00 : f32
        %max3A_590 = vector.broadcast %max3A_589 : f32 to vector<16xf32>
        %max3A_591 = arith.maximumf %get3A_588, %max3A_590 : vector<16xf32>
        %min3A_592 = arith.constant 1.000000e+00 : f32
        %min3A_593 = vector.broadcast %min3A_592 : f32 to vector<16xf32>
        %min3A_594 = arith.minimumf %max3A_591, %min3A_593 : vector<16xf32>
        %sub3A_595 = arith.constant 1.000000e+00 : f32
        %sub3A_596 = vector.broadcast %sub3A_595 : f32 to vector<16xf32>
        %sub3A_597 = arith.subf %sub3A_596, %min3A_594 : vector<16xf32>
        %mul3A_598 = arith.constant 1.500000e+01 : f32
        %mul3A_599 = vector.broadcast %mul3A_598 : f32 to vector<16xf32>
        %mul3A_600 = arith.mulf %sub3A_597, %mul3A_599 : vector<16xf32>
        %convert_element_type3A_601 = arith.fptosi %mul3A_600 : vector<16xf32> to vector<16xi32>
        %min3A_602 = arith.constant 15 : i32
        %min3A_603 = vector.broadcast %min3A_602 : i32 to vector<16xi32>
        %min3A_604 = arith.minsi %convert_element_type3A_601, %min3A_603 : vector<16xi32>
        %gt3A_605 = arith.constant 0.000000e+00 : f32
        %gt3A_606 = vector.broadcast %gt3A_605 : f32 to vector<16xf32>
        %gt3A_607 = arith.cmpf ogt, %min3A_594, %gt3A_606 : vector<16xf32>
        %jit3A_608 = arith.constant 16 : i32
        %broadcast_in_dim3A_609 = vector.broadcast %jit3A_608 : i32 to vector<16xi32>
        %select_n3A_610 = arith.select %gt3A_607, %min3A_604, %broadcast_in_dim3A_609 : vector<16xi1>, vector<16xi32>
        %eq3A_611 = arith.constant 0 : i32
        %eq3A_612 = vector.broadcast %eq3A_611 : i32 to vector<16xi32>
        %eq3A_613 = arith.cmpi eq, %select_n3A_610, %eq3A_612 : vector<16xi32>
        %jit3A_614 = arith.constant 1.000000e+00 : f32
        %jit3A_615 = arith.constant 0.000000e+00 : f32
        %broadcast_in_dim3A_616 = vector.broadcast %jit3A_614 : f32 to vector<16xf32>
        %broadcast_in_dim3A_617 = vector.broadcast %jit3A_615 : f32 to vector<16xf32>
        %select_n3A_618 = arith.select %eq3A_613, %broadcast_in_dim3A_616, %broadcast_in_dim3A_617 : vector<16xi1>, vector<16xf32>
        %swap3A_619 = arith.constant 0 : i32
        %swap3A_620 = arith.constant 1 : i32
        %swap3A_621 = arith.index_cast %swap3A_619 : i32 to index
        %swap3A_622 = arith.index_cast %swap3A_620 : i32 to index
        %swap3A_623 = arith.index_cast %mul3A_340 : i32 to index
        %swap3A_624 = tpu.vector_load %arg7[%swap3A_621, %swap3A_622, %swap3A_623] {strides = array<i32>} : memref<16x8x224xf32, #tpu.memory_space<vmem>>, vector<16xf32>,
        tpu.vector_store %arg7[%swap3A_621, %swap3A_622, %swap3A_623], %select_n3A_618 {strides = array<i32>} : memref<16x8x224xf32, #tpu.memory_space<vmem>>, vector<16xf32>,
        %eq3A_625 = arith.constant 1 : i32
        %eq3A_626 = vector.broadcast %eq3A_625 : i32 to vector<16xi32>
        %eq3A_627 = arith.cmpi eq, %select_n3A_610, %eq3A_626 : vector<16xi32>
        %jit3A_628 = arith.constant 1.000000e+00 : f32
        %jit3A_629 = arith.constant 0.000000e+00 : f32
        %broadcast_in_dim3A_630 = vector.broadcast %jit3A_628 : f32 to vector<16xf32>
        %broadcast_in_dim3A_631 = vector.broadcast %jit3A_629 : f32 to vector<16xf32>
        %select_n3A_632 = arith.select %eq3A_627, %broadcast_in_dim3A_630, %broadcast_in_dim3A_631 : vector<16xi1>, vector<16xf32>
        %swap3A_633 = arith.constant 1 : i32
        %swap3A_634 = arith.constant 1 : i32
        %swap3A_635 = arith.index_cast %swap3A_633 : i32 to index
        %swap3A_636 = arith.index_cast %swap3A_634 : i32 to index
        %swap3A_637 = arith.index_cast %mul3A_340 : i32 to index
        %swap3A_638 = tpu.vector_load %arg7[%swap3A_635, %swap3A_636, %swap3A_637] {strides = array<i32>} : memref<16x8x224xf32, #tpu.memory_space<vmem>>, vector<16xf32>,
        tpu.vector_store %arg7[%swap3A_635, %swap3A_636, %swap3A_637], %select_n3A_632 {strides = array<i32>} : memref<16x8x224xf32, #tpu.memory_space<vmem>>, vector<16xf32>,
        %eq3A_639 = arith.constant 2 : i32
        %eq3A_640 = vector.broadcast %eq3A_639 : i32 to vector<16xi32>
        %eq3A_641 = arith.cmpi eq, %select_n3A_610, %eq3A_640 : vector<16xi32>
        %jit3A_642 = arith.constant 1.000000e+00 : f32
        %jit3A_643 = arith.constant 0.000000e+00 : f32
        %broadcast_in_dim3A_644 = vector.broadcast %jit3A_642 : f32 to vector<16xf32>
        %broadcast_in_dim3A_645 = vector.broadcast %jit3A_643 : f32 to vector<16xf32>
        %select_n3A_646 = arith.select %eq3A_641, %broadcast_in_dim3A_644, %broadcast_in_dim3A_645 : vector<16xi1>, vector<16xf32>
        %swap3A_647 = arith.constant 2 : i32
        %swap3A_648 = arith.constant 1 : i32
        %swap3A_649 = arith.index_cast %swap3A_647 : i32 to index
        %swap3A_650 = arith.index_cast %swap3A_648 : i32 to index
        %swap3A_651 = arith.index_cast %mul3A_340 : i32 to index
        %swap3A_652 = tpu.vector_load %arg7[%swap3A_649, %swap3A_650, %swap3A_651] {strides = array<i32>} : memref<16x8x224xf32, #tpu.memory_space<vmem>>, vector<16xf32>,
        tpu.vector_store %arg7[%swap3A_649, %swap3A_650, %swap3A_651], %select_n3A_646 {strides = array<i32>} : memref<16x8x224xf32, #tpu.memory_space<vmem>>, vector<16xf32>,
        %eq3A_653 = arith.constant 3 : i32
        %eq3A_654 = vector.broadcast %eq3A_653 : i32 to vector<16xi32>
        %eq3A_655 = arith.cmpi eq, %select_n3A_610, %eq3A_654 : vector<16xi32>
        %jit3A_656 = arith.constant 1.000000e+00 : f32
        %jit3A_657 = arith.constant 0.000000e+00 : f32
        %broadcast_in_dim3A_658 = vector.broadcast %jit3A_656 : f32 to vector<16xf32>
        %broadcast_in_dim3A_659 = vector.broadcast %jit3A_657 : f32 to vector<16xf32>
        %select_n3A_660 = arith.select %eq3A_655, %broadcast_in_dim3A_658, %broadcast_in_dim3A_659 : vector<16xi1>, vector<16xf32>
        %swap3A_661 = arith.constant 3 : i32
        %swap3A_662 = arith.constant 1 : i32
        %swap3A_663 = arith.index_cast %swap3A_661 : i32 to index
        %swap3A_664 = arith.index_cast %swap3A_662 : i32 to index
        %swap3A_665 = arith.index_cast %mul3A_340 : i32 to index
        %swap3A_666 = tpu.vector_load %arg7[%swap3A_663, %swap3A_664, %swap3A_665] {strides = array<i32>} : memref<16x8x224xf32, #tpu.memory_space<vmem>>, vector<16xf32>,
        tpu.vector_store %arg7[%swap3A_663, %swap3A_664, %swap3A_665], %select_n3A_660 {strides = array<i32>} : memref<16x8x224xf32, #tpu.memory_space<vmem>>, vector<16xf32>,
        %eq3A_667 = arith.constant 4 : i32
        %eq3A_668 = vector.broadcast %eq3A_667 : i32 to vector<16xi32>
        %eq3A_669 = arith.cmpi eq, %select_n3A_610, %eq3A_668 : vector<16xi32>
        %jit3A_670 = arith.constant 1.000000e+00 : f32
        %jit3A_671 = arith.constant 0.000000e+00 : f32
        %broadcast_in_dim3A_672 = vector.broadcast %jit3A_670 : f32 to vector<16xf32>
        %broadcast_in_dim3A_673 = vector.broadcast %jit3A_671 : f32 to vector<16xf32>
        %select_n3A_674 = arith.select %eq3A_669, %broadcast_in_dim3A_672, %broadcast_in_dim3A_673 : vector<16xi1>, vector<16xf32>
        %swap3A_675 = arith.constant 4 : i32
        %swap3A_676 = arith.constant 1 : i32
        %swap3A_677 = arith.index_cast %swap3A_675 : i32 to index
        %swap3A_678 = arith.index_cast %swap3A_676 : i32 to index
        %swap3A_679 = arith.index_cast %mul3A_340 : i32 to index
        %swap3A_680 = tpu.vector_load %arg7[%swap3A_677, %swap3A_678, %swap3A_679] {strides = array<i32>} : memref<16x8x224xf32, #tpu.memory_space<vmem>>, vector<16xf32>,
        tpu.vector_store %arg7[%swap3A_677, %swap3A_678, %swap3A_679], %select_n3A_674 {strides = array<i32>} : memref<16x8x224xf32, #tpu.memory_space<vmem>>, vector<16xf32>,
        %eq3A_681 = arith.constant 5 : i32
        %eq3A_682 = vector.broadcast %eq3A_681 : i32 to vector<16xi32>
        %eq3A_683 = arith.cmpi eq, %select_n3A_610, %eq3A_682 : vector<16xi32>
        %jit3A_684 = arith.constant 1.000000e+00 : f32
        %jit3A_685 = arith.constant 0.000000e+00 : f32
        %broadcast_in_dim3A_686 = vector.broadcast %jit3A_684 : f32 to vector<16xf32>
        %broadcast_in_dim3A_687 = vector.broadcast %jit3A_685 : f32 to vector<16xf32>
        %select_n3A_688 = arith.select %eq3A_683, %broadcast_in_dim3A_686, %broadcast_in_dim3A_687 : vector<16xi1>, vector<16xf32>
        %swap3A_689 = arith.constant 5 : i32
        %swap3A_690 = arith.constant 1 : i32
        %swap3A_691 = arith.index_cast %swap3A_689 : i32 to index
        %swap3A_692 = arith.index_cast %swap3A_690 : i32 to index
        %swap3A_693 = arith.index_cast %mul3A_340 : i32 to index
        %swap3A_694 = tpu.vector_load %arg7[%swap3A_691, %swap3A_692, %swap3A_693] {strides = array<i32>} : memref<16x8x224xf32, #tpu.memory_space<vmem>>, vector<16xf32>,
        tpu.vector_store %arg7[%swap3A_691, %swap3A_692, %swap3A_693], %select_n3A_688 {strides = array<i32>} : memref<16x8x224xf32, #tpu.memory_space<vmem>>, vector<16xf32>,
        %eq3A_695 = arith.constant 6 : i32
        %eq3A_696 = vector.broadcast %eq3A_695 : i32 to vector<16xi32>
        %eq3A_697 = arith.cmpi eq, %select_n3A_610, %eq3A_696 : vector<16xi32>
        %jit3A_698 = arith.constant 1.000000e+00 : f32
        %jit3A_699 = arith.constant 0.000000e+00 : f32
        %broadcast_in_dim3A_700 = vector.broadcast %jit3A_698 : f32 to vector<16xf32>
        %broadcast_in_dim3A_701 = vector.broadcast %jit3A_699 : f32 to vector<16xf32>
        %select_n3A_702 = arith.select %eq3A_697, %broadcast_in_dim3A_700, %broadcast_in_dim3A_701 : vector<16xi1>, vector<16xf32>
        %swap3A_703 = arith.constant 6 : i32
        %swap3A_704 = arith.constant 1 : i32
        %swap3A_705 = arith.index_cast %swap3A_703 : i32 to index
        %swap3A_706 = arith.index_cast %swap3A_704 : i32 to index
        %swap3A_707 = arith.index_cast %mul3A_340 : i32 to index
        %swap3A_708 = tpu.vector_load %arg7[%swap3A_705, %swap3A_706, %swap3A_707] {strides = array<i32>} : memref<16x8x224xf32, #tpu.memory_space<vmem>>, vector<16xf32>,
        tpu.vector_store %arg7[%swap3A_705, %swap3A_706, %swap3A_707], %select_n3A_702 {strides = array<i32>} : memref<16x8x224xf32, #tpu.memory_space<vmem>>, vector<16xf32>,
        %eq3A_709 = arith.constant 7 : i32
        %eq3A_710 = vector.broadcast %eq3A_709 : i32 to vector<16xi32>
        %eq3A_711 = arith.cmpi eq, %select_n3A_610, %eq3A_710 : vector<16xi32>
        %jit3A_712 = arith.constant 1.000000e+00 : f32
        %jit3A_713 = arith.constant 0.000000e+00 : f32
        %broadcast_in_dim3A_714 = vector.broadcast %jit3A_712 : f32 to vector<16xf32>
        %broadcast_in_dim3A_715 = vector.broadcast %jit3A_713 : f32 to vector<16xf32>
        %select_n3A_716 = arith.select %eq3A_711, %broadcast_in_dim3A_714, %broadcast_in_dim3A_715 : vector<16xi1>, vector<16xf32>
        %swap3A_717 = arith.constant 7 : i32
        %swap3A_718 = arith.constant 1 : i32
        %swap3A_719 = arith.index_cast %swap3A_717 : i32 to index
        %swap3A_720 = arith.index_cast %swap3A_718 : i32 to index
        %swap3A_721 = arith.index_cast %mul3A_340 : i32 to index
        %swap3A_722 = tpu.vector_load %arg7[%swap3A_719, %swap3A_720, %swap3A_721] {strides = array<i32>} : memref<16x8x224xf32, #tpu.memory_space<vmem>>, vector<16xf32>,
        tpu.vector_store %arg7[%swap3A_719, %swap3A_720, %swap3A_721], %select_n3A_716 {strides = array<i32>} : memref<16x8x224xf32, #tpu.memory_space<vmem>>, vector<16xf32>,
        %eq3A_723 = arith.constant 8 : i32
        %eq3A_724 = vector.broadcast %eq3A_723 : i32 to vector<16xi32>
        %eq3A_725 = arith.cmpi eq, %select_n3A_610, %eq3A_724 : vector<16xi32>
        %jit3A_726 = arith.constant 1.000000e+00 : f32
        %jit3A_727 = arith.constant 0.000000e+00 : f32
        %broadcast_in_dim3A_728 = vector.broadcast %jit3A_726 : f32 to vector<16xf32>
        %broadcast_in_dim3A_729 = vector.broadcast %jit3A_727 : f32 to vector<16xf32>
        %select_n3A_730 = arith.select %eq3A_725, %broadcast_in_dim3A_728, %broadcast_in_dim3A_729 : vector<16xi1>, vector<16xf32>
        %swap3A_731 = arith.constant 8 : i32
        %swap3A_732 = arith.constant 1 : i32
        %swap3A_733 = arith.index_cast %swap3A_731 : i32 to index
        %swap3A_734 = arith.index_cast %swap3A_732 : i32 to index
        %swap3A_735 = arith.index_cast %mul3A_340 : i32 to index
        %swap3A_736 = tpu.vector_load %arg7[%swap3A_733, %swap3A_734, %swap3A_735] {strides = array<i32>} : memref<16x8x224xf32, #tpu.memory_space<vmem>>, vector<16xf32>,
        tpu.vector_store %arg7[%swap3A_733, %swap3A_734, %swap3A_735], %select_n3A_730 {strides = array<i32>} : memref<16x8x224xf32, #tpu.memory_space<vmem>>, vector<16xf32>,
        %eq3A_737 = arith.constant 9 : i32
        %eq3A_738 = vector.broadcast %eq3A_737 : i32 to vector<16xi32>
        %eq3A_739 = arith.cmpi eq, %select_n3A_610, %eq3A_738 : vector<16xi32>
        %jit3A_740 = arith.constant 1.000000e+00 : f32
        %jit3A_741 = arith.constant 0.000000e+00 : f32
        %broadcast_in_dim3A_742 = vector.broadcast %jit3A_740 : f32 to vector<16xf32>
        %broadcast_in_dim3A_743 = vector.broadcast %jit3A_741 : f32 to vector<16xf32>
        %select_n3A_744 = arith.select %eq3A_739, %broadcast_in_dim3A_742, %broadcast_in_dim3A_743 : vector<16xi1>, vector<16xf32>
        %swap3A_745 = arith.constant 9 : i32
        %swap3A_746 = arith.constant 1 : i32
        %swap3A_747 = arith.index_cast %swap3A_745 : i32 to index
        %swap3A_748 = arith.index_cast %swap3A_746 : i32 to index
        %swap3A_749 = arith.index_cast %mul3A_340 : i32 to index
        %swap3A_750 = tpu.vector_load %arg7[%swap3A_747, %swap3A_748, %swap3A_749] {strides = array<i32>} : memref<16x8x224xf32, #tpu.memory_space<vmem>>, vector<16xf32>,
        tpu.vector_store %arg7[%swap3A_747, %swap3A_748, %swap3A_749], %select_n3A_744 {strides = array<i32>} : memref<16x8x224xf32, #tpu.memory_space<vmem>>, vector<16xf32>,
        %eq3A_751 = arith.constant 10 : i32
        %eq3A_752 = vector.broadcast %eq3A_751 : i32 to vector<16xi32>
        %eq3A_753 = arith.cmpi eq, %select_n3A_610, %eq3A_752 : vector<16xi32>
        %jit3A_754 = arith.constant 1.000000e+00 : f32
        %jit3A_755 = arith.constant 0.000000e+00 : f32
        %broadcast_in_dim3A_756 = vector.broadcast %jit3A_754 : f32 to vector<16xf32>
        %broadcast_in_dim3A_757 = vector.broadcast %jit3A_755 : f32 to vector<16xf32>
        %select_n3A_758 = arith.select %eq3A_753, %broadcast_in_dim3A_756, %broadcast_in_dim3A_757 : vector<16xi1>, vector<16xf32>
        %swap3A_759 = arith.constant 10 : i32
        %swap3A_760 = arith.constant 1 : i32
        %swap3A_761 = arith.index_cast %swap3A_759 : i32 to index
        %swap3A_762 = arith.index_cast %swap3A_760 : i32 to index
        %swap3A_763 = arith.index_cast %mul3A_340 : i32 to index
        %swap3A_764 = tpu.vector_load %arg7[%swap3A_761, %swap3A_762, %swap3A_763] {strides = array<i32>} : memref<16x8x224xf32, #tpu.memory_space<vmem>>, vector<16xf32>,
        tpu.vector_store %arg7[%swap3A_761, %swap3A_762, %swap3A_763], %select_n3A_758 {strides = array<i32>} : memref<16x8x224xf32, #tpu.memory_space<vmem>>, vector<16xf32>,
        %eq3A_765 = arith.constant 11 : i32
        %eq3A_766 = vector.broadcast %eq3A_765 : i32 to vector<16xi32>
        %eq3A_767 = arith.cmpi eq, %select_n3A_610, %eq3A_766 : vector<16xi32>
        %jit3A_768 = arith.constant 1.000000e+00 : f32
        %jit3A_769 = arith.constant 0.000000e+00 : f32
        %broadcast_in_dim3A_770 = vector.broadcast %jit3A_768 : f32 to vector<16xf32>
        %broadcast_in_dim3A_771 = vector.broadcast %jit3A_769 : f32 to vector<16xf32>
        %select_n3A_772 = arith.select %eq3A_767, %broadcast_in_dim3A_770, %broadcast_in_dim3A_771 : vector<16xi1>, vector<16xf32>
        %swap3A_773 = arith.constant 11 : i32
        %swap3A_774 = arith.constant 1 : i32
        %swap3A_775 = arith.index_cast %swap3A_773 : i32 to index
        %swap3A_776 = arith.index_cast %swap3A_774 : i32 to index
        %swap3A_777 = arith.index_cast %mul3A_340 : i32 to index
        %swap3A_778 = tpu.vector_load %arg7[%swap3A_775, %swap3A_776, %swap3A_777] {strides = array<i32>} : memref<16x8x224xf32, #tpu.memory_space<vmem>>, vector<16xf32>,
        tpu.vector_store %arg7[%swap3A_775, %swap3A_776, %swap3A_777], %select_n3A_772 {strides = array<i32>} : memref<16x8x224xf32, #tpu.memory_space<vmem>>, vector<16xf32>,
        %eq3A_779 = arith.constant 12 : i32
        %eq3A_780 = vector.broadcast %eq3A_779 : i32 to vector<16xi32>
        %eq3A_781 = arith.cmpi eq, %select_n3A_610, %eq3A_780 : vector<16xi32>
        %jit3A_782 = arith.constant 1.000000e+00 : f32
        %jit3A_783 = arith.constant 0.000000e+00 : f32
        %broadcast_in_dim3A_784 = vector.broadcast %jit3A_782 : f32 to vector<16xf32>
        %broadcast_in_dim3A_785 = vector.broadcast %jit3A_783 : f32 to vector<16xf32>
        %select_n3A_786 = arith.select %eq3A_781, %broadcast_in_dim3A_784, %broadcast_in_dim3A_785 : vector<16xi1>, vector<16xf32>
        %swap3A_787 = arith.constant 12 : i32
        %swap3A_788 = arith.constant 1 : i32
        %swap3A_789 = arith.index_cast %swap3A_787 : i32 to index
        %swap3A_790 = arith.index_cast %swap3A_788 : i32 to index
        %swap3A_791 = arith.index_cast %mul3A_340 : i32 to index
        %swap3A_792 = tpu.vector_load %arg7[%swap3A_789, %swap3A_790, %swap3A_791] {strides = array<i32>} : memref<16x8x224xf32, #tpu.memory_space<vmem>>, vector<16xf32>,
        tpu.vector_store %arg7[%swap3A_789, %swap3A_790, %swap3A_791], %select_n3A_786 {strides = array<i32>} : memref<16x8x224xf32, #tpu.memory_space<vmem>>, vector<16xf32>,
        %eq3A_793 = arith.constant 13 : i32
        %eq3A_794 = vector.broadcast %eq3A_793 : i32 to vector<16xi32>
        %eq3A_795 = arith.cmpi eq, %select_n3A_610, %eq3A_794 : vector<16xi32>
        %jit3A_796 = arith.constant 1.000000e+00 : f32
        %jit3A_797 = arith.constant 0.000000e+00 : f32
        %broadcast_in_dim3A_798 = vector.broadcast %jit3A_796 : f32 to vector<16xf32>
        %broadcast_in_dim3A_799 = vector.broadcast %jit3A_797 : f32 to vector<16xf32>
        %select_n3A_800 = arith.select %eq3A_795, %broadcast_in_dim3A_798, %broadcast_in_dim3A_799 : vector<16xi1>, vector<16xf32>
        %swap3A_801 = arith.constant 13 : i32
        %swap3A_802 = arith.constant 1 : i32
        %swap3A_803 = arith.index_cast %swap3A_801 : i32 to index
        %swap3A_804 = arith.index_cast %swap3A_802 : i32 to index
        %swap3A_805 = arith.index_cast %mul3A_340 : i32 to index
        %swap3A_806 = tpu.vector_load %arg7[%swap3A_803, %swap3A_804, %swap3A_805] {strides = array<i32>} : memref<16x8x224xf32, #tpu.memory_space<vmem>>, vector<16xf32>,
        tpu.vector_store %arg7[%swap3A_803, %swap3A_804, %swap3A_805], %select_n3A_800 {strides = array<i32>} : memref<16x8x224xf32, #tpu.memory_space<vmem>>, vector<16xf32>,
        %eq3A_807 = arith.constant 14 : i32
        %eq3A_808 = vector.broadcast %eq3A_807 : i32 to vector<16xi32>
        %eq3A_809 = arith.cmpi eq, %select_n3A_610, %eq3A_808 : vector<16xi32>
        %jit3A_810 = arith.constant 1.000000e+00 : f32
        %jit3A_811 = arith.constant 0.000000e+00 : f32
        %broadcast_in_dim3A_812 = vector.broadcast %jit3A_810 : f32 to vector<16xf32>
        %broadcast_in_dim3A_813 = vector.broadcast %jit3A_811 : f32 to vector<16xf32>
        %select_n3A_814 = arith.select %eq3A_809, %broadcast_in_dim3A_812, %broadcast_in_dim3A_813 : vector<16xi1>, vector<16xf32>
        %swap3A_815 = arith.constant 14 : i32
        %swap3A_816 = arith.constant 1 : i32
        %swap3A_817 = arith.index_cast %swap3A_815 : i32 to index
        %swap3A_818 = arith.index_cast %swap3A_816 : i32 to index
        %swap3A_819 = arith.index_cast %mul3A_340 : i32 to index
        %swap3A_820 = tpu.vector_load %arg7[%swap3A_817, %swap3A_818, %swap3A_819] {strides = array<i32>} : memref<16x8x224xf32, #tpu.memory_space<vmem>>, vector<16xf32>,
        tpu.vector_store %arg7[%swap3A_817, %swap3A_818, %swap3A_819], %select_n3A_814 {strides = array<i32>} : memref<16x8x224xf32, #tpu.memory_space<vmem>>, vector<16xf32>,
        %eq3A_821 = arith.constant 15 : i32
        %eq3A_822 = vector.broadcast %eq3A_821 : i32 to vector<16xi32>
        %eq3A_823 = arith.cmpi eq, %select_n3A_610, %eq3A_822 : vector<16xi32>
        %jit3A_824 = arith.constant 1.000000e+00 : f32
        %jit3A_825 = arith.constant 0.000000e+00 : f32
        %broadcast_in_dim3A_826 = vector.broadcast %jit3A_824 : f32 to vector<16xf32>
        %broadcast_in_dim3A_827 = vector.broadcast %jit3A_825 : f32 to vector<16xf32>
        %select_n3A_828 = arith.select %eq3A_823, %broadcast_in_dim3A_826, %broadcast_in_dim3A_827 : vector<16xi1>, vector<16xf32>
        %swap3A_829 = arith.constant 15 : i32
        %swap3A_830 = arith.constant 1 : i32
        %swap3A_831 = arith.index_cast %swap3A_829 : i32 to index
        %swap3A_832 = arith.index_cast %swap3A_830 : i32 to index
        %swap3A_833 = arith.index_cast %mul3A_340 : i32 to index
        %swap3A_834 = tpu.vector_load %arg7[%swap3A_831, %swap3A_832, %swap3A_833] {strides = array<i32>} : memref<16x8x224xf32, #tpu.memory_space<vmem>>, vector<16xf32>,
        tpu.vector_store %arg7[%swap3A_831, %swap3A_832, %swap3A_833], %select_n3A_828 {strides = array<i32>} : memref<16x8x224xf32, #tpu.memory_space<vmem>>, vector<16xf32>,
        %get3A_835 = arith.constant 2 : i32
        %get3A_836 = arith.index_cast %get3A_835 : i32 to index
        %get3A_837 = arith.index_cast %mul3A_340 : i32 to index
        %get3A_838 = tpu.vector_load %arg5[%get3A_836, %get3A_837] {strides = array<i32>} : memref<8x224xf32, #tpu.memory_space<vmem>>, vector<16xf32>,
        %max3A_839 = arith.constant 0.000000e+00 : f32
        %max3A_840 = vector.broadcast %max3A_839 : f32 to vector<16xf32>
        %max3A_841 = arith.maximumf %get3A_838, %max3A_840 : vector<16xf32>
        %min3A_842 = arith.constant 1.000000e+00 : f32
        %min3A_843 = vector.broadcast %min3A_842 : f32 to vector<16xf32>
        %min3A_844 = arith.minimumf %max3A_841, %min3A_843 : vector<16xf32>
        %sub3A_845 = arith.constant 1.000000e+00 : f32
        %sub3A_846 = vector.broadcast %sub3A_845 : f32 to vector<16xf32>
        %sub3A_847 = arith.subf %sub3A_846, %min3A_844 : vector<16xf32>
        %mul3A_848 = arith.constant 1.500000e+01 : f32
        %mul3A_849 = vector.broadcast %mul3A_848 : f32 to vector<16xf32>
        %mul3A_850 = arith.mulf %sub3A_847, %mul3A_849 : vector<16xf32>
        %convert_element_type3A_851 = arith.fptosi %mul3A_850 : vector<16xf32> to vector<16xi32>
        %min3A_852 = arith.constant 15 : i32
        %min3A_853 = vector.broadcast %min3A_852 : i32 to vector<16xi32>
        %min3A_854 = arith.minsi %convert_element_type3A_851, %min3A_853 : vector<16xi32>
        %gt3A_855 = arith.constant 0.000000e+00 : f32
        %gt3A_856 = vector.broadcast %gt3A_855 : f32 to vector<16xf32>
        %gt3A_857 = arith.cmpf ogt, %min3A_844, %gt3A_856 : vector<16xf32>
        %jit3A_858 = arith.constant 16 : i32
        %broadcast_in_dim3A_859 = vector.broadcast %jit3A_858 : i32 to vector<16xi32>
        %select_n3A_860 = arith.select %gt3A_857, %min3A_854, %broadcast_in_dim3A_859 : vector<16xi1>, vector<16xi32>
        %eq3A_861 = arith.constant 0 : i32
        %eq3A_862 = vector.broadcast %eq3A_861 : i32 to vector<16xi32>
        %eq3A_863 = arith.cmpi eq, %select_n3A_860, %eq3A_862 : vector<16xi32>
        %jit3A_864 = arith.constant 1.000000e+00 : f32
        %jit3A_865 = arith.constant 0.000000e+00 : f32
        %broadcast_in_dim3A_866 = vector.broadcast %jit3A_864 : f32 to vector<16xf32>
        %broadcast_in_dim3A_867 = vector.broadcast %jit3A_865 : f32 to vector<16xf32>
        %select_n3A_868 = arith.select %eq3A_863, %broadcast_in_dim3A_866, %broadcast_in_dim3A_867 : vector<16xi1>, vector<16xf32>
        %swap3A_869 = arith.constant 0 : i32
        %swap3A_870 = arith.constant 2 : i32
        %swap3A_871 = arith.index_cast %swap3A_869 : i32 to index
        %swap3A_872 = arith.index_cast %swap3A_870 : i32 to index
        %swap3A_873 = arith.index_cast %mul3A_340 : i32 to index
        %swap3A_874 = tpu.vector_load %arg7[%swap3A_871, %swap3A_872, %swap3A_873] {strides = array<i32>} : memref<16x8x224xf32, #tpu.memory_space<vmem>>, vector<16xf32>,
        tpu.vector_store %arg7[%swap3A_871, %swap3A_872, %swap3A_873], %select_n3A_868 {strides = array<i32>} : memref<16x8x224xf32, #tpu.memory_space<vmem>>, vector<16xf32>,
        %eq3A_875 = arith.constant 1 : i32
        %eq3A_876 = vector.broadcast %eq3A_875 : i32 to vector<16xi32>
        %eq3A_877 = arith.cmpi eq, %select_n3A_860, %eq3A_876 : vector<16xi32>
        %jit3A_878 = arith.constant 1.000000e+00 : f32
        %jit3A_879 = arith.constant 0.000000e+00 : f32
        %broadcast_in_dim3A_880 = vector.broadcast %jit3A_878 : f32 to vector<16xf32>
        %broadcast_in_dim3A_881 = vector.broadcast %jit3A_879 : f32 to vector<16xf32>
        %select_n3A_882 = arith.select %eq3A_877, %broadcast_in_dim3A_880, %broadcast_in_dim3A_881 : vector<16xi1>, vector<16xf32>
        %swap3A_883 = arith.constant 1 : i32
        %swap3A_884 = arith.constant 2 : i32
        %swap3A_885 = arith.index_cast %swap3A_883 : i32 to index
        %swap3A_886 = arith.index_cast %swap3A_884 : i32 to index
        %swap3A_887 = arith.index_cast %mul3A_340 : i32 to index
        %swap3A_888 = tpu.vector_load %arg7[%swap3A_885, %swap3A_886, %swap3A_887] {strides = array<i32>} : memref<16x8x224xf32, #tpu.memory_space<vmem>>, vector<16xf32>,
        tpu.vector_store %arg7[%swap3A_885, %swap3A_886, %swap3A_887], %select_n3A_882 {strides = array<i32>} : memref<16x8x224xf32, #tpu.memory_space<vmem>>, vector<16xf32>,
        %eq3A_889 = arith.constant 2 : i32
        %eq3A_890 = vector.broadcast %eq3A_889 : i32 to vector<16xi32>
        %eq3A_891 = arith.cmpi eq, %select_n3A_860, %eq3A_890 : vector<16xi32>
        %jit3A_892 = arith.constant 1.000000e+00 : f32
        %jit3A_893 = arith.constant 0.000000e+00 : f32
        %broadcast_in_dim3A_894 = vector.broadcast %jit3A_892 : f32 to vector<16xf32>
        %broadcast_in_dim3A_895 = vector.broadcast %jit3A_893 : f32 to vector<16xf32>
        %select_n3A_896 = arith.select %eq3A_891, %broadcast_in_dim3A_894, %broadcast_in_dim3A_895 : vector<16xi1>, vector<16xf32>
        %swap3A_897 = arith.constant 2 : i32
        %swap3A_898 = arith.constant 2 : i32
        %swap3A_899 = arith.index_cast %swap3A_897 : i32 to index
        %swap3A_900 = arith.index_cast %swap3A_898 : i32 to index
        %swap3A_901 = arith.index_cast %mul3A_340 : i32 to index
        %swap3A_902 = tpu.vector_load %arg7[%swap3A_899, %swap3A_900, %swap3A_901] {strides = array<i32>} : memref<16x8x224xf32, #tpu.memory_space<vmem>>, vector<16xf32>,
        tpu.vector_store %arg7[%swap3A_899, %swap3A_900, %swap3A_901], %select_n3A_896 {strides = array<i32>} : memref<16x8x224xf32, #tpu.memory_space<vmem>>, vector<16xf32>,
        %eq3A_903 = arith.constant 3 : i32
        %eq3A_904 = vector.broadcast %eq3A_903 : i32 to vector<16xi32>
        %eq3A_905 = arith.cmpi eq, %select_n3A_860, %eq3A_904 : vector<16xi32>
        %jit3A_906 = arith.constant 1.000000e+00 : f32
        %jit3A_907 = arith.constant 0.000000e+00 : f32
        %broadcast_in_dim3A_908 = vector.broadcast %jit3A_906 : f32 to vector<16xf32>
        %broadcast_in_dim3A_909 = vector.broadcast %jit3A_907 : f32 to vector<16xf32>
        %select_n3A_910 = arith.select %eq3A_905, %broadcast_in_dim3A_908, %broadcast_in_dim3A_909 : vector<16xi1>, vector<16xf32>
        %swap3A_911 = arith.constant 3 : i32
        %swap3A_912 = arith.constant 2 : i32
        %swap3A_913 = arith.index_cast %swap3A_911 : i32 to index
        %swap3A_914 = arith.index_cast %swap3A_912 : i32 to index
        %swap3A_915 = arith.index_cast %mul3A_340 : i32 to index
        %swap3A_916 = tpu.vector_load %arg7[%swap3A_913, %swap3A_914, %swap3A_915] {strides = array<i32>} : memref<16x8x224xf32, #tpu.memory_space<vmem>>, vector<16xf32>,
        tpu.vector_store %arg7[%swap3A_913, %swap3A_914, %swap3A_915], %select_n3A_910 {strides = array<i32>} : memref<16x8x224xf32, #tpu.memory_space<vmem>>, vector<16xf32>,
        %eq3A_917 = arith.constant 4 : i32
        %eq3A_918 = vector.broadcast %eq3A_917 : i32 to vector<16xi32>
        %eq3A_919 = arith.cmpi eq, %select_n3A_860, %eq3A_918 : vector<16xi32>
        %jit3A_920 = arith.constant 1.000000e+00 : f32
        %jit3A_921 = arith.constant 0.000000e+00 : f32
        %broadcast_in_dim3A_922 = vector.broadcast %jit3A_920 : f32 to vector<16xf32>
        %broadcast_in_dim3A_923 = vector.broadcast %jit3A_921 : f32 to vector<16xf32>
        %select_n3A_924 = arith.select %eq3A_919, %broadcast_in_dim3A_922, %broadcast_in_dim3A_923 : vector<16xi1>, vector<16xf32>
        %swap3A_925 = arith.constant 4 : i32
        %swap3A_926 = arith.constant 2 : i32
        %swap3A_927 = arith.index_cast %swap3A_925 : i32 to index
        %swap3A_928 = arith.index_cast %swap3A_926 : i32 to index
        %swap3A_929 = arith.index_cast %mul3A_340 : i32 to index
        %swap3A_930 = tpu.vector_load %arg7[%swap3A_927, %swap3A_928, %swap3A_929] {strides = array<i32>} : memref<16x8x224xf32, #tpu.memory_space<vmem>>, vector<16xf32>,
        tpu.vector_store %arg7[%swap3A_927, %swap3A_928, %swap3A_929], %select_n3A_924 {strides = array<i32>} : memref<16x8x224xf32, #tpu.memory_space<vmem>>, vector<16xf32>,
        %eq3A_931 = arith.constant 5 : i32
        %eq3A_932 = vector.broadcast %eq3A_931 : i32 to vector<16xi32>
        %eq3A_933 = arith.cmpi eq, %select_n3A_860, %eq3A_932 : vector<16xi32>
        %jit3A_934 = arith.constant 1.000000e+00 : f32
        %jit3A_935 = arith.constant 0.000000e+00 : f32
        %broadcast_in_dim3A_936 = vector.broadcast %jit3A_934 : f32 to vector<16xf32>
        %broadcast_in_dim3A_937 = vector.broadcast %jit3A_935 : f32 to vector<16xf32>
        %select_n3A_938 = arith.select %eq3A_933, %broadcast_in_dim3A_936, %broadcast_in_dim3A_937 : vector<16xi1>, vector<16xf32>
        %swap3A_939 = arith.constant 5 : i32
        %swap3A_940 = arith.constant 2 : i32
        %swap3A_941 = arith.index_cast %swap3A_939 : i32 to index
        %swap3A_942 = arith.index_cast %swap3A_940 : i32 to index
        %swap3A_943 = arith.index_cast %mul3A_340 : i32 to index
        %swap3A_944 = tpu.vector_load %arg7[%swap3A_941, %swap3A_942, %swap3A_943] {strides = array<i32>} : memref<16x8x224xf32, #tpu.memory_space<vmem>>, vector<16xf32>,
        tpu.vector_store %arg7[%swap3A_941, %swap3A_942, %swap3A_943], %select_n3A_938 {strides = array<i32>} : memref<16x8x224xf32, #tpu.memory_space<vmem>>, vector<16xf32>,
        %eq3A_945 = arith.constant 6 : i32
        %eq3A_946 = vector.broadcast %eq3A_945 : i32 to vector<16xi32>
        %eq3A_947 = arith.cmpi eq, %select_n3A_860, %eq3A_946 : vector<16xi32>
        %jit3A_948 = arith.constant 1.000000e+00 : f32
        %jit3A_949 = arith.constant 0.000000e+00 : f32
        %broadcast_in_dim3A_950 = vector.broadcast %jit3A_948 : f32 to vector<16xf32>
        %broadcast_in_dim3A_951 = vector.broadcast %jit3A_949 : f32 to vector<16xf32>
        %select_n3A_952 = arith.select %eq3A_947, %broadcast_in_dim3A_950, %broadcast_in_dim3A_951 : vector<16xi1>, vector<16xf32>
        %swap3A_953 = arith.constant 6 : i32
        %swap3A_954 = arith.constant 2 : i32
        %swap3A_955 = arith.index_cast %swap3A_953 : i32 to index
        %swap3A_956 = arith.index_cast %swap3A_954 : i32 to index
        %swap3A_957 = arith.index_cast %mul3A_340 : i32 to index
        %swap3A_958 = tpu.vector_load %arg7[%swap3A_955, %swap3A_956, %swap3A_957] {strides = array<i32>} : memref<16x8x224xf32, #tpu.memory_space<vmem>>, vector<16xf32>,
        tpu.vector_store %arg7[%swap3A_955, %swap3A_956, %swap3A_957], %select_n3A_952 {strides = array<i32>} : memref<16x8x224xf32, #tpu.memory_space<vmem>>, vector<16xf32>,
        %eq3A_959 = arith.constant 7 : i32
        %eq3A_960 = vector.broadcast %eq3A_959 : i32 to vector<16xi32>
        %eq3A_961 = arith.cmpi eq, %select_n3A_860, %eq3A_960 : vector<16xi32>
        %jit3A_962 = arith.constant 1.000000e+00 : f32
        %jit3A_963 = arith.constant 0.000000e+00 : f32
        %broadcast_in_dim3A_964 = vector.broadcast %jit3A_962 : f32 to vector<16xf32>
        %broadcast_in_dim3A_965 = vector.broadcast %jit3A_963 : f32 to vector<16xf32>
        %select_n3A_966 = arith.select %eq3A_961, %broadcast_in_dim3A_964, %broadcast_in_dim3A_965 : vector<16xi1>, vector<16xf32>
        %swap3A_967 = arith.constant 7 : i32
        %swap3A_968 = arith.constant 2 : i32
        %swap3A_969 = arith.index_cast %swap3A_967 : i32 to index
        %swap3A_970 = arith.index_cast %swap3A_968 : i32 to index
        %swap3A_971 = arith.index_cast %mul3A_340 : i32 to index
        %swap3A_972 = tpu.vector_load %arg7[%swap3A_969, %swap3A_970, %swap3A_971] {strides = array<i32>} : memref<16x8x224xf32, #tpu.memory_space<vmem>>, vector<16xf32>,
        tpu.vector_store %arg7[%swap3A_969, %swap3A_970, %swap3A_971], %select_n3A_966 {strides = array<i32>} : memref<16x8x224xf32, #tpu.memory_space<vmem>>, vector<16xf32>,
        %eq3A_973 = arith.constant 8 : i32
        %eq3A_974 = vector.broadcast %eq3A_973 : i32 to vector<16xi32>
        %eq3A_975 = arith.cmpi eq, %select_n3A_860, %eq3A_974 : vector<16xi32>
        %jit3A_976 = arith.constant 1.000000e+00 : f32
        %jit3A_977 = arith.constant 0.000000e+00 : f32
        %broadcast_in_dim3A_978 = vector.broadcast %jit3A_976 : f32 to vector<16xf32>
        %broadcast_in_dim3A_979 = vector.broadcast %jit3A_977 : f32 to vector<16xf32>
        %select_n3A_980 = arith.select %eq3A_975, %broadcast_in_dim3A_978, %broadcast_in_dim3A_979 : vector<16xi1>, vector<16xf32>
        %swap3A_981 = arith.constant 8 : i32
        %swap3A_982 = arith.constant 2 : i32
        %swap3A_983 = arith.index_cast %swap3A_981 : i32 to index
        %swap3A_984 = arith.index_cast %swap3A_982 : i32 to index
        %swap3A_985 = arith.index_cast %mul3A_340 : i32 to index
        %swap3A_986 = tpu.vector_load %arg7[%swap3A_983, %swap3A_984, %swap3A_985] {strides = array<i32>} : memref<16x8x224xf32, #tpu.memory_space<vmem>>, vector<16xf32>,
        tpu.vector_store %arg7[%swap3A_983, %swap3A_984, %swap3A_985], %select_n3A_980 {strides = array<i32>} : memref<16x8x224xf32, #tpu.memory_space<vmem>>, vector<16xf32>,
        %eq3A_987 = arith.constant 9 : i32
        %eq3A_988 = vector.broadcast %eq3A_987 : i32 to vector<16xi32>
        %eq3A_989 = arith.cmpi eq, %select_n3A_860, %eq3A_988 : vector<16xi32>
        %jit3A_990 = arith.constant 1.000000e+00 : f32
        %jit3A_991 = arith.constant 0.000000e+00 : f32
        %broadcast_in_dim3A_992 = vector.broadcast %jit3A_990 : f32 to vector<16xf32>
        %broadcast_in_dim3A_993 = vector.broadcast %jit3A_991 : f32 to vector<16xf32>
        %select_n3A_994 = arith.select %eq3A_989, %broadcast_in_dim3A_992, %broadcast_in_dim3A_993 : vector<16xi1>, vector<16xf32>
        %swap3A_995 = arith.constant 9 : i32
        %swap3A_996 = arith.constant 2 : i32
        %swap3A_997 = arith.index_cast %swap3A_995 : i32 to index
        %swap3A_998 = arith.index_cast %swap3A_996 : i32 to index
        %swap3A_999 = arith.index_cast %mul3A_340 : i32 to index
        %swap3A_1000 = tpu.vector_load %arg7[%swap3A_997, %swap3A_998, %swap3A_999] {strides = array<i32>} : memref<16x8x224xf32, #tpu.memory_space<vmem>>, vector<16xf32>,
        tpu.vector_store %arg7[%swap3A_997, %swap3A_998, %swap3A_999], %select_n3A_994 {strides = array<i32>} : memref<16x8x224xf32, #tpu.memory_space<vmem>>, vector<16xf32>,
        %eq3A_1001 = arith.constant 10 : i32
        %eq3A_1002 = vector.broadcast %eq3A_1001 : i32 to vector<16xi32>
        %eq3A_1003 = arith.cmpi eq, %select_n3A_860, %eq3A_1002 : vector<16xi32>
        %jit3A_1004 = arith.constant 1.000000e+00 : f32
        %jit3A_1005 = arith.constant 0.000000e+00 : f32
        %broadcast_in_dim3A_1006 = vector.broadcast %jit3A_1004 : f32 to vector<16xf32>
        %broadcast_in_dim3A_1007 = vector.broadcast %jit3A_1005 : f32 to vector<16xf32>
        %select_n3A_1008 = arith.select %eq3A_1003, %broadcast_in_dim3A_1006, %broadcast_in_dim3A_1007 : vector<16xi1>, vector<16xf32>
        %swap3A_1009 = arith.constant 10 : i32
        %swap3A_1010 = arith.constant 2 : i32
        %swap3A_1011 = arith.index_cast %swap3A_1009 : i32 to index
        %swap3A_1012 = arith.index_cast %swap3A_1010 : i32 to index
        %swap3A_1013 = arith.index_cast %mul3A_340 : i32 to index
        %swap3A_1014 = tpu.vector_load %arg7[%swap3A_1011, %swap3A_1012, %swap3A_1013] {strides = array<i32>} : memref<16x8x224xf32, #tpu.memory_space<vmem>>, vector<16xf32>,
        tpu.vector_store %arg7[%swap3A_1011, %swap3A_1012, %swap3A_1013], %select_n3A_1008 {strides = array<i32>} : memref<16x8x224xf32, #tpu.memory_space<vmem>>, vector<16xf32>,
        %eq3A_1015 = arith.constant 11 : i32
        %eq3A_1016 = vector.broadcast %eq3A_1015 : i32 to vector<16xi32>
        %eq3A_1017 = arith.cmpi eq, %select_n3A_860, %eq3A_1016 : vector<16xi32>
        %jit3A_1018 = arith.constant 1.000000e+00 : f32
        %jit3A_1019 = arith.constant 0.000000e+00 : f32
        %broadcast_in_dim3A_1020 = vector.broadcast %jit3A_1018 : f32 to vector<16xf32>
        %broadcast_in_dim3A_1021 = vector.broadcast %jit3A_1019 : f32 to vector<16xf32>
        %select_n3A_1022 = arith.select %eq3A_1017, %broadcast_in_dim3A_1020, %broadcast_in_dim3A_1021 : vector<16xi1>, vector<16xf32>
        %swap3A_1023 = arith.constant 11 : i32
        %swap3A_1024 = arith.constant 2 : i32
        %swap3A_1025 = arith.index_cast %swap3A_1023 : i32 to index
        %swap3A_1026 = arith.index_cast %swap3A_1024 : i32 to index
        %swap3A_1027 = arith.index_cast %mul3A_340 : i32 to index
        %swap3A_1028 = tpu.vector_load %arg7[%swap3A_1025, %swap3A_1026, %swap3A_1027] {strides = array<i32>} : memref<16x8x224xf32, #tpu.memory_space<vmem>>, vector<16xf32>,
        tpu.vector_store %arg7[%swap3A_1025, %swap3A_1026, %swap3A_1027], %select_n3A_1022 {strides = array<i32>} : memref<16x8x224xf32, #tpu.memory_space<vmem>>, vector<16xf32>,
        %eq3A_1029 = arith.constant 12 : i32
        %eq3A_1030 = vector.broadcast %eq3A_1029 : i32 to vector<16xi32>
        %eq3A_1031 = arith.cmpi eq, %select_n3A_860, %eq3A_1030 : vector<16xi32>
        %jit3A_1032 = arith.constant 1.000000e+00 : f32
        %jit3A_1033 = arith.constant 0.000000e+00 : f32
        %broadcast_in_dim3A_1034 = vector.broadcast %jit3A_1032 : f32 to vector<16xf32>
        %broadcast_in_dim3A_1035 = vector.broadcast %jit3A_1033 : f32 to vector<16xf32>
        %select_n3A_1036 = arith.select %eq3A_1031, %broadcast_in_dim3A_1034, %broadcast_in_dim3A_1035 : vector<16xi1>, vector<16xf32>
        %swap3A_1037 = arith.constant 12 : i32
        %swap3A_1038 = arith.constant 2 : i32
        %swap3A_1039 = arith.index_cast %swap3A_1037 : i32 to index
        %swap3A_1040 = arith.index_cast %swap3A_1038 : i32 to index
        %swap3A_1041 = arith.index_cast %mul3A_340 : i32 to index
        %swap3A_1042 = tpu.vector_load %arg7[%swap3A_1039, %swap3A_1040, %swap3A_1041] {strides = array<i32>} : memref<16x8x224xf32, #tpu.memory_space<vmem>>, vector<16xf32>,
        tpu.vector_store %arg7[%swap3A_1039, %swap3A_1040, %swap3A_1041], %select_n3A_1036 {strides = array<i32>} : memref<16x8x224xf32, #tpu.memory_space<vmem>>, vector<16xf32>,
        %eq3A_1043 = arith.constant 13 : i32
        %eq3A_1044 = vector.broadcast %eq3A_1043 : i32 to vector<16xi32>
        %eq3A_1045 = arith.cmpi eq, %select_n3A_860, %eq3A_1044 : vector<16xi32>
        %jit3A_1046 = arith.constant 1.000000e+00 : f32
        %jit3A_1047 = arith.constant 0.000000e+00 : f32
        %broadcast_in_dim3A_1048 = vector.broadcast %jit3A_1046 : f32 to vector<16xf32>
        %broadcast_in_dim3A_1049 = vector.broadcast %jit3A_1047 : f32 to vector<16xf32>
        %select_n3A_1050 = arith.select %eq3A_1045, %broadcast_in_dim3A_1048, %broadcast_in_dim3A_1049 : vector<16xi1>, vector<16xf32>
        %swap3A_1051 = arith.constant 13 : i32
        %swap3A_1052 = arith.constant 2 : i32
        %swap3A_1053 = arith.index_cast %swap3A_1051 : i32 to index
        %swap3A_1054 = arith.index_cast %swap3A_1052 : i32 to index
        %swap3A_1055 = arith.index_cast %mul3A_340 : i32 to index
        %swap3A_1056 = tpu.vector_load %arg7[%swap3A_1053, %swap3A_1054, %swap3A_1055] {strides = array<i32>} : memref<16x8x224xf32, #tpu.memory_space<vmem>>, vector<16xf32>,
        tpu.vector_store %arg7[%swap3A_1053, %swap3A_1054, %swap3A_1055], %select_n3A_1050 {strides = array<i32>} : memref<16x8x224xf32, #tpu.memory_space<vmem>>, vector<16xf32>,
        %eq3A_1057 = arith.constant 14 : i32
        %eq3A_1058 = vector.broadcast %eq3A_1057 : i32 to vector<16xi32>
        %eq3A_1059 = arith.cmpi eq, %select_n3A_860, %eq3A_1058 : vector<16xi32>
        %jit3A_1060 = arith.constant 1.000000e+00 : f32
        %jit3A_1061 = arith.constant 0.000000e+00 : f32
        %broadcast_in_dim3A_1062 = vector.broadcast %jit3A_1060 : f32 to vector<16xf32>
        %broadcast_in_dim3A_1063 = vector.broadcast %jit3A_1061 : f32 to vector<16xf32>
        %select_n3A_1064 = arith.select %eq3A_1059, %broadcast_in_dim3A_1062, %broadcast_in_dim3A_1063 : vector<16xi1>, vector<16xf32>
        %swap3A_1065 = arith.constant 14 : i32
        %swap3A_1066 = arith.constant 2 : i32
        %swap3A_1067 = arith.index_cast %swap3A_1065 : i32 to index
        %swap3A_1068 = arith.index_cast %swap3A_1066 : i32 to index
        %swap3A_1069 = arith.index_cast %mul3A_340 : i32 to index
        %swap3A_1070 = tpu.vector_load %arg7[%swap3A_1067, %swap3A_1068, %swap3A_1069] {strides = array<i32>} : memref<16x8x224xf32, #tpu.memory_space<vmem>>, vector<16xf32>,
        tpu.vector_store %arg7[%swap3A_1067, %swap3A_1068, %swap3A_1069], %select_n3A_1064 {strides = array<i32>} : memref<16x8x224xf32, #tpu.memory_space<vmem>>, vector<16xf32>,
        %eq3A_1071 = arith.constant 15 : i32
        %eq3A_1072 = vector.broadcast %eq3A_1071 : i32 to vector<16xi32>
        %eq3A_1073 = arith.cmpi eq, %select_n3A_860, %eq3A_1072 : vector<16xi32>
        %jit3A_1074 = arith.constant 1.000000e+00 : f32
        %jit3A_1075 = arith.constant 0.000000e+00 : f32
        %broadcast_in_dim3A_1076 = vector.broadcast %jit3A_1074 : f32 to vector<16xf32>
        %broadcast_in_dim3A_1077 = vector.broadcast %jit3A_1075 : f32 to vector<16xf32>
        %select_n3A_1078 = arith.select %eq3A_1073, %broadcast_in_dim3A_1076, %broadcast_in_dim3A_1077 : vector<16xi1>, vector<16xf32>
        %swap3A_1079 = arith.constant 15 : i32
        %swap3A_1080 = arith.constant 2 : i32
        %swap3A_1081 = arith.index_cast %swap3A_1079 : i32 to index
        %swap3A_1082 = arith.index_cast %swap3A_1080 : i32 to index
        %swap3A_1083 = arith.index_cast %mul3A_340 : i32 to index
        %swap3A_1084 = tpu.vector_load %arg7[%swap3A_1081, %swap3A_1082, %swap3A_1083] {strides = array<i32>} : memref<16x8x224xf32, #tpu.memory_space<vmem>>, vector<16xf32>,
        tpu.vector_store %arg7[%swap3A_1081, %swap3A_1082, %swap3A_1083], %select_n3A_1078 {strides = array<i32>} : memref<16x8x224xf32, #tpu.memory_space<vmem>>, vector<16xf32>,
        %get3A_1085 = arith.constant 3 : i32
        %get3A_1086 = arith.index_cast %get3A_1085 : i32 to index
        %get3A_1087 = arith.index_cast %mul3A_340 : i32 to index
        %get3A_1088 = tpu.vector_load %arg5[%get3A_1086, %get3A_1087] {strides = array<i32>} : memref<8x224xf32, #tpu.memory_space<vmem>>, vector<16xf32>,
        %max3A_1089 = arith.constant 0.000000e+00 : f32
        %max3A_1090 = vector.broadcast %max3A_1089 : f32 to vector<16xf32>
        %max3A_1091 = arith.maximumf %get3A_1088, %max3A_1090 : vector<16xf32>
        %min3A_1092 = arith.constant 1.000000e+00 : f32
        %min3A_1093 = vector.broadcast %min3A_1092 : f32 to vector<16xf32>
        %min3A_1094 = arith.minimumf %max3A_1091, %min3A_1093 : vector<16xf32>
        %sub3A_1095 = arith.constant 1.000000e+00 : f32
        %sub3A_1096 = vector.broadcast %sub3A_1095 : f32 to vector<16xf32>
        %sub3A_1097 = arith.subf %sub3A_1096, %min3A_1094 : vector<16xf32>
        %mul3A_1098 = arith.constant 1.500000e+01 : f32
        %mul3A_1099 = vector.broadcast %mul3A_1098 : f32 to vector<16xf32>
        %mul3A_1100 = arith.mulf %sub3A_1097, %mul3A_1099 : vector<16xf32>
        %convert_element_type3A_1101 = arith.fptosi %mul3A_1100 : vector<16xf32> to vector<16xi32>
        %min3A_1102 = arith.constant 15 : i32
        %min3A_1103 = vector.broadcast %min3A_1102 : i32 to vector<16xi32>
        %min3A_1104 = arith.minsi %convert_element_type3A_1101, %min3A_1103 : vector<16xi32>
        %gt3A_1105 = arith.constant 0.000000e+00 : f32
        %gt3A_1106 = vector.broadcast %gt3A_1105 : f32 to vector<16xf32>
        %gt3A_1107 = arith.cmpf ogt, %min3A_1094, %gt3A_1106 : vector<16xf32>
        %jit3A_1108 = arith.constant 16 : i32
        %broadcast_in_dim3A_1109 = vector.broadcast %jit3A_1108 : i32 to vector<16xi32>
        %select_n3A_1110 = arith.select %gt3A_1107, %min3A_1104, %broadcast_in_dim3A_1109 : vector<16xi1>, vector<16xi32>
        %eq3A_1111 = arith.constant 0 : i32
        %eq3A_1112 = vector.broadcast %eq3A_1111 : i32 to vector<16xi32>
        %eq3A_1113 = arith.cmpi eq, %select_n3A_1110, %eq3A_1112 : vector<16xi32>
        %jit3A_1114 = arith.constant 1.000000e+00 : f32
        %jit3A_1115 = arith.constant 0.000000e+00 : f32
        %broadcast_in_dim3A_1116 = vector.broadcast %jit3A_1114 : f32 to vector<16xf32>
        %broadcast_in_dim3A_1117 = vector.broadcast %jit3A_1115 : f32 to vector<16xf32>
        %select_n3A_1118 = arith.select %eq3A_1113, %broadcast_in_dim3A_1116, %broadcast_in_dim3A_1117 : vector<16xi1>, vector<16xf32>
        %swap3A_1119 = arith.constant 0 : i32
        %swap3A_1120 = arith.constant 3 : i32
        %swap3A_1121 = arith.index_cast %swap3A_1119 : i32 to index
        %swap3A_1122 = arith.index_cast %swap3A_1120 : i32 to index
        %swap3A_1123 = arith.index_cast %mul3A_340 : i32 to index
        %swap3A_1124 = tpu.vector_load %arg7[%swap3A_1121, %swap3A_1122, %swap3A_1123] {strides = array<i32>} : memref<16x8x224xf32, #tpu.memory_space<vmem>>, vector<16xf32>,
        tpu.vector_store %arg7[%swap3A_1121, %swap3A_1122, %swap3A_1123], %select_n3A_1118 {strides = array<i32>} : memref<16x8x224xf32, #tpu.memory_space<vmem>>, vector<16xf32>,
        %eq3A_1125 = arith.constant 1 : i32
        %eq3A_1126 = vector.broadcast %eq3A_1125 : i32 to vector<16xi32>
        %eq3A_1127 = arith.cmpi eq, %select_n3A_1110, %eq3A_1126 : vector<16xi32>
        %jit3A_1128 = arith.constant 1.000000e+00 : f32
        %jit3A_1129 = arith.constant 0.000000e+00 : f32
        %broadcast_in_dim3A_1130 = vector.broadcast %jit3A_1128 : f32 to vector<16xf32>
        %broadcast_in_dim3A_1131 = vector.broadcast %jit3A_1129 : f32 to vector<16xf32>
        %select_n3A_1132 = arith.select %eq3A_1127, %broadcast_in_dim3A_1130, %broadcast_in_dim3A_1131 : vector<16xi1>, vector<16xf32>
        %swap3A_1133 = arith.constant 1 : i32
        %swap3A_1134 = arith.constant 3 : i32
        %swap3A_1135 = arith.index_cast %swap3A_1133 : i32 to index
        %swap3A_1136 = arith.index_cast %swap3A_1134 : i32 to index
        %swap3A_1137 = arith.index_cast %mul3A_340 : i32 to index
        %swap3A_1138 = tpu.vector_load %arg7[%swap3A_1135, %swap3A_1136, %swap3A_1137] {strides = array<i32>} : memref<16x8x224xf32, #tpu.memory_space<vmem>>, vector<16xf32>,
        tpu.vector_store %arg7[%swap3A_1135, %swap3A_1136, %swap3A_1137], %select_n3A_1132 {strides = array<i32>} : memref<16x8x224xf32, #tpu.memory_space<vmem>>, vector<16xf32>,
        %eq3A_1139 = arith.constant 2 : i32
        %eq3A_1140 = vector.broadcast %eq3A_1139 : i32 to vector<16xi32>
        %eq3A_1141 = arith.cmpi eq, %select_n3A_1110, %eq3A_1140 : vector<16xi32>
        %jit3A_1142 = arith.constant 1.000000e+00 : f32
        %jit3A_1143 = arith.constant 0.000000e+00 : f32
        %broadcast_in_dim3A_1144 = vector.broadcast %jit3A_1142 : f32 to vector<16xf32>
        %broadcast_in_dim3A_1145 = vector.broadcast %jit3A_1143 : f32 to vector<16xf32>
        %select_n3A_1146 = arith.select %eq3A_1141, %broadcast_in_dim3A_1144, %broadcast_in_dim3A_1145 : vector<16xi1>, vector<16xf32>
        %swap3A_1147 = arith.constant 2 : i32
        %swap3A_1148 = arith.constant 3 : i32
        %swap3A_1149 = arith.index_cast %swap3A_1147 : i32 to index
        %swap3A_1150 = arith.index_cast %swap3A_1148 : i32 to index
        %swap3A_1151 = arith.index_cast %mul3A_340 : i32 to index
        %swap3A_1152 = tpu.vector_load %arg7[%swap3A_1149, %swap3A_1150, %swap3A_1151] {strides = array<i32>} : memref<16x8x224xf32, #tpu.memory_space<vmem>>, vector<16xf32>,
        tpu.vector_store %arg7[%swap3A_1149, %swap3A_1150, %swap3A_1151], %select_n3A_1146 {strides = array<i32>} : memref<16x8x224xf32, #tpu.memory_space<vmem>>, vector<16xf32>,
        %eq3A_1153 = arith.constant 3 : i32
        %eq3A_1154 = vector.broadcast %eq3A_1153 : i32 to vector<16xi32>
        %eq3A_1155 = arith.cmpi eq, %select_n3A_1110, %eq3A_1154 : vector<16xi32>
        %jit3A_1156 = arith.constant 1.000000e+00 : f32
        %jit3A_1157 = arith.constant 0.000000e+00 : f32
        %broadcast_in_dim3A_1158 = vector.broadcast %jit3A_1156 : f32 to vector<16xf32>
        %broadcast_in_dim3A_1159 = vector.broadcast %jit3A_1157 : f32 to vector<16xf32>
        %select_n3A_1160 = arith.select %eq3A_1155, %broadcast_in_dim3A_1158, %broadcast_in_dim3A_1159 : vector<16xi1>, vector<16xf32>
        %swap3A_1161 = arith.constant 3 : i32
        %swap3A_1162 = arith.constant 3 : i32
        %swap3A_1163 = arith.index_cast %swap3A_1161 : i32 to index
        %swap3A_1164 = arith.index_cast %swap3A_1162 : i32 to index
        %swap3A_1165 = arith.index_cast %mul3A_340 : i32 to index
        %swap3A_1166 = tpu.vector_load %arg7[%swap3A_1163, %swap3A_1164, %swap3A_1165] {strides = array<i32>} : memref<16x8x224xf32, #tpu.memory_space<vmem>>, vector<16xf32>,
        tpu.vector_store %arg7[%swap3A_1163, %swap3A_1164, %swap3A_1165], %select_n3A_1160 {strides = array<i32>} : memref<16x8x224xf32, #tpu.memory_space<vmem>>, vector<16xf32>,
        %eq3A_1167 = arith.constant 4 : i32
        %eq3A_1168 = vector.broadcast %eq3A_1167 : i32 to vector<16xi32>
        %eq3A_1169 = arith.cmpi eq, %select_n3A_1110, %eq3A_1168 : vector<16xi32>
        %jit3A_1170 = arith.constant 1.000000e+00 : f32
        %jit3A_1171 = arith.constant 0.000000e+00 : f32
        %broadcast_in_dim3A_1172 = vector.broadcast %jit3A_1170 : f32 to vector<16xf32>
        %broadcast_in_dim3A_1173 = vector.broadcast %jit3A_1171 : f32 to vector<16xf32>
        %select_n3A_1174 = arith.select %eq3A_1169, %broadcast_in_dim3A_1172, %broadcast_in_dim3A_1173 : vector<16xi1>, vector<16xf32>
        %swap3A_1175 = arith.constant 4 : i32
        %swap3A_1176 = arith.constant 3 : i32
        %swap3A_1177 = arith.index_cast %swap3A_1175 : i32 to index
        %swap3A_1178 = arith.index_cast %swap3A_1176 : i32 to index
        %swap3A_1179 = arith.index_cast %mul3A_340 : i32 to index
        %swap3A_1180 = tpu.vector_load %arg7[%swap3A_1177, %swap3A_1178, %swap3A_1179] {strides = array<i32>} : memref<16x8x224xf32, #tpu.memory_space<vmem>>, vector<16xf32>,
        tpu.vector_store %arg7[%swap3A_1177, %swap3A_1178, %swap3A_1179], %select_n3A_1174 {strides = array<i32>} : memref<16x8x224xf32, #tpu.memory_space<vmem>>, vector<16xf32>,
        %eq3A_1181 = arith.constant 5 : i32
        %eq3A_1182 = vector.broadcast %eq3A_1181 : i32 to vector<16xi32>
        %eq3A_1183 = arith.cmpi eq, %select_n3A_1110, %eq3A_1182 : vector<16xi32>
        %jit3A_1184 = arith.constant 1.000000e+00 : f32
        %jit3A_1185 = arith.constant 0.000000e+00 : f32
        %broadcast_in_dim3A_1186 = vector.broadcast %jit3A_1184 : f32 to vector<16xf32>
        %broadcast_in_dim3A_1187 = vector.broadcast %jit3A_1185 : f32 to vector<16xf32>
        %select_n3A_1188 = arith.select %eq3A_1183, %broadcast_in_dim3A_1186, %broadcast_in_dim3A_1187 : vector<16xi1>, vector<16xf32>
        %swap3A_1189 = arith.constant 5 : i32
        %swap3A_1190 = arith.constant 3 : i32
        %swap3A_1191 = arith.index_cast %swap3A_1189 : i32 to index
        %swap3A_1192 = arith.index_cast %swap3A_1190 : i32 to index
        %swap3A_1193 = arith.index_cast %mul3A_340 : i32 to index
        %swap3A_1194 = tpu.vector_load %arg7[%swap3A_1191, %swap3A_1192, %swap3A_1193] {strides = array<i32>} : memref<16x8x224xf32, #tpu.memory_space<vmem>>, vector<16xf32>,
        tpu.vector_store %arg7[%swap3A_1191, %swap3A_1192, %swap3A_1193], %select_n3A_1188 {strides = array<i32>} : memref<16x8x224xf32, #tpu.memory_space<vmem>>, vector<16xf32>,
        %eq3A_1195 = arith.constant 6 : i32
        %eq3A_1196 = vector.broadcast %eq3A_1195 : i32 to vector<16xi32>
        %eq3A_1197 = arith.cmpi eq, %select_n3A_1110, %eq3A_1196 : vector<16xi32>
        %jit3A_1198 = arith.constant 1.000000e+00 : f32
        %jit3A_1199 = arith.constant 0.000000e+00 : f32
        %broadcast_in_dim3A_1200 = vector.broadcast %jit3A_1198 : f32 to vector<16xf32>
        %broadcast_in_dim3A_1201 = vector.broadcast %jit3A_1199 : f32 to vector<16xf32>
        %select_n3A_1202 = arith.select %eq3A_1197, %broadcast_in_dim3A_1200, %broadcast_in_dim3A_1201 : vector<16xi1>, vector<16xf32>
        %swap3A_1203 = arith.constant 6 : i32
        %swap3A_1204 = arith.constant 3 : i32
        %swap3A_1205 = arith.index_cast %swap3A_1203 : i32 to index
        %swap3A_1206 = arith.index_cast %swap3A_1204 : i32 to index
        %swap3A_1207 = arith.index_cast %mul3A_340 : i32 to index
        %swap3A_1208 = tpu.vector_load %arg7[%swap3A_1205, %swap3A_1206, %swap3A_1207] {strides = array<i32>} : memref<16x8x224xf32, #tpu.memory_space<vmem>>, vector<16xf32>,
        tpu.vector_store %arg7[%swap3A_1205, %swap3A_1206, %swap3A_1207], %select_n3A_1202 {strides = array<i32>} : memref<16x8x224xf32, #tpu.memory_space<vmem>>, vector<16xf32>,
        %eq3A_1209 = arith.constant 7 : i32
        %eq3A_1210 = vector.broadcast %eq3A_1209 : i32 to vector<16xi32>
        %eq3A_1211 = arith.cmpi eq, %select_n3A_1110, %eq3A_1210 : vector<16xi32>
        %jit3A_1212 = arith.constant 1.000000e+00 : f32
        %jit3A_1213 = arith.constant 0.000000e+00 : f32
        %broadcast_in_dim3A_1214 = vector.broadcast %jit3A_1212 : f32 to vector<16xf32>
        %broadcast_in_dim3A_1215 = vector.broadcast %jit3A_1213 : f32 to vector<16xf32>
        %select_n3A_1216 = arith.select %eq3A_1211, %broadcast_in_dim3A_1214, %broadcast_in_dim3A_1215 : vector<16xi1>, vector<16xf32>
        %swap3A_1217 = arith.constant 7 : i32
        %swap3A_1218 = arith.constant 3 : i32
        %swap3A_1219 = arith.index_cast %swap3A_1217 : i32 to index
        %swap3A_1220 = arith.index_cast %swap3A_1218 : i32 to index
        %swap3A_1221 = arith.index_cast %mul3A_340 : i32 to index
        %swap3A_1222 = tpu.vector_load %arg7[%swap3A_1219, %swap3A_1220, %swap3A_1221] {strides = array<i32>} : memref<16x8x224xf32, #tpu.memory_space<vmem>>, vector<16xf32>,
        tpu.vector_store %arg7[%swap3A_1219, %swap3A_1220, %swap3A_1221], %select_n3A_1216 {strides = array<i32>} : memref<16x8x224xf32, #tpu.memory_space<vmem>>, vector<16xf32>,
        %eq3A_1223 = arith.constant 8 : i32
        %eq3A_1224 = vector.broadcast %eq3A_1223 : i32 to vector<16xi32>
        %eq3A_1225 = arith.cmpi eq, %select_n3A_1110, %eq3A_1224 : vector<16xi32>
        %jit3A_1226 = arith.constant 1.000000e+00 : f32
        %jit3A_1227 = arith.constant 0.000000e+00 : f32
        %broadcast_in_dim3A_1228 = vector.broadcast %jit3A_1226 : f32 to vector<16xf32>
        %broadcast_in_dim3A_1229 = vector.broadcast %jit3A_1227 : f32 to vector<16xf32>
        %select_n3A_1230 = arith.select %eq3A_1225, %broadcast_in_dim3A_1228, %broadcast_in_dim3A_1229 : vector<16xi1>, vector<16xf32>
        %swap3A_1231 = arith.constant 8 : i32
        %swap3A_1232 = arith.constant 3 : i32
        %swap3A_1233 = arith.index_cast %swap3A_1231 : i32 to index
        %swap3A_1234 = arith.index_cast %swap3A_1232 : i32 to index
        %swap3A_1235 = arith.index_cast %mul3A_340 : i32 to index
        %swap3A_1236 = tpu.vector_load %arg7[%swap3A_1233, %swap3A_1234, %swap3A_1235] {strides = array<i32>} : memref<16x8x224xf32, #tpu.memory_space<vmem>>, vector<16xf32>,
        tpu.vector_store %arg7[%swap3A_1233, %swap3A_1234, %swap3A_1235], %select_n3A_1230 {strides = array<i32>} : memref<16x8x224xf32, #tpu.memory_space<vmem>>, vector<16xf32>,
        %eq3A_1237 = arith.constant 9 : i32
        %eq3A_1238 = vector.broadcast %eq3A_1237 : i32 to vector<16xi32>
        %eq3A_1239 = arith.cmpi eq, %select_n3A_1110, %eq3A_1238 : vector<16xi32>
        %jit3A_1240 = arith.constant 1.000000e+00 : f32
        %jit3A_1241 = arith.constant 0.000000e+00 : f32
        %broadcast_in_dim3A_1242 = vector.broadcast %jit3A_1240 : f32 to vector<16xf32>
        %broadcast_in_dim3A_1243 = vector.broadcast %jit3A_1241 : f32 to vector<16xf32>
        %select_n3A_1244 = arith.select %eq3A_1239, %broadcast_in_dim3A_1242, %broadcast_in_dim3A_1243 : vector<16xi1>, vector<16xf32>
        %swap3A_1245 = arith.constant 9 : i32
        %swap3A_1246 = arith.constant 3 : i32
        %swap3A_1247 = arith.index_cast %swap3A_1245 : i32 to index
        %swap3A_1248 = arith.index_cast %swap3A_1246 : i32 to index
        %swap3A_1249 = arith.index_cast %mul3A_340 : i32 to index
        %swap3A_1250 = tpu.vector_load %arg7[%swap3A_1247, %swap3A_1248, %swap3A_1249] {strides = array<i32>} : memref<16x8x224xf32, #tpu.memory_space<vmem>>, vector<16xf32>,
        tpu.vector_store %arg7[%swap3A_1247, %swap3A_1248, %swap3A_1249], %select_n3A_1244 {strides = array<i32>} : memref<16x8x224xf32, #tpu.memory_space<vmem>>, vector<16xf32>,
        %eq3A_1251 = arith.constant 10 : i32
        %eq3A_1252 = vector.broadcast %eq3A_1251 : i32 to vector<16xi32>
        %eq3A_1253 = arith.cmpi eq, %select_n3A_1110, %eq3A_1252 : vector<16xi32>
        %jit3A_1254 = arith.constant 1.000000e+00 : f32
        %jit3A_1255 = arith.constant 0.000000e+00 : f32
        %broadcast_in_dim3A_1256 = vector.broadcast %jit3A_1254 : f32 to vector<16xf32>
        %broadcast_in_dim3A_1257 = vector.broadcast %jit3A_1255 : f32 to vector<16xf32>
        %select_n3A_1258 = arith.select %eq3A_1253, %broadcast_in_dim3A_1256, %broadcast_in_dim3A_1257 : vector<16xi1>, vector<16xf32>
        %swap3A_1259 = arith.constant 10 : i32
        %swap3A_1260 = arith.constant 3 : i32
        %swap3A_1261 = arith.index_cast %swap3A_1259 : i32 to index
        %swap3A_1262 = arith.index_cast %swap3A_1260 : i32 to index
        %swap3A_1263 = arith.index_cast %mul3A_340 : i32 to index
        %swap3A_1264 = tpu.vector_load %arg7[%swap3A_1261, %swap3A_1262, %swap3A_1263] {strides = array<i32>} : memref<16x8x224xf32, #tpu.memory_space<vmem>>, vector<16xf32>,
        tpu.vector_store %arg7[%swap3A_1261, %swap3A_1262, %swap3A_1263], %select_n3A_1258 {strides = array<i32>} : memref<16x8x224xf32, #tpu.memory_space<vmem>>, vector<16xf32>,
        %eq3A_1265 = arith.constant 11 : i32
        %eq3A_1266 = vector.broadcast %eq3A_1265 : i32 to vector<16xi32>
        %eq3A_1267 = arith.cmpi eq, %select_n3A_1110, %eq3A_1266 : vector<16xi32>
        %jit3A_1268 = arith.constant 1.000000e+00 : f32
        %jit3A_1269 = arith.constant 0.000000e+00 : f32
        %broadcast_in_dim3A_1270 = vector.broadcast %jit3A_1268 : f32 to vector<16xf32>
        %broadcast_in_dim3A_1271 = vector.broadcast %jit3A_1269 : f32 to vector<16xf32>
        %select_n3A_1272 = arith.select %eq3A_1267, %broadcast_in_dim3A_1270, %broadcast_in_dim3A_1271 : vector<16xi1>, vector<16xf32>
        %swap3A_1273 = arith.constant 11 : i32
        %swap3A_1274 = arith.constant 3 : i32
        %swap3A_1275 = arith.index_cast %swap3A_1273 : i32 to index
        %swap3A_1276 = arith.index_cast %swap3A_1274 : i32 to index
        %swap3A_1277 = arith.index_cast %mul3A_340 : i32 to index
        %swap3A_1278 = tpu.vector_load %arg7[%swap3A_1275, %swap3A_1276, %swap3A_1277] {strides = array<i32>} : memref<16x8x224xf32, #tpu.memory_space<vmem>>, vector<16xf32>,
        tpu.vector_store %arg7[%swap3A_1275, %swap3A_1276, %swap3A_1277], %select_n3A_1272 {strides = array<i32>} : memref<16x8x224xf32, #tpu.memory_space<vmem>>, vector<16xf32>,
        %eq3A_1279 = arith.constant 12 : i32
        %eq3A_1280 = vector.broadcast %eq3A_1279 : i32 to vector<16xi32>
        %eq3A_1281 = arith.cmpi eq, %select_n3A_1110, %eq3A_1280 : vector<16xi32>
        %jit3A_1282 = arith.constant 1.000000e+00 : f32
        %jit3A_1283 = arith.constant 0.000000e+00 : f32
        %broadcast_in_dim3A_1284 = vector.broadcast %jit3A_1282 : f32 to vector<16xf32>
        %broadcast_in_dim3A_1285 = vector.broadcast %jit3A_1283 : f32 to vector<16xf32>
        %select_n3A_1286 = arith.select %eq3A_1281, %broadcast_in_dim3A_1284, %broadcast_in_dim3A_1285 : vector<16xi1>, vector<16xf32>
        %swap3A_1287 = arith.constant 12 : i32
        %swap3A_1288 = arith.constant 3 : i32
        %swap3A_1289 = arith.index_cast %swap3A_1287 : i32 to index
        %swap3A_1290 = arith.index_cast %swap3A_1288 : i32 to index
        %swap3A_1291 = arith.index_cast %mul3A_340 : i32 to index
        %swap3A_1292 = tpu.vector_load %arg7[%swap3A_1289, %swap3A_1290, %swap3A_1291] {strides = array<i32>} : memref<16x8x224xf32, #tpu.memory_space<vmem>>, vector<16xf32>,
        tpu.vector_store %arg7[%swap3A_1289, %swap3A_1290, %swap3A_1291], %select_n3A_1286 {strides = array<i32>} : memref<16x8x224xf32, #tpu.memory_space<vmem>>, vector<16xf32>,
        %eq3A_1293 = arith.constant 13 : i32
        %eq3A_1294 = vector.broadcast %eq3A_1293 : i32 to vector<16xi32>
        %eq3A_1295 = arith.cmpi eq, %select_n3A_1110, %eq3A_1294 : vector<16xi32>
        %jit3A_1296 = arith.constant 1.000000e+00 : f32
        %jit3A_1297 = arith.constant 0.000000e+00 : f32
        %broadcast_in_dim3A_1298 = vector.broadcast %jit3A_1296 : f32 to vector<16xf32>
        %broadcast_in_dim3A_1299 = vector.broadcast %jit3A_1297 : f32 to vector<16xf32>
        %select_n3A_1300 = arith.select %eq3A_1295, %broadcast_in_dim3A_1298, %broadcast_in_dim3A_1299 : vector<16xi1>, vector<16xf32>
        %swap3A_1301 = arith.constant 13 : i32
        %swap3A_1302 = arith.constant 3 : i32
        %swap3A_1303 = arith.index_cast %swap3A_1301 : i32 to index
        %swap3A_1304 = arith.index_cast %swap3A_1302 : i32 to index
        %swap3A_1305 = arith.index_cast %mul3A_340 : i32 to index
        %swap3A_1306 = tpu.vector_load %arg7[%swap3A_1303, %swap3A_1304, %swap3A_1305] {strides = array<i32>} : memref<16x8x224xf32, #tpu.memory_space<vmem>>, vector<16xf32>,
        tpu.vector_store %arg7[%swap3A_1303, %swap3A_1304, %swap3A_1305], %select_n3A_1300 {strides = array<i32>} : memref<16x8x224xf32, #tpu.memory_space<vmem>>, vector<16xf32>,
        %eq3A_1307 = arith.constant 14 : i32
        %eq3A_1308 = vector.broadcast %eq3A_1307 : i32 to vector<16xi32>
        %eq3A_1309 = arith.cmpi eq, %select_n3A_1110, %eq3A_1308 : vector<16xi32>
        %jit3A_1310 = arith.constant 1.000000e+00 : f32
        %jit3A_1311 = arith.constant 0.000000e+00 : f32
        %broadcast_in_dim3A_1312 = vector.broadcast %jit3A_1310 : f32 to vector<16xf32>
        %broadcast_in_dim3A_1313 = vector.broadcast %jit3A_1311 : f32 to vector<16xf32>
        %select_n3A_1314 = arith.select %eq3A_1309, %broadcast_in_dim3A_1312, %broadcast_in_dim3A_1313 : vector<16xi1>, vector<16xf32>
        %swap3A_1315 = arith.constant 14 : i32
        %swap3A_1316 = arith.constant 3 : i32
        %swap3A_1317 = arith.index_cast %swap3A_1315 : i32 to index
        %swap3A_1318 = arith.index_cast %swap3A_1316 : i32 to index
        %swap3A_1319 = arith.index_cast %mul3A_340 : i32 to index
        %swap3A_1320 = tpu.vector_load %arg7[%swap3A_1317, %swap3A_1318, %swap3A_1319] {strides = array<i32>} : memref<16x8x224xf32, #tpu.memory_space<vmem>>, vector<16xf32>,
        tpu.vector_store %arg7[%swap3A_1317, %swap3A_1318, %swap3A_1319], %select_n3A_1314 {strides = array<i32>} : memref<16x8x224xf32, #tpu.memory_space<vmem>>, vector<16xf32>,
        %eq3A_1321 = arith.constant 15 : i32
        %eq3A_1322 = vector.broadcast %eq3A_1321 : i32 to vector<16xi32>
        %eq3A_1323 = arith.cmpi eq, %select_n3A_1110, %eq3A_1322 : vector<16xi32>
        %jit3A_1324 = arith.constant 1.000000e+00 : f32
        %jit3A_1325 = arith.constant 0.000000e+00 : f32
        %broadcast_in_dim3A_1326 = vector.broadcast %jit3A_1324 : f32 to vector<16xf32>
        %broadcast_in_dim3A_1327 = vector.broadcast %jit3A_1325 : f32 to vector<16xf32>
        %select_n3A_1328 = arith.select %eq3A_1323, %broadcast_in_dim3A_1326, %broadcast_in_dim3A_1327 : vector<16xi1>, vector<16xf32>
        %swap3A_1329 = arith.constant 15 : i32
        %swap3A_1330 = arith.constant 3 : i32
        %swap3A_1331 = arith.index_cast %swap3A_1329 : i32 to index
        %swap3A_1332 = arith.index_cast %swap3A_1330 : i32 to index
        %swap3A_1333 = arith.index_cast %mul3A_340 : i32 to index
        %swap3A_1334 = tpu.vector_load %arg7[%swap3A_1331, %swap3A_1332, %swap3A_1333] {strides = array<i32>} : memref<16x8x224xf32, #tpu.memory_space<vmem>>, vector<16xf32>,
        tpu.vector_store %arg7[%swap3A_1331, %swap3A_1332, %swap3A_1333], %select_n3A_1328 {strides = array<i32>} : memref<16x8x224xf32, #tpu.memory_space<vmem>>, vector<16xf32>,
        %get3A_1335 = arith.constant 4 : i32
        %get3A_1336 = arith.index_cast %get3A_1335 : i32 to index
        %get3A_1337 = arith.index_cast %mul3A_340 : i32 to index
        %get3A_1338 = tpu.vector_load %arg5[%get3A_1336, %get3A_1337] {strides = array<i32>} : memref<8x224xf32, #tpu.memory_space<vmem>>, vector<16xf32>,
        %max3A_1339 = arith.constant 0.000000e+00 : f32
        %max3A_1340 = vector.broadcast %max3A_1339 : f32 to vector<16xf32>
        %max3A_1341 = arith.maximumf %get3A_1338, %max3A_1340 : vector<16xf32>
        %min3A_1342 = arith.constant 1.000000e+00 : f32
        %min3A_1343 = vector.broadcast %min3A_1342 : f32 to vector<16xf32>
        %min3A_1344 = arith.minimumf %max3A_1341, %min3A_1343 : vector<16xf32>
        %sub3A_1345 = arith.constant 1.000000e+00 : f32
        %sub3A_1346 = vector.broadcast %sub3A_1345 : f32 to vector<16xf32>
        %sub3A_1347 = arith.subf %sub3A_1346, %min3A_1344 : vector<16xf32>
        %mul3A_1348 = arith.constant 1.500000e+01 : f32
        %mul3A_1349 = vector.broadcast %mul3A_1348 : f32 to vector<16xf32>
        %mul3A_1350 = arith.mulf %sub3A_1347, %mul3A_1349 : vector<16xf32>
        %convert_element_type3A_1351 = arith.fptosi %mul3A_1350 : vector<16xf32> to vector<16xi32>
        %min3A_1352 = arith.constant 15 : i32
        %min3A_1353 = vector.broadcast %min3A_1352 : i32 to vector<16xi32>
        %min3A_1354 = arith.minsi %convert_element_type3A_1351, %min3A_1353 : vector<16xi32>
        %gt3A_1355 = arith.constant 0.000000e+00 : f32
        %gt3A_1356 = vector.broadcast %gt3A_1355 : f32 to vector<16xf32>
        %gt3A_1357 = arith.cmpf ogt, %min3A_1344, %gt3A_1356 : vector<16xf32>
        %jit3A_1358 = arith.constant 16 : i32
        %broadcast_in_dim3A_1359 = vector.broadcast %jit3A_1358 : i32 to vector<16xi32>
        %select_n3A_1360 = arith.select %gt3A_1357, %min3A_1354, %broadcast_in_dim3A_1359 : vector<16xi1>, vector<16xi32>
        %eq3A_1361 = arith.constant 0 : i32
        %eq3A_1362 = vector.broadcast %eq3A_1361 : i32 to vector<16xi32>
        %eq3A_1363 = arith.cmpi eq, %select_n3A_1360, %eq3A_1362 : vector<16xi32>
        %jit3A_1364 = arith.constant 1.000000e+00 : f32
        %jit3A_1365 = arith.constant 0.000000e+00 : f32
        %broadcast_in_dim3A_1366 = vector.broadcast %jit3A_1364 : f32 to vector<16xf32>
        %broadcast_in_dim3A_1367 = vector.broadcast %jit3A_1365 : f32 to vector<16xf32>
        %select_n3A_1368 = arith.select %eq3A_1363, %broadcast_in_dim3A_1366, %broadcast_in_dim3A_1367 : vector<16xi1>, vector<16xf32>
        %swap3A_1369 = arith.constant 0 : i32
        %swap3A_1370 = arith.constant 4 : i32
        %swap3A_1371 = arith.index_cast %swap3A_1369 : i32 to index
        %swap3A_1372 = arith.index_cast %swap3A_1370 : i32 to index
        %swap3A_1373 = arith.index_cast %mul3A_340 : i32 to index
        %swap3A_1374 = tpu.vector_load %arg7[%swap3A_1371, %swap3A_1372, %swap3A_1373] {strides = array<i32>} : memref<16x8x224xf32, #tpu.memory_space<vmem>>, vector<16xf32>,
        tpu.vector_store %arg7[%swap3A_1371, %swap3A_1372, %swap3A_1373], %select_n3A_1368 {strides = array<i32>} : memref<16x8x224xf32, #tpu.memory_space<vmem>>, vector<16xf32>,
        %eq3A_1375 = arith.constant 1 : i32
        %eq3A_1376 = vector.broadcast %eq3A_1375 : i32 to vector<16xi32>
        %eq3A_1377 = arith.cmpi eq, %select_n3A_1360, %eq3A_1376 : vector<16xi32>
        %jit3A_1378 = arith.constant 1.000000e+00 : f32
        %jit3A_1379 = arith.constant 0.000000e+00 : f32
        %broadcast_in_dim3A_1380 = vector.broadcast %jit3A_1378 : f32 to vector<16xf32>
        %broadcast_in_dim3A_1381 = vector.broadcast %jit3A_1379 : f32 to vector<16xf32>
        %select_n3A_1382 = arith.select %eq3A_1377, %broadcast_in_dim3A_1380, %broadcast_in_dim3A_1381 : vector<16xi1>, vector<16xf32>
        %swap3A_1383 = arith.constant 1 : i32
        %swap3A_1384 = arith.constant 4 : i32
        %swap3A_1385 = arith.index_cast %swap3A_1383 : i32 to index
        %swap3A_1386 = arith.index_cast %swap3A_1384 : i32 to index
        %swap3A_1387 = arith.index_cast %mul3A_340 : i32 to index
        %swap3A_1388 = tpu.vector_load %arg7[%swap3A_1385, %swap3A_1386, %swap3A_1387] {strides = array<i32>} : memref<16x8x224xf32, #tpu.memory_space<vmem>>, vector<16xf32>,
        tpu.vector_store %arg7[%swap3A_1385, %swap3A_1386, %swap3A_1387], %select_n3A_1382 {strides = array<i32>} : memref<16x8x224xf32, #tpu.memory_space<vmem>>, vector<16xf32>,
        %eq3A_1389 = arith.constant 2 : i32
        %eq3A_1390 = vector.broadcast %eq3A_1389 : i32 to vector<16xi32>
        %eq3A_1391 = arith.cmpi eq, %select_n3A_1360, %eq3A_1390 : vector<16xi32>
        %jit3A_1392 = arith.constant 1.000000e+00 : f32
        %jit3A_1393 = arith.constant 0.000000e+00 : f32
        %broadcast_in_dim3A_1394 = vector.broadcast %jit3A_1392 : f32 to vector<16xf32>
        %broadcast_in_dim3A_1395 = vector.broadcast %jit3A_1393 : f32 to vector<16xf32>
        %select_n3A_1396 = arith.select %eq3A_1391, %broadcast_in_dim3A_1394, %broadcast_in_dim3A_1395 : vector<16xi1>, vector<16xf32>
        %swap3A_1397 = arith.constant 2 : i32
        %swap3A_1398 = arith.constant 4 : i32
        %swap3A_1399 = arith.index_cast %swap3A_1397 : i32 to index
        %swap3A_1400 = arith.index_cast %swap3A_1398 : i32 to index
        %swap3A_1401 = arith.index_cast %mul3A_340 : i32 to index
        %swap3A_1402 = tpu.vector_load %arg7[%swap3A_1399, %swap3A_1400, %swap3A_1401] {strides = array<i32>} : memref<16x8x224xf32, #tpu.memory_space<vmem>>, vector<16xf32>,
        tpu.vector_store %arg7[%swap3A_1399, %swap3A_1400, %swap3A_1401], %select_n3A_1396 {strides = array<i32>} : memref<16x8x224xf32, #tpu.memory_space<vmem>>, vector<16xf32>,
        %eq3A_1403 = arith.constant 3 : i32
        %eq3A_1404 = vector.broadcast %eq3A_1403 : i32 to vector<16xi32>
        %eq3A_1405 = arith.cmpi eq, %select_n3A_1360, %eq3A_1404 : vector<16xi32>
        %jit3A_1406 = arith.constant 1.000000e+00 : f32
        %jit3A_1407 = arith.constant 0.000000e+00 : f32
        %broadcast_in_dim3A_1408 = vector.broadcast %jit3A_1406 : f32 to vector<16xf32>
        %broadcast_in_dim3A_1409 = vector.broadcast %jit3A_1407 : f32 to vector<16xf32>
        %select_n3A_1410 = arith.select %eq3A_1405, %broadcast_in_dim3A_1408, %broadcast_in_dim3A_1409 : vector<16xi1>, vector<16xf32>
        %swap3A_1411 = arith.constant 3 : i32
        %swap3A_1412 = arith.constant 4 : i32
        %swap3A_1413 = arith.index_cast %swap3A_1411 : i32 to index
        %swap3A_1414 = arith.index_cast %swap3A_1412 : i32 to index
        %swap3A_1415 = arith.index_cast %mul3A_340 : i32 to index
        %swap3A_1416 = tpu.vector_load %arg7[%swap3A_1413, %swap3A_1414, %swap3A_1415] {strides = array<i32>} : memref<16x8x224xf32, #tpu.memory_space<vmem>>, vector<16xf32>,
        tpu.vector_store %arg7[%swap3A_1413, %swap3A_1414, %swap3A_1415], %select_n3A_1410 {strides = array<i32>} : memref<16x8x224xf32, #tpu.memory_space<vmem>>, vector<16xf32>,
        %eq3A_1417 = arith.constant 4 : i32
        %eq3A_1418 = vector.broadcast %eq3A_1417 : i32 to vector<16xi32>
        %eq3A_1419 = arith.cmpi eq, %select_n3A_1360, %eq3A_1418 : vector<16xi32>
        %jit3A_1420 = arith.constant 1.000000e+00 : f32
        %jit3A_1421 = arith.constant 0.000000e+00 : f32
        %broadcast_in_dim3A_1422 = vector.broadcast %jit3A_1420 : f32 to vector<16xf32>
        %broadcast_in_dim3A_1423 = vector.broadcast %jit3A_1421 : f32 to vector<16xf32>
        %select_n3A_1424 = arith.select %eq3A_1419, %broadcast_in_dim3A_1422, %broadcast_in_dim3A_1423 : vector<16xi1>, vector<16xf32>
        %swap3A_1425 = arith.constant 4 : i32
        %swap3A_1426 = arith.constant 4 : i32
        %swap3A_1427 = arith.index_cast %swap3A_1425 : i32 to index
        %swap3A_1428 = arith.index_cast %swap3A_1426 : i32 to index
        %swap3A_1429 = arith.index_cast %mul3A_340 : i32 to index
        %swap3A_1430 = tpu.vector_load %arg7[%swap3A_1427, %swap3A_1428, %swap3A_1429] {strides = array<i32>} : memref<16x8x224xf32, #tpu.memory_space<vmem>>, vector<16xf32>,
        tpu.vector_store %arg7[%swap3A_1427, %swap3A_1428, %swap3A_1429], %select_n3A_1424 {strides = array<i32>} : memref<16x8x224xf32, #tpu.memory_space<vmem>>, vector<16xf32>,
        %eq3A_1431 = arith.constant 5 : i32
        %eq3A_1432 = vector.broadcast %eq3A_1431 : i32 to vector<16xi32>
        %eq3A_1433 = arith.cmpi eq, %select_n3A_1360, %eq3A_1432 : vector<16xi32>
        %jit3A_1434 = arith.constant 1.000000e+00 : f32
        %jit3A_1435 = arith.constant 0.000000e+00 : f32
        %broadcast_in_dim3A_1436 = vector.broadcast %jit3A_1434 : f32 to vector<16xf32>
        %broadcast_in_dim3A_1437 = vector.broadcast %jit3A_1435 : f32 to vector<16xf32>
        %select_n3A_1438 = arith.select %eq3A_1433, %broadcast_in_dim3A_1436, %broadcast_in_dim3A_1437 : vector<16xi1>, vector<16xf32>
        %swap3A_1439 = arith.constant 5 : i32
        %swap3A_1440 = arith.constant 4 : i32
        %swap3A_1441 = arith.index_cast %swap3A_1439 : i32 to index
        %swap3A_1442 = arith.index_cast %swap3A_1440 : i32 to index
        %swap3A_1443 = arith.index_cast %mul3A_340 : i32 to index
        %swap3A_1444 = tpu.vector_load %arg7[%swap3A_1441, %swap3A_1442, %swap3A_1443] {strides = array<i32>} : memref<16x8x224xf32, #tpu.memory_space<vmem>>, vector<16xf32>,
        tpu.vector_store %arg7[%swap3A_1441, %swap3A_1442, %swap3A_1443], %select_n3A_1438 {strides = array<i32>} : memref<16x8x224xf32, #tpu.memory_space<vmem>>, vector<16xf32>,
        %eq3A_1445 = arith.constant 6 : i32
        %eq3A_1446 = vector.broadcast %eq3A_1445 : i32 to vector<16xi32>
        %eq3A_1447 = arith.cmpi eq, %select_n3A_1360, %eq3A_1446 : vector<16xi32>
        %jit3A_1448 = arith.constant 1.000000e+00 : f32
        %jit3A_1449 = arith.constant 0.000000e+00 : f32
        %broadcast_in_dim3A_1450 = vector.broadcast %jit3A_1448 : f32 to vector<16xf32>
        %broadcast_in_dim3A_1451 = vector.broadcast %jit3A_1449 : f32 to vector<16xf32>
        %select_n3A_1452 = arith.select %eq3A_1447, %broadcast_in_dim3A_1450, %broadcast_in_dim3A_1451 : vector<16xi1>, vector<16xf32>
        %swap3A_1453 = arith.constant 6 : i32
        %swap3A_1454 = arith.constant 4 : i32
        %swap3A_1455 = arith.index_cast %swap3A_1453 : i32 to index
        %swap3A_1456 = arith.index_cast %swap3A_1454 : i32 to index
        %swap3A_1457 = arith.index_cast %mul3A_340 : i32 to index
        %swap3A_1458 = tpu.vector_load %arg7[%swap3A_1455, %swap3A_1456, %swap3A_1457] {strides = array<i32>} : memref<16x8x224xf32, #tpu.memory_space<vmem>>, vector<16xf32>,
        tpu.vector_store %arg7[%swap3A_1455, %swap3A_1456, %swap3A_1457], %select_n3A_1452 {strides = array<i32>} : memref<16x8x224xf32, #tpu.memory_space<vmem>>, vector<16xf32>,
        %eq3A_1459 = arith.constant 7 : i32
        %eq3A_1460 = vector.broadcast %eq3A_1459 : i32 to vector<16xi32>
        %eq3A_1461 = arith.cmpi eq, %select_n3A_1360, %eq3A_1460 : vector<16xi32>
        %jit3A_1462 = arith.constant 1.000000e+00 : f32
        %jit3A_1463 = arith.constant 0.000000e+00 : f32
        %broadcast_in_dim3A_1464 = vector.broadcast %jit3A_1462 : f32 to vector<16xf32>
        %broadcast_in_dim3A_1465 = vector.broadcast %jit3A_1463 : f32 to vector<16xf32>
        %select_n3A_1466 = arith.select %eq3A_1461, %broadcast_in_dim3A_1464, %broadcast_in_dim3A_1465 : vector<16xi1>, vector<16xf32>
        %swap3A_1467 = arith.constant 7 : i32
        %swap3A_1468 = arith.constant 4 : i32
        %swap3A_1469 = arith.index_cast %swap3A_1467 : i32 to index
        %swap3A_1470 = arith.index_cast %swap3A_1468 : i32 to index
        %swap3A_1471 = arith.index_cast %mul3A_340 : i32 to index
        %swap3A_1472 = tpu.vector_load %arg7[%swap3A_1469, %swap3A_1470, %swap3A_1471] {strides = array<i32>} : memref<16x8x224xf32, #tpu.memory_space<vmem>>, vector<16xf32>,
        tpu.vector_store %arg7[%swap3A_1469, %swap3A_1470, %swap3A_1471], %select_n3A_1466 {strides = array<i32>} : memref<16x8x224xf32, #tpu.memory_space<vmem>>, vector<16xf32>,
        %eq3A_1473 = arith.constant 8 : i32
        %eq3A_1474 = vector.broadcast %eq3A_1473 : i32 to vector<16xi32>
        %eq3A_1475 = arith.cmpi eq, %select_n3A_1360, %eq3A_1474 : vector<16xi32>
        %jit3A_1476 = arith.constant 1.000000e+00 : f32
        %jit3A_1477 = arith.constant 0.000000e+00 : f32
        %broadcast_in_dim3A_1478 = vector.broadcast %jit3A_1476 : f32 to vector<16xf32>
        %broadcast_in_dim3A_1479 = vector.broadcast %jit3A_1477 : f32 to vector<16xf32>
        %select_n3A_1480 = arith.select %eq3A_1475, %broadcast_in_dim3A_1478, %broadcast_in_dim3A_1479 : vector<16xi1>, vector<16xf32>
        %swap3A_1481 = arith.constant 8 : i32
        %swap3A_1482 = arith.constant 4 : i32
        %swap3A_1483 = arith.index_cast %swap3A_1481 : i32 to index
        %swap3A_1484 = arith.index_cast %swap3A_1482 : i32 to index
        %swap3A_1485 = arith.index_cast %mul3A_340 : i32 to index
        %swap3A_1486 = tpu.vector_load %arg7[%swap3A_1483, %swap3A_1484, %swap3A_1485] {strides = array<i32>} : memref<16x8x224xf32, #tpu.memory_space<vmem>>, vector<16xf32>,
        tpu.vector_store %arg7[%swap3A_1483, %swap3A_1484, %swap3A_1485], %select_n3A_1480 {strides = array<i32>} : memref<16x8x224xf32, #tpu.memory_space<vmem>>, vector<16xf32>,
        %eq3A_1487 = arith.constant 9 : i32
        %eq3A_1488 = vector.broadcast %eq3A_1487 : i32 to vector<16xi32>
        %eq3A_1489 = arith.cmpi eq, %select_n3A_1360, %eq3A_1488 : vector<16xi32>
        %jit3A_1490 = arith.constant 1.000000e+00 : f32
        %jit3A_1491 = arith.constant 0.000000e+00 : f32
        %broadcast_in_dim3A_1492 = vector.broadcast %jit3A_1490 : f32 to vector<16xf32>
        %broadcast_in_dim3A_1493 = vector.broadcast %jit3A_1491 : f32 to vector<16xf32>
        %select_n3A_1494 = arith.select %eq3A_1489, %broadcast_in_dim3A_1492, %broadcast_in_dim3A_1493 : vector<16xi1>, vector<16xf32>
        %swap3A_1495 = arith.constant 9 : i32
        %swap3A_1496 = arith.constant 4 : i32
        %swap3A_1497 = arith.index_cast %swap3A_1495 : i32 to index
        %swap3A_1498 = arith.index_cast %swap3A_1496 : i32 to index
        %swap3A_1499 = arith.index_cast %mul3A_340 : i32 to index
        %swap3A_1500 = tpu.vector_load %arg7[%swap3A_1497, %swap3A_1498, %swap3A_1499] {strides = array<i32>} : memref<16x8x224xf32, #tpu.memory_space<vmem>>, vector<16xf32>,
        tpu.vector_store %arg7[%swap3A_1497, %swap3A_1498, %swap3A_1499], %select_n3A_1494 {strides = array<i32>} : memref<16x8x224xf32, #tpu.memory_space<vmem>>, vector<16xf32>,
        %eq3A_1501 = arith.constant 10 : i32
        %eq3A_1502 = vector.broadcast %eq3A_1501 : i32 to vector<16xi32>
        %eq3A_1503 = arith.cmpi eq, %select_n3A_1360, %eq3A_1502 : vector<16xi32>
        %jit3A_1504 = arith.constant 1.000000e+00 : f32
        %jit3A_1505 = arith.constant 0.000000e+00 : f32
        %broadcast_in_dim3A_1506 = vector.broadcast %jit3A_1504 : f32 to vector<16xf32>
        %broadcast_in_dim3A_1507 = vector.broadcast %jit3A_1505 : f32 to vector<16xf32>
        %select_n3A_1508 = arith.select %eq3A_1503, %broadcast_in_dim3A_1506, %broadcast_in_dim3A_1507 : vector<16xi1>, vector<16xf32>
        %swap3A_1509 = arith.constant 10 : i32
        %swap3A_1510 = arith.constant 4 : i32
        %swap3A_1511 = arith.index_cast %swap3A_1509 : i32 to index
        %swap3A_1512 = arith.index_cast %swap3A_1510 : i32 to index
        %swap3A_1513 = arith.index_cast %mul3A_340 : i32 to index
        %swap3A_1514 = tpu.vector_load %arg7[%swap3A_1511, %swap3A_1512, %swap3A_1513] {strides = array<i32>} : memref<16x8x224xf32, #tpu.memory_space<vmem>>, vector<16xf32>,
        tpu.vector_store %arg7[%swap3A_1511, %swap3A_1512, %swap3A_1513], %select_n3A_1508 {strides = array<i32>} : memref<16x8x224xf32, #tpu.memory_space<vmem>>, vector<16xf32>,
        %eq3A_1515 = arith.constant 11 : i32
        %eq3A_1516 = vector.broadcast %eq3A_1515 : i32 to vector<16xi32>
        %eq3A_1517 = arith.cmpi eq, %select_n3A_1360, %eq3A_1516 : vector<16xi32>
        %jit3A_1518 = arith.constant 1.000000e+00 : f32
        %jit3A_1519 = arith.constant 0.000000e+00 : f32
        %broadcast_in_dim3A_1520 = vector.broadcast %jit3A_1518 : f32 to vector<16xf32>
        %broadcast_in_dim3A_1521 = vector.broadcast %jit3A_1519 : f32 to vector<16xf32>
        %select_n3A_1522 = arith.select %eq3A_1517, %broadcast_in_dim3A_1520, %broadcast_in_dim3A_1521 : vector<16xi1>, vector<16xf32>
        %swap3A_1523 = arith.constant 11 : i32
        %swap3A_1524 = arith.constant 4 : i32
        %swap3A_1525 = arith.index_cast %swap3A_1523 : i32 to index
        %swap3A_1526 = arith.index_cast %swap3A_1524 : i32 to index
        %swap3A_1527 = arith.index_cast %mul3A_340 : i32 to index
        %swap3A_1528 = tpu.vector_load %arg7[%swap3A_1525, %swap3A_1526, %swap3A_1527] {strides = array<i32>} : memref<16x8x224xf32, #tpu.memory_space<vmem>>, vector<16xf32>,
        tpu.vector_store %arg7[%swap3A_1525, %swap3A_1526, %swap3A_1527], %select_n3A_1522 {strides = array<i32>} : memref<16x8x224xf32, #tpu.memory_space<vmem>>, vector<16xf32>,
        %eq3A_1529 = arith.constant 12 : i32
        %eq3A_1530 = vector.broadcast %eq3A_1529 : i32 to vector<16xi32>
        %eq3A_1531 = arith.cmpi eq, %select_n3A_1360, %eq3A_1530 : vector<16xi32>
        %jit3A_1532 = arith.constant 1.000000e+00 : f32
        %jit3A_1533 = arith.constant 0.000000e+00 : f32
        %broadcast_in_dim3A_1534 = vector.broadcast %jit3A_1532 : f32 to vector<16xf32>
        %broadcast_in_dim3A_1535 = vector.broadcast %jit3A_1533 : f32 to vector<16xf32>
        %select_n3A_1536 = arith.select %eq3A_1531, %broadcast_in_dim3A_1534, %broadcast_in_dim3A_1535 : vector<16xi1>, vector<16xf32>
        %swap3A_1537 = arith.constant 12 : i32
        %swap3A_1538 = arith.constant 4 : i32
        %swap3A_1539 = arith.index_cast %swap3A_1537 : i32 to index
        %swap3A_1540 = arith.index_cast %swap3A_1538 : i32 to index
        %swap3A_1541 = arith.index_cast %mul3A_340 : i32 to index
        %swap3A_1542 = tpu.vector_load %arg7[%swap3A_1539, %swap3A_1540, %swap3A_1541] {strides = array<i32>} : memref<16x8x224xf32, #tpu.memory_space<vmem>>, vector<16xf32>,
        tpu.vector_store %arg7[%swap3A_1539, %swap3A_1540, %swap3A_1541], %select_n3A_1536 {strides = array<i32>} : memref<16x8x224xf32, #tpu.memory_space<vmem>>, vector<16xf32>,
        %eq3A_1543 = arith.constant 13 : i32
        %eq3A_1544 = vector.broadcast %eq3A_1543 : i32 to vector<16xi32>
        %eq3A_1545 = arith.cmpi eq, %select_n3A_1360, %eq3A_1544 : vector<16xi32>
        %jit3A_1546 = arith.constant 1.000000e+00 : f32
        %jit3A_1547 = arith.constant 0.000000e+00 : f32
        %broadcast_in_dim3A_1548 = vector.broadcast %jit3A_1546 : f32 to vector<16xf32>
        %broadcast_in_dim3A_1549 = vector.broadcast %jit3A_1547 : f32 to vector<16xf32>
        %select_n3A_1550 = arith.select %eq3A_1545, %broadcast_in_dim3A_1548, %broadcast_in_dim3A_1549 : vector<16xi1>, vector<16xf32>
        %swap3A_1551 = arith.constant 13 : i32
        %swap3A_1552 = arith.constant 4 : i32
        %swap3A_1553 = arith.index_cast %swap3A_1551 : i32 to index
        %swap3A_1554 = arith.index_cast %swap3A_1552 : i32 to index
        %swap3A_1555 = arith.index_cast %mul3A_340 : i32 to index
        %swap3A_1556 = tpu.vector_load %arg7[%swap3A_1553, %swap3A_1554, %swap3A_1555] {strides = array<i32>} : memref<16x8x224xf32, #tpu.memory_space<vmem>>, vector<16xf32>,
        tpu.vector_store %arg7[%swap3A_1553, %swap3A_1554, %swap3A_1555], %select_n3A_1550 {strides = array<i32>} : memref<16x8x224xf32, #tpu.memory_space<vmem>>, vector<16xf32>,
        %eq3A_1557 = arith.constant 14 : i32
        %eq3A_1558 = vector.broadcast %eq3A_1557 : i32 to vector<16xi32>
        %eq3A_1559 = arith.cmpi eq, %select_n3A_1360, %eq3A_1558 : vector<16xi32>
        %jit3A_1560 = arith.constant 1.000000e+00 : f32
        %jit3A_1561 = arith.constant 0.000000e+00 : f32
        %broadcast_in_dim3A_1562 = vector.broadcast %jit3A_1560 : f32 to vector<16xf32>
        %broadcast_in_dim3A_1563 = vector.broadcast %jit3A_1561 : f32 to vector<16xf32>
        %select_n3A_1564 = arith.select %eq3A_1559, %broadcast_in_dim3A_1562, %broadcast_in_dim3A_1563 : vector<16xi1>, vector<16xf32>
        %swap3A_1565 = arith.constant 14 : i32
        %swap3A_1566 = arith.constant 4 : i32
        %swap3A_1567 = arith.index_cast %swap3A_1565 : i32 to index
        %swap3A_1568 = arith.index_cast %swap3A_1566 : i32 to index
        %swap3A_1569 = arith.index_cast %mul3A_340 : i32 to index
        %swap3A_1570 = tpu.vector_load %arg7[%swap3A_1567, %swap3A_1568, %swap3A_1569] {strides = array<i32>} : memref<16x8x224xf32, #tpu.memory_space<vmem>>, vector<16xf32>,
        tpu.vector_store %arg7[%swap3A_1567, %swap3A_1568, %swap3A_1569], %select_n3A_1564 {strides = array<i32>} : memref<16x8x224xf32, #tpu.memory_space<vmem>>, vector<16xf32>,
        %eq3A_1571 = arith.constant 15 : i32
        %eq3A_1572 = vector.broadcast %eq3A_1571 : i32 to vector<16xi32>
        %eq3A_1573 = arith.cmpi eq, %select_n3A_1360, %eq3A_1572 : vector<16xi32>
        %jit3A_1574 = arith.constant 1.000000e+00 : f32
        %jit3A_1575 = arith.constant 0.000000e+00 : f32
        %broadcast_in_dim3A_1576 = vector.broadcast %jit3A_1574 : f32 to vector<16xf32>
        %broadcast_in_dim3A_1577 = vector.broadcast %jit3A_1575 : f32 to vector<16xf32>
        %select_n3A_1578 = arith.select %eq3A_1573, %broadcast_in_dim3A_1576, %broadcast_in_dim3A_1577 : vector<16xi1>, vector<16xf32>
        %swap3A_1579 = arith.constant 15 : i32
        %swap3A_1580 = arith.constant 4 : i32
        %swap3A_1581 = arith.index_cast %swap3A_1579 : i32 to index
        %swap3A_1582 = arith.index_cast %swap3A_1580 : i32 to index
        %swap3A_1583 = arith.index_cast %mul3A_340 : i32 to index
        %swap3A_1584 = tpu.vector_load %arg7[%swap3A_1581, %swap3A_1582, %swap3A_1583] {strides = array<i32>} : memref<16x8x224xf32, #tpu.memory_space<vmem>>, vector<16xf32>,
        tpu.vector_store %arg7[%swap3A_1581, %swap3A_1582, %swap3A_1583], %select_n3A_1578 {strides = array<i32>} : memref<16x8x224xf32, #tpu.memory_space<vmem>>, vector<16xf32>,
        %get3A_1585 = arith.constant 5 : i32
        %get3A_1586 = arith.index_cast %get3A_1585 : i32 to index
        %get3A_1587 = arith.index_cast %mul3A_340 : i32 to index
        %get3A_1588 = tpu.vector_load %arg5[%get3A_1586, %get3A_1587] {strides = array<i32>} : memref<8x224xf32, #tpu.memory_space<vmem>>, vector<16xf32>,
        %max3A_1589 = arith.constant 0.000000e+00 : f32
        %max3A_1590 = vector.broadcast %max3A_1589 : f32 to vector<16xf32>
        %max3A_1591 = arith.maximumf %get3A_1588, %max3A_1590 : vector<16xf32>
        %min3A_1592 = arith.constant 1.000000e+00 : f32
        %min3A_1593 = vector.broadcast %min3A_1592 : f32 to vector<16xf32>
        %min3A_1594 = arith.minimumf %max3A_1591, %min3A_1593 : vector<16xf32>
        %sub3A_1595 = arith.constant 1.000000e+00 : f32
        %sub3A_1596 = vector.broadcast %sub3A_1595 : f32 to vector<16xf32>
        %sub3A_1597 = arith.subf %sub3A_1596, %min3A_1594 : vector<16xf32>
        %mul3A_1598 = arith.constant 1.500000e+01 : f32
        %mul3A_1599 = vector.broadcast %mul3A_1598 : f32 to vector<16xf32>
        %mul3A_1600 = arith.mulf %sub3A_1597, %mul3A_1599 : vector<16xf32>
        %convert_element_type3A_1601 = arith.fptosi %mul3A_1600 : vector<16xf32> to vector<16xi32>
        %min3A_1602 = arith.constant 15 : i32
        %min3A_1603 = vector.broadcast %min3A_1602 : i32 to vector<16xi32>
        %min3A_1604 = arith.minsi %convert_element_type3A_1601, %min3A_1603 : vector<16xi32>
        %gt3A_1605 = arith.constant 0.000000e+00 : f32
        %gt3A_1606 = vector.broadcast %gt3A_1605 : f32 to vector<16xf32>
        %gt3A_1607 = arith.cmpf ogt, %min3A_1594, %gt3A_1606 : vector<16xf32>
        %jit3A_1608 = arith.constant 16 : i32
        %broadcast_in_dim3A_1609 = vector.broadcast %jit3A_1608 : i32 to vector<16xi32>
        %select_n3A_1610 = arith.select %gt3A_1607, %min3A_1604, %broadcast_in_dim3A_1609 : vector<16xi1>, vector<16xi32>
        %eq3A_1611 = arith.constant 0 : i32
        %eq3A_1612 = vector.broadcast %eq3A_1611 : i32 to vector<16xi32>
        %eq3A_1613 = arith.cmpi eq, %select_n3A_1610, %eq3A_1612 : vector<16xi32>
        %jit3A_1614 = arith.constant 1.000000e+00 : f32
        %jit3A_1615 = arith.constant 0.000000e+00 : f32
        %broadcast_in_dim3A_1616 = vector.broadcast %jit3A_1614 : f32 to vector<16xf32>
        %broadcast_in_dim3A_1617 = vector.broadcast %jit3A_1615 : f32 to vector<16xf32>
        %select_n3A_1618 = arith.select %eq3A_1613, %broadcast_in_dim3A_1616, %broadcast_in_dim3A_1617 : vector<16xi1>, vector<16xf32>
        %swap3A_1619 = arith.constant 0 : i32
        %swap3A_1620 = arith.constant 5 : i32
        %swap3A_1621 = arith.index_cast %swap3A_1619 : i32 to index
        %swap3A_1622 = arith.index_cast %swap3A_1620 : i32 to index
        %swap3A_1623 = arith.index_cast %mul3A_340 : i32 to index
        %swap3A_1624 = tpu.vector_load %arg7[%swap3A_1621, %swap3A_1622, %swap3A_1623] {strides = array<i32>} : memref<16x8x224xf32, #tpu.memory_space<vmem>>, vector<16xf32>,
        tpu.vector_store %arg7[%swap3A_1621, %swap3A_1622, %swap3A_1623], %select_n3A_1618 {strides = array<i32>} : memref<16x8x224xf32, #tpu.memory_space<vmem>>, vector<16xf32>,
        %eq3A_1625 = arith.constant 1 : i32
        %eq3A_1626 = vector.broadcast %eq3A_1625 : i32 to vector<16xi32>
        %eq3A_1627 = arith.cmpi eq, %select_n3A_1610, %eq3A_1626 : vector<16xi32>
        %jit3A_1628 = arith.constant 1.000000e+00 : f32
        %jit3A_1629 = arith.constant 0.000000e+00 : f32
        %broadcast_in_dim3A_1630 = vector.broadcast %jit3A_1628 : f32 to vector<16xf32>
        %broadcast_in_dim3A_1631 = vector.broadcast %jit3A_1629 : f32 to vector<16xf32>
        %select_n3A_1632 = arith.select %eq3A_1627, %broadcast_in_dim3A_1630, %broadcast_in_dim3A_1631 : vector<16xi1>, vector<16xf32>
        %swap3A_1633 = arith.constant 1 : i32
        %swap3A_1634 = arith.constant 5 : i32
        %swap3A_1635 = arith.index_cast %swap3A_1633 : i32 to index
        %swap3A_1636 = arith.index_cast %swap3A_1634 : i32 to index
        %swap3A_1637 = arith.index_cast %mul3A_340 : i32 to index
        %swap3A_1638 = tpu.vector_load %arg7[%swap3A_1635, %swap3A_1636, %swap3A_1637] {strides = array<i32>} : memref<16x8x224xf32, #tpu.memory_space<vmem>>, vector<16xf32>,
        tpu.vector_store %arg7[%swap3A_1635, %swap3A_1636, %swap3A_1637], %select_n3A_1632 {strides = array<i32>} : memref<16x8x224xf32, #tpu.memory_space<vmem>>, vector<16xf32>,
        %eq3A_1639 = arith.constant 2 : i32
        %eq3A_1640 = vector.broadcast %eq3A_1639 : i32 to vector<16xi32>
        %eq3A_1641 = arith.cmpi eq, %select_n3A_1610, %eq3A_1640 : vector<16xi32>
        %jit3A_1642 = arith.constant 1.000000e+00 : f32
        %jit3A_1643 = arith.constant 0.000000e+00 : f32
        %broadcast_in_dim3A_1644 = vector.broadcast %jit3A_1642 : f32 to vector<16xf32>
        %broadcast_in_dim3A_1645 = vector.broadcast %jit3A_1643 : f32 to vector<16xf32>
        %select_n3A_1646 = arith.select %eq3A_1641, %broadcast_in_dim3A_1644, %broadcast_in_dim3A_1645 : vector<16xi1>, vector<16xf32>
        %swap3A_1647 = arith.constant 2 : i32
        %swap3A_1648 = arith.constant 5 : i32
        %swap3A_1649 = arith.index_cast %swap3A_1647 : i32 to index
        %swap3A_1650 = arith.index_cast %swap3A_1648 : i32 to index
        %swap3A_1651 = arith.index_cast %mul3A_340 : i32 to index
        %swap3A_1652 = tpu.vector_load %arg7[%swap3A_1649, %swap3A_1650, %swap3A_1651] {strides = array<i32>} : memref<16x8x224xf32, #tpu.memory_space<vmem>>, vector<16xf32>,
        tpu.vector_store %arg7[%swap3A_1649, %swap3A_1650, %swap3A_1651], %select_n3A_1646 {strides = array<i32>} : memref<16x8x224xf32, #tpu.memory_space<vmem>>, vector<16xf32>,
        %eq3A_1653 = arith.constant 3 : i32
        %eq3A_1654 = vector.broadcast %eq3A_1653 : i32 to vector<16xi32>
        %eq3A_1655 = arith.cmpi eq, %select_n3A_1610, %eq3A_1654 : vector<16xi32>
        %jit3A_1656 = arith.constant 1.000000e+00 : f32
        %jit3A_1657 = arith.constant 0.000000e+00 : f32
        %broadcast_in_dim3A_1658 = vector.broadcast %jit3A_1656 : f32 to vector<16xf32>
        %broadcast_in_dim3A_1659 = vector.broadcast %jit3A_1657 : f32 to vector<16xf32>
        %select_n3A_1660 = arith.select %eq3A_1655, %broadcast_in_dim3A_1658, %broadcast_in_dim3A_1659 : vector<16xi1>, vector<16xf32>
        %swap3A_1661 = arith.constant 3 : i32
        %swap3A_1662 = arith.constant 5 : i32
        %swap3A_1663 = arith.index_cast %swap3A_1661 : i32 to index
        %swap3A_1664 = arith.index_cast %swap3A_1662 : i32 to index
        %swap3A_1665 = arith.index_cast %mul3A_340 : i32 to index
        %swap3A_1666 = tpu.vector_load %arg7[%swap3A_1663, %swap3A_1664, %swap3A_1665] {strides = array<i32>} : memref<16x8x224xf32, #tpu.memory_space<vmem>>, vector<16xf32>,
        tpu.vector_store %arg7[%swap3A_1663, %swap3A_1664, %swap3A_1665], %select_n3A_1660 {strides = array<i32>} : memref<16x8x224xf32, #tpu.memory_space<vmem>>, vector<16xf32>,
        %eq3A_1667 = arith.constant 4 : i32
        %eq3A_1668 = vector.broadcast %eq3A_1667 : i32 to vector<16xi32>
        %eq3A_1669 = arith.cmpi eq, %select_n3A_1610, %eq3A_1668 : vector<16xi32>
        %jit3A_1670 = arith.constant 1.000000e+00 : f32
        %jit3A_1671 = arith.constant 0.000000e+00 : f32
        %broadcast_in_dim3A_1672 = vector.broadcast %jit3A_1670 : f32 to vector<16xf32>
        %broadcast_in_dim3A_1673 = vector.broadcast %jit3A_1671 : f32 to vector<16xf32>
        %select_n3A_1674 = arith.select %eq3A_1669, %broadcast_in_dim3A_1672, %broadcast_in_dim3A_1673 : vector<16xi1>, vector<16xf32>
        %swap3A_1675 = arith.constant 4 : i32
        %swap3A_1676 = arith.constant 5 : i32
        %swap3A_1677 = arith.index_cast %swap3A_1675 : i32 to index
        %swap3A_1678 = arith.index_cast %swap3A_1676 : i32 to index
        %swap3A_1679 = arith.index_cast %mul3A_340 : i32 to index
        %swap3A_1680 = tpu.vector_load %arg7[%swap3A_1677, %swap3A_1678, %swap3A_1679] {strides = array<i32>} : memref<16x8x224xf32, #tpu.memory_space<vmem>>, vector<16xf32>,
        tpu.vector_store %arg7[%swap3A_1677, %swap3A_1678, %swap3A_1679], %select_n3A_1674 {strides = array<i32>} : memref<16x8x224xf32, #tpu.memory_space<vmem>>, vector<16xf32>,
        %eq3A_1681 = arith.constant 5 : i32
        %eq3A_1682 = vector.broadcast %eq3A_1681 : i32 to vector<16xi32>
        %eq3A_1683 = arith.cmpi eq, %select_n3A_1610, %eq3A_1682 : vector<16xi32>
        %jit3A_1684 = arith.constant 1.000000e+00 : f32
        %jit3A_1685 = arith.constant 0.000000e+00 : f32
        %broadcast_in_dim3A_1686 = vector.broadcast %jit3A_1684 : f32 to vector<16xf32>
        %broadcast_in_dim3A_1687 = vector.broadcast %jit3A_1685 : f32 to vector<16xf32>
        %select_n3A_1688 = arith.select %eq3A_1683, %broadcast_in_dim3A_1686, %broadcast_in_dim3A_1687 : vector<16xi1>, vector<16xf32>
        %swap3A_1689 = arith.constant 5 : i32
        %swap3A_1690 = arith.constant 5 : i32
        %swap3A_1691 = arith.index_cast %swap3A_1689 : i32 to index
        %swap3A_1692 = arith.index_cast %swap3A_1690 : i32 to index
        %swap3A_1693 = arith.index_cast %mul3A_340 : i32 to index
        %swap3A_1694 = tpu.vector_load %arg7[%swap3A_1691, %swap3A_1692, %swap3A_1693] {strides = array<i32>} : memref<16x8x224xf32, #tpu.memory_space<vmem>>, vector<16xf32>,
        tpu.vector_store %arg7[%swap3A_1691, %swap3A_1692, %swap3A_1693], %select_n3A_1688 {strides = array<i32>} : memref<16x8x224xf32, #tpu.memory_space<vmem>>, vector<16xf32>,
        %eq3A_1695 = arith.constant 6 : i32
        %eq3A_1696 = vector.broadcast %eq3A_1695 : i32 to vector<16xi32>
        %eq3A_1697 = arith.cmpi eq, %select_n3A_1610, %eq3A_1696 : vector<16xi32>
        %jit3A_1698 = arith.constant 1.000000e+00 : f32
        %jit3A_1699 = arith.constant 0.000000e+00 : f32
        %broadcast_in_dim3A_1700 = vector.broadcast %jit3A_1698 : f32 to vector<16xf32>
        %broadcast_in_dim3A_1701 = vector.broadcast %jit3A_1699 : f32 to vector<16xf32>
        %select_n3A_1702 = arith.select %eq3A_1697, %broadcast_in_dim3A_1700, %broadcast_in_dim3A_1701 : vector<16xi1>, vector<16xf32>
        %swap3A_1703 = arith.constant 6 : i32
        %swap3A_1704 = arith.constant 5 : i32
        %swap3A_1705 = arith.index_cast %swap3A_1703 : i32 to index
        %swap3A_1706 = arith.index_cast %swap3A_1704 : i32 to index
        %swap3A_1707 = arith.index_cast %mul3A_340 : i32 to index
        %swap3A_1708 = tpu.vector_load %arg7[%swap3A_1705, %swap3A_1706, %swap3A_1707] {strides = array<i32>} : memref<16x8x224xf32, #tpu.memory_space<vmem>>, vector<16xf32>,
        tpu.vector_store %arg7[%swap3A_1705, %swap3A_1706, %swap3A_1707], %select_n3A_1702 {strides = array<i32>} : memref<16x8x224xf32, #tpu.memory_space<vmem>>, vector<16xf32>,
        %eq3A_1709 = arith.constant 7 : i32
        %eq3A_1710 = vector.broadcast %eq3A_1709 : i32 to vector<16xi32>
        %eq3A_1711 = arith.cmpi eq, %select_n3A_1610, %eq3A_1710 : vector<16xi32>
        %jit3A_1712 = arith.constant 1.000000e+00 : f32
        %jit3A_1713 = arith.constant 0.000000e+00 : f32
        %broadcast_in_dim3A_1714 = vector.broadcast %jit3A_1712 : f32 to vector<16xf32>
        %broadcast_in_dim3A_1715 = vector.broadcast %jit3A_1713 : f32 to vector<16xf32>
        %select_n3A_1716 = arith.select %eq3A_1711, %broadcast_in_dim3A_1714, %broadcast_in_dim3A_1715 : vector<16xi1>, vector<16xf32>
        %swap3A_1717 = arith.constant 7 : i32
        %swap3A_1718 = arith.constant 5 : i32
        %swap3A_1719 = arith.index_cast %swap3A_1717 : i32 to index
        %swap3A_1720 = arith.index_cast %swap3A_1718 : i32 to index
        %swap3A_1721 = arith.index_cast %mul3A_340 : i32 to index
        %swap3A_1722 = tpu.vector_load %arg7[%swap3A_1719, %swap3A_1720, %swap3A_1721] {strides = array<i32>} : memref<16x8x224xf32, #tpu.memory_space<vmem>>, vector<16xf32>,
        tpu.vector_store %arg7[%swap3A_1719, %swap3A_1720, %swap3A_1721], %select_n3A_1716 {strides = array<i32>} : memref<16x8x224xf32, #tpu.memory_space<vmem>>, vector<16xf32>,
        %eq3A_1723 = arith.constant 8 : i32
        %eq3A_1724 = vector.broadcast %eq3A_1723 : i32 to vector<16xi32>
        %eq3A_1725 = arith.cmpi eq, %select_n3A_1610, %eq3A_1724 : vector<16xi32>
        %jit3A_1726 = arith.constant 1.000000e+00 : f32
        %jit3A_1727 = arith.constant 0.000000e+00 : f32
        %broadcast_in_dim3A_1728 = vector.broadcast %jit3A_1726 : f32 to vector<16xf32>
        %broadcast_in_dim3A_1729 = vector.broadcast %jit3A_1727 : f32 to vector<16xf32>
        %select_n3A_1730 = arith.select %eq3A_1725, %broadcast_in_dim3A_1728, %broadcast_in_dim3A_1729 : vector<16xi1>, vector<16xf32>
        %swap3A_1731 = arith.constant 8 : i32
        %swap3A_1732 = arith.constant 5 : i32
        %swap3A_1733 = arith.index_cast %swap3A_1731 : i32 to index
        %swap3A_1734 = arith.index_cast %swap3A_1732 : i32 to index
        %swap3A_1735 = arith.index_cast %mul3A_340 : i32 to index
        %swap3A_1736 = tpu.vector_load %arg7[%swap3A_1733, %swap3A_1734, %swap3A_1735] {strides = array<i32>} : memref<16x8x224xf32, #tpu.memory_space<vmem>>, vector<16xf32>,
        tpu.vector_store %arg7[%swap3A_1733, %swap3A_1734, %swap3A_1735], %select_n3A_1730 {strides = array<i32>} : memref<16x8x224xf32, #tpu.memory_space<vmem>>, vector<16xf32>,
        %eq3A_1737 = arith.constant 9 : i32
        %eq3A_1738 = vector.broadcast %eq3A_1737 : i32 to vector<16xi32>
        %eq3A_1739 = arith.cmpi eq, %select_n3A_1610, %eq3A_1738 : vector<16xi32>
        %jit3A_1740 = arith.constant 1.000000e+00 : f32
        %jit3A_1741 = arith.constant 0.000000e+00 : f32
        %broadcast_in_dim3A_1742 = vector.broadcast %jit3A_1740 : f32 to vector<16xf32>
        %broadcast_in_dim3A_1743 = vector.broadcast %jit3A_1741 : f32 to vector<16xf32>
        %select_n3A_1744 = arith.select %eq3A_1739, %broadcast_in_dim3A_1742, %broadcast_in_dim3A_1743 : vector<16xi1>, vector<16xf32>
        %swap3A_1745 = arith.constant 9 : i32
        %swap3A_1746 = arith.constant 5 : i32
        %swap3A_1747 = arith.index_cast %swap3A_1745 : i32 to index
        %swap3A_1748 = arith.index_cast %swap3A_1746 : i32 to index
        %swap3A_1749 = arith.index_cast %mul3A_340 : i32 to index
        %swap3A_1750 = tpu.vector_load %arg7[%swap3A_1747, %swap3A_1748, %swap3A_1749] {strides = array<i32>} : memref<16x8x224xf32, #tpu.memory_space<vmem>>, vector<16xf32>,
        tpu.vector_store %arg7[%swap3A_1747, %swap3A_1748, %swap3A_1749], %select_n3A_1744 {strides = array<i32>} : memref<16x8x224xf32, #tpu.memory_space<vmem>>, vector<16xf32>,
        %eq3A_1751 = arith.constant 10 : i32
        %eq3A_1752 = vector.broadcast %eq3A_1751 : i32 to vector<16xi32>
        %eq3A_1753 = arith.cmpi eq, %select_n3A_1610, %eq3A_1752 : vector<16xi32>
        %jit3A_1754 = arith.constant 1.000000e+00 : f32
        %jit3A_1755 = arith.constant 0.000000e+00 : f32
        %broadcast_in_dim3A_1756 = vector.broadcast %jit3A_1754 : f32 to vector<16xf32>
        %broadcast_in_dim3A_1757 = vector.broadcast %jit3A_1755 : f32 to vector<16xf32>
        %select_n3A_1758 = arith.select %eq3A_1753, %broadcast_in_dim3A_1756, %broadcast_in_dim3A_1757 : vector<16xi1>, vector<16xf32>
        %swap3A_1759 = arith.constant 10 : i32
        %swap3A_1760 = arith.constant 5 : i32
        %swap3A_1761 = arith.index_cast %swap3A_1759 : i32 to index
        %swap3A_1762 = arith.index_cast %swap3A_1760 : i32 to index
        %swap3A_1763 = arith.index_cast %mul3A_340 : i32 to index
        %swap3A_1764 = tpu.vector_load %arg7[%swap3A_1761, %swap3A_1762, %swap3A_1763] {strides = array<i32>} : memref<16x8x224xf32, #tpu.memory_space<vmem>>, vector<16xf32>,
        tpu.vector_store %arg7[%swap3A_1761, %swap3A_1762, %swap3A_1763], %select_n3A_1758 {strides = array<i32>} : memref<16x8x224xf32, #tpu.memory_space<vmem>>, vector<16xf32>,
        %eq3A_1765 = arith.constant 11 : i32
        %eq3A_1766 = vector.broadcast %eq3A_1765 : i32 to vector<16xi32>
        %eq3A_1767 = arith.cmpi eq, %select_n3A_1610, %eq3A_1766 : vector<16xi32>
        %jit3A_1768 = arith.constant 1.000000e+00 : f32
        %jit3A_1769 = arith.constant 0.000000e+00 : f32
        %broadcast_in_dim3A_1770 = vector.broadcast %jit3A_1768 : f32 to vector<16xf32>
        %broadcast_in_dim3A_1771 = vector.broadcast %jit3A_1769 : f32 to vector<16xf32>
        %select_n3A_1772 = arith.select %eq3A_1767, %broadcast_in_dim3A_1770, %broadcast_in_dim3A_1771 : vector<16xi1>, vector<16xf32>
        %swap3A_1773 = arith.constant 11 : i32
        %swap3A_1774 = arith.constant 5 : i32
        %swap3A_1775 = arith.index_cast %swap3A_1773 : i32 to index
        %swap3A_1776 = arith.index_cast %swap3A_1774 : i32 to index
        %swap3A_1777 = arith.index_cast %mul3A_340 : i32 to index
        %swap3A_1778 = tpu.vector_load %arg7[%swap3A_1775, %swap3A_1776, %swap3A_1777] {strides = array<i32>} : memref<16x8x224xf32, #tpu.memory_space<vmem>>, vector<16xf32>,
        tpu.vector_store %arg7[%swap3A_1775, %swap3A_1776, %swap3A_1777], %select_n3A_1772 {strides = array<i32>} : memref<16x8x224xf32, #tpu.memory_space<vmem>>, vector<16xf32>,
        %eq3A_1779 = arith.constant 12 : i32
        %eq3A_1780 = vector.broadcast %eq3A_1779 : i32 to vector<16xi32>
        %eq3A_1781 = arith.cmpi eq, %select_n3A_1610, %eq3A_1780 : vector<16xi32>
        %jit3A_1782 = arith.constant 1.000000e+00 : f32
        %jit3A_1783 = arith.constant 0.000000e+00 : f32
        %broadcast_in_dim3A_1784 = vector.broadcast %jit3A_1782 : f32 to vector<16xf32>
        %broadcast_in_dim3A_1785 = vector.broadcast %jit3A_1783 : f32 to vector<16xf32>
        %select_n3A_1786 = arith.select %eq3A_1781, %broadcast_in_dim3A_1784, %broadcast_in_dim3A_1785 : vector<16xi1>, vector<16xf32>
        %swap3A_1787 = arith.constant 12 : i32
        %swap3A_1788 = arith.constant 5 : i32
        %swap3A_1789 = arith.index_cast %swap3A_1787 : i32 to index
        %swap3A_1790 = arith.index_cast %swap3A_1788 : i32 to index
        %swap3A_1791 = arith.index_cast %mul3A_340 : i32 to index
        %swap3A_1792 = tpu.vector_load %arg7[%swap3A_1789, %swap3A_1790, %swap3A_1791] {strides = array<i32>} : memref<16x8x224xf32, #tpu.memory_space<vmem>>, vector<16xf32>,
        tpu.vector_store %arg7[%swap3A_1789, %swap3A_1790, %swap3A_1791], %select_n3A_1786 {strides = array<i32>} : memref<16x8x224xf32, #tpu.memory_space<vmem>>, vector<16xf32>,
        %eq3A_1793 = arith.constant 13 : i32
        %eq3A_1794 = vector.broadcast %eq3A_1793 : i32 to vector<16xi32>
        %eq3A_1795 = arith.cmpi eq, %select_n3A_1610, %eq3A_1794 : vector<16xi32>
        %jit3A_1796 = arith.constant 1.000000e+00 : f32
        %jit3A_1797 = arith.constant 0.000000e+00 : f32
        %broadcast_in_dim3A_1798 = vector.broadcast %jit3A_1796 : f32 to vector<16xf32>
        %broadcast_in_dim3A_1799 = vector.broadcast %jit3A_1797 : f32 to vector<16xf32>
        %select_n3A_1800 = arith.select %eq3A_1795, %broadcast_in_dim3A_1798, %broadcast_in_dim3A_1799 : vector<16xi1>, vector<16xf32>
        %swap3A_1801 = arith.constant 13 : i32
        %swap3A_1802 = arith.constant 5 : i32
        %swap3A_1803 = arith.index_cast %swap3A_1801 : i32 to index
        %swap3A_1804 = arith.index_cast %swap3A_1802 : i32 to index
        %swap3A_1805 = arith.index_cast %mul3A_340 : i32 to index
        %swap3A_1806 = tpu.vector_load %arg7[%swap3A_1803, %swap3A_1804, %swap3A_1805] {strides = array<i32>} : memref<16x8x224xf32, #tpu.memory_space<vmem>>, vector<16xf32>,
        tpu.vector_store %arg7[%swap3A_1803, %swap3A_1804, %swap3A_1805], %select_n3A_1800 {strides = array<i32>} : memref<16x8x224xf32, #tpu.memory_space<vmem>>, vector<16xf32>,
        %eq3A_1807 = arith.constant 14 : i32
        %eq3A_1808 = vector.broadcast %eq3A_1807 : i32 to vector<16xi32>
        %eq3A_1809 = arith.cmpi eq, %select_n3A_1610, %eq3A_1808 : vector<16xi32>
        %jit3A_1810 = arith.constant 1.000000e+00 : f32
        %jit3A_1811 = arith.constant 0.000000e+00 : f32
        %broadcast_in_dim3A_1812 = vector.broadcast %jit3A_1810 : f32 to vector<16xf32>
        %broadcast_in_dim3A_1813 = vector.broadcast %jit3A_1811 : f32 to vector<16xf32>
        %select_n3A_1814 = arith.select %eq3A_1809, %broadcast_in_dim3A_1812, %broadcast_in_dim3A_1813 : vector<16xi1>, vector<16xf32>
        %swap3A_1815 = arith.constant 14 : i32
        %swap3A_1816 = arith.constant 5 : i32
        %swap3A_1817 = arith.index_cast %swap3A_1815 : i32 to index
        %swap3A_1818 = arith.index_cast %swap3A_1816 : i32 to index
        %swap3A_1819 = arith.index_cast %mul3A_340 : i32 to index
        %swap3A_1820 = tpu.vector_load %arg7[%swap3A_1817, %swap3A_1818, %swap3A_1819] {strides = array<i32>} : memref<16x8x224xf32, #tpu.memory_space<vmem>>, vector<16xf32>,
        tpu.vector_store %arg7[%swap3A_1817, %swap3A_1818, %swap3A_1819], %select_n3A_1814 {strides = array<i32>} : memref<16x8x224xf32, #tpu.memory_space<vmem>>, vector<16xf32>,
        %eq3A_1821 = arith.constant 15 : i32
        %eq3A_1822 = vector.broadcast %eq3A_1821 : i32 to vector<16xi32>
        %eq3A_1823 = arith.cmpi eq, %select_n3A_1610, %eq3A_1822 : vector<16xi32>
        %jit3A_1824 = arith.constant 1.000000e+00 : f32
        %jit3A_1825 = arith.constant 0.000000e+00 : f32
        %broadcast_in_dim3A_1826 = vector.broadcast %jit3A_1824 : f32 to vector<16xf32>
        %broadcast_in_dim3A_1827 = vector.broadcast %jit3A_1825 : f32 to vector<16xf32>
        %select_n3A_1828 = arith.select %eq3A_1823, %broadcast_in_dim3A_1826, %broadcast_in_dim3A_1827 : vector<16xi1>, vector<16xf32>
        %swap3A_1829 = arith.constant 15 : i32
        %swap3A_1830 = arith.constant 5 : i32
        %swap3A_1831 = arith.index_cast %swap3A_1829 : i32 to index
        %swap3A_1832 = arith.index_cast %swap3A_1830 : i32 to index
        %swap3A_1833 = arith.index_cast %mul3A_340 : i32 to index
        %swap3A_1834 = tpu.vector_load %arg7[%swap3A_1831, %swap3A_1832, %swap3A_1833] {strides = array<i32>} : memref<16x8x224xf32, #tpu.memory_space<vmem>>, vector<16xf32>,
        tpu.vector_store %arg7[%swap3A_1831, %swap3A_1832, %swap3A_1833], %select_n3A_1828 {strides = array<i32>} : memref<16x8x224xf32, #tpu.memory_space<vmem>>, vector<16xf32>,
        %get3A_1835 = arith.constant 6 : i32
        %get3A_1836 = arith.index_cast %get3A_1835 : i32 to index
        %get3A_1837 = arith.index_cast %mul3A_340 : i32 to index
        %get3A_1838 = tpu.vector_load %arg5[%get3A_1836, %get3A_1837] {strides = array<i32>} : memref<8x224xf32, #tpu.memory_space<vmem>>, vector<16xf32>,
        %max3A_1839 = arith.constant 0.000000e+00 : f32
        %max3A_1840 = vector.broadcast %max3A_1839 : f32 to vector<16xf32>
        %max3A_1841 = arith.maximumf %get3A_1838, %max3A_1840 : vector<16xf32>
        %min3A_1842 = arith.constant 1.000000e+00 : f32
        %min3A_1843 = vector.broadcast %min3A_1842 : f32 to vector<16xf32>
        %min3A_1844 = arith.minimumf %max3A_1841, %min3A_1843 : vector<16xf32>
        %sub3A_1845 = arith.constant 1.000000e+00 : f32
        %sub3A_1846 = vector.broadcast %sub3A_1845 : f32 to vector<16xf32>
        %sub3A_1847 = arith.subf %sub3A_1846, %min3A_1844 : vector<16xf32>
        %mul3A_1848 = arith.constant 1.500000e+01 : f32
        %mul3A_1849 = vector.broadcast %mul3A_1848 : f32 to vector<16xf32>
        %mul3A_1850 = arith.mulf %sub3A_1847, %mul3A_1849 : vector<16xf32>
        %convert_element_type3A_1851 = arith.fptosi %mul3A_1850 : vector<16xf32> to vector<16xi32>
        %min3A_1852 = arith.constant 15 : i32
        %min3A_1853 = vector.broadcast %min3A_1852 : i32 to vector<16xi32>
        %min3A_1854 = arith.minsi %convert_element_type3A_1851, %min3A_1853 : vector<16xi32>
        %gt3A_1855 = arith.constant 0.000000e+00 : f32
        %gt3A_1856 = vector.broadcast %gt3A_1855 : f32 to vector<16xf32>
        %gt3A_1857 = arith.cmpf ogt, %min3A_1844, %gt3A_1856 : vector<16xf32>
        %jit3A_1858 = arith.constant 16 : i32
        %broadcast_in_dim3A_1859 = vector.broadcast %jit3A_1858 : i32 to vector<16xi32>
        %select_n3A_1860 = arith.select %gt3A_1857, %min3A_1854, %broadcast_in_dim3A_1859 : vector<16xi1>, vector<16xi32>
        %eq3A_1861 = arith.constant 0 : i32
        %eq3A_1862 = vector.broadcast %eq3A_1861 : i32 to vector<16xi32>
        %eq3A_1863 = arith.cmpi eq, %select_n3A_1860, %eq3A_1862 : vector<16xi32>
        %jit3A_1864 = arith.constant 1.000000e+00 : f32
        %jit3A_1865 = arith.constant 0.000000e+00 : f32
        %broadcast_in_dim3A_1866 = vector.broadcast %jit3A_1864 : f32 to vector<16xf32>
        %broadcast_in_dim3A_1867 = vector.broadcast %jit3A_1865 : f32 to vector<16xf32>
        %select_n3A_1868 = arith.select %eq3A_1863, %broadcast_in_dim3A_1866, %broadcast_in_dim3A_1867 : vector<16xi1>, vector<16xf32>
        %swap3A_1869 = arith.constant 0 : i32
        %swap3A_1870 = arith.constant 6 : i32
        %swap3A_1871 = arith.index_cast %swap3A_1869 : i32 to index
        %swap3A_1872 = arith.index_cast %swap3A_1870 : i32 to index
        %swap3A_1873 = arith.index_cast %mul3A_340 : i32 to index
        %swap3A_1874 = tpu.vector_load %arg7[%swap3A_1871, %swap3A_1872, %swap3A_1873] {strides = array<i32>} : memref<16x8x224xf32, #tpu.memory_space<vmem>>, vector<16xf32>,
        tpu.vector_store %arg7[%swap3A_1871, %swap3A_1872, %swap3A_1873], %select_n3A_1868 {strides = array<i32>} : memref<16x8x224xf32, #tpu.memory_space<vmem>>, vector<16xf32>,
        %eq3A_1875 = arith.constant 1 : i32
        %eq3A_1876 = vector.broadcast %eq3A_1875 : i32 to vector<16xi32>
        %eq3A_1877 = arith.cmpi eq, %select_n3A_1860, %eq3A_1876 : vector<16xi32>
        %jit3A_1878 = arith.constant 1.000000e+00 : f32
        %jit3A_1879 = arith.constant 0.000000e+00 : f32
        %broadcast_in_dim3A_1880 = vector.broadcast %jit3A_1878 : f32 to vector<16xf32>
        %broadcast_in_dim3A_1881 = vector.broadcast %jit3A_1879 : f32 to vector<16xf32>
        %select_n3A_1882 = arith.select %eq3A_1877, %broadcast_in_dim3A_1880, %broadcast_in_dim3A_1881 : vector<16xi1>, vector<16xf32>
        %swap3A_1883 = arith.constant 1 : i32
        %swap3A_1884 = arith.constant 6 : i32
        %swap3A_1885 = arith.index_cast %swap3A_1883 : i32 to index
        %swap3A_1886 = arith.index_cast %swap3A_1884 : i32 to index
        %swap3A_1887 = arith.index_cast %mul3A_340 : i32 to index
        %swap3A_1888 = tpu.vector_load %arg7[%swap3A_1885, %swap3A_1886, %swap3A_1887] {strides = array<i32>} : memref<16x8x224xf32, #tpu.memory_space<vmem>>, vector<16xf32>,
        tpu.vector_store %arg7[%swap3A_1885, %swap3A_1886, %swap3A_1887], %select_n3A_1882 {strides = array<i32>} : memref<16x8x224xf32, #tpu.memory_space<vmem>>, vector<16xf32>,
        %eq3A_1889 = arith.constant 2 : i32
        %eq3A_1890 = vector.broadcast %eq3A_1889 : i32 to vector<16xi32>
        %eq3A_1891 = arith.cmpi eq, %select_n3A_1860, %eq3A_1890 : vector<16xi32>
        %jit3A_1892 = arith.constant 1.000000e+00 : f32
        %jit3A_1893 = arith.constant 0.000000e+00 : f32
        %broadcast_in_dim3A_1894 = vector.broadcast %jit3A_1892 : f32 to vector<16xf32>
        %broadcast_in_dim3A_1895 = vector.broadcast %jit3A_1893 : f32 to vector<16xf32>
        %select_n3A_1896 = arith.select %eq3A_1891, %broadcast_in_dim3A_1894, %broadcast_in_dim3A_1895 : vector<16xi1>, vector<16xf32>
        %swap3A_1897 = arith.constant 2 : i32
        %swap3A_1898 = arith.constant 6 : i32
        %swap3A_1899 = arith.index_cast %swap3A_1897 : i32 to index
        %swap3A_1900 = arith.index_cast %swap3A_1898 : i32 to index
        %swap3A_1901 = arith.index_cast %mul3A_340 : i32 to index
        %swap3A_1902 = tpu.vector_load %arg7[%swap3A_1899, %swap3A_1900, %swap3A_1901] {strides = array<i32>} : memref<16x8x224xf32, #tpu.memory_space<vmem>>, vector<16xf32>,
        tpu.vector_store %arg7[%swap3A_1899, %swap3A_1900, %swap3A_1901], %select_n3A_1896 {strides = array<i32>} : memref<16x8x224xf32, #tpu.memory_space<vmem>>, vector<16xf32>,
        %eq3A_1903 = arith.constant 3 : i32
        %eq3A_1904 = vector.broadcast %eq3A_1903 : i32 to vector<16xi32>
        %eq3A_1905 = arith.cmpi eq, %select_n3A_1860, %eq3A_1904 : vector<16xi32>
        %jit3A_1906 = arith.constant 1.000000e+00 : f32
        %jit3A_1907 = arith.constant 0.000000e+00 : f32
        %broadcast_in_dim3A_1908 = vector.broadcast %jit3A_1906 : f32 to vector<16xf32>
        %broadcast_in_dim3A_1909 = vector.broadcast %jit3A_1907 : f32 to vector<16xf32>
        %select_n3A_1910 = arith.select %eq3A_1905, %broadcast_in_dim3A_1908, %broadcast_in_dim3A_1909 : vector<16xi1>, vector<16xf32>
        %swap3A_1911 = arith.constant 3 : i32
        %swap3A_1912 = arith.constant 6 : i32
        %swap3A_1913 = arith.index_cast %swap3A_1911 : i32 to index
        %swap3A_1914 = arith.index_cast %swap3A_1912 : i32 to index
        %swap3A_1915 = arith.index_cast %mul3A_340 : i32 to index
        %swap3A_1916 = tpu.vector_load %arg7[%swap3A_1913, %swap3A_1914, %swap3A_1915] {strides = array<i32>} : memref<16x8x224xf32, #tpu.memory_space<vmem>>, vector<16xf32>,
        tpu.vector_store %arg7[%swap3A_1913, %swap3A_1914, %swap3A_1915], %select_n3A_1910 {strides = array<i32>} : memref<16x8x224xf32, #tpu.memory_space<vmem>>, vector<16xf32>,
        %eq3A_1917 = arith.constant 4 : i32
        %eq3A_1918 = vector.broadcast %eq3A_1917 : i32 to vector<16xi32>
        %eq3A_1919 = arith.cmpi eq, %select_n3A_1860, %eq3A_1918 : vector<16xi32>
        %jit3A_1920 = arith.constant 1.000000e+00 : f32
        %jit3A_1921 = arith.constant 0.000000e+00 : f32
        %broadcast_in_dim3A_1922 = vector.broadcast %jit3A_1920 : f32 to vector<16xf32>
        %broadcast_in_dim3A_1923 = vector.broadcast %jit3A_1921 : f32 to vector<16xf32>
        %select_n3A_1924 = arith.select %eq3A_1919, %broadcast_in_dim3A_1922, %broadcast_in_dim3A_1923 : vector<16xi1>, vector<16xf32>
        %swap3A_1925 = arith.constant 4 : i32
        %swap3A_1926 = arith.constant 6 : i32
        %swap3A_1927 = arith.index_cast %swap3A_1925 : i32 to index
        %swap3A_1928 = arith.index_cast %swap3A_1926 : i32 to index
        %swap3A_1929 = arith.index_cast %mul3A_340 : i32 to index
        %swap3A_1930 = tpu.vector_load %arg7[%swap3A_1927, %swap3A_1928, %swap3A_1929] {strides = array<i32>} : memref<16x8x224xf32, #tpu.memory_space<vmem>>, vector<16xf32>,
        tpu.vector_store %arg7[%swap3A_1927, %swap3A_1928, %swap3A_1929], %select_n3A_1924 {strides = array<i32>} : memref<16x8x224xf32, #tpu.memory_space<vmem>>, vector<16xf32>,
        %eq3A_1931 = arith.constant 5 : i32
        %eq3A_1932 = vector.broadcast %eq3A_1931 : i32 to vector<16xi32>
        %eq3A_1933 = arith.cmpi eq, %select_n3A_1860, %eq3A_1932 : vector<16xi32>
        %jit3A_1934 = arith.constant 1.000000e+00 : f32
        %jit3A_1935 = arith.constant 0.000000e+00 : f32
        %broadcast_in_dim3A_1936 = vector.broadcast %jit3A_1934 : f32 to vector<16xf32>
        %broadcast_in_dim3A_1937 = vector.broadcast %jit3A_1935 : f32 to vector<16xf32>
        %select_n3A_1938 = arith.select %eq3A_1933, %broadcast_in_dim3A_1936, %broadcast_in_dim3A_1937 : vector<16xi1>, vector<16xf32>
        %swap3A_1939 = arith.constant 5 : i32
        %swap3A_1940 = arith.constant 6 : i32
        %swap3A_1941 = arith.index_cast %swap3A_1939 : i32 to index
        %swap3A_1942 = arith.index_cast %swap3A_1940 : i32 to index
        %swap3A_1943 = arith.index_cast %mul3A_340 : i32 to index
        %swap3A_1944 = tpu.vector_load %arg7[%swap3A_1941, %swap3A_1942, %swap3A_1943] {strides = array<i32>} : memref<16x8x224xf32, #tpu.memory_space<vmem>>, vector<16xf32>,
        tpu.vector_store %arg7[%swap3A_1941, %swap3A_1942, %swap3A_1943], %select_n3A_1938 {strides = array<i32>} : memref<16x8x224xf32, #tpu.memory_space<vmem>>, vector<16xf32>,
        %eq3A_1945 = arith.constant 6 : i32
        %eq3A_1946 = vector.broadcast %eq3A_1945 : i32 to vector<16xi32>
        %eq3A_1947 = arith.cmpi eq, %select_n3A_1860, %eq3A_1946 : vector<16xi32>
        %jit3A_1948 = arith.constant 1.000000e+00 : f32
        %jit3A_1949 = arith.constant 0.000000e+00 : f32
        %broadcast_in_dim3A_1950 = vector.broadcast %jit3A_1948 : f32 to vector<16xf32>
        %broadcast_in_dim3A_1951 = vector.broadcast %jit3A_1949 : f32 to vector<16xf32>
        %select_n3A_1952 = arith.select %eq3A_1947, %broadcast_in_dim3A_1950, %broadcast_in_dim3A_1951 : vector<16xi1>, vector<16xf32>
        %swap3A_1953 = arith.constant 6 : i32
        %swap3A_1954 = arith.constant 6 : i32
        %swap3A_1955 = arith.index_cast %swap3A_1953 : i32 to index
        %swap3A_1956 = arith.index_cast %swap3A_1954 : i32 to index
        %swap3A_1957 = arith.index_cast %mul3A_340 : i32 to index
        %swap3A_1958 = tpu.vector_load %arg7[%swap3A_1955, %swap3A_1956, %swap3A_1957] {strides = array<i32>} : memref<16x8x224xf32, #tpu.memory_space<vmem>>, vector<16xf32>,
        tpu.vector_store %arg7[%swap3A_1955, %swap3A_1956, %swap3A_1957], %select_n3A_1952 {strides = array<i32>} : memref<16x8x224xf32, #tpu.memory_space<vmem>>, vector<16xf32>,
        %eq3A_1959 = arith.constant 7 : i32
        %eq3A_1960 = vector.broadcast %eq3A_1959 : i32 to vector<16xi32>
        %eq3A_1961 = arith.cmpi eq, %select_n3A_1860, %eq3A_1960 : vector<16xi32>
        %jit3A_1962 = arith.constant 1.000000e+00 : f32
        %jit3A_1963 = arith.constant 0.000000e+00 : f32
        %broadcast_in_dim3A_1964 = vector.broadcast %jit3A_1962 : f32 to vector<16xf32>
        %broadcast_in_dim3A_1965 = vector.broadcast %jit3A_1963 : f32 to vector<16xf32>
        %select_n3A_1966 = arith.select %eq3A_1961, %broadcast_in_dim3A_1964, %broadcast_in_dim3A_1965 : vector<16xi1>, vector<16xf32>
        %swap3A_1967 = arith.constant 7 : i32
        %swap3A_1968 = arith.constant 6 : i32
        %swap3A_1969 = arith.index_cast %swap3A_1967 : i32 to index
        %swap3A_1970 = arith.index_cast %swap3A_1968 : i32 to index
        %swap3A_1971 = arith.index_cast %mul3A_340 : i32 to index
        %swap3A_1972 = tpu.vector_load %arg7[%swap3A_1969, %swap3A_1970, %swap3A_1971] {strides = array<i32>} : memref<16x8x224xf32, #tpu.memory_space<vmem>>, vector<16xf32>,
        tpu.vector_store %arg7[%swap3A_1969, %swap3A_1970, %swap3A_1971], %select_n3A_1966 {strides = array<i32>} : memref<16x8x224xf32, #tpu.memory_space<vmem>>, vector<16xf32>,
        %eq3A_1973 = arith.constant 8 : i32
        %eq3A_1974 = vector.broadcast %eq3A_1973 : i32 to vector<16xi32>
        %eq3A_1975 = arith.cmpi eq, %select_n3A_1860, %eq3A_1974 : vector<16xi32>
        %jit3A_1976 = arith.constant 1.000000e+00 : f32
        %jit3A_1977 = arith.constant 0.000000e+00 : f32
        %broadcast_in_dim3A_1978 = vector.broadcast %jit3A_1976 : f32 to vector<16xf32>
        %broadcast_in_dim3A_1979 = vector.broadcast %jit3A_1977 : f32 to vector<16xf32>
        %select_n3A_1980 = arith.select %eq3A_1975, %broadcast_in_dim3A_1978, %broadcast_in_dim3A_1979 : vector<16xi1>, vector<16xf32>
        %swap3A_1981 = arith.constant 8 : i32
        %swap3A_1982 = arith.constant 6 : i32
        %swap3A_1983 = arith.index_cast %swap3A_1981 : i32 to index
        %swap3A_1984 = arith.index_cast %swap3A_1982 : i32 to index
        %swap3A_1985 = arith.index_cast %mul3A_340 : i32 to index
        %swap3A_1986 = tpu.vector_load %arg7[%swap3A_1983, %swap3A_1984, %swap3A_1985] {strides = array<i32>} : memref<16x8x224xf32, #tpu.memory_space<vmem>>, vector<16xf32>,
        tpu.vector_store %arg7[%swap3A_1983, %swap3A_1984, %swap3A_1985], %select_n3A_1980 {strides = array<i32>} : memref<16x8x224xf32, #tpu.memory_space<vmem>>, vector<16xf32>,
        %eq3A_1987 = arith.constant 9 : i32
        %eq3A_1988 = vector.broadcast %eq3A_1987 : i32 to vector<16xi32>
        %eq3A_1989 = arith.cmpi eq, %select_n3A_1860, %eq3A_1988 : vector<16xi32>
        %jit3A_1990 = arith.constant 1.000000e+00 : f32
        %jit3A_1991 = arith.constant 0.000000e+00 : f32
        %broadcast_in_dim3A_1992 = vector.broadcast %jit3A_1990 : f32 to vector<16xf32>
        %broadcast_in_dim3A_1993 = vector.broadcast %jit3A_1991 : f32 to vector<16xf32>
        %select_n3A_1994 = arith.select %eq3A_1989, %broadcast_in_dim3A_1992, %broadcast_in_dim3A_1993 : vector<16xi1>, vector<16xf32>
        %swap3A_1995 = arith.constant 9 : i32
        %swap3A_1996 = arith.constant 6 : i32
        %swap3A_1997 = arith.index_cast %swap3A_1995 : i32 to index
        %swap3A_1998 = arith.index_cast %swap3A_1996 : i32 to index
        %swap3A_1999 = arith.index_cast %mul3A_340 : i32 to index
        %swap3A_2000 = tpu.vector_load %arg7[%swap3A_1997, %swap3A_1998, %swap3A_1999] {strides = array<i32>} : memref<16x8x224xf32, #tpu.memory_space<vmem>>, vector<16xf32>,
        tpu.vector_store %arg7[%swap3A_1997, %swap3A_1998, %swap3A_1999], %select_n3A_1994 {strides = array<i32>} : memref<16x8x224xf32, #tpu.memory_space<vmem>>, vector<16xf32>,
        %eq3A_2001 = arith.constant 10 : i32
        %eq3A_2002 = vector.broadcast %eq3A_2001 : i32 to vector<16xi32>
        %eq3A_2003 = arith.cmpi eq, %select_n3A_1860, %eq3A_2002 : vector<16xi32>
        %jit3A_2004 = arith.constant 1.000000e+00 : f32
        %jit3A_2005 = arith.constant 0.000000e+00 : f32
        %broadcast_in_dim3A_2006 = vector.broadcast %jit3A_2004 : f32 to vector<16xf32>
        %broadcast_in_dim3A_2007 = vector.broadcast %jit3A_2005 : f32 to vector<16xf32>
        %select_n3A_2008 = arith.select %eq3A_2003, %broadcast_in_dim3A_2006, %broadcast_in_dim3A_2007 : vector<16xi1>, vector<16xf32>
        %swap3A_2009 = arith.constant 10 : i32
        %swap3A_2010 = arith.constant 6 : i32
        %swap3A_2011 = arith.index_cast %swap3A_2009 : i32 to index
        %swap3A_2012 = arith.index_cast %swap3A_2010 : i32 to index
        %swap3A_2013 = arith.index_cast %mul3A_340 : i32 to index
        %swap3A_2014 = tpu.vector_load %arg7[%swap3A_2011, %swap3A_2012, %swap3A_2013] {strides = array<i32>} : memref<16x8x224xf32, #tpu.memory_space<vmem>>, vector<16xf32>,
        tpu.vector_store %arg7[%swap3A_2011, %swap3A_2012, %swap3A_2013], %select_n3A_2008 {strides = array<i32>} : memref<16x8x224xf32, #tpu.memory_space<vmem>>, vector<16xf32>,
        %eq3A_2015 = arith.constant 11 : i32
        %eq3A_2016 = vector.broadcast %eq3A_2015 : i32 to vector<16xi32>
        %eq3A_2017 = arith.cmpi eq, %select_n3A_1860, %eq3A_2016 : vector<16xi32>
        %jit3A_2018 = arith.constant 1.000000e+00 : f32
        %jit3A_2019 = arith.constant 0.000000e+00 : f32
        %broadcast_in_dim3A_2020 = vector.broadcast %jit3A_2018 : f32 to vector<16xf32>
        %broadcast_in_dim3A_2021 = vector.broadcast %jit3A_2019 : f32 to vector<16xf32>
        %select_n3A_2022 = arith.select %eq3A_2017, %broadcast_in_dim3A_2020, %broadcast_in_dim3A_2021 : vector<16xi1>, vector<16xf32>
        %swap3A_2023 = arith.constant 11 : i32
        %swap3A_2024 = arith.constant 6 : i32
        %swap3A_2025 = arith.index_cast %swap3A_2023 : i32 to index
        %swap3A_2026 = arith.index_cast %swap3A_2024 : i32 to index
        %swap3A_2027 = arith.index_cast %mul3A_340 : i32 to index
        %swap3A_2028 = tpu.vector_load %arg7[%swap3A_2025, %swap3A_2026, %swap3A_2027] {strides = array<i32>} : memref<16x8x224xf32, #tpu.memory_space<vmem>>, vector<16xf32>,
        tpu.vector_store %arg7[%swap3A_2025, %swap3A_2026, %swap3A_2027], %select_n3A_2022 {strides = array<i32>} : memref<16x8x224xf32, #tpu.memory_space<vmem>>, vector<16xf32>,
        %eq3A_2029 = arith.constant 12 : i32
        %eq3A_2030 = vector.broadcast %eq3A_2029 : i32 to vector<16xi32>
        %eq3A_2031 = arith.cmpi eq, %select_n3A_1860, %eq3A_2030 : vector<16xi32>
        %jit3A_2032 = arith.constant 1.000000e+00 : f32
        %jit3A_2033 = arith.constant 0.000000e+00 : f32
        %broadcast_in_dim3A_2034 = vector.broadcast %jit3A_2032 : f32 to vector<16xf32>
        %broadcast_in_dim3A_2035 = vector.broadcast %jit3A_2033 : f32 to vector<16xf32>
        %select_n3A_2036 = arith.select %eq3A_2031, %broadcast_in_dim3A_2034, %broadcast_in_dim3A_2035 : vector<16xi1>, vector<16xf32>
        %swap3A_2037 = arith.constant 12 : i32
        %swap3A_2038 = arith.constant 6 : i32
        %swap3A_2039 = arith.index_cast %swap3A_2037 : i32 to index
        %swap3A_2040 = arith.index_cast %swap3A_2038 : i32 to index
        %swap3A_2041 = arith.index_cast %mul3A_340 : i32 to index
        %swap3A_2042 = tpu.vector_load %arg7[%swap3A_2039, %swap3A_2040, %swap3A_2041] {strides = array<i32>} : memref<16x8x224xf32, #tpu.memory_space<vmem>>, vector<16xf32>,
        tpu.vector_store %arg7[%swap3A_2039, %swap3A_2040, %swap3A_2041], %select_n3A_2036 {strides = array<i32>} : memref<16x8x224xf32, #tpu.memory_space<vmem>>, vector<16xf32>,
        %eq3A_2043 = arith.constant 13 : i32
        %eq3A_2044 = vector.broadcast %eq3A_2043 : i32 to vector<16xi32>
        %eq3A_2045 = arith.cmpi eq, %select_n3A_1860, %eq3A_2044 : vector<16xi32>
        %jit3A_2046 = arith.constant 1.000000e+00 : f32
        %jit3A_2047 = arith.constant 0.000000e+00 : f32
        %broadcast_in_dim3A_2048 = vector.broadcast %jit3A_2046 : f32 to vector<16xf32>
        %broadcast_in_dim3A_2049 = vector.broadcast %jit3A_2047 : f32 to vector<16xf32>
        %select_n3A_2050 = arith.select %eq3A_2045, %broadcast_in_dim3A_2048, %broadcast_in_dim3A_2049 : vector<16xi1>, vector<16xf32>
        %swap3A_2051 = arith.constant 13 : i32
        %swap3A_2052 = arith.constant 6 : i32
        %swap3A_2053 = arith.index_cast %swap3A_2051 : i32 to index
        %swap3A_2054 = arith.index_cast %swap3A_2052 : i32 to index
        %swap3A_2055 = arith.index_cast %mul3A_340 : i32 to index
        %swap3A_2056 = tpu.vector_load %arg7[%swap3A_2053, %swap3A_2054, %swap3A_2055] {strides = array<i32>} : memref<16x8x224xf32, #tpu.memory_space<vmem>>, vector<16xf32>,
        tpu.vector_store %arg7[%swap3A_2053, %swap3A_2054, %swap3A_2055], %select_n3A_2050 {strides = array<i32>} : memref<16x8x224xf32, #tpu.memory_space<vmem>>, vector<16xf32>,
        %eq3A_2057 = arith.constant 14 : i32
        %eq3A_2058 = vector.broadcast %eq3A_2057 : i32 to vector<16xi32>
        %eq3A_2059 = arith.cmpi eq, %select_n3A_1860, %eq3A_2058 : vector<16xi32>
        %jit3A_2060 = arith.constant 1.000000e+00 : f32
        %jit3A_2061 = arith.constant 0.000000e+00 : f32
        %broadcast_in_dim3A_2062 = vector.broadcast %jit3A_2060 : f32 to vector<16xf32>
        %broadcast_in_dim3A_2063 = vector.broadcast %jit3A_2061 : f32 to vector<16xf32>
        %select_n3A_2064 = arith.select %eq3A_2059, %broadcast_in_dim3A_2062, %broadcast_in_dim3A_2063 : vector<16xi1>, vector<16xf32>
        %swap3A_2065 = arith.constant 14 : i32
        %swap3A_2066 = arith.constant 6 : i32
        %swap3A_2067 = arith.index_cast %swap3A_2065 : i32 to index
        %swap3A_2068 = arith.index_cast %swap3A_2066 : i32 to index
        %swap3A_2069 = arith.index_cast %mul3A_340 : i32 to index
        %swap3A_2070 = tpu.vector_load %arg7[%swap3A_2067, %swap3A_2068, %swap3A_2069] {strides = array<i32>} : memref<16x8x224xf32, #tpu.memory_space<vmem>>, vector<16xf32>,
        tpu.vector_store %arg7[%swap3A_2067, %swap3A_2068, %swap3A_2069], %select_n3A_2064 {strides = array<i32>} : memref<16x8x224xf32, #tpu.memory_space<vmem>>, vector<16xf32>,
        %eq3A_2071 = arith.constant 15 : i32
        %eq3A_2072 = vector.broadcast %eq3A_2071 : i32 to vector<16xi32>
        %eq3A_2073 = arith.cmpi eq, %select_n3A_1860, %eq3A_2072 : vector<16xi32>
        %jit3A_2074 = arith.constant 1.000000e+00 : f32
        %jit3A_2075 = arith.constant 0.000000e+00 : f32
        %broadcast_in_dim3A_2076 = vector.broadcast %jit3A_2074 : f32 to vector<16xf32>
        %broadcast_in_dim3A_2077 = vector.broadcast %jit3A_2075 : f32 to vector<16xf32>
        %select_n3A_2078 = arith.select %eq3A_2073, %broadcast_in_dim3A_2076, %broadcast_in_dim3A_2077 : vector<16xi1>, vector<16xf32>
        %swap3A_2079 = arith.constant 15 : i32
        %swap3A_2080 = arith.constant 6 : i32
        %swap3A_2081 = arith.index_cast %swap3A_2079 : i32 to index
        %swap3A_2082 = arith.index_cast %swap3A_2080 : i32 to index
        %swap3A_2083 = arith.index_cast %mul3A_340 : i32 to index
        %swap3A_2084 = tpu.vector_load %arg7[%swap3A_2081, %swap3A_2082, %swap3A_2083] {strides = array<i32>} : memref<16x8x224xf32, #tpu.memory_space<vmem>>, vector<16xf32>,
        tpu.vector_store %arg7[%swap3A_2081, %swap3A_2082, %swap3A_2083], %select_n3A_2078 {strides = array<i32>} : memref<16x8x224xf32, #tpu.memory_space<vmem>>, vector<16xf32>,
        %get3A_2085 = arith.constant 7 : i32
        %get3A_2086 = arith.index_cast %get3A_2085 : i32 to index
        %get3A_2087 = arith.index_cast %mul3A_340 : i32 to index
        %get3A_2088 = tpu.vector_load %arg5[%get3A_2086, %get3A_2087] {strides = array<i32>} : memref<8x224xf32, #tpu.memory_space<vmem>>, vector<16xf32>,
        %max3A_2089 = arith.constant 0.000000e+00 : f32
        %max3A_2090 = vector.broadcast %max3A_2089 : f32 to vector<16xf32>
        %max3A_2091 = arith.maximumf %get3A_2088, %max3A_2090 : vector<16xf32>
        %min3A_2092 = arith.constant 1.000000e+00 : f32
        %min3A_2093 = vector.broadcast %min3A_2092 : f32 to vector<16xf32>
        %min3A_2094 = arith.minimumf %max3A_2091, %min3A_2093 : vector<16xf32>
        %sub3A_2095 = arith.constant 1.000000e+00 : f32
        %sub3A_2096 = vector.broadcast %sub3A_2095 : f32 to vector<16xf32>
        %sub3A_2097 = arith.subf %sub3A_2096, %min3A_2094 : vector<16xf32>
        %mul3A_2098 = arith.constant 1.500000e+01 : f32
        %mul3A_2099 = vector.broadcast %mul3A_2098 : f32 to vector<16xf32>
        %mul3A_2100 = arith.mulf %sub3A_2097, %mul3A_2099 : vector<16xf32>
        %convert_element_type3A_2101 = arith.fptosi %mul3A_2100 : vector<16xf32> to vector<16xi32>
        %min3A_2102 = arith.constant 15 : i32
        %min3A_2103 = vector.broadcast %min3A_2102 : i32 to vector<16xi32>
        %min3A_2104 = arith.minsi %convert_element_type3A_2101, %min3A_2103 : vector<16xi32>
        %gt3A_2105 = arith.constant 0.000000e+00 : f32
        %gt3A_2106 = vector.broadcast %gt3A_2105 : f32 to vector<16xf32>
        %gt3A_2107 = arith.cmpf ogt, %min3A_2094, %gt3A_2106 : vector<16xf32>
        %jit3A_2108 = arith.constant 16 : i32
        %broadcast_in_dim3A_2109 = vector.broadcast %jit3A_2108 : i32 to vector<16xi32>
        %select_n3A_2110 = arith.select %gt3A_2107, %min3A_2104, %broadcast_in_dim3A_2109 : vector<16xi1>, vector<16xi32>
        %eq3A_2111 = arith.constant 0 : i32
        %eq3A_2112 = vector.broadcast %eq3A_2111 : i32 to vector<16xi32>
        %eq3A_2113 = arith.cmpi eq, %select_n3A_2110, %eq3A_2112 : vector<16xi32>
        %jit3A_2114 = arith.constant 1.000000e+00 : f32
        %jit3A_2115 = arith.constant 0.000000e+00 : f32
        %broadcast_in_dim3A_2116 = vector.broadcast %jit3A_2114 : f32 to vector<16xf32>
        %broadcast_in_dim3A_2117 = vector.broadcast %jit3A_2115 : f32 to vector<16xf32>
        %select_n3A_2118 = arith.select %eq3A_2113, %broadcast_in_dim3A_2116, %broadcast_in_dim3A_2117 : vector<16xi1>, vector<16xf32>
        %swap3A_2119 = arith.constant 0 : i32
        %swap3A_2120 = arith.constant 7 : i32
        %swap3A_2121 = arith.index_cast %swap3A_2119 : i32 to index
        %swap3A_2122 = arith.index_cast %swap3A_2120 : i32 to index
        %swap3A_2123 = arith.index_cast %mul3A_340 : i32 to index
        %swap3A_2124 = tpu.vector_load %arg7[%swap3A_2121, %swap3A_2122, %swap3A_2123] {strides = array<i32>} : memref<16x8x224xf32, #tpu.memory_space<vmem>>, vector<16xf32>,
        tpu.vector_store %arg7[%swap3A_2121, %swap3A_2122, %swap3A_2123], %select_n3A_2118 {strides = array<i32>} : memref<16x8x224xf32, #tpu.memory_space<vmem>>, vector<16xf32>,
        %eq3A_2125 = arith.constant 1 : i32
        %eq3A_2126 = vector.broadcast %eq3A_2125 : i32 to vector<16xi32>
        %eq3A_2127 = arith.cmpi eq, %select_n3A_2110, %eq3A_2126 : vector<16xi32>
        %jit3A_2128 = arith.constant 1.000000e+00 : f32
        %jit3A_2129 = arith.constant 0.000000e+00 : f32
        %broadcast_in_dim3A_2130 = vector.broadcast %jit3A_2128 : f32 to vector<16xf32>
        %broadcast_in_dim3A_2131 = vector.broadcast %jit3A_2129 : f32 to vector<16xf32>
        %select_n3A_2132 = arith.select %eq3A_2127, %broadcast_in_dim3A_2130, %broadcast_in_dim3A_2131 : vector<16xi1>, vector<16xf32>
        %swap3A_2133 = arith.constant 1 : i32
        %swap3A_2134 = arith.constant 7 : i32
        %swap3A_2135 = arith.index_cast %swap3A_2133 : i32 to index
        %swap3A_2136 = arith.index_cast %swap3A_2134 : i32 to index
        %swap3A_2137 = arith.index_cast %mul3A_340 : i32 to index
        %swap3A_2138 = tpu.vector_load %arg7[%swap3A_2135, %swap3A_2136, %swap3A_2137] {strides = array<i32>} : memref<16x8x224xf32, #tpu.memory_space<vmem>>, vector<16xf32>,
        tpu.vector_store %arg7[%swap3A_2135, %swap3A_2136, %swap3A_2137], %select_n3A_2132 {strides = array<i32>} : memref<16x8x224xf32, #tpu.memory_space<vmem>>, vector<16xf32>,
        %eq3A_2139 = arith.constant 2 : i32
        %eq3A_2140 = vector.broadcast %eq3A_2139 : i32 to vector<16xi32>
        %eq3A_2141 = arith.cmpi eq, %select_n3A_2110, %eq3A_2140 : vector<16xi32>
        %jit3A_2142 = arith.constant 1.000000e+00 : f32
        %jit3A_2143 = arith.constant 0.000000e+00 : f32
        %broadcast_in_dim3A_2144 = vector.broadcast %jit3A_2142 : f32 to vector<16xf32>
        %broadcast_in_dim3A_2145 = vector.broadcast %jit3A_2143 : f32 to vector<16xf32>
        %select_n3A_2146 = arith.select %eq3A_2141, %broadcast_in_dim3A_2144, %broadcast_in_dim3A_2145 : vector<16xi1>, vector<16xf32>
        %swap3A_2147 = arith.constant 2 : i32
        %swap3A_2148 = arith.constant 7 : i32
        %swap3A_2149 = arith.index_cast %swap3A_2147 : i32 to index
        %swap3A_2150 = arith.index_cast %swap3A_2148 : i32 to index
        %swap3A_2151 = arith.index_cast %mul3A_340 : i32 to index
        %swap3A_2152 = tpu.vector_load %arg7[%swap3A_2149, %swap3A_2150, %swap3A_2151] {strides = array<i32>} : memref<16x8x224xf32, #tpu.memory_space<vmem>>, vector<16xf32>,
        tpu.vector_store %arg7[%swap3A_2149, %swap3A_2150, %swap3A_2151], %select_n3A_2146 {strides = array<i32>} : memref<16x8x224xf32, #tpu.memory_space<vmem>>, vector<16xf32>,
        %eq3A_2153 = arith.constant 3 : i32
        %eq3A_2154 = vector.broadcast %eq3A_2153 : i32 to vector<16xi32>
        %eq3A_2155 = arith.cmpi eq, %select_n3A_2110, %eq3A_2154 : vector<16xi32>
        %jit3A_2156 = arith.constant 1.000000e+00 : f32
        %jit3A_2157 = arith.constant 0.000000e+00 : f32
        %broadcast_in_dim3A_2158 = vector.broadcast %jit3A_2156 : f32 to vector<16xf32>
        %broadcast_in_dim3A_2159 = vector.broadcast %jit3A_2157 : f32 to vector<16xf32>
        %select_n3A_2160 = arith.select %eq3A_2155, %broadcast_in_dim3A_2158, %broadcast_in_dim3A_2159 : vector<16xi1>, vector<16xf32>
        %swap3A_2161 = arith.constant 3 : i32
        %swap3A_2162 = arith.constant 7 : i32
        %swap3A_2163 = arith.index_cast %swap3A_2161 : i32 to index
        %swap3A_2164 = arith.index_cast %swap3A_2162 : i32 to index
        %swap3A_2165 = arith.index_cast %mul3A_340 : i32 to index
        %swap3A_2166 = tpu.vector_load %arg7[%swap3A_2163, %swap3A_2164, %swap3A_2165] {strides = array<i32>} : memref<16x8x224xf32, #tpu.memory_space<vmem>>, vector<16xf32>,
        tpu.vector_store %arg7[%swap3A_2163, %swap3A_2164, %swap3A_2165], %select_n3A_2160 {strides = array<i32>} : memref<16x8x224xf32, #tpu.memory_space<vmem>>, vector<16xf32>,
        %eq3A_2167 = arith.constant 4 : i32
        %eq3A_2168 = vector.broadcast %eq3A_2167 : i32 to vector<16xi32>
        %eq3A_2169 = arith.cmpi eq, %select_n3A_2110, %eq3A_2168 : vector<16xi32>
        %jit3A_2170 = arith.constant 1.000000e+00 : f32
        %jit3A_2171 = arith.constant 0.000000e+00 : f32
        %broadcast_in_dim3A_2172 = vector.broadcast %jit3A_2170 : f32 to vector<16xf32>
        %broadcast_in_dim3A_2173 = vector.broadcast %jit3A_2171 : f32 to vector<16xf32>
        %select_n3A_2174 = arith.select %eq3A_2169, %broadcast_in_dim3A_2172, %broadcast_in_dim3A_2173 : vector<16xi1>, vector<16xf32>
        %swap3A_2175 = arith.constant 4 : i32
        %swap3A_2176 = arith.constant 7 : i32
        %swap3A_2177 = arith.index_cast %swap3A_2175 : i32 to index
        %swap3A_2178 = arith.index_cast %swap3A_2176 : i32 to index
        %swap3A_2179 = arith.index_cast %mul3A_340 : i32 to index
        %swap3A_2180 = tpu.vector_load %arg7[%swap3A_2177, %swap3A_2178, %swap3A_2179] {strides = array<i32>} : memref<16x8x224xf32, #tpu.memory_space<vmem>>, vector<16xf32>,
        tpu.vector_store %arg7[%swap3A_2177, %swap3A_2178, %swap3A_2179], %select_n3A_2174 {strides = array<i32>} : memref<16x8x224xf32, #tpu.memory_space<vmem>>, vector<16xf32>,
        %eq3A_2181 = arith.constant 5 : i32
        %eq3A_2182 = vector.broadcast %eq3A_2181 : i32 to vector<16xi32>
        %eq3A_2183 = arith.cmpi eq, %select_n3A_2110, %eq3A_2182 : vector<16xi32>
        %jit3A_2184 = arith.constant 1.000000e+00 : f32
        %jit3A_2185 = arith.constant 0.000000e+00 : f32
        %broadcast_in_dim3A_2186 = vector.broadcast %jit3A_2184 : f32 to vector<16xf32>
        %broadcast_in_dim3A_2187 = vector.broadcast %jit3A_2185 : f32 to vector<16xf32>
        %select_n3A_2188 = arith.select %eq3A_2183, %broadcast_in_dim3A_2186, %broadcast_in_dim3A_2187 : vector<16xi1>, vector<16xf32>
        %swap3A_2189 = arith.constant 5 : i32
        %swap3A_2190 = arith.constant 7 : i32
        %swap3A_2191 = arith.index_cast %swap3A_2189 : i32 to index
        %swap3A_2192 = arith.index_cast %swap3A_2190 : i32 to index
        %swap3A_2193 = arith.index_cast %mul3A_340 : i32 to index
        %swap3A_2194 = tpu.vector_load %arg7[%swap3A_2191, %swap3A_2192, %swap3A_2193] {strides = array<i32>} : memref<16x8x224xf32, #tpu.memory_space<vmem>>, vector<16xf32>,
        tpu.vector_store %arg7[%swap3A_2191, %swap3A_2192, %swap3A_2193], %select_n3A_2188 {strides = array<i32>} : memref<16x8x224xf32, #tpu.memory_space<vmem>>, vector<16xf32>,
        %eq3A_2195 = arith.constant 6 : i32
        %eq3A_2196 = vector.broadcast %eq3A_2195 : i32 to vector<16xi32>
        %eq3A_2197 = arith.cmpi eq, %select_n3A_2110, %eq3A_2196 : vector<16xi32>
        %jit3A_2198 = arith.constant 1.000000e+00 : f32
        %jit3A_2199 = arith.constant 0.000000e+00 : f32
        %broadcast_in_dim3A_2200 = vector.broadcast %jit3A_2198 : f32 to vector<16xf32>
        %broadcast_in_dim3A_2201 = vector.broadcast %jit3A_2199 : f32 to vector<16xf32>
        %select_n3A_2202 = arith.select %eq3A_2197, %broadcast_in_dim3A_2200, %broadcast_in_dim3A_2201 : vector<16xi1>, vector<16xf32>
        %swap3A_2203 = arith.constant 6 : i32
        %swap3A_2204 = arith.constant 7 : i32
        %swap3A_2205 = arith.index_cast %swap3A_2203 : i32 to index
        %swap3A_2206 = arith.index_cast %swap3A_2204 : i32 to index
        %swap3A_2207 = arith.index_cast %mul3A_340 : i32 to index
        %swap3A_2208 = tpu.vector_load %arg7[%swap3A_2205, %swap3A_2206, %swap3A_2207] {strides = array<i32>} : memref<16x8x224xf32, #tpu.memory_space<vmem>>, vector<16xf32>,
        tpu.vector_store %arg7[%swap3A_2205, %swap3A_2206, %swap3A_2207], %select_n3A_2202 {strides = array<i32>} : memref<16x8x224xf32, #tpu.memory_space<vmem>>, vector<16xf32>,
        %eq3A_2209 = arith.constant 7 : i32
        %eq3A_2210 = vector.broadcast %eq3A_2209 : i32 to vector<16xi32>
        %eq3A_2211 = arith.cmpi eq, %select_n3A_2110, %eq3A_2210 : vector<16xi32>
        %jit3A_2212 = arith.constant 1.000000e+00 : f32
        %jit3A_2213 = arith.constant 0.000000e+00 : f32
        %broadcast_in_dim3A_2214 = vector.broadcast %jit3A_2212 : f32 to vector<16xf32>
        %broadcast_in_dim3A_2215 = vector.broadcast %jit3A_2213 : f32 to vector<16xf32>
        %select_n3A_2216 = arith.select %eq3A_2211, %broadcast_in_dim3A_2214, %broadcast_in_dim3A_2215 : vector<16xi1>, vector<16xf32>
        %swap3A_2217 = arith.constant 7 : i32
        %swap3A_2218 = arith.constant 7 : i32
        %swap3A_2219 = arith.index_cast %swap3A_2217 : i32 to index
        %swap3A_2220 = arith.index_cast %swap3A_2218 : i32 to index
        %swap3A_2221 = arith.index_cast %mul3A_340 : i32 to index
        %swap3A_2222 = tpu.vector_load %arg7[%swap3A_2219, %swap3A_2220, %swap3A_2221] {strides = array<i32>} : memref<16x8x224xf32, #tpu.memory_space<vmem>>, vector<16xf32>,
        tpu.vector_store %arg7[%swap3A_2219, %swap3A_2220, %swap3A_2221], %select_n3A_2216 {strides = array<i32>} : memref<16x8x224xf32, #tpu.memory_space<vmem>>, vector<16xf32>,
        %eq3A_2223 = arith.constant 8 : i32
        %eq3A_2224 = vector.broadcast %eq3A_2223 : i32 to vector<16xi32>
        %eq3A_2225 = arith.cmpi eq, %select_n3A_2110, %eq3A_2224 : vector<16xi32>
        %jit3A_2226 = arith.constant 1.000000e+00 : f32
        %jit3A_2227 = arith.constant 0.000000e+00 : f32
        %broadcast_in_dim3A_2228 = vector.broadcast %jit3A_2226 : f32 to vector<16xf32>
        %broadcast_in_dim3A_2229 = vector.broadcast %jit3A_2227 : f32 to vector<16xf32>
        %select_n3A_2230 = arith.select %eq3A_2225, %broadcast_in_dim3A_2228, %broadcast_in_dim3A_2229 : vector<16xi1>, vector<16xf32>
        %swap3A_2231 = arith.constant 8 : i32
        %swap3A_2232 = arith.constant 7 : i32
        %swap3A_2233 = arith.index_cast %swap3A_2231 : i32 to index
        %swap3A_2234 = arith.index_cast %swap3A_2232 : i32 to index
        %swap3A_2235 = arith.index_cast %mul3A_340 : i32 to index
        %swap3A_2236 = tpu.vector_load %arg7[%swap3A_2233, %swap3A_2234, %swap3A_2235] {strides = array<i32>} : memref<16x8x224xf32, #tpu.memory_space<vmem>>, vector<16xf32>,
        tpu.vector_store %arg7[%swap3A_2233, %swap3A_2234, %swap3A_2235], %select_n3A_2230 {strides = array<i32>} : memref<16x8x224xf32, #tpu.memory_space<vmem>>, vector<16xf32>,
        %eq3A_2237 = arith.constant 9 : i32
        %eq3A_2238 = vector.broadcast %eq3A_2237 : i32 to vector<16xi32>
        %eq3A_2239 = arith.cmpi eq, %select_n3A_2110, %eq3A_2238 : vector<16xi32>
        %jit3A_2240 = arith.constant 1.000000e+00 : f32
        %jit3A_2241 = arith.constant 0.000000e+00 : f32
        %broadcast_in_dim3A_2242 = vector.broadcast %jit3A_2240 : f32 to vector<16xf32>
        %broadcast_in_dim3A_2243 = vector.broadcast %jit3A_2241 : f32 to vector<16xf32>
        %select_n3A_2244 = arith.select %eq3A_2239, %broadcast_in_dim3A_2242, %broadcast_in_dim3A_2243 : vector<16xi1>, vector<16xf32>
        %swap3A_2245 = arith.constant 9 : i32
        %swap3A_2246 = arith.constant 7 : i32
        %swap3A_2247 = arith.index_cast %swap3A_2245 : i32 to index
        %swap3A_2248 = arith.index_cast %swap3A_2246 : i32 to index
        %swap3A_2249 = arith.index_cast %mul3A_340 : i32 to index
        %swap3A_2250 = tpu.vector_load %arg7[%swap3A_2247, %swap3A_2248, %swap3A_2249] {strides = array<i32>} : memref<16x8x224xf32, #tpu.memory_space<vmem>>, vector<16xf32>,
        tpu.vector_store %arg7[%swap3A_2247, %swap3A_2248, %swap3A_2249], %select_n3A_2244 {strides = array<i32>} : memref<16x8x224xf32, #tpu.memory_space<vmem>>, vector<16xf32>,
        %eq3A_2251 = arith.constant 10 : i32
        %eq3A_2252 = vector.broadcast %eq3A_2251 : i32 to vector<16xi32>
        %eq3A_2253 = arith.cmpi eq, %select_n3A_2110, %eq3A_2252 : vector<16xi32>
        %jit3A_2254 = arith.constant 1.000000e+00 : f32
        %jit3A_2255 = arith.constant 0.000000e+00 : f32
        %broadcast_in_dim3A_2256 = vector.broadcast %jit3A_2254 : f32 to vector<16xf32>
        %broadcast_in_dim3A_2257 = vector.broadcast %jit3A_2255 : f32 to vector<16xf32>
        %select_n3A_2258 = arith.select %eq3A_2253, %broadcast_in_dim3A_2256, %broadcast_in_dim3A_2257 : vector<16xi1>, vector<16xf32>
        %swap3A_2259 = arith.constant 10 : i32
        %swap3A_2260 = arith.constant 7 : i32
        %swap3A_2261 = arith.index_cast %swap3A_2259 : i32 to index
        %swap3A_2262 = arith.index_cast %swap3A_2260 : i32 to index
        %swap3A_2263 = arith.index_cast %mul3A_340 : i32 to index
        %swap3A_2264 = tpu.vector_load %arg7[%swap3A_2261, %swap3A_2262, %swap3A_2263] {strides = array<i32>} : memref<16x8x224xf32, #tpu.memory_space<vmem>>, vector<16xf32>,
        tpu.vector_store %arg7[%swap3A_2261, %swap3A_2262, %swap3A_2263], %select_n3A_2258 {strides = array<i32>} : memref<16x8x224xf32, #tpu.memory_space<vmem>>, vector<16xf32>,
        %eq3A_2265 = arith.constant 11 : i32
        %eq3A_2266 = vector.broadcast %eq3A_2265 : i32 to vector<16xi32>
        %eq3A_2267 = arith.cmpi eq, %select_n3A_2110, %eq3A_2266 : vector<16xi32>
        %jit3A_2268 = arith.constant 1.000000e+00 : f32
        %jit3A_2269 = arith.constant 0.000000e+00 : f32
        %broadcast_in_dim3A_2270 = vector.broadcast %jit3A_2268 : f32 to vector<16xf32>
        %broadcast_in_dim3A_2271 = vector.broadcast %jit3A_2269 : f32 to vector<16xf32>
        %select_n3A_2272 = arith.select %eq3A_2267, %broadcast_in_dim3A_2270, %broadcast_in_dim3A_2271 : vector<16xi1>, vector<16xf32>
        %swap3A_2273 = arith.constant 11 : i32
        %swap3A_2274 = arith.constant 7 : i32
        %swap3A_2275 = arith.index_cast %swap3A_2273 : i32 to index
        %swap3A_2276 = arith.index_cast %swap3A_2274 : i32 to index
        %swap3A_2277 = arith.index_cast %mul3A_340 : i32 to index
        %swap3A_2278 = tpu.vector_load %arg7[%swap3A_2275, %swap3A_2276, %swap3A_2277] {strides = array<i32>} : memref<16x8x224xf32, #tpu.memory_space<vmem>>, vector<16xf32>,
        tpu.vector_store %arg7[%swap3A_2275, %swap3A_2276, %swap3A_2277], %select_n3A_2272 {strides = array<i32>} : memref<16x8x224xf32, #tpu.memory_space<vmem>>, vector<16xf32>,
        %eq3A_2279 = arith.constant 12 : i32
        %eq3A_2280 = vector.broadcast %eq3A_2279 : i32 to vector<16xi32>
        %eq3A_2281 = arith.cmpi eq, %select_n3A_2110, %eq3A_2280 : vector<16xi32>
        %jit3A_2282 = arith.constant 1.000000e+00 : f32
        %jit3A_2283 = arith.constant 0.000000e+00 : f32
        %broadcast_in_dim3A_2284 = vector.broadcast %jit3A_2282 : f32 to vector<16xf32>
        %broadcast_in_dim3A_2285 = vector.broadcast %jit3A_2283 : f32 to vector<16xf32>
        %select_n3A_2286 = arith.select %eq3A_2281, %broadcast_in_dim3A_2284, %broadcast_in_dim3A_2285 : vector<16xi1>, vector<16xf32>
        %swap3A_2287 = arith.constant 12 : i32
        %swap3A_2288 = arith.constant 7 : i32
        %swap3A_2289 = arith.index_cast %swap3A_2287 : i32 to index
        %swap3A_2290 = arith.index_cast %swap3A_2288 : i32 to index
        %swap3A_2291 = arith.index_cast %mul3A_340 : i32 to index
        %swap3A_2292 = tpu.vector_load %arg7[%swap3A_2289, %swap3A_2290, %swap3A_2291] {strides = array<i32>} : memref<16x8x224xf32, #tpu.memory_space<vmem>>, vector<16xf32>,
        tpu.vector_store %arg7[%swap3A_2289, %swap3A_2290, %swap3A_2291], %select_n3A_2286 {strides = array<i32>} : memref<16x8x224xf32, #tpu.memory_space<vmem>>, vector<16xf32>,
        %eq3A_2293 = arith.constant 13 : i32
        %eq3A_2294 = vector.broadcast %eq3A_2293 : i32 to vector<16xi32>
        %eq3A_2295 = arith.cmpi eq, %select_n3A_2110, %eq3A_2294 : vector<16xi32>
        %jit3A_2296 = arith.constant 1.000000e+00 : f32
        %jit3A_2297 = arith.constant 0.000000e+00 : f32
        %broadcast_in_dim3A_2298 = vector.broadcast %jit3A_2296 : f32 to vector<16xf32>
        %broadcast_in_dim3A_2299 = vector.broadcast %jit3A_2297 : f32 to vector<16xf32>
        %select_n3A_2300 = arith.select %eq3A_2295, %broadcast_in_dim3A_2298, %broadcast_in_dim3A_2299 : vector<16xi1>, vector<16xf32>
        %swap3A_2301 = arith.constant 13 : i32
        %swap3A_2302 = arith.constant 7 : i32
        %swap3A_2303 = arith.index_cast %swap3A_2301 : i32 to index
        %swap3A_2304 = arith.index_cast %swap3A_2302 : i32 to index
        %swap3A_2305 = arith.index_cast %mul3A_340 : i32 to index
        %swap3A_2306 = tpu.vector_load %arg7[%swap3A_2303, %swap3A_2304, %swap3A_2305] {strides = array<i32>} : memref<16x8x224xf32, #tpu.memory_space<vmem>>, vector<16xf32>,
        tpu.vector_store %arg7[%swap3A_2303, %swap3A_2304, %swap3A_2305], %select_n3A_2300 {strides = array<i32>} : memref<16x8x224xf32, #tpu.memory_space<vmem>>, vector<16xf32>,
        %eq3A_2307 = arith.constant 14 : i32
        %eq3A_2308 = vector.broadcast %eq3A_2307 : i32 to vector<16xi32>
        %eq3A_2309 = arith.cmpi eq, %select_n3A_2110, %eq3A_2308 : vector<16xi32>
        %jit3A_2310 = arith.constant 1.000000e+00 : f32
        %jit3A_2311 = arith.constant 0.000000e+00 : f32
        %broadcast_in_dim3A_2312 = vector.broadcast %jit3A_2310 : f32 to vector<16xf32>
        %broadcast_in_dim3A_2313 = vector.broadcast %jit3A_2311 : f32 to vector<16xf32>
        %select_n3A_2314 = arith.select %eq3A_2309, %broadcast_in_dim3A_2312, %broadcast_in_dim3A_2313 : vector<16xi1>, vector<16xf32>
        %swap3A_2315 = arith.constant 14 : i32
        %swap3A_2316 = arith.constant 7 : i32
        %swap3A_2317 = arith.index_cast %swap3A_2315 : i32 to index
        %swap3A_2318 = arith.index_cast %swap3A_2316 : i32 to index
        %swap3A_2319 = arith.index_cast %mul3A_340 : i32 to index
        %swap3A_2320 = tpu.vector_load %arg7[%swap3A_2317, %swap3A_2318, %swap3A_2319] {strides = array<i32>} : memref<16x8x224xf32, #tpu.memory_space<vmem>>, vector<16xf32>,
        tpu.vector_store %arg7[%swap3A_2317, %swap3A_2318, %swap3A_2319], %select_n3A_2314 {strides = array<i32>} : memref<16x8x224xf32, #tpu.memory_space<vmem>>, vector<16xf32>,
        %eq3A_2321 = arith.constant 15 : i32
        %eq3A_2322 = vector.broadcast %eq3A_2321 : i32 to vector<16xi32>
        %eq3A_2323 = arith.cmpi eq, %select_n3A_2110, %eq3A_2322 : vector<16xi32>
        %jit3A_2324 = arith.constant 1.000000e+00 : f32
        %jit3A_2325 = arith.constant 0.000000e+00 : f32
        %broadcast_in_dim3A_2326 = vector.broadcast %jit3A_2324 : f32 to vector<16xf32>
        %broadcast_in_dim3A_2327 = vector.broadcast %jit3A_2325 : f32 to vector<16xf32>
        %select_n3A_2328 = arith.select %eq3A_2323, %broadcast_in_dim3A_2326, %broadcast_in_dim3A_2327 : vector<16xi1>, vector<16xf32>
        %swap3A_2329 = arith.constant 15 : i32
        %swap3A_2330 = arith.constant 7 : i32
        %swap3A_2331 = arith.index_cast %swap3A_2329 : i32 to index
        %swap3A_2332 = arith.index_cast %swap3A_2330 : i32 to index
        %swap3A_2333 = arith.index_cast %mul3A_340 : i32 to index
        %swap3A_2334 = tpu.vector_load %arg7[%swap3A_2331, %swap3A_2332, %swap3A_2333] {strides = array<i32>} : memref<16x8x224xf32, #tpu.memory_space<vmem>>, vector<16xf32>,
        tpu.vector_store %arg7[%swap3A_2331, %swap3A_2332, %swap3A_2333], %select_n3A_2328 {strides = array<i32>} : memref<16x8x224xf32, #tpu.memory_space<vmem>>, vector<16xf32>,
      }
      %scan3A_262 = arith.constant 14 : i32
      %add3A_263 = arith.constant 1 : i32
      %add3A_264 = arith.addi %add3A_151, %add3A_263 : i32
      %jit3A_265 = arith.constant 84 : i32
      %div3A_266 = arith.divsi %add3A_264, %jit3A_265 : i32
      %sign3A_267 = arith.constant 0 : i32
      %sign3A_268 = arith.cmpi sgt, %add3A_264, %sign3A_267 : i32
      %sign3A_269 = arith.extui %sign3A_268 : i1 to i32
      %sign3A_270 = arith.constant 0 : i32
      %sign3A_271 = arith.cmpi slt, %add3A_264, %sign3A_270 : i32
      %sign3A_272 = arith.extui %sign3A_271 : i1 to i32
      %sign3A_273 = arith.subi %sign3A_269, %sign3A_272 : i32
      %sign3A_274 = arith.constant 0 : i32
      %sign3A_275 = arith.cmpi sgt, %jit3A_265, %sign3A_274 : i32
      %sign3A_276 = arith.extui %sign3A_275 : i1 to i32
      %sign3A_277 = arith.constant 0 : i32
      %sign3A_278 = arith.cmpi slt, %jit3A_265, %sign3A_277 : i32
      %sign3A_279 = arith.extui %sign3A_278 : i1 to i32
      %sign3A_280 = arith.subi %sign3A_276, %sign3A_279 : i32
      %ne3A_281 = arith.cmpi ne, %sign3A_273, %sign3A_280 : i32
      %rem3A_282 = arith.remsi %add3A_264, %jit3A_265 : i32
      %ne3A_283 = arith.constant 0 : i32
      %ne3A_284 = arith.cmpi ne, %rem3A_282, %ne3A_283 : i32
      %and3A_285 = arith.andi %ne3A_281, %ne3A_284 : i1
      %sub3A_286 = arith.constant 1 : i32
      %sub3A_287 = arith.subi %div3A_266, %sub3A_286 : i32
      %select_n3A_288 = arith.select %and3A_285, %sub3A_287, %div3A_266 : i32
      %mul3A_289 = arith.constant 84 : i32
      %mul3A_290 = arith.muli %select_n3A_288, %mul3A_289 : i32
      %sub3A_291 = arith.subi %add3A_264, %mul3A_290 : i32
      %jit3A_292 = arith.constant 28 : i32
      %div3A_293 = arith.divsi %sub3A_291, %jit3A_292 : i32
      %sign3A_294 = arith.constant 0 : i32
      %sign3A_295 = arith.cmpi sgt, %sub3A_291, %sign3A_294 : i32
      %sign3A_296 = arith.extui %sign3A_295 : i1 to i32
      %sign3A_297 = arith.constant 0 : i32
      %sign3A_298 = arith.cmpi slt, %sub3A_291, %sign3A_297 : i32
      %sign3A_299 = arith.extui %sign3A_298 : i1 to i32
      %sign3A_300 = arith.subi %sign3A_296, %sign3A_299 : i32
      %sign3A_301 = arith.constant 0 : i32
      %sign3A_302 = arith.cmpi sgt, %jit3A_292, %sign3A_301 : i32
      %sign3A_303 = arith.extui %sign3A_302 : i1 to i32
      %sign3A_304 = arith.constant 0 : i32
      %sign3A_305 = arith.cmpi slt, %jit3A_292, %sign3A_304 : i32
      %sign3A_306 = arith.extui %sign3A_305 : i1 to i32
      %sign3A_307 = arith.subi %sign3A_303, %sign3A_306 : i32
      %ne3A_308 = arith.cmpi ne, %sign3A_300, %sign3A_307 : i32
      %rem3A_309 = arith.remsi %sub3A_291, %jit3A_292 : i32
      %ne3A_310 = arith.constant 0 : i32
      %ne3A_311 = arith.cmpi ne, %rem3A_309, %ne3A_310 : i32
      %and3A_312 = arith.andi %ne3A_308, %ne3A_311 : i1
      %sub3A_313 = arith.constant 1 : i32
      %sub3A_314 = arith.subi %div3A_293, %sub3A_313 : i32
      %select_n3A_315 = arith.select %and3A_312, %sub3A_314, %div3A_293 : i32
      %mul3A_316 = arith.constant 28 : i32
      %mul3A_317 = arith.muli %select_n3A_315, %mul3A_316 : i32
      %sub3A_318 = arith.subi %sub3A_291, %mul3A_317 : i32
      %mul3A_319 = arith.constant 8 : i32
      %mul3A_320 = arith.muli %sub3A_318, %mul3A_319 : i32
      %dma_start3A_321 = arith.constant 0 : i32
      %dma_start3A_322 = arith.constant 0 : i32
      %dma_start3A_323 = tpu.memref_slice %arg3[%select_n3A_288, %dma_start3A_321, %select_n3A_315, %mul3A_320, %dma_start3A_322] : memref<16x16x3x224x224xf32, #tpu.memory_space<hbm>> -> memref<1x16x1x8x224xf32, #tpu.memory_space<hbm>>
      %dma_start3A_324 = tpu.memref_squeeze %dma_start3A_323 : memref<1x16x1x8x224xf32, #tpu.memory_space<hbm>> -> memref<16x8x224xf32, #tpu.memory_space<hbm>>
      %dma_start3A_325 = arith.constant 0 : i32
      %dma_start3A_326 = arith.constant 0 : i32
      %dma_start3A_327 = tpu.memref_slice %arg3[%select_n3A_288, %dma_start3A_325, %select_n3A_315, %mul3A_320, %dma_start3A_326] : memref<16x16x3x224x224xf32, #tpu.memory_space<hbm>> -> memref<1x16x1x8x224xf32, #tpu.memory_space<hbm>>
      %dma_start3A_328 = tpu.memref_squeeze %dma_start3A_327 : memref<1x16x1x8x224xf32, #tpu.memory_space<hbm>> -> memref<16x8x224xf32, #tpu.memory_space<hbm>>
      tpu.enqueue_dma source(%arg7 : memref<16x8x224xf32, #tpu.memory_space<vmem>>) target(%dma_start3A_328 : memref<16x8x224xf32, #tpu.memory_space<hbm>>) target_semaphore(%arg11 : memref<!tpu.dma_semaphore, #tpu.memory_space<semaphore_mem>>)
      %mul3A_329 = arith.constant 2 : i32
      %mul3A_330 = arith.muli %mul3A_329, %scan3A_148 : i32
      %add3A_331 = arith.constant 3 : i32
      %add3A_332 = arith.addi %mul3A_330, %add3A_331 : i32
      %lt3A_333 = arith.constant 42 : i32
      %lt3A_334 = arith.cmpi slt, %add3A_332, %lt3A_333 : i32
      %convert_element_type3A_335 = arith.extui %lt3A_334 : i1 to i32
      %cond3A_336 = arith.constant 0 : i32
      %cond3A_337 = arith.cmpi ne, %convert_element_type3A_335, %cond3A_336 : i32
      scf.if %cond3A_337 {
        %add3A_338 = arith.constant 3 : i32
        %add3A_339 = arith.addi %add3A_151, %add3A_338 : i32
        %jit3A_340 = arith.constant 84 : i32
        %div3A_341 = arith.divsi %add3A_339, %jit3A_340 : i32
        %sign3A_342 = arith.constant 0 : i32
        %sign3A_343 = arith.cmpi sgt, %add3A_339, %sign3A_342 : i32
        %sign3A_344 = arith.extui %sign3A_343 : i1 to i32
        %sign3A_345 = arith.constant 0 : i32
        %sign3A_346 = arith.cmpi slt, %add3A_339, %sign3A_345 : i32
        %sign3A_347 = arith.extui %sign3A_346 : i1 to i32
        %sign3A_348 = arith.subi %sign3A_344, %sign3A_347 : i32
        %sign3A_349 = arith.constant 0 : i32
        %sign3A_350 = arith.cmpi sgt, %jit3A_340, %sign3A_349 : i32
        %sign3A_351 = arith.extui %sign3A_350 : i1 to i32
        %sign3A_352 = arith.constant 0 : i32
        %sign3A_353 = arith.cmpi slt, %jit3A_340, %sign3A_352 : i32
        %sign3A_354 = arith.extui %sign3A_353 : i1 to i32
        %sign3A_355 = arith.subi %sign3A_351, %sign3A_354 : i32
        %ne3A_356 = arith.cmpi ne, %sign3A_348, %sign3A_355 : i32
        %rem3A_357 = arith.remsi %add3A_339, %jit3A_340 : i32
        %ne3A_358 = arith.constant 0 : i32
        %ne3A_359 = arith.cmpi ne, %rem3A_357, %ne3A_358 : i32
        %and3A_360 = arith.andi %ne3A_356, %ne3A_359 : i1
        %sub3A_361 = arith.constant 1 : i32
        %sub3A_362 = arith.subi %div3A_341, %sub3A_361 : i32
        %select_n3A_363 = arith.select %and3A_360, %sub3A_362, %div3A_341 : i32
        %mul3A_364 = arith.constant 84 : i32
        %mul3A_365 = arith.muli %select_n3A_363, %mul3A_364 : i32
        %sub3A_366 = arith.subi %add3A_339, %mul3A_365 : i32
        %jit3A_367 = arith.constant 28 : i32
        %div3A_368 = arith.divsi %sub3A_366, %jit3A_367 : i32
        %sign3A_369 = arith.constant 0 : i32
        %sign3A_370 = arith.cmpi sgt, %sub3A_366, %sign3A_369 : i32
        %sign3A_371 = arith.extui %sign3A_370 : i1 to i32
        %sign3A_372 = arith.constant 0 : i32
        %sign3A_373 = arith.cmpi slt, %sub3A_366, %sign3A_372 : i32
        %sign3A_374 = arith.extui %sign3A_373 : i1 to i32
        %sign3A_375 = arith.subi %sign3A_371, %sign3A_374 : i32
        %sign3A_376 = arith.constant 0 : i32
        %sign3A_377 = arith.cmpi sgt, %jit3A_367, %sign3A_376 : i32
        %sign3A_378 = arith.extui %sign3A_377 : i1 to i32
        %sign3A_379 = arith.constant 0 : i32
        %sign3A_380 = arith.cmpi slt, %jit3A_367, %sign3A_379 : i32
        %sign3A_381 = arith.extui %sign3A_380 : i1 to i32
        %sign3A_382 = arith.subi %sign3A_378, %sign3A_381 : i32
        %ne3A_383 = arith.cmpi ne, %sign3A_375, %sign3A_382 : i32
        %rem3A_384 = arith.remsi %sub3A_366, %jit3A_367 : i32
        %ne3A_385 = arith.constant 0 : i32
        %ne3A_386 = arith.cmpi ne, %rem3A_384, %ne3A_385 : i32
        %and3A_387 = arith.andi %ne3A_383, %ne3A_386 : i1
        %sub3A_388 = arith.constant 1 : i32
        %sub3A_389 = arith.subi %div3A_368, %sub3A_388 : i32
        %select_n3A_390 = arith.select %and3A_387, %sub3A_389, %div3A_368 : i32
        %mul3A_391 = arith.constant 28 : i32
        %mul3A_392 = arith.muli %select_n3A_390, %mul3A_391 : i32
        %sub3A_393 = arith.subi %sub3A_366, %mul3A_392 : i32
        %mul3A_394 = arith.constant 8 : i32
        %mul3A_395 = arith.muli %sub3A_393, %mul3A_394 : i32
        %dma_start3A_396 = arith.constant 0 : i32
        %dma_start3A_397 = tpu.memref_slice %arg2[%select_n3A_363, %select_n3A_390, %mul3A_395, %dma_start3A_396] : memref<16x3x224x224xf32, #tpu.memory_space<hbm>> -> memref<1x1x8x224xf32, #tpu.memory_space<hbm>>
        %dma_start3A_398 = tpu.memref_squeeze %dma_start3A_397 : memref<1x1x8x224xf32, #tpu.memory_space<hbm>> -> memref<8x224xf32, #tpu.memory_space<hbm>>
        %dma_start3A_399 = arith.constant 0 : i32
        %dma_start3A_400 = tpu.memref_slice %arg2[%select_n3A_363, %select_n3A_390, %mul3A_395, %dma_start3A_399] : memref<16x3x224x224xf32, #tpu.memory_space<hbm>> -> memref<1x1x8x224xf32, #tpu.memory_space<hbm>>
        %dma_start3A_401 = tpu.memref_squeeze %dma_start3A_400 : memref<1x1x8x224xf32, #tpu.memory_space<hbm>> -> memref<8x224xf32, #tpu.memory_space<hbm>>
        tpu.enqueue_dma source(%dma_start3A_401 : memref<8x224xf32, #tpu.memory_space<hbm>>) target(%arg5 : memref<8x224xf32, #tpu.memory_space<vmem>>) target_semaphore(%arg9 : memref<!tpu.dma_semaphore, #tpu.memory_space<semaphore_mem>>)
      } else {
      }
    }
    %scan3A_124 = arith.constant 21 : i32
    %dma_wait3A = arith.constant 0 : i32
    %dma_wait3A_125 = arith.constant 0 : i32
    %dma_wait3A_126 = arith.constant 0 : i32
    %dma_wait3A_127 = arith.constant 0 : i32
    %dma_wait3A_128 = arith.constant 0 : i32
    %dma_wait3A_129 = tpu.memref_slice %arg3[%dma_wait3A, %dma_wait3A_126, %dma_wait3A_125, %dma_wait3A_127, %dma_wait3A_128] : memref<16x16x3x224x224xf32, #tpu.memory_space<hbm>> -> memref<1x16x1x8x224xf32, #tpu.memory_space<hbm>>
    %dma_wait3A_130 = tpu.memref_squeeze %dma_wait3A_129 : memref<1x16x1x8x224xf32, #tpu.memory_space<hbm>> -> memref<16x8x224xf32, #tpu.memory_space<hbm>>
    %dma_wait3A_131 = arith.constant 0 : i32
    %dma_wait3A_132 = arith.constant 0 : i32
    %dma_wait3A_133 = arith.constant 0 : i32
    %dma_wait3A_134 = tpu.memref_slice %arg3[%dma_wait3A, %dma_wait3A_131, %dma_wait3A_125, %dma_wait3A_132, %dma_wait3A_133] : memref<16x16x3x224x224xf32, #tpu.memory_space<hbm>> -> memref<1x16x1x8x224xf32, #tpu.memory_space<hbm>>
    %dma_wait3A_135 = tpu.memref_squeeze %dma_wait3A_134 : memref<1x16x1x8x224xf32, #tpu.memory_space<hbm>> -> memref<16x8x224xf32, #tpu.memory_space<hbm>>
    tpu.wait_dma2 semaphore(%arg10 : memref<!tpu.dma_semaphore, #tpu.memory_space<semaphore_mem>>) src(%arg6 : memref<16x8x224xf32, #tpu.memory_space<vmem>>) dst(%dma_wait3A_135 : memref<16x8x224xf32, #tpu.memory_space<hbm>>)
    %dma_wait3A_136 = arith.constant 0 : i32
    %dma_wait3A_137 = arith.constant 0 : i32
    %dma_wait3A_138 = arith.constant 0 : i32
    %dma_wait3A_139 = arith.constant 0 : i32
    %dma_wait3A_140 = arith.constant 0 : i32
    %dma_wait3A_141 = tpu.memref_slice %arg3[%dma_wait3A_136, %dma_wait3A_138, %dma_wait3A_137, %dma_wait3A_139, %dma_wait3A_140] : memref<16x16x3x224x224xf32, #tpu.memory_space<hbm>> -> memref<1x16x1x8x224xf32, #tpu.memory_space<hbm>>
    %dma_wait3A_142 = tpu.memref_squeeze %dma_wait3A_141 : memref<1x16x1x8x224xf32, #tpu.memory_space<hbm>> -> memref<16x8x224xf32, #tpu.memory_space<hbm>>
    %dma_wait3A_143 = arith.constant 0 : i32
    %dma_wait3A_144 = arith.constant 0 : i32
    %dma_wait3A_145 = arith.constant 0 : i32
    %dma_wait3A_146 = tpu.memref_slice %arg3[%dma_wait3A_136, %dma_wait3A_143, %dma_wait3A_137, %dma_wait3A_144, %dma_wait3A_145] : memref<16x16x3x224x224xf32, #tpu.memory_space<hbm>> -> memref<1x16x1x8x224xf32, #tpu.memory_space<hbm>>
    %dma_wait3A_147 = tpu.memref_squeeze %dma_wait3A_146 : memref<1x16x1x8x224xf32, #tpu.memory_space<hbm>> -> memref<16x8x224xf32, #tpu.memory_space<hbm>>
    tpu.wait_dma2 semaphore(%arg11 : memref<!tpu.dma_semaphore, #tpu.memory_space<semaphore_mem>>) src(%arg7 : memref<16x8x224xf32, #tpu.memory_space<vmem>>) dst(%dma_wait3A_147 : memref<16x8x224xf32, #tpu.memory_space<hbm>>)
    return
  }
}

</mosaic_0001>

<sc_bundles>
// kernel: kernel.3.cloned.1.call-start
scs
__scs_entry_jumppad:
0x0: {  	(pc) =	sbr.rel $0x88, $3  }
0x1: {  	(tag) =	ssettag $0x0;
	lr =	simm.s32 $0x1  }
0x2: {  	[smem:$0x3FA0] =	sst lr;
	_ =	strace $0xD0000000  }
0x3: {  	_ = 	snop  }
0x4: {  	_ = 	snop  }
0x5: {  	_ = 	snop  }
0x6: {  	_ = 	snop  }
0x7: {  	_ = 	snop  }
__scs_overlays_trampoline_lowered:
0x8: {  	[smem:$0x3FAF] =	sst s0  }
0x9: {  	[smem:$0x3FB0] =	sst s1  }
0xa: {  	[smem:$0x3FB1] =	sst s2  }
0xb: {  	[smem:$0x3FB2] =	sst s3  }
0xc: {  	[smem:$0x3FB3] =	sst s4  }
0xd: {  	[smem:$0x3FB4] =	sst s5  }
0xe: {  	[smem:$0x3FB5] =	sst s6  }
0xf: {  	[smem:$0x3FB6] =	sst s7  }
0x10: {  	[smem:$0x3FB7] =	sst s8  }
0x11: {  	[smem:$0x3FB8] =	sst s9;
	s0 =	simm.s32 @!p0 $0x0  }
0x12: {  	s1 =	sld [smem:$0x3F9E];
	s0 =	simm.s32 @p0 $0x1  }
0x13: {  	[smem:$0x3FB9] =	sst s0;
	s0 =	simm.s32 @!p1 $0x0  }
0x14: {  	s2 =	sld [smem:$0x3F9D];
	s0 =	simm.s32 @p1 $0x1  }
0x15: {  	[smem:$0x3FBA] =	sst s0;
	s0 =	simm.s32 @!p2 $0x0  }
0x16: {  	s3 =	sld [smem:$0x3FDB];
	s0 =	simm.s32 @p2 $0x1  }
0x17: {  	s4 =	simm.s32 $0x1BF5;
	[smem:$0x3FBC] =	sst s0  }
0x18: {  	s0 =	sld [smem:$0x3F9F];
	_ =	swait.ge [sflag:s4], $0x0  }
0x19: {  	s7 =	sld [smem:$0x3FA0]  }
0x1a: {  	s8 =	sadd.s32 $0xFFFFE003, lr  }
0x1b: {  	s9 =	sadd.s32 $0xFFFFFEF7, lr;
	s5 =	simm.s32 $0xFFFFFFFF;
	p2 =	slt.u32 s8, $0xFFFFF086  }
0x1c: {  	p1 =	slt.u32 s9, $0xF7A;
	s5 =	simm.s32 @!p2 $0x0  }
0x1d: {  	s5 =	simm.s32 @p1 $0x1;
	p0 =	seq.s32 s7, s2  }
0x1e: {  	s7 =	smul.u32 @!p0 $0xF7A, s2;
	p2 =	seq.s32 @!p0 s5, $0x0  }
0x1f: {  	s9 =	smul.u32 $0xF7A, s1;
	s8 =	simm.s32 @!p0 $0x1BF5;
	p2 =	por !p2, p0  }
0x20: {  	[sflag:s8] =	ssyncset.s32 @!p0 $0xFFFFF086;
	s6 =	sadd.s32 @!p0 s3, s7;
	s7 =	simm.s32 @!p0 $0x108  }
0x21: {  	s3 =	sadd.s32 s3, s9;
	s6 =	sadd.s32 @!p0 $0x88, s6;
	s7 =	simm.s32 @p2 $0x1082  }
0x22: {  	[simem:s7], [sflag:s8] =	dma.local @!p0 [hbm:s6], $0xF7A  }
0x23: {  	s9 =	sor.u32 $0xD0000000, s2;
	s6 =	simm.s32 $0x108;
	_ =	swait.ge @!p0 [sflag:s8], $0x0  }
0x24: {  	s3 =	sadd.s32 $0x88, s3;
	s6 =	simm.s32 @!p1 $0x1082;
	[sflag:s4] =	ssyncset.s32 $0xFFFFF086  }
0x25: {  	[simem:s6], [sflag:s4] =	dma.local [hbm:s3], $0xF7A  }
0x26: {  	[smem:$0x3FA0] =	sst s1;
	(tag) =	ssettag s2;
	_ =	strace s9  }
0x27: {  	s1 =	sld [smem:$0x3FB0]  }
0x28: {  	s2 =	sld [smem:$0x3FB1]  }
0x29: {  	s4 =	sld [smem:$0x3FB3]  }
0x2a: {  	p0 =	seq.s32 s5, $0x0;
	s5 =	sld [smem:$0x3FB4]  }
0x2b: {  	s6 =	sld [smem:$0x3FB5]  }
0x2c: {  	s7 =	sld [smem:$0x3FB6]  }
0x2d: {  	s3 =	simm.s32 $0x108;
	s8 =	sld [smem:$0x3FB7]  }
0x2e: {  	s3 =	simm.s32 @!p0 $0x1082;
	s9 =	sld [smem:$0x3FB8]  }
0x2f: {  	lr =	sadd.s32 s0, s3;
	s0 =	sld [smem:$0x3FAF]  }
0x30: {  	s3 =	sld [smem:$0x3FB2]  }
0x31: {  	[smem:$0x3FBB] =	sst s10  }
0x32: {  	s10 =	sld [smem:$0x3FB9];
	_ =	sdelay $0x3  }
0x33: {  	p0 =	seq.s32 s10, $0x1;
	s10 =	sld [smem:$0x3FBB];
	_ =	sdelay $0x3  }
0x34: {  	[smem:$0x3FBB] =	sst s10  }
0x35: {  	s10 =	sld [smem:$0x3FBA];
	_ =	sdelay $0x3  }
0x36: {  	p1 =	seq.s32 s10, $0x1;
	s10 =	sld [smem:$0x3FBB];
	_ =	sdelay $0x3  }
0x37: {  	[smem:$0x3FBB] =	sst s10  }
0x38: {  	s10 =	sld [smem:$0x3FBC]  }
0x39: {  	_ = 	snop;
	(pc) =	sbr.ind lr, $3  }
0x3a: {  	_ = 	snop  }
0x3b: {  	_ = 	snop  }
0x3c: {  	p2 =	seq.s32 s10, $0x1;
	s10 =	sld [smem:$0x3FBB]  }
0x3d: {  	_ =	shalt  }
0x3e: {  	_ =	shalt  }
0x3f: {  	_ =	shalt  }
0x40: {  	_ =	shalt  }
0x41: {  	_ =	shalt  }
0x42: {  	_ =	shalt  }
0x43: {  	_ =	shalt  }
0x44: {  	_ =	shalt  }
0x45: {  	_ =	shalt  }
0x46: {  	_ =	shalt  }
0x47: {  	_ =	shalt  }
0x48: {  	_ =	shalt  }
0x49: {  	_ =	shalt  }
0x4a: {  	_ =	shalt  }
0x4b: {  	_ =	shalt  }
0x4c: {  	_ =	shalt  }
0x4d: {  	_ =	shalt  }
0x4e: {  	_ =	shalt  }
0x4f: {  	_ =	shalt  }
0x50: {  	_ =	shalt  }
0x51: {  	_ =	shalt  }
0x52: {  	_ =	shalt  }
0x53: {  	_ =	shalt  }
0x54: {  	_ =	shalt  }
0x55: {  	_ =	shalt  }
0x56: {  	_ =	shalt  }
0x57: {  	_ =	shalt  }
0x58: {  	_ =	shalt  }
0x59: {  	_ =	shalt  }
0x5a: {  	_ =	shalt  }
0x5b: {  	_ =	shalt  }
0x5c: {  	_ =	shalt  }
0x5d: {  	_ =	shalt  }
0x5e: {  	_ =	shalt  }
0x5f: {  	_ =	shalt  }
0x60: {  	_ =	shalt  }
0x61: {  	_ =	shalt  }
0x62: {  	_ =	shalt  }
0x63: {  	_ =	shalt  }
0x64: {  	_ =	shalt  }
0x65: {  	_ =	shalt  }
0x66: {  	_ =	shalt  }
0x67: {  	_ =	shalt  }
0x68: {  	_ =	shalt  }
0x69: {  	_ =	shalt  }
0x6a: {  	_ =	shalt  }
0x6b: {  	_ =	shalt  }
0x6c: {  	_ =	shalt  }
0x6d: {  	_ =	shalt  }
0x6e: {  	_ =	shalt  }
0x6f: {  	_ =	shalt  }
0x70: {  	_ =	shalt  }
0x71: {  	_ =	shalt  }
0x72: {  	_ =	shalt  }
0x73: {  	_ =	shalt  }
0x74: {  	_ =	shalt  }
0x75: {  	_ =	shalt  }
0x76: {  	_ =	shalt  }
0x77: {  	_ =	shalt  }
0x78: {  	_ =	shalt  }
0x79: {  	_ =	shalt  }
0x7a: {  	_ =	shalt  }
0x7b: {  	_ =	shalt  }
0x7c: {  	_ =	shalt  }
0x7d: {  	_ =	shalt  }
0x7e: {  	_ =	shalt  }
0x7f: {  	_ =	shalt  }
0x80: {  	_ =	shalt  }
0x81: {  	_ =	shalt  }
0x82: {  	_ =	shalt  }
0x83: {  	_ =	shalt  }
0x84: {  	_ =	shalt  }
0x85: {  	_ =	shalt  }
0x86: {  	_ =	shalt  }
0x87: {  	_ =	shalt  }
.Lfunc_end0:
.L_simem_size_0:
called_computation_lowered:
.L_overlay_start_0:
0x88: {  	s2 =	sld [smem:$0x3FD9]  }
0x89: {  	s3 =	sld [smem:$0x3FFE];
	_ =	sdelay $0x1  }
0x8a: {  	s1 =	srdreg.scid  }
0x8b: {  	s0 =	sand.u32 $0x1, s1  }
0x8c: {  	s18 =	sshll.u32 s0, $0xA;
	s2 =	sadd.s32 s3, s2  }
0x8d: {  	s2 =	sadd.s32 s2, s18  }
0x8e: {  	[smem:$0x3FC7] =	sst s2  }
0x8f: {  	_ = 	snop  }
0x90: {  	s2 =	sld [smem:$0x3FC9]  }
0x91: {  	s19 =	sld [smem:$0x3FD0];
	(tm) =	ssettm $0x1  }
0x92: {  	s4 =	sld [smem:$0x3FFB];
	_ =	sdelay $0x3  }
0x93: {  	_ =	strace s4  }
0x94: {  	s4 =	sld [smem:$0x3FFC];
	_ =	sdelay $0x3  }
0x95: {  	_ =	strace s4  }
0x96: {  	s4 =	sld [smem:$0x3FFD];
	_ =	sdelay $0x3  }
0x97: {  	_ =	strace s4  }
0x98: {  	_ =	strace $0x8FFFFFFF  }
0x99: {  	s20 =	sld [smem:$0x3FDB];
	_ =	sdelay $0x1  }
0x9a: {  	s5 =	simm.s32 $_scs_section_size  }
0x9b: {  	s6 =	simm.s32 $_size__tile_overlayer_lowered;
	s7 =	simm.s32 $_tile_overlayer_lowered  }
0x9c: {  	s23 =	simm.s32 $0x1BFF;
	s22 =	sshll.u32 s7, $0x1;
	s4 =	sadd.s32 s5, s20  }
0x9d: {  	s8 =	simm.s32 $0x0;
	s21 =	sshll.u32 s6, $0x1;
	s6 =	sadd.s32 s22, s4  }
0x9e: {  	[timem:s8], [sflag:s23] =	dma.local [hbm:s6], s21  }
0x9f: {  	_ =	swait.ge [sflag:s23], s21  }
0xa0: {  	s5 =	ssub.s32 $0x0, s21;
	[sflag:s23] =	ssyncset.done $0x0  }
0xa1: {  	[sflag:s23] =	ssyncadd.s32 s5;
	_ =	sdelay $0x1  }
0xa2: {  	s24 =	simm.s32 $0x1B8B  }
0xa3: {  	_ =	swait.ge [sflag:s24], $0x1  }
0xa4: {  	[sflag:s24] =	ssyncset.done $0x0  }
0xa5: {  	s25 =	simm.s32 $0x1B8E;
	[sflag:s24] =	ssyncadd.s32 $0xFFFFFFFF  }
0xa6: {  	s26 =	simm.s32 $execute0_lowered;
	[smem:$0x3FD2] =	sst s25  }
0xa7: {  	s5 =	sshll.u32 s26, $0x1;
	_ =	strace $0x80000046;
	[dreg:$0x1] =	wrdreg $0xFFFFFFFF  }
0xa8: {  	s28 =	simm.s32 $_size_execute0_lowered;
	s4 =	sadd.s32 s4, s5;
	[dreg:$0x0] =	wrdreg $0x0  }
0xa9: {  	s5 =	sshll.u32 s28, $0x1;
	[dreg:$0x2] =	wrdreg s4  }
0xaa: {  	[dreg:$0x3] =	wrdreg s5  }
0xab: {  	[dreg:$0x4] =	wrdreg $0xC0  }
0xac: {  	_ =	task [dreg:s8], $0x5FFFF  }
0xad: {  	[dreg:$0x1] =	wrdreg $0xFFFFFFFF  }
0xae: {  	[dreg:$0x0] =	wrdreg $0x60  }
0xaf: {  	[dreg:$0x2] =	wrdreg s2  }
0xb0: {  	[dreg:$0x3] =	wrdreg s19  }
0xb1: {  	[dreg:$0x4] =	wrdreg $0x9  }
0xb2: {  	_ =	task.clear_ibuf [dreg:s8], $0x5FFFF;
	_ =	strace $0x90000046  }
0xb3: {  	s29 =	simm.s32 $0x9;
	_ =	strace $0x80000048  }
0xb4: {  	_ =	swait.ge [sflag:s29], $0x1  }
0xb5: {  	[sflag:s29] =	ssyncadd.s32 $0xFFFFFFFF  }
0xb6: {  	_ =	strace $0x90000048  }
0xb7: {  	_ =	sfence  }
0xb8: {  	s30 =	sld [smem:$0x0];
	_ =	sdelay $0x2  }
0xb9: {  	s31 =	sshll.u32 s1, $0xD;
	s1 =	sshrl.u32 s1, $0x2  }
0xba: {  	s3 =	sand.u32 $0x4000, s31;
	s1 =	sadd.s32 s1, s30  }
0xbb: {  	s0 =	sor.u32 s3, s0;
	s1 =	sshll.u32 s1, $0x11  }
0xbc: {  	s0 =	sor.u32 s1, s0  }
0xbd: {  	s0 =	sadd.s32 $0x8F2B, s0  }
0xbe: {  	[sflag:s0] =	ssyncadd.remote.s32 $0x1  }
0xbf: {  	_ =	sfence.sel $0xFFFF  }
0xc0: {  	[dreg:$0x0] =	wrdreg $0xFFFFFFFF;
	(pc) =	sbr.abs _section_cstart, $3  }
0xc1: {  	[dreg:$0x1] =	wrdreg $0xFFFFFFFF  }
0xc2: {  	_ =	task.clear_ibuf [dreg:s8], $0x2FFFF;
	_ =	strace $0x9FFFFFFF  }
0xc3: {  	(tm) =	ssettm $0x7FFFFFFF  }
tec
execute0_lowered:
.L_overlay_start_1:
0x0: {  	(tag) =	ssettag $0x1  }
0x1: {  	s1 =	srdreg.scid;
	s0 =	stileid.u32  }
0x2: {  	s6 =	sand.u32 $0x1, s1;
	s22 =	sshll.u32 s0, $0x1  }
0x3: {  	s2 =	smul.u32 $0xFFFFFFAC, s0;
	s1 =	sor.u32 s6, s22  }
0x4: {  	s1 =	smul.u32 $0x2A, s1;
	_ =	sdelay $0x1  }
0x5: {  	s7 =	sadd.s32 s2, s1  }
0x6: {  	s2 =	smul.u32 $0x6DB7, s7  }
0x7: {  	s3 =	rddreg [dreg:$0x0]  }
0x8: {  	s10 =	simm.s32 $0x1;
	s14 =	simm.s32 $0x4;
	s2 =	sadd.s32 $0x1248, s2  }
0x9: {  	s15 =	simm.s32 $0x9000;
	s16 =	simm.s32 $0x3;
	s4 =	sand.u32 $0xFFFC, s2  }
0xa: {  	s17 =	simm.s32 $0x0;
	s2 =	sshll.u32 s2, $0xE;
	s5 =	sshrl.u32 s4, $0x2  }
0xb: {  	s12 =	smul.u32 $0x2A000, s0;
	s6 =	ssub.s32 $0x2, s6;
	s5 =	sor.u32 s2, s5  }
0xc: {  	s30 =	sshrl.u32 s6, $0x1;
	s8 =	smul.u32 $0x4925, s7;
	s5 =	sand.u32 $0xBFFF, s5  }
0xd: {  	p0 =	slt.s32 s7, $0x1;
	s24 =	sor.u32 $0x1, s7;
	p1 =	sgt.u32 s5, $0x924  }
0xe: {  	s31 =	ssub.s32 s6, s30;
	s11 =	smul.u32 $0x4925, s24;
	p0 =	por !p0, !p1  }
0xf: {  	s9 =	sshrl.u32 s8, $0x1F;
	s23 =	sshra.s32 s8, $0x13;
	p0 =	por !p0, !p0  }
0x10: {  	s13 =	sshra.s32 s7, $0x1F;
	s5 =	sadd.s32 s9, s23;
	s10 =	simm.s32 @!p0 $0x0  }
0x11: {  	s25 =	sshrl.u32 s11, $0x1F;
	s26 =	sshra.s32 s11, $0x13;
	s9 =	ssub.s32 s5, s10  }
0x12: {  	s4 =	rddreg [dreg:$0x1];
	s10 =	sadd.s32 s25, s26;
	s28 =	smul.u32 $0xE000, s9  }
0x13: {  	s5 =	simm.s32 $0x0;
	s9 =	smul.u32 $0x1FFFE4, s9;
	s10 =	sadd.s32 s10, s13  }
0x14: {  	s6 =	simm.s32 $0x1;
	[smem:$0x7FF] =	sst s5;
	s13 =	smul.u32 $0x1FFFE4, s10  }
0x15: {  	s2 =	rddreg [dreg:$0x2];
	_ =	strace $0x80000047;
	s10 =	smul.u32 $0xE000, s10  }
0x16: {  	s11 =	sadd.s32 s12, s28;
	s7 =	sadd.s32 s7, s9;
	s9 =	smax.u32 s31, $0x1  }
.Ltmp0:
0x17: {  	s8 =	sadd.s32 s24, s13;
	s7 =	sshll.u32 s7, $0xB;
	(pc) =	sbr.rel .LBB2_1-.Ltmp0, $4  }
0x18: {  	s29 =	sadd.s32 s12, s10;
	s10 =	simm.s32 $0x800;
	s8 =	sshll.u32 s8, $0xB  }
0x19: {  	s12 =	simm.s32 $0x1000;
	s7 =	sadd.s32 s7, s11;
	s8 =	sadd.s32 s8, s29  }
0x1a: {  	s13 =	simm.s32 $0x2;
	s7 =	sshrl.u32 s7, $0x3;
	s8 =	sshrl.u32 s8, $0x3  }
0x1b: {  	v0 =	vimm.f32 $0.0e+00;
	s11 =	simm.s32 $0x2A000;
	s7 =	sadd.s32 s3, s7;
	s8 =	sadd.s32 s3, s8  }
.LBB2_12:
0x1c: {  	s17 =	sadd.s32 $0x1, s17  }
0x1d: {  	_ =	swait.ge [sflag:s16], $0x8000;
	p0 =	sne.s32 s17, s9  }
.Ltmp1:
0x1e: {  	[sflag:s16] =	ssyncset.done $0x0;
	(pc) =	sbr.rel @!p0 .LBB2_13-.Ltmp1, $4  }
0x1f: {  	[sflag:s16] =	ssyncadd.s32 $0xFFFF8000  }
0x20: {  	_ =	swait.ge [sflag:s14], $0x8000  }
0x21: {  	[sflag:s14] =	ssyncset.done $0x0  }
0x22: {  	[sflag:s14] =	ssyncadd.s32 $0xFFFF8000  }
.LBB2_1:
0x23: {  	[tilespmem:s5], [sflag:$0x1] =	stream.linear.gather [hbm4b:s7+s5], $0x800, $0x38;
	[tilespmem:$0x11000] =	vst v63  }
0x24: {  	s18 =	simm.s32 $0x0  }
0x25: {  	[tilespmem:s10], [sflag:$0x2] =	stream.linear.gather [hbm4b:s8+s5], $0x800, $0x38;
	[tilespmem:$0x11000] =	vst v63  }
.LBB2_2:
0x26: {  	_ =	swait.ge [sflag:s6], $0x800  }
0x27: {  	p0 =	seq.s32 s18, $0x0;
	[sflag:s6] =	ssyncset.done $0x0  }
0x28: {  	s20 =	simm.s32 @!p0 $0x3;
	[sflag:s6] =	ssyncadd.s32 $0xFFFFF800  }
0x29: {  	_ =	swait.ge @!p0 [sflag:s20], $0x8000  }
0x2a: {  	s19 =	sshll.u32 s18, $0x1;
	s21 =	simm.s32 $0x0;
	[sflag:s20] =	ssyncset.done @!p0 $0x0  }
0x2b: {  	s19 =	sadd.s32 s1, s19;
	[sflag:s20] =	ssyncadd.s32 @!p0 $0xFFFF8000;
	s20 =	simm.s32 $0x0  }
.LBB2_3:
0x2c: {  	s22 =	sand.u32 $0x70, s21;
	s23 =	sand.u32 $0x400, s20  }
0x2d: {  	s22 =	sor.u32 s22, s23  }
0x2e: {  	v1 =	vld [tilespmem:s22+$0x0];
	_ =	sdelay $0x4  }
0x2f: {  	v1 =	vmax.f32 v1, $0.0e+00  }
0x30: {  	v1 =	vmin.f32 v1, $1.000000000e+00  }
0x31: {  	v2 =	vsub.f32 $1.000000000e+00, v1;
	_ =	sdelay $0x1  }
0x32: {  	v2 =	vmul.f32 $1.500000000e+01, v2;
	_ =	sdelay $0x1  }
0x33: {  	v2 =	vtrunc.f32 v2  }
0x34: {  	v2 =	vcvt.f32.s32 v2;
	_ =	sdelay $0x1  }
0x35: {  	vm0 =	vlt.s32 v2, $0xF  }
0x36: {  	vm13 =	vgt.f32 v1, $0.0e+00;
	v2 =	vnsel vm0, $0xF, v2  }
0x37: {  	v1 =	vnsel vm13, $0x10, v2  }
0x38: {  	vm0 =	veq.s32 v1, $0x0  }
0x39: {  	vm14 =	veq.s32 v1, $0x1;
	vm15 =	veq.s32 v1, $0x2;
	vm4 =	veq.s32 v1, $0x3  }
0x3a: {  	vm5 =	veq.s32 v1, $0x4;
	vm6 =	veq.s32 v1, $0x5;
	v2 =	vsel vm0, $0x3F800000, v0  }
0x3b: {  	vm7 =	veq.s32 v1, $0x6;
	vm8 =	veq.s32 v1, $0x7;
	[tilespmem:s22+$0x1000] =	vst v2;
	v2 =	vsel vm14, $0x3F800000, v0  }
0x3c: {  	vm9 =	veq.s32 v1, $0x8;
	vm10 =	veq.s32 v1, $0x9;
	[tilespmem:s22+$0x1800] =	vst v2;
	v2 =	vsel vm15, $0x3F800000, v0  }
0x3d: {  	vm11 =	veq.s32 v1, $0xA;
	vm12 =	veq.s32 v1, $0xB;
	[tilespmem:s22+$0x2000] =	vst v2;
	v2 =	vsel vm4, $0x3F800000, v0  }
0x3e: {  	vm13 =	veq.s32 v1, $0xC;
	vm4 =	veq.s32 v1, $0xF;
	[tilespmem:s22+$0x2800] =	vst v2;
	v2 =	vsel vm5, $0x3F800000, v0  }
0x3f: {  	vm14 =	veq.s32 v1, $0xD;
	vm15 =	veq.s32 v1, $0xE;
	v1 =	vsel vm4, $0x3F800000, v0;
	[tilespmem:s22+$0x3000] =	vst v2  }
0x40: {  	v2 =	vsel vm6, $0x3F800000, v0;
	[tilespmem:s22+$0x8800] =	vst v1  }
0x41: {  	[tilespmem:s22+$0x3800] =	vst v2;
	v2 =	vsel vm7, $0x3F800000, v0  }
0x42: {  	[tilespmem:s22+$0x4000] =	vst v2;
	v2 =	vsel vm8, $0x3F800000, v0  }
0x43: {  	[tilespmem:s22+$0x4800] =	vst v2;
	v2 =	vsel vm9, $0x3F800000, v0  }
0x44: {  	[tilespmem:s22+$0x5000] =	vst v2;
	v2 =	vsel vm10, $0x3F800000, v0  }
0x45: {  	[tilespmem:s22+$0x5800] =	vst v2;
	v2 =	vsel vm11, $0x3F800000, v0  }
0x46: {  	[tilespmem:s22+$0x6000] =	vst v2;
	v2 =	vsel vm12, $0x3F800000, v0  }
0x47: {  	[tilespmem:s22+$0x6800] =	vst v2;
	v2 =	vsel vm13, $0x3F800000, v0  }
0x48: {  	s29 =	sand.u32 $0xFFFFFC00, s20;
	[tilespmem:s22+$0x7000] =	vst v2;
	v2 =	vsel vm14, $0x3F800000, v0  }
0x49: {  	s23 =	sadd.s32 s29, s21;
	[tilespmem:s22+$0x7800] =	vst v2;
	v2 =	vsel vm15, $0x3F800000, v0  }
0x4a: {  	s24 =	sor.u32 $0x80, s23;
	[tilespmem:s22+$0x8000] =	vst v2  }
0x4b: {  	v1 =	vld [tilespmem:s24+$0x0];
	_ =	sdelay $0x4  }
0x4c: {  	v1 =	vmax.f32 v1, $0.0e+00  }
0x4d: {  	v1 =	vmin.f32 v1, $1.000000000e+00  }
0x4e: {  	v2 =	vsub.f32 $1.000000000e+00, v1;
	_ =	sdelay $0x1  }
0x4f: {  	v2 =	vmul.f32 $1.500000000e+01, v2;
	_ =	sdelay $0x1  }
0x50: {  	v2 =	vtrunc.f32 v2  }
0x51: {  	v2 =	vcvt.f32.s32 v2;
	_ =	sdelay $0x1  }
0x52: {  	vm5 =	vlt.s32 v2, $0xF  }
0x53: {  	vm6 =	vgt.f32 v1, $0.0e+00;
	v2 =	vnsel vm5, $0xF, v2  }
0x54: {  	v1 =	vnsel vm6, $0x10, v2  }
0x55: {  	vm0 =	veq.s32 v1, $0x0  }
0x56: {  	v2 =	vsel vm0, $0x3F800000, v0  }
0x57: {  	[tilespmem:s24+$0x1000] =	vst v2  }
0x58: {  	v2 =	vld [tilespmem:s22+$0x100];
	_ =	sdelay $0x1  }
0x59: {  	vm7 =	veq.s32 v1, $0x1  }
0x5a: {  	vm8 =	veq.s32 v1, $0x2;
	v3 =	vsel vm7, $0x3F800000, v0  }
0x5b: {  	vm9 =	veq.s32 v1, $0x3;
	[tilespmem:s22+$0x1880] =	vst v3;
	v3 =	vsel vm8, $0x3F800000, v0  }
0x5c: {  	vm10 =	veq.s32 v1, $0x4;
	[tilespmem:s22+$0x2080] =	vst v3;
	v3 =	vsel vm9, $0x3F800000, v0;
	v2 =	vmax.f32 v2, $0.0e+00  }
0x5d: {  	vm11 =	veq.s32 v1, $0x5;
	[tilespmem:s22+$0x2880] =	vst v3;
	v3 =	vsel vm10, $0x3F800000, v0;
	v2 =	vmin.f32 v2, $1.000000000e+00  }
0x5e: {  	vm12 =	veq.s32 v1, $0x6;
	[tilespmem:s22+$0x3080] =	vst v3;
	v3 =	vsel vm11, $0x3F800000, v0;
	v4 =	vsub.f32 $1.000000000e+00, v2  }
0x5f: {  	vm13 =	veq.s32 v1, $0x7;
	[tilespmem:s22+$0x3880] =	vst v3;
	v3 =	vsel vm12, $0x3F800000, v0  }
0x60: {  	vm14 =	veq.s32 v1, $0x8;
	[tilespmem:s22+$0x4080] =	vst v3;
	v3 =	vsel vm13, $0x3F800000, v0;
	v4 =	vmul.f32 $1.500000000e+01, v4  }
0x61: {  	vm15 =	veq.s32 v1, $0x9;
	[tilespmem:s22+$0x4880] =	vst v3;
	v3 =	vsel vm14, $0x3F800000, v0  }
0x62: {  	vm4 =	veq.s32 v1, $0xA;
	[tilespmem:s22+$0x5080] =	vst v3;
	v3 =	vsel vm15, $0x3F800000, v0;
	v4 =	vtrunc.f32 v4  }
0x63: {  	vm5 =	veq.s32 v1, $0xB;
	[tilespmem:s22+$0x5880] =	vst v3;
	v3 =	vsel vm4, $0x3F800000, v0;
	v4 =	vcvt.f32.s32 v4  }
0x64: {  	vm6 =	veq.s32 v1, $0xC;
	[tilespmem:s22+$0x6080] =	vst v3;
	v3 =	vsel vm5, $0x3F800000, v0  }
0x65: {  	vm1 =	veq.s32 v1, $0xD;
	[tilespmem:s22+$0x6880] =	vst v3;
	v3 =	vsel vm6, $0x3F800000, v0;
	vm7 =	vlt.s32 v4, $0xF  }
0x66: {  	vm8 =	veq.s32 v1, $0xE;
	vm9 =	vgt.f32 v2, $0.0e+00;
	[tilespmem:s22+$0x7080] =	vst v3;
	v3 =	vnsel vm7, $0xF, v4  }
0x67: {  	vm10 =	veq.s32 v1, $0xF;
	v2 =	vsel vm8, $0x3F800000, v0;
	v1 =	vnsel vm9, $0x10, v3  }
0x68: {  	v5 =	vsel vm1, $0x3F800000, v0;
	[tilespmem:s22+$0x8080] =	vst v2;
	v2 =	vsel vm10, $0x3F800000, v0;
	vm0 =	veq.s32 v1, $0x0  }
0x69: {  	[tilespmem:s22+$0x7880] =	vst v5;
	vm11 =	veq.s32 v1, $0x1;
	vm12 =	veq.s32 v1, $0x2;
	vm13 =	veq.s32 v1, $0x3  }
0x6a: {  	[tilespmem:s22+$0x8880] =	vst v2;
	vm14 =	veq.s32 v1, $0x4;
	vm15 =	veq.s32 v1, $0x5;
	v2 =	vsel vm0, $0x3F800000, v0  }
0x6b: {  	vm4 =	veq.s32 v1, $0x6;
	vm5 =	veq.s32 v1, $0x7;
	[tilespmem:s22+$0x1100] =	vst v2;
	v2 =	vsel vm11, $0x3F800000, v0  }
0x6c: {  	vm6 =	veq.s32 v1, $0x8;
	vm7 =	veq.s32 v1, $0x9;
	[tilespmem:s22+$0x1900] =	vst v2;
	v2 =	vsel vm12, $0x3F800000, v0  }
0x6d: {  	vm8 =	veq.s32 v1, $0xA;
	vm9 =	veq.s32 v1, $0xB;
	[tilespmem:s22+$0x2100] =	vst v2;
	v2 =	vsel vm13, $0x3F800000, v0  }
0x6e: {  	vm10 =	veq.s32 v1, $0xC;
	vm13 =	veq.s32 v1, $0xF;
	[tilespmem:s22+$0x2900] =	vst v2;
	v2 =	vsel vm14, $0x3F800000, v0  }
0x6f: {  	vm11 =	veq.s32 v1, $0xD;
	vm12 =	veq.s32 v1, $0xE;
	v1 =	vsel vm13, $0x3F800000, v0;
	[tilespmem:s22+$0x3100] =	vst v2  }
0x70: {  	v2 =	vsel vm15, $0x3F800000, v0;
	[tilespmem:s22+$0x8900] =	vst v1  }
0x71: {  	[tilespmem:s22+$0x3900] =	vst v2;
	v2 =	vsel vm4, $0x3F800000, v0  }
0x72: {  	[tilespmem:s22+$0x4100] =	vst v2;
	v2 =	vsel vm5, $0x3F800000, v0  }
0x73: {  	[tilespmem:s22+$0x4900] =	vst v2;
	v2 =	vsel vm6, $0x3F800000, v0  }
0x74: {  	[tilespmem:s22+$0x5100] =	vst v2;
	v2 =	vsel vm7, $0x3F800000, v0  }
0x75: {  	[tilespmem:s22+$0x5900] =	vst v2;
	v2 =	vsel vm8, $0x3F800000, v0  }
0x76: {  	[tilespmem:s22+$0x6100] =	vst v2;
	v2 =	vsel vm9, $0x3F800000, v0  }
0x77: {  	[tilespmem:s22+$0x6900] =	vst v2;
	v2 =	vsel vm10, $0x3F800000, v0  }
0x78: {  	[tilespmem:s22+$0x7100] =	vst v2;
	v2 =	vsel vm11, $0x3F800000, v0  }
0x79: {  	[tilespmem:s22+$0x7900] =	vst v2;
	v2 =	vsel vm12, $0x3F800000, v0  }
0x7a: {  	s30 =	sor.u32 $0x180, s23;
	[tilespmem:s22+$0x8100] =	vst v2  }
0x7b: {  	v1 =	vld [tilespmem:s30+$0x0];
	_ =	sdelay $0x4  }
0x7c: {  	v1 =	vmax.f32 v1, $0.0e+00  }
0x7d: {  	v1 =	vmin.f32 v1, $1.000000000e+00  }
0x7e: {  	v2 =	vsub.f32 $1.000000000e+00, v1;
	_ =	sdelay $0x1  }
0x7f: {  	v2 =	vmul.f32 $1.500000000e+01, v2;
	_ =	sdelay $0x1  }
0x80: {  	v2 =	vtrunc.f32 v2  }
0x81: {  	v2 =	vcvt.f32.s32 v2;
	_ =	sdelay $0x1  }
0x82: {  	vm14 =	vlt.s32 v2, $0xF  }
0x83: {  	vm15 =	vgt.f32 v1, $0.0e+00;
	v2 =	vnsel vm14, $0xF, v2  }
0x84: {  	v1 =	vnsel vm15, $0x10, v2  }
0x85: {  	vm0 =	veq.s32 v1, $0x0  }
0x86: {  	v2 =	vsel vm0, $0x3F800000, v0  }
0x87: {  	[tilespmem:s30+$0x1000] =	vst v2  }
0x88: {  	v2 =	vld [tilespmem:s22+$0x200];
	_ =	sdelay $0x1  }
0x89: {  	vm4 =	veq.s32 v1, $0x1  }
0x8a: {  	vm5 =	veq.s32 v1, $0x2;
	v3 =	vsel vm4, $0x3F800000, v0  }
0x8b: {  	vm6 =	veq.s32 v1, $0x3;
	[tilespmem:s22+$0x1980] =	vst v3;
	v3 =	vsel vm5, $0x3F800000, v0  }
0x8c: {  	vm7 =	veq.s32 v1, $0x4;
	[tilespmem:s22+$0x2180] =	vst v3;
	v3 =	vsel vm6, $0x3F800000, v0;
	v2 =	vmax.f32 v2, $0.0e+00  }
0x8d: {  	vm8 =	veq.s32 v1, $0x5;
	[tilespmem:s22+$0x2980] =	vst v3;
	v3 =	vsel vm7, $0x3F800000, v0;
	v2 =	vmin.f32 v2, $1.000000000e+00  }
0x8e: {  	vm9 =	veq.s32 v1, $0x6;
	[tilespmem:s22+$0x3180] =	vst v3;
	v3 =	vsel vm8, $0x3F800000, v0;
	v60 =	vsub.f32 $1.000000000e+00, v2  }
0x8f: {  	vm10 =	veq.s32 v1, $0x7;
	[tilespmem:s22+$0x3980] =	vst v3;
	v3 =	vsel vm9, $0x3F800000, v0  }
0x90: {  	vm11 =	veq.s32 v1, $0x8;
	[tilespmem:s22+$0x4180] =	vst v3;
	v3 =	vsel vm10, $0x3F800000, v0;
	v4 =	vmul.f32 $1.500000000e+01, v60  }
0x91: {  	vm12 =	veq.s32 v1, $0x9;
	[tilespmem:s22+$0x4980] =	vst v3;
	v3 =	vsel vm11, $0x3F800000, v0  }
0x92: {  	vm13 =	veq.s32 v1, $0xA;
	[tilespmem:s22+$0x5180] =	vst v3;
	v3 =	vsel vm12, $0x3F800000, v0;
	v4 =	vtrunc.f32 v4  }
0x93: {  	vm14 =	veq.s32 v1, $0xB;
	[tilespmem:s22+$0x5980] =	vst v3;
	v3 =	vsel vm13, $0x3F800000, v0;
	v4 =	vcvt.f32.s32 v4  }
0x94: {  	vm15 =	veq.s32 v1, $0xC;
	[tilespmem:s22+$0x6180] =	vst v3;
	v3 =	vsel vm14, $0x3F800000, v0  }
0x95: {  	vm4 =	veq.s32 v1, $0xD;
	[tilespmem:s22+$0x6980] =	vst v3;
	v3 =	vsel vm15, $0x3F800000, v0;
	vm5 =	vlt.s32 v4, $0xF  }
0x96: {  	vm6 =	veq.s32 v1, $0xE;
	vm7 =	vgt.f32 v2, $0.0e+00;
	[tilespmem:s22+$0x7180] =	vst v3;
	v3 =	vnsel vm5, $0xF, v4  }
0x97: {  	vm8 =	veq.s32 v1, $0xF;
	v2 =	vsel vm6, $0x3F800000, v0;
	v1 =	vnsel vm7, $0x10, v3  }
0x98: {  	v61 =	vsel vm4, $0x3F800000, v0;
	[tilespmem:s22+$0x8180] =	vst v2;
	v2 =	vsel vm8, $0x3F800000, v0;
	vm0 =	veq.s32 v1, $0x0  }
0x99: {  	[tilespmem:s22+$0x7980] =	vst v61;
	vm9 =	veq.s32 v1, $0x1;
	vm10 =	veq.s32 v1, $0x2;
	vm11 =	veq.s32 v1, $0x3  }
0x9a: {  	[tilespmem:s22+$0x8980] =	vst v2;
	vm12 =	veq.s32 v1, $0x4;
	vm13 =	veq.s32 v1, $0x5;
	v2 =	vsel vm0, $0x3F800000, v0  }
0x9b: {  	vm14 =	veq.s32 v1, $0x6;
	vm15 =	veq.s32 v1, $0x7;
	[tilespmem:s22+$0x1200] =	vst v2;
	v2 =	vsel vm9, $0x3F800000, v0  }
0x9c: {  	vm4 =	veq.s32 v1, $0x8;
	vm5 =	veq.s32 v1, $0x9;
	[tilespmem:s22+$0x1A00] =	vst v2;
	v2 =	vsel vm10, $0x3F800000, v0  }
0x9d: {  	vm6 =	veq.s32 v1, $0xA;
	vm7 =	veq.s32 v1, $0xB;
	[tilespmem:s22+$0x2200] =	vst v2;
	v2 =	vsel vm11, $0x3F800000, v0  }
0x9e: {  	vm8 =	veq.s32 v1, $0xC;
	vm11 =	veq.s32 v1, $0xF;
	[tilespmem:s22+$0x2A00] =	vst v2;
	v2 =	vsel vm12, $0x3F800000, v0  }
0x9f: {  	vm9 =	veq.s32 v1, $0xD;
	vm10 =	veq.s32 v1, $0xE;
	v1 =	vsel vm11, $0x3F800000, v0;
	[tilespmem:s22+$0x3200] =	vst v2  }
0xa0: {  	v2 =	vsel vm13, $0x3F800000, v0;
	[tilespmem:s22+$0x8A00] =	vst v1  }
0xa1: {  	[tilespmem:s22+$0x3A00] =	vst v2;
	v2 =	vsel vm14, $0x3F800000, v0  }
0xa2: {  	[tilespmem:s22+$0x4200] =	vst v2;
	v2 =	vsel vm15, $0x3F800000, v0  }
0xa3: {  	[tilespmem:s22+$0x4A00] =	vst v2;
	v2 =	vsel vm4, $0x3F800000, v0  }
0xa4: {  	[tilespmem:s22+$0x5200] =	vst v2;
	v2 =	vsel vm5, $0x3F800000, v0  }
0xa5: {  	[tilespmem:s22+$0x5A00] =	vst v2;
	v2 =	vsel vm6, $0x3F800000, v0  }
0xa6: {  	[tilespmem:s22+$0x6200] =	vst v2;
	v2 =	vsel vm7, $0x3F800000, v0  }
0xa7: {  	[tilespmem:s22+$0x6A00] =	vst v2;
	v2 =	vsel vm8, $0x3F800000, v0  }
0xa8: {  	[tilespmem:s22+$0x7200] =	vst v2;
	v2 =	vsel vm9, $0x3F800000, v0  }
0xa9: {  	[tilespmem:s22+$0x7A00] =	vst v2;
	v2 =	vsel vm10, $0x3F800000, v0  }
0xaa: {  	s23 =	sor.u32 $0x280, s23;
	[tilespmem:s22+$0x8200] =	vst v2  }
0xab: {  	v1 =	vld [tilespmem:s23+$0x0];
	_ =	sdelay $0x4  }
0xac: {  	v1 =	vmax.f32 v1, $0.0e+00  }
0xad: {  	v1 =	vmin.f32 v1, $1.000000000e+00  }
0xae: {  	v2 =	vsub.f32 $1.000000000e+00, v1;
	_ =	sdelay $0x1  }
0xaf: {  	v2 =	vmul.f32 $1.500000000e+01, v2;
	_ =	sdelay $0x1  }
0xb0: {  	v2 =	vtrunc.f32 v2  }
0xb1: {  	v2 =	vcvt.f32.s32 v2;
	_ =	sdelay $0x1  }
0xb2: {  	vm12 =	vlt.s32 v2, $0xF  }
0xb3: {  	vm13 =	vgt.f32 v1, $0.0e+00;
	v2 =	vnsel vm12, $0xF, v2  }
0xb4: {  	v1 =	vnsel vm13, $0x10, v2  }
0xb5: {  	vm0 =	veq.s32 v1, $0x0  }
0xb6: {  	v2 =	vsel vm0, $0x3F800000, v0  }
0xb7: {  	[tilespmem:s23+$0x1000] =	vst v2  }
0xb8: {  	v2 =	vld [tilespmem:s22+$0x300];
	_ =	sdelay $0x1  }
0xb9: {  	vm14 =	veq.s32 v1, $0x1;
	vm15 =	veq.s32 v1, $0x2;
	vm4 =	veq.s32 v1, $0x3  }
0xba: {  	vm5 =	veq.s32 v1, $0x4;
	v3 =	vsel vm14, $0x3F800000, v0;
	vm14 =	veq.s32 v1, $0xD  }
0xbb: {  	vm6 =	veq.s32 v1, $0x5;
	vm7 =	veq.s32 v1, $0x6;
	v63 =	vsel vm14, $0x3F800000, v0;
	[tilespmem:s22+$0x1A80] =	vst v3  }
0xbc: {  	vm8 =	veq.s32 v1, $0x7;
	v3 =	vsel vm15, $0x3F800000, v0;
	[tilespmem:s22+$0x7A80] =	vst v63;
	v2 =	vmax.f32 v2, $0.0e+00  }
0xbd: {  	vm9 =	veq.s32 v1, $0x8;
	[tilespmem:s22+$0x2280] =	vst v3;
	v3 =	vsel vm4, $0x3F800000, v0;
	v2 =	vmin.f32 v2, $1.000000000e+00  }
0xbe: {  	vm10 =	veq.s32 v1, $0x9;
	[tilespmem:s22+$0x2A80] =	vst v3;
	v3 =	vsel vm5, $0x3F800000, v0;
	v62 =	vsub.f32 $1.000000000e+00, v2  }
0xbf: {  	vm11 =	veq.s32 v1, $0xA;
	vm12 =	veq.s32 v1, $0xB;
	[tilespmem:s22+$0x3280] =	vst v3;
	v3 =	vsel vm6, $0x3F800000, v0  }
0xc0: {  	vm6 =	veq.s32 v1, $0xF;
	[tilespmem:s22+$0x3A80] =	vst v3;
	v3 =	vsel vm7, $0x3F800000, v0;
	v4 =	vmul.f32 $1.500000000e+01, v62  }
0xc1: {  	vm13 =	veq.s32 v1, $0xC;
	vm5 =	veq.s32 v1, $0xE;
	v1 =	vsel vm6, $0x3F800000, v0;
	[tilespmem:s22+$0x4280] =	vst v3  }
0xc2: {  	v3 =	vsel vm8, $0x3F800000, v0;
	[tilespmem:s22+$0x8A80] =	vst v1;
	v4 =	vtrunc.f32 v4  }
0xc3: {  	[tilespmem:s22+$0x4A80] =	vst v3;
	v3 =	vsel vm9, $0x3F800000, v0;
	v4 =	vcvt.f32.s32 v4  }
0xc4: {  	[tilespmem:s22+$0x5280] =	vst v3;
	v3 =	vsel vm10, $0x3F800000, v0  }
0xc5: {  	[tilespmem:s22+$0x5A80] =	vst v3;
	v3 =	vsel vm11, $0x3F800000, v0;
	vm15 =	vlt.s32 v4, $0xF  }
0xc6: {  	vm4 =	vgt.f32 v2, $0.0e+00;
	[tilespmem:s22+$0x6280] =	vst v3;
	v3 =	vsel vm12, $0x3F800000, v0;
	v2 =	vnsel vm15, $0xF, v4  }
0xc7: {  	[tilespmem:s22+$0x6A80] =	vst v3;
	v3 =	vsel vm13, $0x3F800000, v0;
	v2 =	vnsel vm4, $0x10, v2  }
0xc8: {  	[tilespmem:s22+$0x7280] =	vst v3;
	v3 =	vsel vm5, $0x3F800000, v0;
	vm7 =	veq.s32 v2, $0x0  }
0xc9: {  	[tilespmem:s22+$0x8280] =	vst v3;
	vm8 =	veq.s32 v2, $0x1;
	v1 =	vsel vm7, $0x3F800000, v0  }
0xca: {  	vm9 =	veq.s32 v2, $0x2;
	[tilespmem:s22+$0x1300] =	vst v1;
	v1 =	vsel vm8, $0x3F800000, v0  }
0xcb: {  	vm10 =	veq.s32 v2, $0x3;
	[tilespmem:s22+$0x1B00] =	vst v1;
	v1 =	vsel vm9, $0x3F800000, v0  }
0xcc: {  	vm11 =	veq.s32 v2, $0x4;
	[tilespmem:s22+$0x2300] =	vst v1;
	v1 =	vsel vm10, $0x3F800000, v0  }
0xcd: {  	vm12 =	veq.s32 v2, $0x5;
	[tilespmem:s22+$0x2B00] =	vst v1;
	v1 =	vsel vm11, $0x3F800000, v0  }
0xce: {  	vm13 =	veq.s32 v2, $0x6;
	[tilespmem:s22+$0x3300] =	vst v1;
	v1 =	vsel vm12, $0x3F800000, v0  }
0xcf: {  	vm14 =	veq.s32 v2, $0x7;
	[tilespmem:s22+$0x3B00] =	vst v1;
	v1 =	vsel vm13, $0x3F800000, v0  }
0xd0: {  	vm15 =	veq.s32 v2, $0x8;
	[tilespmem:s22+$0x4300] =	vst v1;
	v1 =	vsel vm14, $0x3F800000, v0  }
0xd1: {  	vm4 =	veq.s32 v2, $0x9;
	[tilespmem:s22+$0x4B00] =	vst v1;
	v1 =	vsel vm15, $0x3F800000, v0  }
0xd2: {  	vm5 =	veq.s32 v2, $0xA;
	[tilespmem:s22+$0x5300] =	vst v1;
	v1 =	vsel vm4, $0x3F800000, v0  }
0xd3: {  	vm6 =	veq.s32 v2, $0xB;
	[tilespmem:s22+$0x5B00] =	vst v1;
	v1 =	vsel vm5, $0x3F800000, v0  }
0xd4: {  	vm7 =	veq.s32 v2, $0xC;
	[tilespmem:s22+$0x6300] =	vst v1;
	v1 =	vsel vm6, $0x3F800000, v0  }
0xd5: {  	vm8 =	veq.s32 v2, $0xD;
	[tilespmem:s22+$0x6B00] =	vst v1;
	v1 =	vsel vm7, $0x3F800000, v0  }
0xd6: {  	vm9 =	veq.s32 v2, $0xE;
	[tilespmem:s22+$0x7300] =	vst v1;
	v1 =	vsel vm8, $0x3F800000, v0  }
0xd7: {  	vm10 =	veq.s32 v2, $0xF;
	[tilespmem:s22+$0x7B00] =	vst v1;
	v1 =	vsel vm9, $0x3F800000, v0  }
0xd8: {  	s31 =	sor.u32 s20, s21;
	[tilespmem:s22+$0x8300] =	vst v1;
	v1 =	vsel vm10, $0x3F800000, v0  }
0xd9: {  	s23 =	sor.u32 $0x380, s31;
	[tilespmem:s22+$0x8B00] =	vst v1  }
0xda: {  	v1 =	vld [tilespmem:s23+$0x0];
	_ =	sdelay $0x4  }
0xdb: {  	v1 =	vmax.f32 v1, $0.0e+00  }
0xdc: {  	v1 =	vmin.f32 v1, $1.000000000e+00  }
0xdd: {  	v2 =	vsub.f32 $1.000000000e+00, v1;
	_ =	sdelay $0x1  }
0xde: {  	v2 =	vmul.f32 $1.500000000e+01, v2;
	_ =	sdelay $0x1  }
0xdf: {  	v2 =	vtrunc.f32 v2  }
0xe0: {  	v2 =	vcvt.f32.s32 v2;
	_ =	sdelay $0x1  }
0xe1: {  	vm11 =	vlt.s32 v2, $0xF  }
0xe2: {  	vm12 =	vgt.f32 v1, $0.0e+00;
	v2 =	vnsel vm11, $0xF, v2  }
0xe3: {  	v1 =	vnsel vm12, $0x10, v2  }
0xe4: {  	vm0 =	veq.s32 v1, $0x0  }
0xe5: {  	vm13 =	veq.s32 v1, $0x1;
	vm14 =	veq.s32 v1, $0x2;
	vm15 =	veq.s32 v1, $0x3  }
0xe6: {  	vm4 =	veq.s32 v1, $0x4;
	vm5 =	veq.s32 v1, $0x5;
	v2 =	vsel vm0, $0x3F800000, v0  }
0xe7: {  	vm6 =	veq.s32 v1, $0x6;
	vm7 =	veq.s32 v1, $0x7;
	[tilespmem:s23+$0x1000] =	vst v2;
	v2 =	vsel vm13, $0x3F800000, v0  }
0xe8: {  	vm8 =	veq.s32 v1, $0x8;
	vm9 =	veq.s32 v1, $0x9;
	[tilespmem:s22+$0x1B80] =	vst v2;
	v2 =	vsel vm14, $0x3F800000, v0  }
0xe9: {  	vm10 =	veq.s32 v1, $0xA;
	vm11 =	veq.s32 v1, $0xB;
	[tilespmem:s22+$0x2380] =	vst v2;
	v2 =	vsel vm15, $0x3F800000, v0  }
0xea: {  	vm12 =	veq.s32 v1, $0xC;
	vm15 =	veq.s32 v1, $0xF;
	[tilespmem:s22+$0x2B80] =	vst v2;
	v2 =	vsel vm4, $0x3F800000, v0  }
0xeb: {  	vm13 =	veq.s32 v1, $0xD;
	vm14 =	veq.s32 v1, $0xE;
	v1 =	vsel vm15, $0x3F800000, v0;
	[tilespmem:s22+$0x3380] =	vst v2  }
0xec: {  	v2 =	vsel vm5, $0x3F800000, v0;
	[tilespmem:s22+$0x8B80] =	vst v1  }
0xed: {  	[tilespmem:s22+$0x3B80] =	vst v2;
	v2 =	vsel vm6, $0x3F800000, v0  }
0xee: {  	[tilespmem:s22+$0x4380] =	vst v2;
	v2 =	vsel vm7, $0x3F800000, v0  }
0xef: {  	[tilespmem:s22+$0x4B80] =	vst v2;
	v2 =	vsel vm8, $0x3F800000, v0  }
0xf0: {  	[tilespmem:s22+$0x5380] =	vst v2;
	v2 =	vsel vm9, $0x3F800000, v0  }
0xf1: {  	p1 =	sne.s32 s21, $0xD0;
	[tilespmem:s22+$0x5B80] =	vst v2;
	v2 =	vsel vm10, $0x3F800000, v0  }
.Ltmp2:
0xf2: {  	[tilespmem:s22+$0x6380] =	vst v2;
	v2 =	vsel vm11, $0x3F800000, v0;
	(pc) =	sbr.rel @p1 .LBB2_3-.Ltmp2, $4  }
0xf3: {  	[tilespmem:s22+$0x6B80] =	vst v2;
	v2 =	vsel vm12, $0x3F800000, v0  }
0xf4: {  	[tilespmem:s22+$0x7380] =	vst v2;
	v2 =	vsel vm13, $0x3F800000, v0  }
0xf5: {  	[tilespmem:s22+$0x7B80] =	vst v2;
	v2 =	vsel vm14, $0x3F800000, v0  }
0xf6: {  	s20 =	sadd.s32 $0x80, s20;
	s21 =	sadd.s32 $0x10, s21;
	[tilespmem:s22+$0x8380] =	vst v2  }
0xf7: {  	s20 =	smulhi.u32 $0x30C30C31, s19;
	_ =	sdelay $0x1  }
0xf8: {  	s21 =	sshrl.u32 s20, $0x4  }
0xf9: {  	s20 =	smul.u32 $0xFFFFFFAC, s21;
	_ =	sdelay $0x1  }
0xfa: {  	s20 =	sadd.s32 s19, s20  }
0xfb: {  	s22 =	smulhi.u32 $0x92492493, s20;
	s23 =	sshra.s32 s20, $0x1F  }
0xfc: {  	s23 =	smul.u32 $0x92492493, s23  }
0xfd: {  	s22 =	ssub.s32 s22, s20  }
0xfe: {  	s22 =	sadd.s32 s23, s22  }
0xff: {  	s22 =	sadd.s32 s20, s22  }
0x100: {  	s31 =	sshrl.u32 s22, $0x1F;
	s22 =	sshra.s32 s22, $0x4  }
0x101: {  	s22 =	sadd.s32 s31, s22  }
0x102: {  	s23 =	smul.u32 $0xFFFFFFE4, s22  }
0x103: {  	s24 =	ssub.s32 $0x0, s20  }
0x104: {  	p1 =	slt.s32 s20, $0x1;
	p2 =	sne.s32 s23, s24  }
0x105: {  	p1 =	por !p1, !p2  }
0x106: {  	s23 =	simm.s32 $0x1;
	p1 =	por !p1, !p1  }
0x107: {  	s23 =	simm.s32 @!p1 $0x0  }
0x108: {  	s21 =	smul.u32 $0x2A0000, s21;
	s22 =	ssub.s32 s22, s23  }
0x109: {  	s23 =	smul.u32 $0x1FFFE4, s22  }
0x10a: {  	s22 =	smul.u32 $0xE000, s22  }
0x10b: {  	p1 =	sne.s32 s18, $0x14;
	s23 =	sadd.s32 s20, s23  }
.Ltmp3:
0x10c: {  	s22 =	sadd.s32 s21, s22;
	s23 =	sshll.u32 s23, $0xB;
	(pc) =	sbr.rel @p1 .LBB2_6-.Ltmp3, $4  }
0x10d: {  	s22 =	sadd.s32 s23, s22  }
0x10e: {  	s22 =	sshrl.u32 s22, $0x3  }
0x10f: {  	s22 =	sadd.s32 s4, s22  }
0x110: {  	[hbm4b:s22+s10] =	stream.strided.scatter [tilespmem:s12], [sflag:$0x3], $0x8000, s11, s10, $0x38;
	[tilespmem:$0x11000] =	vst v63  }
.Ltmp4:
0x111: {  	(pc) =	sbr.rel .LBB2_7-.Ltmp4, $4  }
0x112: {  	_ = 	snop  }
0x113: {  	_ =	swait.ge [sflag:s13], $0x800  }
0x114: {  	[sflag:s13] =	ssyncset.done $0x0  }
0x115: {  	[sflag:s13] =	ssyncadd.s32 $0xFFFFF800  }
.LBB2_6:
0x116: {  	s22 =	sadd.s32 $0x2, s19  }
0x117: {  	s23 =	smulhi.u32 $0x30C30C31, s22;
	_ =	sdelay $0x1  }
0x118: {  	s23 =	sshrl.u32 s23, $0x4  }
0x119: {  	s24 =	smul.u32 $0xFFFFFFAC, s23;
	_ =	sdelay $0x1  }
0x11a: {  	s22 =	sadd.s32 s22, s24  }
0x11b: {  	s24 =	smulhi.u32 $0x92492493, s22;
	s25 =	sshra.s32 s22, $0x1F  }
0x11c: {  	s25 =	smul.u32 $0x92492493, s25  }
0x11d: {  	s24 =	ssub.s32 s24, s22  }
0x11e: {  	s24 =	sadd.s32 s25, s24  }
0x11f: {  	s24 =	sadd.s32 s22, s24  }
0x120: {  	s31 =	sshrl.u32 s24, $0x1F;
	s24 =	sshra.s32 s24, $0x4  }
0x121: {  	s24 =	sadd.s32 s31, s24  }
0x122: {  	s25 =	smul.u32 $0xFFFFFFE4, s24  }
0x123: {  	s26 =	ssub.s32 $0x0, s22  }
0x124: {  	p1 =	slt.s32 s22, $0x1;
	p2 =	sne.s32 s25, s26  }
0x125: {  	p1 =	por !p1, !p2  }
0x126: {  	s25 =	simm.s32 $0x1;
	p1 =	por !p1, !p1  }
0x127: {  	s25 =	simm.s32 @!p1 $0x0  }
0x128: {  	s24 =	ssub.s32 s24, s25  }
0x129: {  	s25 =	smul.u32 $0x1FFFE4, s24  }
0x12a: {  	s23 =	smul.u32 $0x2A000, s23  }
0x12b: {  	s24 =	smul.u32 $0xE000, s24;
	s22 =	sadd.s32 s22, s25  }
0x12c: {  	s22 =	sshll.u32 s22, $0xB  }
0x12d: {  	s23 =	sadd.s32 s23, s24;
	s22 =	sand.u32 $0xFFFFF000, s22  }
0x12e: {  	s22 =	sadd.s32 s22, s23  }
0x12f: {  	s22 =	sshrl.u32 s22, $0x3  }
.Ltmp5:
0x130: {  	s22 =	sadd.s32 s3, s22;
	(pc) =	sbr.rel @p0 .LBB2_8-.Ltmp5, $4  }
0x131: {  	[tilespmem:s5], [sflag:$0x1] =	stream.linear.gather [hbm4b:s22+s5], $0x800, $0x38;
	[tilespmem:$0x11000] =	vst v63  }
0x132: {  	_ =	swait.ge [sflag:s13], $0x800  }
0x133: {  	[sflag:s13] =	ssyncset.done $0x0  }
0x134: {  	[sflag:s13] =	ssyncadd.s32 $0xFFFFF800  }
.LBB2_7:
0x135: {  	_ =	swait.ge [sflag:s14], $0x8000  }
0x136: {  	[sflag:s14] =	ssyncset.done $0x0  }
0x137: {  	[sflag:s14] =	ssyncadd.s32 $0xFFFF8000  }
.LBB2_8:
0x138: {  	s22 =	simm.s32 $0x0;
	s23 =	simm.s32 $0x0  }
.LBB2_9:
0x139: {  	s24 =	sand.u32 $0x70, s23;
	s25 =	sand.u32 $0x400, s22  }
0x13a: {  	s24 =	sor.u32 s24, s25  }
0x13b: {  	v1 =	vld [tilespmem:s24+$0x800];
	_ =	sdelay $0x4  }
0x13c: {  	v1 =	vmax.f32 v1, $0.0e+00  }
0x13d: {  	v1 =	vmin.f32 v1, $1.000000000e+00  }
0x13e: {  	v2 =	vsub.f32 $1.000000000e+00, v1;
	_ =	sdelay $0x1  }
0x13f: {  	v2 =	vmul.f32 $1.500000000e+01, v2;
	_ =	sdelay $0x1  }
0x140: {  	v2 =	vtrunc.f32 v2  }
0x141: {  	v2 =	vcvt.f32.s32 v2;
	_ =	sdelay $0x1  }
0x142: {  	vm0 =	vlt.s32 v2, $0xF  }
0x143: {  	vm13 =	vgt.f32 v1, $0.0e+00;
	v2 =	vnsel vm0, $0xF, v2  }
0x144: {  	v1 =	vnsel vm13, $0x10, v2  }
0x145: {  	vm0 =	veq.s32 v1, $0x0  }
0x146: {  	vm14 =	veq.s32 v1, $0x1;
	vm15 =	veq.s32 v1, $0x2;
	vm4 =	veq.s32 v1, $0x3  }
0x147: {  	vm5 =	veq.s32 v1, $0x4;
	vm6 =	veq.s32 v1, $0x5;
	v2 =	vsel vm0, $0x3F800000, v0  }
0x148: {  	vm7 =	veq.s32 v1, $0x6;
	vm8 =	veq.s32 v1, $0x7;
	[tilespmem:s24+$0x9000] =	vst v2;
	v2 =	vsel vm14, $0x3F800000, v0  }
0x149: {  	vm9 =	veq.s32 v1, $0x8;
	vm10 =	veq.s32 v1, $0x9;
	[tilespmem:s24+$0x9800] =	vst v2;
	v2 =	vsel vm15, $0x3F800000, v0  }
0x14a: {  	vm11 =	veq.s32 v1, $0xA;
	vm12 =	veq.s32 v1, $0xB;
	[tilespmem:s24+$0xA000] =	vst v2;
	v2 =	vsel vm4, $0x3F800000, v0  }
0x14b: {  	vm13 =	veq.s32 v1, $0xC;
	vm4 =	veq.s32 v1, $0xF;
	[tilespmem:s24+$0xA800] =	vst v2;
	v2 =	vsel vm5, $0x3F800000, v0  }
0x14c: {  	vm14 =	veq.s32 v1, $0xD;
	vm15 =	veq.s32 v1, $0xE;
	v1 =	vsel vm4, $0x3F800000, v0;
	[tilespmem:s24+$0xB000] =	vst v2  }
0x14d: {  	v2 =	vsel vm6, $0x3F800000, v0;
	[tilespmem:s24+$0x10800] =	vst v1  }
0x14e: {  	[tilespmem:s24+$0xB800] =	vst v2;
	v2 =	vsel vm7, $0x3F800000, v0  }
0x14f: {  	[tilespmem:s24+$0xC000] =	vst v2;
	v2 =	vsel vm8, $0x3F800000, v0  }
0x150: {  	[tilespmem:s24+$0xC800] =	vst v2;
	v2 =	vsel vm9, $0x3F800000, v0  }
0x151: {  	[tilespmem:s24+$0xD000] =	vst v2;
	v2 =	vsel vm10, $0x3F800000, v0  }
0x152: {  	[tilespmem:s24+$0xD800] =	vst v2;
	v2 =	vsel vm11, $0x3F800000, v0  }
0x153: {  	[tilespmem:s24+$0xE000] =	vst v2;
	v2 =	vsel vm12, $0x3F800000, v0  }
0x154: {  	[tilespmem:s24+$0xE800] =	vst v2;
	v2 =	vsel vm13, $0x3F800000, v0  }
0x155: {  	s29 =	sand.u32 $0xFFFFFC00, s22;
	[tilespmem:s24+$0xF000] =	vst v2;
	v2 =	vsel vm14, $0x3F800000, v0  }
0x156: {  	s25 =	sadd.s32 s29, s23;
	[tilespmem:s24+$0xF800] =	vst v2;
	v2 =	vsel vm15, $0x3F800000, v0  }
0x157: {  	s26 =	sor.u32 $0x80, s25;
	[tilespmem:s24+$0x10000] =	vst v2  }
0x158: {  	v1 =	vld [tilespmem:s26+$0x800];
	_ =	sdelay $0x4  }
0x159: {  	v1 =	vmax.f32 v1, $0.0e+00  }
0x15a: {  	v1 =	vmin.f32 v1, $1.000000000e+00  }
0x15b: {  	v2 =	vsub.f32 $1.000000000e+00, v1;
	_ =	sdelay $0x1  }
0x15c: {  	v2 =	vmul.f32 $1.500000000e+01, v2;
	_ =	sdelay $0x1  }
0x15d: {  	v2 =	vtrunc.f32 v2  }
0x15e: {  	v2 =	vcvt.f32.s32 v2;
	_ =	sdelay $0x1  }
0x15f: {  	vm5 =	vlt.s32 v2, $0xF  }
0x160: {  	vm6 =	vgt.f32 v1, $0.0e+00;
	v2 =	vnsel vm5, $0xF, v2  }
0x161: {  	v1 =	vnsel vm6, $0x10, v2  }
0x162: {  	vm0 =	veq.s32 v1, $0x0  }
0x163: {  	v2 =	vsel vm0, $0x3F800000, v0  }
0x164: {  	[tilespmem:s26+$0x9000] =	vst v2  }
0x165: {  	v2 =	vld [tilespmem:s24+$0x900];
	_ =	sdelay $0x1  }
0x166: {  	vm7 =	veq.s32 v1, $0x1  }
0x167: {  	vm8 =	veq.s32 v1, $0x2;
	v3 =	vsel vm7, $0x3F800000, v0  }
0x168: {  	vm9 =	veq.s32 v1, $0x3;
	[tilespmem:s24+$0x9880] =	vst v3;
	v3 =	vsel vm8, $0x3F800000, v0  }
0x169: {  	vm10 =	veq.s32 v1, $0x4;
	[tilespmem:s24+$0xA080] =	vst v3;
	v3 =	vsel vm9, $0x3F800000, v0;
	v2 =	vmax.f32 v2, $0.0e+00  }
0x16a: {  	vm11 =	veq.s32 v1, $0x5;
	[tilespmem:s24+$0xA880] =	vst v3;
	v3 =	vsel vm10, $0x3F800000, v0;
	v2 =	vmin.f32 v2, $1.000000000e+00  }
0x16b: {  	vm12 =	veq.s32 v1, $0x6;
	[tilespmem:s24+$0xB080] =	vst v3;
	v3 =	vsel vm11, $0x3F800000, v0;
	v4 =	vsub.f32 $1.000000000e+00, v2  }
0x16c: {  	vm13 =	veq.s32 v1, $0x7;
	[tilespmem:s24+$0xB880] =	vst v3;
	v3 =	vsel vm12, $0x3F800000, v0  }
0x16d: {  	vm14 =	veq.s32 v1, $0x8;
	[tilespmem:s24+$0xC080] =	vst v3;
	v3 =	vsel vm13, $0x3F800000, v0;
	v4 =	vmul.f32 $1.500000000e+01, v4  }
0x16e: {  	vm15 =	veq.s32 v1, $0x9;
	[tilespmem:s24+$0xC880] =	vst v3;
	v3 =	vsel vm14, $0x3F800000, v0  }
0x16f: {  	vm4 =	veq.s32 v1, $0xA;
	[tilespmem:s24+$0xD080] =	vst v3;
	v3 =	vsel vm15, $0x3F800000, v0;
	v4 =	vtrunc.f32 v4  }
0x170: {  	vm5 =	veq.s32 v1, $0xB;
	[tilespmem:s24+$0xD880] =	vst v3;
	v3 =	vsel vm4, $0x3F800000, v0;
	v4 =	vcvt.f32.s32 v4  }
0x171: {  	vm6 =	veq.s32 v1, $0xC;
	[tilespmem:s24+$0xE080] =	vst v3;
	v3 =	vsel vm5, $0x3F800000, v0  }
0x172: {  	vm1 =	veq.s32 v1, $0xD;
	[tilespmem:s24+$0xE880] =	vst v3;
	v3 =	vsel vm6, $0x3F800000, v0;
	vm7 =	vlt.s32 v4, $0xF  }
0x173: {  	vm8 =	veq.s32 v1, $0xE;
	vm9 =	vgt.f32 v2, $0.0e+00;
	[tilespmem:s24+$0xF080] =	vst v3;
	v3 =	vnsel vm7, $0xF, v4  }
0x174: {  	vm10 =	veq.s32 v1, $0xF;
	v2 =	vsel vm8, $0x3F800000, v0;
	v1 =	vnsel vm9, $0x10, v3  }
0x175: {  	v5 =	vsel vm1, $0x3F800000, v0;
	[tilespmem:s24+$0x10080] =	vst v2;
	v2 =	vsel vm10, $0x3F800000, v0;
	vm0 =	veq.s32 v1, $0x0  }
0x176: {  	[tilespmem:s24+$0xF880] =	vst v5;
	vm11 =	veq.s32 v1, $0x1;
	vm12 =	veq.s32 v1, $0x2;
	vm13 =	veq.s32 v1, $0x3  }
0x177: {  	[tilespmem:s24+$0x10880] =	vst v2;
	vm14 =	veq.s32 v1, $0x4;
	vm15 =	veq.s32 v1, $0x5;
	v2 =	vsel vm0, $0x3F800000, v0  }
0x178: {  	vm4 =	veq.s32 v1, $0x6;
	vm5 =	veq.s32 v1, $0x7;
	[tilespmem:s24+$0x9100] =	vst v2;
	v2 =	vsel vm11, $0x3F800000, v0  }
0x179: {  	vm6 =	veq.s32 v1, $0x8;
	vm7 =	veq.s32 v1, $0x9;
	[tilespmem:s24+$0x9900] =	vst v2;
	v2 =	vsel vm12, $0x3F800000, v0  }
0x17a: {  	vm8 =	veq.s32 v1, $0xA;
	vm9 =	veq.s32 v1, $0xB;
	[tilespmem:s24+$0xA100] =	vst v2;
	v2 =	vsel vm13, $0x3F800000, v0  }
0x17b: {  	vm10 =	veq.s32 v1, $0xC;
	vm13 =	veq.s32 v1, $0xF;
	[tilespmem:s24+$0xA900] =	vst v2;
	v2 =	vsel vm14, $0x3F800000, v0  }
0x17c: {  	vm11 =	veq.s32 v1, $0xD;
	vm12 =	veq.s32 v1, $0xE;
	v1 =	vsel vm13, $0x3F800000, v0;
	[tilespmem:s24+$0xB100] =	vst v2  }
0x17d: {  	v2 =	vsel vm15, $0x3F800000, v0;
	[tilespmem:s24+$0x10900] =	vst v1  }
0x17e: {  	[tilespmem:s24+$0xB900] =	vst v2;
	v2 =	vsel vm4, $0x3F800000, v0  }
0x17f: {  	[tilespmem:s24+$0xC100] =	vst v2;
	v2 =	vsel vm5, $0x3F800000, v0  }
0x180: {  	[tilespmem:s24+$0xC900] =	vst v2;
	v2 =	vsel vm6, $0x3F800000, v0  }
0x181: {  	[tilespmem:s24+$0xD100] =	vst v2;
	v2 =	vsel vm7, $0x3F800000, v0  }
0x182: {  	[tilespmem:s24+$0xD900] =	vst v2;
	v2 =	vsel vm8, $0x3F800000, v0  }
0x183: {  	[tilespmem:s24+$0xE100] =	vst v2;
	v2 =	vsel vm9, $0x3F800000, v0  }
0x184: {  	[tilespmem:s24+$0xE900] =	vst v2;
	v2 =	vsel vm10, $0x3F800000, v0  }
0x185: {  	[tilespmem:s24+$0xF100] =	vst v2;
	v2 =	vsel vm11, $0x3F800000, v0  }
0x186: {  	[tilespmem:s24+$0xF900] =	vst v2;
	v2 =	vsel vm12, $0x3F800000, v0  }
0x187: {  	s30 =	sor.u32 $0x180, s25;
	[tilespmem:s24+$0x10100] =	vst v2  }
0x188: {  	v1 =	vld [tilespmem:s30+$0x800];
	_ =	sdelay $0x4  }
0x189: {  	v1 =	vmax.f32 v1, $0.0e+00  }
0x18a: {  	v1 =	vmin.f32 v1, $1.000000000e+00  }
0x18b: {  	v2 =	vsub.f32 $1.000000000e+00, v1;
	_ =	sdelay $0x1  }
0x18c: {  	v2 =	vmul.f32 $1.500000000e+01, v2;
	_ =	sdelay $0x1  }
0x18d: {  	v2 =	vtrunc.f32 v2  }
0x18e: {  	v2 =	vcvt.f32.s32 v2;
	_ =	sdelay $0x1  }
0x18f: {  	vm14 =	vlt.s32 v2, $0xF  }
0x190: {  	vm15 =	vgt.f32 v1, $0.0e+00;
	v2 =	vnsel vm14, $0xF, v2  }
0x191: {  	v1 =	vnsel vm15, $0x10, v2  }
0x192: {  	vm0 =	veq.s32 v1, $0x0  }
0x193: {  	v2 =	vsel vm0, $0x3F800000, v0  }
0x194: {  	[tilespmem:s30+$0x9000] =	vst v2  }
0x195: {  	v2 =	vld [tilespmem:s24+$0xA00];
	_ =	sdelay $0x1  }
0x196: {  	vm4 =	veq.s32 v1, $0x1  }
0x197: {  	vm5 =	veq.s32 v1, $0x2;
	v3 =	vsel vm4, $0x3F800000, v0  }
0x198: {  	vm6 =	veq.s32 v1, $0x3;
	[tilespmem:s24+$0x9980] =	vst v3;
	v3 =	vsel vm5, $0x3F800000, v0  }
0x199: {  	vm7 =	veq.s32 v1, $0x4;
	[tilespmem:s24+$0xA180] =	vst v3;
	v3 =	vsel vm6, $0x3F800000, v0;
	v2 =	vmax.f32 v2, $0.0e+00  }
0x19a: {  	vm8 =	veq.s32 v1, $0x5;
	[tilespmem:s24+$0xA980] =	vst v3;
	v3 =	vsel vm7, $0x3F800000, v0;
	v2 =	vmin.f32 v2, $1.000000000e+00  }
0x19b: {  	vm9 =	veq.s32 v1, $0x6;
	[tilespmem:s24+$0xB180] =	vst v3;
	v3 =	vsel vm8, $0x3F800000, v0;
	v60 =	vsub.f32 $1.000000000e+00, v2  }
0x19c: {  	vm10 =	veq.s32 v1, $0x7;
	[tilespmem:s24+$0xB980] =	vst v3;
	v3 =	vsel vm9, $0x3F800000, v0  }
0x19d: {  	vm11 =	veq.s32 v1, $0x8;
	[tilespmem:s24+$0xC180] =	vst v3;
	v3 =	vsel vm10, $0x3F800000, v0;
	v4 =	vmul.f32 $1.500000000e+01, v60  }
0x19e: {  	vm12 =	veq.s32 v1, $0x9;
	[tilespmem:s24+$0xC980] =	vst v3;
	v3 =	vsel vm11, $0x3F800000, v0  }
0x19f: {  	vm13 =	veq.s32 v1, $0xA;
	[tilespmem:s24+$0xD180] =	vst v3;
	v3 =	vsel vm12, $0x3F800000, v0;
	v4 =	vtrunc.f32 v4  }
0x1a0: {  	vm14 =	veq.s32 v1, $0xB;
	[tilespmem:s24+$0xD980] =	vst v3;
	v3 =	vsel vm13, $0x3F800000, v0;
	v4 =	vcvt.f32.s32 v4  }
0x1a1: {  	vm15 =	veq.s32 v1, $0xC;
	[tilespmem:s24+$0xE180] =	vst v3;
	v3 =	vsel vm14, $0x3F800000, v0  }
0x1a2: {  	vm4 =	veq.s32 v1, $0xD;
	[tilespmem:s24+$0xE980] =	vst v3;
	v3 =	vsel vm15, $0x3F800000, v0;
	vm5 =	vlt.s32 v4, $0xF  }
0x1a3: {  	vm6 =	veq.s32 v1, $0xE;
	vm7 =	vgt.f32 v2, $0.0e+00;
	[tilespmem:s24+$0xF180] =	vst v3;
	v3 =	vnsel vm5, $0xF, v4  }
0x1a4: {  	vm8 =	veq.s32 v1, $0xF;
	v2 =	vsel vm6, $0x3F800000, v0;
	v1 =	vnsel vm7, $0x10, v3  }
0x1a5: {  	v61 =	vsel vm4, $0x3F800000, v0;
	[tilespmem:s24+$0x10180] =	vst v2;
	v2 =	vsel vm8, $0x3F800000, v0;
	vm0 =	veq.s32 v1, $0x0  }
0x1a6: {  	[tilespmem:s24+$0xF980] =	vst v61;
	vm9 =	veq.s32 v1, $0x1;
	vm10 =	veq.s32 v1, $0x2;
	vm11 =	veq.s32 v1, $0x3  }
0x1a7: {  	[tilespmem:s24+$0x10980] =	vst v2;
	vm12 =	veq.s32 v1, $0x4;
	vm13 =	veq.s32 v1, $0x5;
	v2 =	vsel vm0, $0x3F800000, v0  }
0x1a8: {  	vm14 =	veq.s32 v1, $0x6;
	vm15 =	veq.s32 v1, $0x7;
	[tilespmem:s24+$0x9200] =	vst v2;
	v2 =	vsel vm9, $0x3F800000, v0  }
0x1a9: {  	vm4 =	veq.s32 v1, $0x8;
	vm5 =	veq.s32 v1, $0x9;
	[tilespmem:s24+$0x9A00] =	vst v2;
	v2 =	vsel vm10, $0x3F800000, v0  }
0x1aa: {  	vm6 =	veq.s32 v1, $0xA;
	vm7 =	veq.s32 v1, $0xB;
	[tilespmem:s24+$0xA200] =	vst v2;
	v2 =	vsel vm11, $0x3F800000, v0  }
0x1ab: {  	vm8 =	veq.s32 v1, $0xC;
	vm11 =	veq.s32 v1, $0xF;
	[tilespmem:s24+$0xAA00] =	vst v2;
	v2 =	vsel vm12, $0x3F800000, v0  }
0x1ac: {  	vm9 =	veq.s32 v1, $0xD;
	vm10 =	veq.s32 v1, $0xE;
	v1 =	vsel vm11, $0x3F800000, v0;
	[tilespmem:s24+$0xB200] =	vst v2  }
0x1ad: {  	v2 =	vsel vm13, $0x3F800000, v0;
	[tilespmem:s24+$0x10A00] =	vst v1  }
0x1ae: {  	[tilespmem:s24+$0xBA00] =	vst v2;
	v2 =	vsel vm14, $0x3F800000, v0  }
0x1af: {  	[tilespmem:s24+$0xC200] =	vst v2;
	v2 =	vsel vm15, $0x3F800000, v0  }
0x1b0: {  	[tilespmem:s24+$0xCA00] =	vst v2;
	v2 =	vsel vm4, $0x3F800000, v0  }
0x1b1: {  	[tilespmem:s24+$0xD200] =	vst v2;
	v2 =	vsel vm5, $0x3F800000, v0  }
0x1b2: {  	[tilespmem:s24+$0xDA00] =	vst v2;
	v2 =	vsel vm6, $0x3F800000, v0  }
0x1b3: {  	[tilespmem:s24+$0xE200] =	vst v2;
	v2 =	vsel vm7, $0x3F800000, v0  }
0x1b4: {  	[tilespmem:s24+$0xEA00] =	vst v2;
	v2 =	vsel vm8, $0x3F800000, v0  }
0x1b5: {  	[tilespmem:s24+$0xF200] =	vst v2;
	v2 =	vsel vm9, $0x3F800000, v0  }
0x1b6: {  	[tilespmem:s24+$0xFA00] =	vst v2;
	v2 =	vsel vm10, $0x3F800000, v0  }
0x1b7: {  	s25 =	sor.u32 $0x280, s25;
	[tilespmem:s24+$0x10200] =	vst v2  }
0x1b8: {  	v1 =	vld [tilespmem:s25+$0x800];
	_ =	sdelay $0x4  }
0x1b9: {  	v1 =	vmax.f32 v1, $0.0e+00  }
0x1ba: {  	v1 =	vmin.f32 v1, $1.000000000e+00  }
0x1bb: {  	v2 =	vsub.f32 $1.000000000e+00, v1;
	_ =	sdelay $0x1  }
0x1bc: {  	v2 =	vmul.f32 $1.500000000e+01, v2;
	_ =	sdelay $0x1  }
0x1bd: {  	v2 =	vtrunc.f32 v2  }
0x1be: {  	v2 =	vcvt.f32.s32 v2;
	_ =	sdelay $0x1  }
0x1bf: {  	vm12 =	vlt.s32 v2, $0xF  }
0x1c0: {  	vm13 =	vgt.f32 v1, $0.0e+00;
	v2 =	vnsel vm12, $0xF, v2  }
0x1c1: {  	v1 =	vnsel vm13, $0x10, v2  }
0x1c2: {  	vm0 =	veq.s32 v1, $0x0  }
0x1c3: {  	v2 =	vsel vm0, $0x3F800000, v0  }
0x1c4: {  	[tilespmem:s25+$0x9000] =	vst v2  }
0x1c5: {  	v2 =	vld [tilespmem:s24+$0xB00];
	_ =	sdelay $0x1  }
0x1c6: {  	vm14 =	veq.s32 v1, $0x1;
	vm15 =	veq.s32 v1, $0x2;
	vm4 =	veq.s32 v1, $0x3  }
0x1c7: {  	vm5 =	veq.s32 v1, $0x4;
	v3 =	vsel vm14, $0x3F800000, v0;
	vm14 =	veq.s32 v1, $0xD  }
0x1c8: {  	vm6 =	veq.s32 v1, $0x5;
	vm7 =	veq.s32 v1, $0x6;
	v63 =	vsel vm14, $0x3F800000, v0;
	[tilespmem:s24+$0x9A80] =	vst v3  }
0x1c9: {  	vm8 =	veq.s32 v1, $0x7;
	v3 =	vsel vm15, $0x3F800000, v0;
	[tilespmem:s24+$0xFA80] =	vst v63;
	v2 =	vmax.f32 v2, $0.0e+00  }
0x1ca: {  	vm9 =	veq.s32 v1, $0x8;
	[tilespmem:s24+$0xA280] =	vst v3;
	v3 =	vsel vm4, $0x3F800000, v0;
	v2 =	vmin.f32 v2, $1.000000000e+00  }
0x1cb: {  	vm10 =	veq.s32 v1, $0x9;
	[tilespmem:s24+$0xAA80] =	vst v3;
	v3 =	vsel vm5, $0x3F800000, v0;
	v62 =	vsub.f32 $1.000000000e+00, v2  }
0x1cc: {  	vm11 =	veq.s32 v1, $0xA;
	vm12 =	veq.s32 v1, $0xB;
	[tilespmem:s24+$0xB280] =	vst v3;
	v3 =	vsel vm6, $0x3F800000, v0  }
0x1cd: {  	vm6 =	veq.s32 v1, $0xF;
	[tilespmem:s24+$0xBA80] =	vst v3;
	v3 =	vsel vm7, $0x3F800000, v0;
	v4 =	vmul.f32 $1.500000000e+01, v62  }
0x1ce: {  	vm13 =	veq.s32 v1, $0xC;
	vm5 =	veq.s32 v1, $0xE;
	v1 =	vsel vm6, $0x3F800000, v0;
	[tilespmem:s24+$0xC280] =	vst v3  }
0x1cf: {  	v3 =	vsel vm8, $0x3F800000, v0;
	[tilespmem:s24+$0x10A80] =	vst v1;
	v4 =	vtrunc.f32 v4  }
0x1d0: {  	[tilespmem:s24+$0xCA80] =	vst v3;
	v3 =	vsel vm9, $0x3F800000, v0;
	v4 =	vcvt.f32.s32 v4  }
0x1d1: {  	[tilespmem:s24+$0xD280] =	vst v3;
	v3 =	vsel vm10, $0x3F800000, v0  }
0x1d2: {  	[tilespmem:s24+$0xDA80] =	vst v3;
	v3 =	vsel vm11, $0x3F800000, v0;
	vm15 =	vlt.s32 v4, $0xF  }
0x1d3: {  	vm4 =	vgt.f32 v2, $0.0e+00;
	[tilespmem:s24+$0xE280] =	vst v3;
	v3 =	vsel vm12, $0x3F800000, v0;
	v2 =	vnsel vm15, $0xF, v4  }
0x1d4: {  	[tilespmem:s24+$0xEA80] =	vst v3;
	v3 =	vsel vm13, $0x3F800000, v0;
	v2 =	vnsel vm4, $0x10, v2  }
0x1d5: {  	[tilespmem:s24+$0xF280] =	vst v3;
	v3 =	vsel vm5, $0x3F800000, v0;
	vm7 =	veq.s32 v2, $0x0  }
0x1d6: {  	[tilespmem:s24+$0x10280] =	vst v3;
	vm8 =	veq.s32 v2, $0x1;
	v1 =	vsel vm7, $0x3F800000, v0  }
0x1d7: {  	vm9 =	veq.s32 v2, $0x2;
	[tilespmem:s24+$0x9300] =	vst v1;
	v1 =	vsel vm8, $0x3F800000, v0  }
0x1d8: {  	vm10 =	veq.s32 v2, $0x3;
	[tilespmem:s24+$0x9B00] =	vst v1;
	v1 =	vsel vm9, $0x3F800000, v0  }
0x1d9: {  	vm11 =	veq.s32 v2, $0x4;
	[tilespmem:s24+$0xA300] =	vst v1;
	v1 =	vsel vm10, $0x3F800000, v0  }
0x1da: {  	vm12 =	veq.s32 v2, $0x5;
	[tilespmem:s24+$0xAB00] =	vst v1;
	v1 =	vsel vm11, $0x3F800000, v0  }
0x1db: {  	vm13 =	veq.s32 v2, $0x6;
	[tilespmem:s24+$0xB300] =	vst v1;
	v1 =	vsel vm12, $0x3F800000, v0  }
0x1dc: {  	vm14 =	veq.s32 v2, $0x7;
	[tilespmem:s24+$0xBB00] =	vst v1;
	v1 =	vsel vm13, $0x3F800000, v0  }
0x1dd: {  	vm15 =	veq.s32 v2, $0x8;
	[tilespmem:s24+$0xC300] =	vst v1;
	v1 =	vsel vm14, $0x3F800000, v0  }
0x1de: {  	vm4 =	veq.s32 v2, $0x9;
	[tilespmem:s24+$0xCB00] =	vst v1;
	v1 =	vsel vm15, $0x3F800000, v0  }
0x1df: {  	vm5 =	veq.s32 v2, $0xA;
	[tilespmem:s24+$0xD300] =	vst v1;
	v1 =	vsel vm4, $0x3F800000, v0  }
0x1e0: {  	vm6 =	veq.s32 v2, $0xB;
	[tilespmem:s24+$0xDB00] =	vst v1;
	v1 =	vsel vm5, $0x3F800000, v0  }
0x1e1: {  	vm7 =	veq.s32 v2, $0xC;
	[tilespmem:s24+$0xE300] =	vst v1;
	v1 =	vsel vm6, $0x3F800000, v0  }
0x1e2: {  	vm8 =	veq.s32 v2, $0xD;
	[tilespmem:s24+$0xEB00] =	vst v1;
	v1 =	vsel vm7, $0x3F800000, v0  }
0x1e3: {  	vm9 =	veq.s32 v2, $0xE;
	[tilespmem:s24+$0xF300] =	vst v1;
	v1 =	vsel vm8, $0x3F800000, v0  }
0x1e4: {  	vm10 =	veq.s32 v2, $0xF;
	[tilespmem:s24+$0xFB00] =	vst v1;
	v1 =	vsel vm9, $0x3F800000, v0  }
0x1e5: {  	s31 =	sor.u32 s22, s23;
	[tilespmem:s24+$0x10300] =	vst v1;
	v1 =	vsel vm10, $0x3F800000, v0  }
0x1e6: {  	s25 =	sor.u32 $0x380, s31;
	[tilespmem:s24+$0x10B00] =	vst v1  }
0x1e7: {  	v1 =	vld [tilespmem:s25+$0x800];
	_ =	sdelay $0x4  }
0x1e8: {  	v1 =	vmax.f32 v1, $0.0e+00  }
0x1e9: {  	v1 =	vmin.f32 v1, $1.000000000e+00  }
0x1ea: {  	v2 =	vsub.f32 $1.000000000e+00, v1;
	_ =	sdelay $0x1  }
0x1eb: {  	v2 =	vmul.f32 $1.500000000e+01, v2;
	_ =	sdelay $0x1  }
0x1ec: {  	v2 =	vtrunc.f32 v2  }
0x1ed: {  	v2 =	vcvt.f32.s32 v2;
	_ =	sdelay $0x1  }
0x1ee: {  	vm11 =	vlt.s32 v2, $0xF  }
0x1ef: {  	vm12 =	vgt.f32 v1, $0.0e+00;
	v2 =	vnsel vm11, $0xF, v2  }
0x1f0: {  	v1 =	vnsel vm12, $0x10, v2  }
0x1f1: {  	vm0 =	veq.s32 v1, $0x0  }
0x1f2: {  	vm13 =	veq.s32 v1, $0x1;
	vm14 =	veq.s32 v1, $0x2;
	vm15 =	veq.s32 v1, $0x3  }
0x1f3: {  	vm4 =	veq.s32 v1, $0x4;
	vm5 =	veq.s32 v1, $0x5;
	v2 =	vsel vm0, $0x3F800000, v0  }
0x1f4: {  	vm6 =	veq.s32 v1, $0x6;
	vm7 =	veq.s32 v1, $0x7;
	[tilespmem:s25+$0x9000] =	vst v2;
	v2 =	vsel vm13, $0x3F800000, v0  }
0x1f5: {  	vm8 =	veq.s32 v1, $0x8;
	vm9 =	veq.s32 v1, $0x9;
	[tilespmem:s24+$0x9B80] =	vst v2;
	v2 =	vsel vm14, $0x3F800000, v0  }
0x1f6: {  	vm10 =	veq.s32 v1, $0xA;
	vm11 =	veq.s32 v1, $0xB;
	[tilespmem:s24+$0xA380] =	vst v2;
	v2 =	vsel vm15, $0x3F800000, v0  }
0x1f7: {  	vm12 =	veq.s32 v1, $0xC;
	vm15 =	veq.s32 v1, $0xF;
	[tilespmem:s24+$0xAB80] =	vst v2;
	v2 =	vsel vm4, $0x3F800000, v0  }
0x1f8: {  	vm13 =	veq.s32 v1, $0xD;
	vm14 =	veq.s32 v1, $0xE;
	v1 =	vsel vm15, $0x3F800000, v0;
	[tilespmem:s24+$0xB380] =	vst v2  }
0x1f9: {  	v2 =	vsel vm5, $0x3F800000, v0;
	[tilespmem:s24+$0x10B80] =	vst v1  }
0x1fa: {  	[tilespmem:s24+$0xBB80] =	vst v2;
	v2 =	vsel vm6, $0x3F800000, v0  }
0x1fb: {  	[tilespmem:s24+$0xC380] =	vst v2;
	v2 =	vsel vm7, $0x3F800000, v0  }
0x1fc: {  	[tilespmem:s24+$0xCB80] =	vst v2;
	v2 =	vsel vm8, $0x3F800000, v0  }
0x1fd: {  	[tilespmem:s24+$0xD380] =	vst v2;
	v2 =	vsel vm9, $0x3F800000, v0  }
0x1fe: {  	p0 =	sne.s32 s23, $0xD0;
	[tilespmem:s24+$0xDB80] =	vst v2;
	v2 =	vsel vm10, $0x3F800000, v0  }
.Ltmp6:
0x1ff: {  	[tilespmem:s24+$0xE380] =	vst v2;
	v2 =	vsel vm11, $0x3F800000, v0;
	(pc) =	sbr.rel @p0 .LBB2_9-.Ltmp6, $4  }
0x200: {  	[tilespmem:s24+$0xEB80] =	vst v2;
	v2 =	vsel vm12, $0x3F800000, v0  }
0x201: {  	[tilespmem:s24+$0xF380] =	vst v2;
	v2 =	vsel vm13, $0x3F800000, v0  }
0x202: {  	[tilespmem:s24+$0xFB80] =	vst v2;
	v2 =	vsel vm14, $0x3F800000, v0  }
0x203: {  	s22 =	sadd.s32 $0x80, s22;
	s23 =	sadd.s32 $0x10, s23;
	[tilespmem:s24+$0x10380] =	vst v2  }
0x204: {  	s22 =	sadd.s32 $0x1, s20  }
0x205: {  	s23 =	smulhi.u32 $0x92492493, s22;
	s24 =	sshra.s32 s22, $0x1F  }
0x206: {  	s28 =	sxor.u32 $0xFFFFFFFF, s20;
	s25 =	smul.u32 $0x92492493, s24  }
0x207: {  	s20 =	sadd.s32 s28, s23  }
0x208: {  	s20 =	sadd.s32 s25, s20  }
0x209: {  	s20 =	sadd.s32 s22, s20  }
0x20a: {  	s29 =	sshrl.u32 s20, $0x1F;
	s20 =	sshra.s32 s20, $0x4  }
0x20b: {  	s20 =	sadd.s32 s29, s20  }
0x20c: {  	s20 =	sadd.s32 s24, s20  }
0x20d: {  	s30 =	smul.u32 $0x1FFFE4, s20  }
0x20e: {  	s20 =	smul.u32 $0xE000, s20  }
0x20f: {  	p0 =	seq.s32 s18, $0x14;
	s22 =	sadd.s32 s22, s30  }
.Ltmp7:
0x210: {  	s20 =	sadd.s32 s21, s20;
	s31 =	sshll.u32 s22, $0xB;
	(pc) =	sbr.rel @p0 .LBB2_12-.Ltmp7, $4  }
0x211: {  	s20 =	sadd.s32 s31, s20  }
0x212: {  	s20 =	sshrl.u32 s20, $0x3  }
0x213: {  	s20 =	sadd.s32 s4, s20  }
0x214: {  	[hbm4b:s20+s10] =	stream.strided.scatter [tilespmem:s15], [sflag:$0x4], $0x8000, s11, s10, $0x38;
	[tilespmem:$0x11000] =	vst v63  }
0x215: {  	s19 =	sadd.s32 $0x3, s19  }
0x216: {  	s20 =	smulhi.u32 $0x30C30C31, s19;
	_ =	sdelay $0x1  }
0x217: {  	s20 =	sshrl.u32 s20, $0x4  }
0x218: {  	s21 =	smul.u32 $0xFFFFFFAC, s20;
	_ =	sdelay $0x1  }
0x219: {  	s19 =	sadd.s32 s19, s21  }
0x21a: {  	s21 =	smulhi.u32 $0x92492493, s19;
	s22 =	sshra.s32 s19, $0x1F  }
0x21b: {  	s23 =	smul.u32 $0x92492493, s22  }
0x21c: {  	s21 =	ssub.s32 s21, s19  }
0x21d: {  	s21 =	sadd.s32 s23, s21  }
0x21e: {  	s21 =	sadd.s32 s19, s21  }
0x21f: {  	s31 =	sshrl.u32 s21, $0x1F;
	s21 =	sshra.s32 s21, $0x4  }
0x220: {  	s21 =	sadd.s32 s31, s21  }
0x221: {  	s20 =	smul.u32 $0x2A000, s20;
	s21 =	sadd.s32 s22, s21  }
0x222: {  	s22 =	smul.u32 $0x1FFFE4, s21  }
0x223: {  	s21 =	smul.u32 $0xE000, s21  }
0x224: {  	s19 =	sadd.s32 s19, s22  }
.Ltmp8:
0x225: {  	s20 =	sadd.s32 s20, s21;
	s19 =	sshll.u32 s19, $0xB;
	(pc) =	sbr.rel .LBB2_2-.Ltmp8, $4  }
0x226: {  	s19 =	sadd.s32 s19, s20  }
0x227: {  	s19 =	sshrl.u32 s19, $0x3  }
0x228: {  	s18 =	sadd.s32 $0x1, s18;
	s19 =	sadd.s32 s3, s19  }
0x229: {  	[tilespmem:s10], [sflag:$0x2] =	stream.linear.gather [hbm4b:s19+s5], $0x800, $0x38;
	[tilespmem:$0x11000] =	vst v63  }
.LBB2_13:
0x22a: {  	_ =	sfence.sel $0x180000  }
0x22b: {  	[bflag:$0x0] =	sbarrier.arrive $0xFFFF  }
0x22c: {  	p0 =	sne.s32 s0, $0x0;
	_ =	strace $0x90000047  }
0x22d: {  	s0 =	sadd.s32 @!p0 $0x100000, s2;
	[bflag:$0x2] =	sbarrier.arrive $0xFFFF  }
0x22e: {  	[sflag:s0] =	ssyncadd.tile.s32 @!p0 $0x1;
	_ =	shalt  }
.Lfunc_end2:
_tile_overlayer_lowered:
.L_overlay_start_2:
0x22f: {  	(tag) =	ssettag $0x2  }
0x230: {  	s0 =	rddreg [dreg:$0x0];
	s2 =	stileid.u32  }
0x231: {  	s1 =	rddreg [dreg:$0x1];
	p0 =	sne.s32 s2, $0x0  }
0x232: {  	s3 =	rddreg [dreg:$0x2];
	[bflag:$0x3] =	sbarrier.arrive $0xFFFF;
	s2 =	simm.s32 @!p0 $0x1C05  }
0x233: {  	[timem:s3], [sflag:s2] =	dma.local @!p0 [hbm:s0], s1  }
0x234: {  	s0 =	simm.s32 @!p0 $0x5  }
0x235: {  	_ =	swait.ge @!p0 [sflag:s0], s1  }
0x236: {  	s1 =	ssub.s32 @!p0 $0x0, s1;
	[sflag:s0] =	ssyncset.done @!p0 $0x0  }
0x237: {  	[sflag:s0] =	ssyncadd.s32 @!p0 s1  }
0x238: {  	[bflag:$0x3] =	sbarrier.arrive $0xFFFF  }
0x239: {  	_ =	shalt  }

</sc_bundles>
